<compile_context>
chip_gen: v7x
topology: tpu7x:2x2x1
jax: 0.10.2.dev20260603
libtpu: 0.0.44.dev20260713+nightly
codegen_flags: <defaults>
</compile_context>

<pallas_src>
import functools

import jax
import jax.numpy as jnp
from jax import lax
from jax.experimental import pallas as pl
from jax.experimental.pallas import tpu as pltpu
from jax.experimental.pallas import tpu_sc as plsc

N = 10000
D = 128
H = 4
C = 32
E_RAW = 320000
ET = E_RAW + N
NC, NS = 2, 16
NW = NC * NS
B = 128
NB = -(-ET // (NW * B))
EP = NW * B * NB
RPT = 624
REM = N - RPT * NS
EBLK = 4096



def _mm2(x, Wa, Wb):
    M = x.shape[0]
    BM = 1000

    def body(x_ref, wa_ref, wb_ref, oa_ref, ob_ref):
        xb = x_ref[...]
        oa_ref[...] = jnp.dot(xb, wa_ref[...], preferred_element_type=jnp.float32)
        ob_ref[...] = jnp.dot(xb, wb_ref[...], preferred_element_type=jnp.float32)

    return pl.pallas_call(
        body,
        grid=(M // BM,),
        in_specs=[
            pl.BlockSpec((BM, D), lambda i: (i, 0)),
            pl.BlockSpec((D, D), lambda i: (0, 0)),
            pl.BlockSpec((D, D), lambda i: (0, 0)),
        ],
        out_specs=(
            pl.BlockSpec((BM, D), lambda i: (i, 0)),
            pl.BlockSpec((BM, D), lambda i: (i, 0)),
        ),
        out_shape=(
            jax.ShapeDtypeStruct((M, D), jnp.float32),
            jax.ShapeDtypeStruct((M, D), jnp.float32),
        ),
    )(x, Wa, Wb)


def _edge_logits(e_arr, attrow, sel):

    def body(e_ref, att_ref, sel_ref, o_ref):
        i = pl.program_id(0)
        xa = e_ref[...] * att_ref[...]
        logits = jnp.dot(xa, sel_ref[...], preferred_element_type=jnp.float32)
        rid = i * EBLK + lax.broadcasted_iota(jnp.int32, (EBLK, H), 0)
        p = jnp.where(rid < ET, jnp.exp(logits), 0.0)
        o_ref[...] = jnp.concatenate(
            [p, jnp.zeros((EBLK, 12), jnp.float32)], axis=1)

    return pl.pallas_call(
        body,
        grid=(EP // EBLK,),
        in_specs=[
            pl.BlockSpec((EBLK, D), lambda i: (i, 0)),
            pl.BlockSpec((1, D), lambda i: (0, 0)),
            pl.BlockSpec((D, H), lambda i: (0, 0)),
        ],
        out_specs=pl.BlockSpec((EBLK, 16), lambda i: (i, 0)),
        out_shape=jax.ShapeDtypeStruct((EP, 16), jnp.float32),
    )(e_arr, attrow, sel)


def _combine(outw, outd, bias, expand, Wa=None, Wb=None):
    BM = 1000
    with_mm = Wa is not None

    def body(*refs):
        if with_mm:
            ow_ref, od_ref, b_ref, exp_ref, wa_ref, wb_ref, oa_ref, ob_ref = refs
        else:
            ow_ref, od_ref, b_ref, exp_ref, o_ref = refs
        u = ow_ref[0] + ow_ref[1]
        den = od_ref[0] + od_ref[1]
        dr = jnp.dot(den, exp_ref[...], preferred_element_type=jnp.float32)
        hval = u / dr + b_ref[...]
        if with_mm:
            hval = jnp.where(hval > 0.0, hval, jnp.exp(hval) - 1.0)
            oa_ref[...] = jnp.dot(hval, wa_ref[...], preferred_element_type=jnp.float32)
            ob_ref[...] = jnp.dot(hval, wb_ref[...], preferred_element_type=jnp.float32)
        else:
            o_ref[...] = hval

    in_specs = [
        pl.BlockSpec((NC, BM, D), lambda i: (0, i, 0)),
        pl.BlockSpec((NC, BM, 16), lambda i: (0, i, 0)),
        pl.BlockSpec((1, D), lambda i: (0, 0)),
        pl.BlockSpec((16, D), lambda i: (0, 0)),
    ]
    args = [outw, outd, bias, expand]
    if with_mm:
        in_specs += [pl.BlockSpec((D, D), lambda i: (0, 0))] * 2
        args += [Wa, Wb]
        out_specs = (
            pl.BlockSpec((BM, D), lambda i: (i, 0)),
            pl.BlockSpec((BM, D), lambda i: (i, 0)),
        )
        out_shape = (
            jax.ShapeDtypeStruct((N, D), jnp.float32),
            jax.ShapeDtypeStruct((N, D), jnp.float32),
        )
    else:
        out_specs = pl.BlockSpec((BM, D), lambda i: (i, 0))
        out_shape = jax.ShapeDtypeStruct((N, D), jnp.float32)

    return pl.pallas_call(
        body,
        grid=(N // BM,),
        in_specs=in_specs,
        out_specs=out_specs,
        out_shape=out_shape,
    )(*args)



_MESH = plsc.VectorSubcoreMesh(core_axis_name="c", subcore_axis_name="s")


def _sc_gather_leaky(src_p, dst_p, xl, xr):

    @functools.partial(
        pl.kernel,
        out_type=jax.ShapeDtypeStruct((EP, D), jnp.float32),
        mesh=_MESH,
        scratch_types=(
            pltpu.VMEM((2, B), jnp.int32),
            pltpu.VMEM((2, B), jnp.int32),
            pltpu.VMEM((2, B, D), jnp.float32),
            pltpu.VMEM((2, B, D), jnp.float32),
            pltpu.SemaphoreType.DMA,
            pltpu.SemaphoreType.DMA,
            pltpu.SemaphoreType.DMA,
            pltpu.SemaphoreType.DMA,
        ),
    )
    def k(src_hbm, dst_hbm, xl_hbm, xr_hbm, e_hbm, idx_s, idx_d, gl, gr,
          s1a, s2a, s1b, s2b):
        cid = lax.axis_index("c")
        sid = lax.axis_index("s")
        wid = cid * NS + sid
        tile_base = wid * (NB * B)
        sems = ((s1a, s2a), (s1b, s2b))

        def prefetch(b, slot):
            base = tile_base + b * B
            pltpu.sync_copy(src_hbm.at[pl.ds(base, B)], idx_s.at[slot])
            pltpu.sync_copy(dst_hbm.at[pl.ds(base, B)], idx_d.at[slot])
            c1 = pltpu.async_copy(xl_hbm.at[idx_s.at[slot]], gl.at[slot],
                                  sems[slot][0])
            c2 = pltpu.async_copy(xr_hbm.at[idx_d.at[slot]], gr.at[slot],
                                  sems[slot][1])
            return c1, c2

        def consume(b, slot, c1, c2):
            base = tile_base + b * B
            c1.wait()
            c2.wait()

            def row(i, rcarry):
                for kk in range(D // 16):
                    sl = pl.ds(kk * 16, 16)
                    s = gl[slot, i, sl] + gr[slot, i, sl]
                    gl[slot, i, sl] = (jnp.maximum(s, 0.0)
                                       + 0.2 * jnp.minimum(s, 0.0))
                return rcarry

            lax.fori_loop(0, B, row, 0)
            pltpu.sync_copy(gl.at[slot], e_hbm.at[pl.ds(base, B)])

        ca, cb = prefetch(0, 0)

        def pair(i, carry):
            b0 = i * 2
            n1, n2 = prefetch(b0 + 1, 1)
            consume(b0, 0, ca, cb)
            m1, m2 = prefetch(b0 + 2, 0)
            consume(b0 + 1, 1, n1, n2)
            return carry

        lax.fori_loop(0, (NB - 1) // 2, pair, 0)
        consume(NB - 1, 0, ca, cb)

    return k(src_p, dst_p, xl, xr)


def _sc_scatter(src_p, dst_p, xl, pcol):

    @functools.partial(
        pl.kernel,
        out_type=(
            jax.ShapeDtypeStruct((NC, N, D), jnp.float32),
            jax.ShapeDtypeStruct((NC, N, 16), jnp.float32),
        ),
        mesh=_MESH,
        compiler_params=pltpu.CompilerParams(use_tc_tiling_on_sc=False),
        scratch_types=(
            pltpu.VMEM((B,), jnp.int32),
            pltpu.VMEM((B,), jnp.int32),
            pltpu.VMEM((B, D), jnp.float32),
            pltpu.VMEM((B, 16), jnp.float32),
            pltpu.VMEM_SHARED((N, D), jnp.float32),
            pltpu.VMEM_SHARED((N, 16), jnp.float32),
            pltpu.SemaphoreType.DMA,
        ),
    )
    def k(src_hbm, dst_hbm, xl_hbm, pcol_hbm, outw, outd,
          idx_s, idx_d, gl, pv, acc_w, acc_d, sem1):
        cid = lax.axis_index("c")
        sid = lax.axis_index("s")
        wid = cid * NS + sid
        tile_base = wid * (NB * B)
        zero16 = jnp.zeros((16,), jnp.float32)

        def zrow(i, carry):
            for kk in range(D // 16):
                gl[i, pl.ds(kk * 16, 16)] = zero16
            pv[i, pl.ds(0, 16)] = zero16
            return carry

        lax.fori_loop(0, B, zrow, 0)

        for off, nr in ((0, 128), (128, 128), (256, 128), (384, 128), (512, 112)):
            pltpu.sync_copy(gl.at[pl.ds(0, nr)],
                            acc_w.at[pl.ds(sid * RPT + off, nr)])
        for off, nr in ((0, 128), (128, 128), (256, 128), (384, 128), (512, 112)):
            pltpu.sync_copy(pv.at[pl.ds(0, nr)],
                            acc_d.at[pl.ds(sid * RPT + off, nr)])

        @pl.when(sid == NS - 1)
        def _():
            pltpu.sync_copy(gl.at[pl.ds(0, REM)], acc_w.at[pl.ds(NS * RPT, REM)])
            pltpu.sync_copy(pv.at[pl.ds(0, REM)], acc_d.at[pl.ds(NS * RPT, REM)])

        plsc.subcore_barrier()

        def batch(b, carry):
            base = tile_base + b * B
            pltpu.sync_copy(src_hbm.at[pl.ds(base, B)], idx_s)
            pltpu.sync_copy(dst_hbm.at[pl.ds(base, B)], idx_d)
            c1 = pltpu.async_copy(xl_hbm.at[idx_s], gl, sem1)
            pltpu.sync_copy(pcol_hbm.at[pl.ds(base, B)], pv)
            c1.wait()

            def row(i, rcarry):
                pvec = pv[i, pl.ds(0, 16)]
                for hh in range(H):
                    ph = pvec[hh]
                    for kk in (2 * hh, 2 * hh + 1):
                        sl = pl.ds(kk * 16, 16)
                        gl[i, sl] = gl[i, sl] * ph
                return rcarry

            lax.fori_loop(0, B, row, 0)
            pltpu.sync_copy(gl, acc_w.at[idx_d], add=True)
            pltpu.sync_copy(pv, acc_d.at[idx_d], add=True)
            return carry

        lax.fori_loop(0, NB, batch, 0)
        plsc.subcore_barrier()

        pltpu.sync_copy(acc_w.at[pl.ds(sid * RPT, RPT)],
                        outw.at[cid, pl.ds(sid * RPT, RPT)])
        pltpu.sync_copy(acc_d.at[pl.ds(sid * RPT, RPT)],
                        outd.at[cid, pl.ds(sid * RPT, RPT)])

        @pl.when(sid == NS - 1)
        def _():
            pltpu.sync_copy(acc_w.at[pl.ds(NS * RPT, REM)],
                            outw.at[cid, pl.ds(NS * RPT, REM)])
            pltpu.sync_copy(acc_d.at[pl.ds(NS * RPT, REM)],
                            outd.at[cid, pl.ds(NS * RPT, REM)])

    return k(src_p, dst_p, xl, pcol)



def kernel(x, edge_index, Wl1, Wr1, att1, b1, Wl2, Wr2, att2, b2):
    loop = jnp.arange(N, dtype=edge_index.dtype)
    src = jnp.concatenate([edge_index[0], loop])
    dst = jnp.concatenate([edge_index[1], loop])
    pad = EP - ET
    src_p = jnp.concatenate([src, jnp.zeros((pad,), src.dtype)])
    dst_p = jnp.concatenate([dst, jnp.zeros((pad,), dst.dtype)])
    sel = jnp.kron(jnp.eye(H, dtype=jnp.float32),
                   jnp.ones((C, 1), jnp.float32))
    expand4 = jnp.kron(jnp.eye(H, dtype=jnp.float32),
                       jnp.ones((1, C), jnp.float32))
    expand = jnp.concatenate(
        [expand4, jnp.zeros((12, D), jnp.float32)], axis=0)

    xl1, xr1 = _mm2(x, Wl1, Wr1)
    e1 = _sc_gather_leaky(src_p, dst_p, xl1, xr1)
    p1 = _edge_logits(e1, att1.reshape(1, D), sel)
    outw1, outd1 = _sc_scatter(src_p, dst_p, xl1, p1)
    xl2, xr2 = _combine(outw1, outd1, b1.reshape(1, D), expand, Wl2, Wr2)
    e2 = _sc_gather_leaky(src_p, dst_p, xl2, xr2)
    p2 = _edge_logits(e2, att2.reshape(1, D), sel)
    outw2, outd2 = _sc_scatter(src_p, dst_p, xl2, p2)
    return _combine(outw2, outd2, b2.reshape(1, D), expand)

# --- scband reference (transcript-rebuilt; emitter-appended) ---
"""Pipeline reference for scband-cg-gnn-encoder-17368847745364 (READ-ONLY COPY).

The authoritative reference and input builder live on the scoring server;
editing this copy changes nothing except your own understanding.
"""

import jax, jax.numpy as jnp
import numpy as np

N = 10000
E = 320000
D_IN = 128
HID = 32
HEADS = 4


def gatv2_layer(x, edge_index, Wl, Wr, att, bias):
    # GATv2Conv (PyG defaults: concat=True, negative_slope=0.2, add_self_loops=True, share_weights=False)
    n = x.shape[0]
    src = edge_index[0]
    dst = edge_index[1]
    loop = jnp.arange(n, dtype=edge_index.dtype)
    src = jnp.concatenate([src, loop])
    dst = jnp.concatenate([dst, loop])
    H, C = att.shape
    xl = (x @ Wl).reshape(n, H, C)  # source transform
    xr = (x @ Wr).reshape(n, H, C)  # target transform
    e = jax.nn.leaky_relu(xl[src] + xr[dst], negative_slope=0.2)  # [E, H, C]
    logits = jnp.sum(e * att[None, :, :], axis=-1)  # [E, H]
    m = jax.ops.segment_max(logits, dst, num_segments=n)
    a = jnp.exp(logits - m[dst])
    denom = jax.ops.segment_sum(a, dst, num_segments=n)
    alpha = a / (denom[dst] + 1e-16)
    out = jax.ops.segment_sum(xl[src] * alpha[:, :, None], dst, num_segments=n)  # [N, H, C]
    return out.reshape(n, H * C) + bias


def setup_inputs(seed: int = 0):
    key = jax.random.key(seed)
    ks = [jax.random.fold_in(key, i) for i in range(12)]
    x = jax.random.normal(ks[0], (N, D_IN), dtype=jnp.float32)
    edge_index = jax.random.randint(ks[1], (2, E), 0, N, dtype=jnp.int32)
    d_out = HEADS * HID
    s1 = 1.0 / np.sqrt(D_IN)
    s2 = 1.0 / np.sqrt(d_out)
    Wl1 = jax.random.normal(ks[2], (D_IN, d_out), dtype=jnp.float32) * s1
    Wr1 = jax.random.normal(ks[3], (D_IN, d_out), dtype=jnp.float32) * s1
    att1 = jax.random.normal(ks[4], (HEADS, HID), dtype=jnp.float32) * (1.0 / np.sqrt(HID))
    b1 = jnp.zeros((d_out,), dtype=jnp.float32)
    Wl2 = jax.random.normal(ks[5], (d_out, d_out), dtype=jnp.float32) * s2
    Wr2 = jax.random.normal(ks[6], (d_out, d_out), dtype=jnp.float32) * s2
    att2 = jax.random.normal(ks[7], (HEADS, HID), dtype=jnp.float32) * (1.0 / np.sqrt(HID))
    b2 = jnp.zeros((d_out,), dtype=jnp.float32)
    return {"x": x, "edge_index": edge_index, "Wl1": Wl1, "Wr1": Wr1, "att1": att1, "b1": b1, "Wl2": Wl2, "Wr2": Wr2, "att2": att2, "b2": b2}


def reference(x, edge_index, Wl1, Wr1, att1, b1, Wl2, Wr2, att2, b2):
    h = gatv2_layer(x, edge_index, Wl1, Wr1, att1, b1)
    h = jax.nn.elu(h)
    # dropout(p=0.1) is identity in eval mode
    out = gatv2_layer(h, edge_index, Wl2, Wr2, att2, b2)
    return out

if __name__ == "__main__":
    import jax
    _d = setup_inputs()
    print(jax.jit(kernel)(*tuple(_d.values())))

</pallas_src>

<mosaic_0001>
#map = affine_map<(d0, d1) -> (0)>
#map1 = affine_map<(d0, d1) -> (0, 0)>
module attributes {stable_mosaic.version = 14 : i64} {
  func.func @k(%arg0: i32, %arg1: i32, %arg2: memref<331776xi32, #tpu.memory_space<hbm>>, %arg3: memref<331776xi32, #tpu.memory_space<hbm>>, %arg4: memref<10000x128xf32, #tpu.memory_space<hbm>>, %arg5: memref<10000x128xf32, #tpu.memory_space<hbm>>, %arg6: memref<331776x128xf32, #tpu.memory_space<hbm>>, %arg7: memref<2x128xi32, #tpu.memory_space<vmem>>, %arg8: memref<2x128xi32, #tpu.memory_space<vmem>>, %arg9: memref<2x128x128xf32, #tpu.memory_space<vmem>>, %arg10: memref<2x128x128xf32, #tpu.memory_space<vmem>>, %arg11: memref<!tpu.dma_semaphore, #tpu.memory_space<semaphore_mem>>, %arg12: memref<!tpu.dma_semaphore, #tpu.memory_space<semaphore_mem>>, %arg13: memref<!tpu.dma_semaphore, #tpu.memory_space<semaphore_mem>>, %arg14: memref<!tpu.dma_semaphore, #tpu.memory_space<semaphore_mem>>) attributes {dimension_semantics = [#tpu.dimension_semantics<core_parallel>, #tpu.dimension_semantics<subcore_parallel>], iteration_bounds = array<i64: 2, 16>, scalar_prefetch = 0 : i64, scratch_operands = 8 : i64, tpu.core_type = #tpu.core_type<sc_vector_subcore>, window_params = [{transform_indices = #map}, {transform_indices = #map}, {transform_indices = #map1}, {transform_indices = #map1}, {transform_indices = #map1}]} {
    %mul3A = arith.constant 16 : i32
    %mul3A_0 = arith.muli %arg0, %mul3A : i32
    %add3A = arith.addi %mul3A_0, %arg1 : i32
    %mul3A_1 = arith.constant 10368 : i32
    %mul3A_2 = arith.muli %add3A, %mul3A_1 : i32
    %add3A_3 = arith.constant 0 : i32
    %add3A_4 = arith.addi %mul3A_2, %add3A_3 : i32
    %run_scoped3A = arith.constant 0 : i32
    "tpu.region"() ({
      %run_scoped3A_70 = tpu.sem_alloc : memref<!tpu.dma_semaphore, #tpu.memory_space<semaphore_mem>>
      %dma_start3A_71 = arith.constant 0 : i32
      %dma_start3A_72 = tpu.memref_slice %arg7[%run_scoped3A, %dma_start3A_71] : memref<2x128xi32, #tpu.memory_space<vmem>> -> memref<1x128xi32, #tpu.memory_space<vmem>>
      %dma_start3A_73 = tpu.memref_squeeze %dma_start3A_72 : memref<1x128xi32, #tpu.memory_space<vmem>> -> memref<128xi32, #tpu.memory_space<vmem>>
      %dma_start3A_74 = tpu.memref_slice %arg2[%add3A_4] : memref<331776xi32, #tpu.memory_space<hbm>> -> memref<128xi32, #tpu.memory_space<hbm>>
      %dma_start3A_75 = arith.constant 0 : i32
      %dma_start3A_76 = tpu.memref_slice %arg7[%run_scoped3A, %dma_start3A_75] : memref<2x128xi32, #tpu.memory_space<vmem>> -> memref<1x128xi32, #tpu.memory_space<vmem>>
      %dma_start3A_77 = tpu.memref_squeeze %dma_start3A_76 : memref<1x128xi32, #tpu.memory_space<vmem>> -> memref<128xi32, #tpu.memory_space<vmem>>
      %dma_start3A_78 = tpu.memref_slice %arg2[%add3A_4] : memref<331776xi32, #tpu.memory_space<hbm>> -> memref<128xi32, #tpu.memory_space<hbm>>
      tpu.enqueue_dma source(%dma_start3A_78 : memref<128xi32, #tpu.memory_space<hbm>>) target(%dma_start3A_77 : memref<128xi32, #tpu.memory_space<vmem>>) target_semaphore(%run_scoped3A_70 : memref<!tpu.dma_semaphore, #tpu.memory_space<semaphore_mem>>)
      %dma_wait3A_79 = arith.constant 0 : i32
      %dma_wait3A_80 = tpu.memref_slice %arg7[%run_scoped3A, %dma_wait3A_79] : memref<2x128xi32, #tpu.memory_space<vmem>> -> memref<1x128xi32, #tpu.memory_space<vmem>>
      %dma_wait3A_81 = tpu.memref_squeeze %dma_wait3A_80 : memref<1x128xi32, #tpu.memory_space<vmem>> -> memref<128xi32, #tpu.memory_space<vmem>>
      %dma_wait3A_82 = tpu.memref_slice %arg2[%add3A_4] : memref<331776xi32, #tpu.memory_space<hbm>> -> memref<128xi32, #tpu.memory_space<hbm>>
      %dma_wait3A_83 = arith.constant 0 : i32
      %dma_wait3A_84 = tpu.memref_slice %arg7[%run_scoped3A, %dma_wait3A_83] : memref<2x128xi32, #tpu.memory_space<vmem>> -> memref<1x128xi32, #tpu.memory_space<vmem>>
      %dma_wait3A_85 = tpu.memref_squeeze %dma_wait3A_84 : memref<1x128xi32, #tpu.memory_space<vmem>> -> memref<128xi32, #tpu.memory_space<vmem>>
      %dma_wait3A_86 = tpu.memref_slice %arg2[%add3A_4] : memref<331776xi32, #tpu.memory_space<hbm>> -> memref<128xi32, #tpu.memory_space<hbm>>
      tpu.wait_dma2 semaphore(%run_scoped3A_70 : memref<!tpu.dma_semaphore, #tpu.memory_space<semaphore_mem>>) src(%dma_wait3A_86 : memref<128xi32, #tpu.memory_space<hbm>>) dst(%dma_wait3A_85 : memref<128xi32, #tpu.memory_space<vmem>>)
      tpu.yield
    }) : () -> ()
    %run_scoped3A_5 = arith.constant 0 : i32
    "tpu.region"() ({
      %run_scoped3A_70 = tpu.sem_alloc : memref<!tpu.dma_semaphore, #tpu.memory_space<semaphore_mem>>
      %dma_start3A_71 = arith.constant 0 : i32
      %dma_start3A_72 = tpu.memref_slice %arg8[%run_scoped3A_5, %dma_start3A_71] : memref<2x128xi32, #tpu.memory_space<vmem>> -> memref<1x128xi32, #tpu.memory_space<vmem>>
      %dma_start3A_73 = tpu.memref_squeeze %dma_start3A_72 : memref<1x128xi32, #tpu.memory_space<vmem>> -> memref<128xi32, #tpu.memory_space<vmem>>
      %dma_start3A_74 = tpu.memref_slice %arg3[%add3A_4] : memref<331776xi32, #tpu.memory_space<hbm>> -> memref<128xi32, #tpu.memory_space<hbm>>
      %dma_start3A_75 = arith.constant 0 : i32
      %dma_start3A_76 = tpu.memref_slice %arg8[%run_scoped3A_5, %dma_start3A_75] : memref<2x128xi32, #tpu.memory_space<vmem>> -> memref<1x128xi32, #tpu.memory_space<vmem>>
      %dma_start3A_77 = tpu.memref_squeeze %dma_start3A_76 : memref<1x128xi32, #tpu.memory_space<vmem>> -> memref<128xi32, #tpu.memory_space<vmem>>
      %dma_start3A_78 = tpu.memref_slice %arg3[%add3A_4] : memref<331776xi32, #tpu.memory_space<hbm>> -> memref<128xi32, #tpu.memory_space<hbm>>
      tpu.enqueue_dma source(%dma_start3A_78 : memref<128xi32, #tpu.memory_space<hbm>>) target(%dma_start3A_77 : memref<128xi32, #tpu.memory_space<vmem>>) target_semaphore(%run_scoped3A_70 : memref<!tpu.dma_semaphore, #tpu.memory_space<semaphore_mem>>)
      %dma_wait3A_79 = arith.constant 0 : i32
      %dma_wait3A_80 = tpu.memref_slice %arg8[%run_scoped3A_5, %dma_wait3A_79] : memref<2x128xi32, #tpu.memory_space<vmem>> -> memref<1x128xi32, #tpu.memory_space<vmem>>
      %dma_wait3A_81 = tpu.memref_squeeze %dma_wait3A_80 : memref<1x128xi32, #tpu.memory_space<vmem>> -> memref<128xi32, #tpu.memory_space<vmem>>
      %dma_wait3A_82 = tpu.memref_slice %arg3[%add3A_4] : memref<331776xi32, #tpu.memory_space<hbm>> -> memref<128xi32, #tpu.memory_space<hbm>>
      %dma_wait3A_83 = arith.constant 0 : i32
      %dma_wait3A_84 = tpu.memref_slice %arg8[%run_scoped3A_5, %dma_wait3A_83] : memref<2x128xi32, #tpu.memory_space<vmem>> -> memref<1x128xi32, #tpu.memory_space<vmem>>
      %dma_wait3A_85 = tpu.memref_squeeze %dma_wait3A_84 : memref<1x128xi32, #tpu.memory_space<vmem>> -> memref<128xi32, #tpu.memory_space<vmem>>
      %dma_wait3A_86 = tpu.memref_slice %arg3[%add3A_4] : memref<331776xi32, #tpu.memory_space<hbm>> -> memref<128xi32, #tpu.memory_space<hbm>>
      tpu.wait_dma2 semaphore(%run_scoped3A_70 : memref<!tpu.dma_semaphore, #tpu.memory_space<semaphore_mem>>) src(%dma_wait3A_86 : memref<128xi32, #tpu.memory_space<hbm>>) dst(%dma_wait3A_85 : memref<128xi32, #tpu.memory_space<vmem>>)
      tpu.yield
    }) : () -> ()
    %dma_start3A = arith.constant 0 : i32
    %dma_start3A_6 = arith.constant 0 : i32
    %dma_start3A_7 = arith.constant 0 : i32
    %dma_start3A_8 = arith.constant 0 : i32
    %dma_start3A_9 = tpu.memref_slice %arg9[%dma_start3A_6, %dma_start3A_7, %dma_start3A_8] : memref<2x128x128xf32, #tpu.memory_space<vmem>> -> memref<1x128x128xf32, #tpu.memory_space<vmem>>
    %dma_start3A_10 = tpu.memref_squeeze %dma_start3A_9 : memref<1x128x128xf32, #tpu.memory_space<vmem>> -> memref<128x128xf32, #tpu.memory_space<vmem>>
    %dma_start3A_11 = arith.constant 0 : i32
    %dma_start3A_12 = tpu.memref_slice %arg7[%dma_start3A, %dma_start3A_11] : memref<2x128xi32, #tpu.memory_space<vmem>> -> memref<1x128xi32, #tpu.memory_space<vmem>>
    %dma_start3A_13 = tpu.memref_squeeze %dma_start3A_12 : memref<1x128xi32, #tpu.memory_space<vmem>> -> memref<128xi32, #tpu.memory_space<vmem>>
    %dma_start3A_14 = arith.constant 0 : i32
    %dma_start3A_15 = arith.constant 0 : i32
    %dma_start3A_16 = tpu.memref_slice %arg4[%dma_start3A_14, %dma_start3A_15] : memref<10000x128xf32, #tpu.memory_space<hbm>> -> memref<10000x128xf32, #tpu.memory_space<hbm>>
    tpu.enqueue_indirect_dma source(%dma_start3A_16 : memref<10000x128xf32, #tpu.memory_space<hbm>>) target(%dma_start3A_10 : memref<128x128xf32, #tpu.memory_space<vmem>>) offsets(%dma_start3A_13 : memref<128xi32, #tpu.memory_space<vmem>>) semaphore(%arg11 : memref<!tpu.dma_semaphore, #tpu.memory_space<semaphore_mem>>)
    %dma_start3A_17 = arith.constant 0 : i32
    %dma_start3A_18 = arith.constant 0 : i32
    %dma_start3A_19 = arith.constant 0 : i32
    %dma_start3A_20 = arith.constant 0 : i32
    %dma_start3A_21 = tpu.memref_slice %arg10[%dma_start3A_18, %dma_start3A_19, %dma_start3A_20] : memref<2x128x128xf32, #tpu.memory_space<vmem>> -> memref<1x128x128xf32, #tpu.memory_space<vmem>>
    %dma_start3A_22 = tpu.memref_squeeze %dma_start3A_21 : memref<1x128x128xf32, #tpu.memory_space<vmem>> -> memref<128x128xf32, #tpu.memory_space<vmem>>
    %dma_start3A_23 = arith.constant 0 : i32
    %dma_start3A_24 = tpu.memref_slice %arg8[%dma_start3A_17, %dma_start3A_23] : memref<2x128xi32, #tpu.memory_space<vmem>> -> memref<1x128xi32, #tpu.memory_space<vmem>>
    %dma_start3A_25 = tpu.memref_squeeze %dma_start3A_24 : memref<1x128xi32, #tpu.memory_space<vmem>> -> memref<128xi32, #tpu.memory_space<vmem>>
    %dma_start3A_26 = arith.constant 0 : i32
    %dma_start3A_27 = arith.constant 0 : i32
    %dma_start3A_28 = tpu.memref_slice %arg5[%dma_start3A_26, %dma_start3A_27] : memref<10000x128xf32, #tpu.memory_space<hbm>> -> memref<10000x128xf32, #tpu.memory_space<hbm>>
    tpu.enqueue_indirect_dma source(%dma_start3A_28 : memref<10000x128xf32, #tpu.memory_space<hbm>>) target(%dma_start3A_22 : memref<128x128xf32, #tpu.memory_space<vmem>>) offsets(%dma_start3A_25 : memref<128xi32, #tpu.memory_space<vmem>>) semaphore(%arg12 : memref<!tpu.dma_semaphore, #tpu.memory_space<semaphore_mem>>)
    %scan3A = arith.constant 0 : i32
    %scan3A_29 = arith.constant 0 : i32
    %scan3A_30 = arith.constant 0 : i32
    %scan3A_31 = arith.constant 0 : i32
    %scan3A_32 = arith.constant 0 : i32
    %scan3A_33 = arith.constant 0 : i32
    %scan3A_34 = arith.constant 40 : i32
    %scan3A_35 = arith.addi %scan3A_33, %scan3A_34 : i32
    %scan3A_36 = arith.constant 1 : i32
    scf.for %scan3A_70 = %scan3A_33 to %scan3A_35 step %scan3A_36  : i32 {
      %mul3A_71 = arith.constant 2 : i32
      %mul3A_72 = arith.muli %scan3A_70, %mul3A_71 : i32
      %add3A_73 = arith.constant 1 : i32
      %add3A_74 = arith.addi %mul3A_72, %add3A_73 : i32
      %mul3A_75 = arith.constant 128 : i32
      %mul3A_76 = arith.muli %add3A_74, %mul3A_75 : i32
      %add3A_77 = arith.addi %mul3A_2, %mul3A_76 : i32
      %run_scoped3A_78 = arith.constant 1 : i32
      "tpu.region"() ({
        %run_scoped3A_201 = tpu.sem_alloc : memref<!tpu.dma_semaphore, #tpu.memory_space<semaphore_mem>>
        %dma_start3A_202 = arith.constant 0 : i32
        %dma_start3A_203 = tpu.memref_slice %arg7[%run_scoped3A_78, %dma_start3A_202] : memref<2x128xi32, #tpu.memory_space<vmem>> -> memref<1x128xi32, #tpu.memory_space<vmem>>
        %dma_start3A_204 = tpu.memref_squeeze %dma_start3A_203 : memref<1x128xi32, #tpu.memory_space<vmem>> -> memref<128xi32, #tpu.memory_space<vmem>>
        %dma_start3A_205 = tpu.memref_slice %arg2[%add3A_77] : memref<331776xi32, #tpu.memory_space<hbm>> -> memref<128xi32, #tpu.memory_space<hbm>>
        %dma_start3A_206 = arith.constant 0 : i32
        %dma_start3A_207 = tpu.memref_slice %arg7[%run_scoped3A_78, %dma_start3A_206] : memref<2x128xi32, #tpu.memory_space<vmem>> -> memref<1x128xi32, #tpu.memory_space<vmem>>
        %dma_start3A_208 = tpu.memref_squeeze %dma_start3A_207 : memref<1x128xi32, #tpu.memory_space<vmem>> -> memref<128xi32, #tpu.memory_space<vmem>>
        %dma_start3A_209 = tpu.memref_slice %arg2[%add3A_77] : memref<331776xi32, #tpu.memory_space<hbm>> -> memref<128xi32, #tpu.memory_space<hbm>>
        tpu.enqueue_dma source(%dma_start3A_209 : memref<128xi32, #tpu.memory_space<hbm>>) target(%dma_start3A_208 : memref<128xi32, #tpu.memory_space<vmem>>) target_semaphore(%run_scoped3A_201 : memref<!tpu.dma_semaphore, #tpu.memory_space<semaphore_mem>>)
        %dma_wait3A_210 = arith.constant 0 : i32
        %dma_wait3A_211 = tpu.memref_slice %arg7[%run_scoped3A_78, %dma_wait3A_210] : memref<2x128xi32, #tpu.memory_space<vmem>> -> memref<1x128xi32, #tpu.memory_space<vmem>>
        %dma_wait3A_212 = tpu.memref_squeeze %dma_wait3A_211 : memref<1x128xi32, #tpu.memory_space<vmem>> -> memref<128xi32, #tpu.memory_space<vmem>>
        %dma_wait3A_213 = tpu.memref_slice %arg2[%add3A_77] : memref<331776xi32, #tpu.memory_space<hbm>> -> memref<128xi32, #tpu.memory_space<hbm>>
        %dma_wait3A_214 = arith.constant 0 : i32
        %dma_wait3A_215 = tpu.memref_slice %arg7[%run_scoped3A_78, %dma_wait3A_214] : memref<2x128xi32, #tpu.memory_space<vmem>> -> memref<1x128xi32, #tpu.memory_space<vmem>>
        %dma_wait3A_216 = tpu.memref_squeeze %dma_wait3A_215 : memref<1x128xi32, #tpu.memory_space<vmem>> -> memref<128xi32, #tpu.memory_space<vmem>>
        %dma_wait3A_217 = tpu.memref_slice %arg2[%add3A_77] : memref<331776xi32, #tpu.memory_space<hbm>> -> memref<128xi32, #tpu.memory_space<hbm>>
        tpu.wait_dma2 semaphore(%run_scoped3A_201 : memref<!tpu.dma_semaphore, #tpu.memory_space<semaphore_mem>>) src(%dma_wait3A_217 : memref<128xi32, #tpu.memory_space<hbm>>) dst(%dma_wait3A_216 : memref<128xi32, #tpu.memory_space<vmem>>)
        tpu.yield
      }) : () -> ()
      %run_scoped3A_79 = arith.constant 1 : i32
      "tpu.region"() ({
        %run_scoped3A_201 = tpu.sem_alloc : memref<!tpu.dma_semaphore, #tpu.memory_space<semaphore_mem>>
        %dma_start3A_202 = arith.constant 0 : i32
        %dma_start3A_203 = tpu.memref_slice %arg8[%run_scoped3A_79, %dma_start3A_202] : memref<2x128xi32, #tpu.memory_space<vmem>> -> memref<1x128xi32, #tpu.memory_space<vmem>>
        %dma_start3A_204 = tpu.memref_squeeze %dma_start3A_203 : memref<1x128xi32, #tpu.memory_space<vmem>> -> memref<128xi32, #tpu.memory_space<vmem>>
        %dma_start3A_205 = tpu.memref_slice %arg3[%add3A_77] : memref<331776xi32, #tpu.memory_space<hbm>> -> memref<128xi32, #tpu.memory_space<hbm>>
        %dma_start3A_206 = arith.constant 0 : i32
        %dma_start3A_207 = tpu.memref_slice %arg8[%run_scoped3A_79, %dma_start3A_206] : memref<2x128xi32, #tpu.memory_space<vmem>> -> memref<1x128xi32, #tpu.memory_space<vmem>>
        %dma_start3A_208 = tpu.memref_squeeze %dma_start3A_207 : memref<1x128xi32, #tpu.memory_space<vmem>> -> memref<128xi32, #tpu.memory_space<vmem>>
        %dma_start3A_209 = tpu.memref_slice %arg3[%add3A_77] : memref<331776xi32, #tpu.memory_space<hbm>> -> memref<128xi32, #tpu.memory_space<hbm>>
        tpu.enqueue_dma source(%dma_start3A_209 : memref<128xi32, #tpu.memory_space<hbm>>) target(%dma_start3A_208 : memref<128xi32, #tpu.memory_space<vmem>>) target_semaphore(%run_scoped3A_201 : memref<!tpu.dma_semaphore, #tpu.memory_space<semaphore_mem>>)
        %dma_wait3A_210 = arith.constant 0 : i32
        %dma_wait3A_211 = tpu.memref_slice %arg8[%run_scoped3A_79, %dma_wait3A_210] : memref<2x128xi32, #tpu.memory_space<vmem>> -> memref<1x128xi32, #tpu.memory_space<vmem>>
        %dma_wait3A_212 = tpu.memref_squeeze %dma_wait3A_211 : memref<1x128xi32, #tpu.memory_space<vmem>> -> memref<128xi32, #tpu.memory_space<vmem>>
        %dma_wait3A_213 = tpu.memref_slice %arg3[%add3A_77] : memref<331776xi32, #tpu.memory_space<hbm>> -> memref<128xi32, #tpu.memory_space<hbm>>
        %dma_wait3A_214 = arith.constant 0 : i32
        %dma_wait3A_215 = tpu.memref_slice %arg8[%run_scoped3A_79, %dma_wait3A_214] : memref<2x128xi32, #tpu.memory_space<vmem>> -> memref<1x128xi32, #tpu.memory_space<vmem>>
        %dma_wait3A_216 = tpu.memref_squeeze %dma_wait3A_215 : memref<1x128xi32, #tpu.memory_space<vmem>> -> memref<128xi32, #tpu.memory_space<vmem>>
        %dma_wait3A_217 = tpu.memref_slice %arg3[%add3A_77] : memref<331776xi32, #tpu.memory_space<hbm>> -> memref<128xi32, #tpu.memory_space<hbm>>
        tpu.wait_dma2 semaphore(%run_scoped3A_201 : memref<!tpu.dma_semaphore, #tpu.memory_space<semaphore_mem>>) src(%dma_wait3A_217 : memref<128xi32, #tpu.memory_space<hbm>>) dst(%dma_wait3A_216 : memref<128xi32, #tpu.memory_space<vmem>>)
        tpu.yield
      }) : () -> ()
      %dma_start3A_80 = arith.constant 1 : i32
      %dma_start3A_81 = arith.constant 1 : i32
      %dma_start3A_82 = arith.constant 0 : i32
      %dma_start3A_83 = arith.constant 0 : i32
      %dma_start3A_84 = tpu.memref_slice %arg9[%dma_start3A_81, %dma_start3A_82, %dma_start3A_83] : memref<2x128x128xf32, #tpu.memory_space<vmem>> -> memref<1x128x128xf32, #tpu.memory_space<vmem>>
      %dma_start3A_85 = tpu.memref_squeeze %dma_start3A_84 : memref<1x128x128xf32, #tpu.memory_space<vmem>> -> memref<128x128xf32, #tpu.memory_space<vmem>>
      %dma_start3A_86 = arith.constant 0 : i32
      %dma_start3A_87 = tpu.memref_slice %arg7[%dma_start3A_80, %dma_start3A_86] : memref<2x128xi32, #tpu.memory_space<vmem>> -> memref<1x128xi32, #tpu.memory_space<vmem>>
      %dma_start3A_88 = tpu.memref_squeeze %dma_start3A_87 : memref<1x128xi32, #tpu.memory_space<vmem>> -> memref<128xi32, #tpu.memory_space<vmem>>
      %dma_start3A_89 = arith.constant 0 : i32
      %dma_start3A_90 = arith.constant 0 : i32
      %dma_start3A_91 = tpu.memref_slice %arg4[%dma_start3A_89, %dma_start3A_90] : memref<10000x128xf32, #tpu.memory_space<hbm>> -> memref<10000x128xf32, #tpu.memory_space<hbm>>
      tpu.enqueue_indirect_dma source(%dma_start3A_91 : memref<10000x128xf32, #tpu.memory_space<hbm>>) target(%dma_start3A_85 : memref<128x128xf32, #tpu.memory_space<vmem>>) offsets(%dma_start3A_88 : memref<128xi32, #tpu.memory_space<vmem>>) semaphore(%arg13 : memref<!tpu.dma_semaphore, #tpu.memory_space<semaphore_mem>>)
      %dma_start3A_92 = arith.constant 1 : i32
      %dma_start3A_93 = arith.constant 1 : i32
      %dma_start3A_94 = arith.constant 0 : i32
      %dma_start3A_95 = arith.constant 0 : i32
      %dma_start3A_96 = tpu.memref_slice %arg10[%dma_start3A_93, %dma_start3A_94, %dma_start3A_95] : memref<2x128x128xf32, #tpu.memory_space<vmem>> -> memref<1x128x128xf32, #tpu.memory_space<vmem>>
      %dma_start3A_97 = tpu.memref_squeeze %dma_start3A_96 : memref<1x128x128xf32, #tpu.memory_space<vmem>> -> memref<128x128xf32, #tpu.memory_space<vmem>>
      %dma_start3A_98 = arith.constant 0 : i32
      %dma_start3A_99 = tpu.memref_slice %arg8[%dma_start3A_92, %dma_start3A_98] : memref<2x128xi32, #tpu.memory_space<vmem>> -> memref<1x128xi32, #tpu.memory_space<vmem>>
      %dma_start3A_100 = tpu.memref_squeeze %dma_start3A_99 : memref<1x128xi32, #tpu.memory_space<vmem>> -> memref<128xi32, #tpu.memory_space<vmem>>
      %dma_start3A_101 = arith.constant 0 : i32
      %dma_start3A_102 = arith.constant 0 : i32
      %dma_start3A_103 = tpu.memref_slice %arg5[%dma_start3A_101, %dma_start3A_102] : memref<10000x128xf32, #tpu.memory_space<hbm>> -> memref<10000x128xf32, #tpu.memory_space<hbm>>
      tpu.enqueue_indirect_dma source(%dma_start3A_103 : memref<10000x128xf32, #tpu.memory_space<hbm>>) target(%dma_start3A_97 : memref<128x128xf32, #tpu.memory_space<vmem>>) offsets(%dma_start3A_100 : memref<128xi32, #tpu.memory_space<vmem>>) semaphore(%arg14 : memref<!tpu.dma_semaphore, #tpu.memory_space<semaphore_mem>>)
      %mul3A_104 = arith.constant 128 : i32
      %mul3A_105 = arith.muli %mul3A_72, %mul3A_104 : i32
      %add3A_106 = arith.addi %mul3A_2, %mul3A_105 : i32
      %dma_wait3A_107 = arith.constant 0 : i32
      %dma_wait3A_108 = arith.constant 0 : i32
      %dma_wait3A_109 = tpu.memref_slice %arg9[%scan3A_30, %dma_wait3A_107, %dma_wait3A_108] : memref<2x128x128xf32, #tpu.memory_space<vmem>> -> memref<1x128x128xf32, #tpu.memory_space<vmem>>
      %dma_wait3A_110 = tpu.memref_squeeze %dma_wait3A_109 : memref<1x128x128xf32, #tpu.memory_space<vmem>> -> memref<128x128xf32, #tpu.memory_space<vmem>>
      %dma_wait3A_111 = arith.constant 0 : i32
      %dma_wait3A_112 = tpu.memref_slice %arg7[%scan3A_29, %dma_wait3A_111] : memref<2x128xi32, #tpu.memory_space<vmem>> -> memref<1x128xi32, #tpu.memory_space<vmem>>
      %dma_wait3A_113 = tpu.memref_squeeze %dma_wait3A_112 : memref<1x128xi32, #tpu.memory_space<vmem>> -> memref<128xi32, #tpu.memory_space<vmem>>
      %dma_wait3A_114 = arith.constant 0 : i32
      %dma_wait3A_115 = arith.constant 0 : i32
      %dma_wait3A_116 = tpu.memref_slice %arg4[%dma_wait3A_114, %dma_wait3A_115] : memref<10000x128xf32, #tpu.memory_space<hbm>> -> memref<10000x128xf32, #tpu.memory_space<hbm>>
      tpu.wait_indirect_dma semaphore(%arg11 : memref<!tpu.dma_semaphore, #tpu.memory_space<semaphore_mem>>) src(%dma_wait3A_116 : memref<10000x128xf32, #tpu.memory_space<hbm>>) dst(%dma_wait3A_110 : memref<128x128xf32, #tpu.memory_space<vmem>>)
      %dma_wait3A_117 = arith.constant 0 : i32
      %dma_wait3A_118 = arith.constant 0 : i32
      %dma_wait3A_119 = tpu.memref_slice %arg10[%scan3A_32, %dma_wait3A_117, %dma_wait3A_118] : memref<2x128x128xf32, #tpu.memory_space<vmem>> -> memref<1x128x128xf32, #tpu.memory_space<vmem>>
      %dma_wait3A_120 = tpu.memref_squeeze %dma_wait3A_119 : memref<1x128x128xf32, #tpu.memory_space<vmem>> -> memref<128x128xf32, #tpu.memory_space<vmem>>
      %dma_wait3A_121 = arith.constant 0 : i32
      %dma_wait3A_122 = tpu.memref_slice %arg8[%scan3A_31, %dma_wait3A_121] : memref<2x128xi32, #tpu.memory_space<vmem>> -> memref<1x128xi32, #tpu.memory_space<vmem>>
      %dma_wait3A_123 = tpu.memref_squeeze %dma_wait3A_122 : memref<1x128xi32, #tpu.memory_space<vmem>> -> memref<128xi32, #tpu.memory_space<vmem>>
      %dma_wait3A_124 = arith.constant 0 : i32
      %dma_wait3A_125 = arith.constant 0 : i32
      %dma_wait3A_126 = tpu.memref_slice %arg5[%dma_wait3A_124, %dma_wait3A_125] : memref<10000x128xf32, #tpu.memory_space<hbm>> -> memref<10000x128xf32, #tpu.memory_space<hbm>>
      tpu.wait_indirect_dma semaphore(%arg12 : memref<!tpu.dma_semaphore, #tpu.memory_space<semaphore_mem>>) src(%dma_wait3A_126 : memref<10000x128xf32, #tpu.memory_space<hbm>>) dst(%dma_wait3A_120 : memref<128x128xf32, #tpu.memory_space<vmem>>)
      %scan3A_127 = arith.constant 0 : i32
      %scan3A_128 = arith.constant 0 : i32
      %scan3A_129 = arith.constant 128 : i32
      %scan3A_130 = arith.addi %scan3A_128, %scan3A_129 : i32
      %scan3A_131 = arith.constant 1 : i32
      scf.for %scan3A_201 = %scan3A_128 to %scan3A_130 step %scan3A_131  : i32 {
        %get3A = arith.constant 0 : i32
        %get3A_202 = arith.index_cast %get3A : i32 to index
        %get3A_203 = arith.index_cast %scan3A_201 : i32 to index
        %get3A_204 = arith.constant 0 : index
        %get3A_205 = tpu.vector_load %arg9[%get3A_202, %get3A_203, %get3A_204] {strides = array<i32>} : memref<2x128x128xf32, #tpu.memory_space<vmem>>, vector<1x1x16xf32>,
        %get3A_206 = vector.shape_cast %get3A_205 : vector<1x1x16xf32> to vector<16xf32>
        %get3A_207 = arith.constant 0 : i32
        %get3A_208 = arith.index_cast %get3A_207 : i32 to index
        %get3A_209 = arith.index_cast %scan3A_201 : i32 to index
        %get3A_210 = arith.constant 0 : index
        %get3A_211 = tpu.vector_load %arg10[%get3A_208, %get3A_209, %get3A_210] {strides = array<i32>} : memref<2x128x128xf32, #tpu.memory_space<vmem>>, vector<1x1x16xf32>,
        %get3A_212 = vector.shape_cast %get3A_211 : vector<1x1x16xf32> to vector<16xf32>
        %add3A_213 = arith.addf %get3A_206, %get3A_212 : vector<16xf32>
        %max3A = arith.constant 0.000000e+00 : f32
        %max3A_214 = vector.broadcast %max3A : f32 to vector<16xf32>
        %max3A_215 = arith.maximumf %add3A_213, %max3A_214 : vector<16xf32>
        %min3A = arith.constant 0.000000e+00 : f32
        %min3A_216 = vector.broadcast %min3A : f32 to vector<16xf32>
        %min3A_217 = arith.minimumf %add3A_213, %min3A_216 : vector<16xf32>
        %mul3A_218 = arith.constant 2.000000e-01 : f32
        %mul3A_219 = vector.broadcast %mul3A_218 : f32 to vector<16xf32>
        %mul3A_220 = arith.mulf %mul3A_219, %min3A_217 : vector<16xf32>
        %add3A_221 = arith.addf %max3A_215, %mul3A_220 : vector<16xf32>
        %swap3A = arith.constant 0 : i32
        %swap3A_222 = arith.index_cast %swap3A : i32 to index
        %swap3A_223 = arith.index_cast %scan3A_201 : i32 to index
        %swap3A_224 = arith.constant 0 : index
        %swap3A_225 = tpu.vector_load %arg9[%swap3A_222, %swap3A_223, %swap3A_224] {strides = array<i32>} : memref<2x128x128xf32, #tpu.memory_space<vmem>>, vector<1x1x16xf32>,
        %swap3A_226 = vector.shape_cast %swap3A_225 : vector<1x1x16xf32> to vector<16xf32>
        %swap3A_227 = vector.shape_cast %add3A_221 : vector<16xf32> to vector<1x1x16xf32>
        tpu.vector_store %arg9[%swap3A_222, %swap3A_223, %swap3A_224], %swap3A_227 {strides = array<i32>} : memref<2x128x128xf32, #tpu.memory_space<vmem>>, vector<1x1x16xf32>,
        %get3A_228 = arith.constant 0 : i32
        %get3A_229 = arith.index_cast %get3A_228 : i32 to index
        %get3A_230 = arith.index_cast %scan3A_201 : i32 to index
        %get3A_231 = arith.constant 16 : index
        %get3A_232 = tpu.vector_load %arg9[%get3A_229, %get3A_230, %get3A_231] {strides = array<i32>} : memref<2x128x128xf32, #tpu.memory_space<vmem>>, vector<1x1x16xf32>,
        %get3A_233 = vector.shape_cast %get3A_232 : vector<1x1x16xf32> to vector<16xf32>
        %get3A_234 = arith.constant 0 : i32
        %get3A_235 = arith.index_cast %get3A_234 : i32 to index
        %get3A_236 = arith.index_cast %scan3A_201 : i32 to index
        %get3A_237 = arith.constant 16 : index
        %get3A_238 = tpu.vector_load %arg10[%get3A_235, %get3A_236, %get3A_237] {strides = array<i32>} : memref<2x128x128xf32, #tpu.memory_space<vmem>>, vector<1x1x16xf32>,
        %get3A_239 = vector.shape_cast %get3A_238 : vector<1x1x16xf32> to vector<16xf32>
        %add3A_240 = arith.addf %get3A_233, %get3A_239 : vector<16xf32>
        %max3A_241 = arith.constant 0.000000e+00 : f32
        %max3A_242 = vector.broadcast %max3A_241 : f32 to vector<16xf32>
        %max3A_243 = arith.maximumf %add3A_240, %max3A_242 : vector<16xf32>
        %min3A_244 = arith.constant 0.000000e+00 : f32
        %min3A_245 = vector.broadcast %min3A_244 : f32 to vector<16xf32>
        %min3A_246 = arith.minimumf %add3A_240, %min3A_245 : vector<16xf32>
        %mul3A_247 = arith.constant 2.000000e-01 : f32
        %mul3A_248 = vector.broadcast %mul3A_247 : f32 to vector<16xf32>
        %mul3A_249 = arith.mulf %mul3A_248, %min3A_246 : vector<16xf32>
        %add3A_250 = arith.addf %max3A_243, %mul3A_249 : vector<16xf32>
        %swap3A_251 = arith.constant 0 : i32
        %swap3A_252 = arith.index_cast %swap3A_251 : i32 to index
        %swap3A_253 = arith.index_cast %scan3A_201 : i32 to index
        %swap3A_254 = arith.constant 16 : index
        %swap3A_255 = tpu.vector_load %arg9[%swap3A_252, %swap3A_253, %swap3A_254] {strides = array<i32>} : memref<2x128x128xf32, #tpu.memory_space<vmem>>, vector<1x1x16xf32>,
        %swap3A_256 = vector.shape_cast %swap3A_255 : vector<1x1x16xf32> to vector<16xf32>
        %swap3A_257 = vector.shape_cast %add3A_250 : vector<16xf32> to vector<1x1x16xf32>
        tpu.vector_store %arg9[%swap3A_252, %swap3A_253, %swap3A_254], %swap3A_257 {strides = array<i32>} : memref<2x128x128xf32, #tpu.memory_space<vmem>>, vector<1x1x16xf32>,
        %get3A_258 = arith.constant 0 : i32
        %get3A_259 = arith.index_cast %get3A_258 : i32 to index
        %get3A_260 = arith.index_cast %scan3A_201 : i32 to index
        %get3A_261 = arith.constant 32 : index
        %get3A_262 = tpu.vector_load %arg9[%get3A_259, %get3A_260, %get3A_261] {strides = array<i32>} : memref<2x128x128xf32, #tpu.memory_space<vmem>>, vector<1x1x16xf32>,
        %get3A_263 = vector.shape_cast %get3A_262 : vector<1x1x16xf32> to vector<16xf32>
        %get3A_264 = arith.constant 0 : i32
        %get3A_265 = arith.index_cast %get3A_264 : i32 to index
        %get3A_266 = arith.index_cast %scan3A_201 : i32 to index
        %get3A_267 = arith.constant 32 : index
        %get3A_268 = tpu.vector_load %arg10[%get3A_265, %get3A_266, %get3A_267] {strides = array<i32>} : memref<2x128x128xf32, #tpu.memory_space<vmem>>, vector<1x1x16xf32>,
        %get3A_269 = vector.shape_cast %get3A_268 : vector<1x1x16xf32> to vector<16xf32>
        %add3A_270 = arith.addf %get3A_263, %get3A_269 : vector<16xf32>
        %max3A_271 = arith.constant 0.000000e+00 : f32
        %max3A_272 = vector.broadcast %max3A_271 : f32 to vector<16xf32>
        %max3A_273 = arith.maximumf %add3A_270, %max3A_272 : vector<16xf32>
        %min3A_274 = arith.constant 0.000000e+00 : f32
        %min3A_275 = vector.broadcast %min3A_274 : f32 to vector<16xf32>
        %min3A_276 = arith.minimumf %add3A_270, %min3A_275 : vector<16xf32>
        %mul3A_277 = arith.constant 2.000000e-01 : f32
        %mul3A_278 = vector.broadcast %mul3A_277 : f32 to vector<16xf32>
        %mul3A_279 = arith.mulf %mul3A_278, %min3A_276 : vector<16xf32>
        %add3A_280 = arith.addf %max3A_273, %mul3A_279 : vector<16xf32>
        %swap3A_281 = arith.constant 0 : i32
        %swap3A_282 = arith.index_cast %swap3A_281 : i32 to index
        %swap3A_283 = arith.index_cast %scan3A_201 : i32 to index
        %swap3A_284 = arith.constant 32 : index
        %swap3A_285 = tpu.vector_load %arg9[%swap3A_282, %swap3A_283, %swap3A_284] {strides = array<i32>} : memref<2x128x128xf32, #tpu.memory_space<vmem>>, vector<1x1x16xf32>,
        %swap3A_286 = vector.shape_cast %swap3A_285 : vector<1x1x16xf32> to vector<16xf32>
        %swap3A_287 = vector.shape_cast %add3A_280 : vector<16xf32> to vector<1x1x16xf32>
        tpu.vector_store %arg9[%swap3A_282, %swap3A_283, %swap3A_284], %swap3A_287 {strides = array<i32>} : memref<2x128x128xf32, #tpu.memory_space<vmem>>, vector<1x1x16xf32>,
        %get3A_288 = arith.constant 0 : i32
        %get3A_289 = arith.index_cast %get3A_288 : i32 to index
        %get3A_290 = arith.index_cast %scan3A_201 : i32 to index
        %get3A_291 = arith.constant 48 : index
        %get3A_292 = tpu.vector_load %arg9[%get3A_289, %get3A_290, %get3A_291] {strides = array<i32>} : memref<2x128x128xf32, #tpu.memory_space<vmem>>, vector<1x1x16xf32>,
        %get3A_293 = vector.shape_cast %get3A_292 : vector<1x1x16xf32> to vector<16xf32>
        %get3A_294 = arith.constant 0 : i32
        %get3A_295 = arith.index_cast %get3A_294 : i32 to index
        %get3A_296 = arith.index_cast %scan3A_201 : i32 to index
        %get3A_297 = arith.constant 48 : index
        %get3A_298 = tpu.vector_load %arg10[%get3A_295, %get3A_296, %get3A_297] {strides = array<i32>} : memref<2x128x128xf32, #tpu.memory_space<vmem>>, vector<1x1x16xf32>,
        %get3A_299 = vector.shape_cast %get3A_298 : vector<1x1x16xf32> to vector<16xf32>
        %add3A_300 = arith.addf %get3A_293, %get3A_299 : vector<16xf32>
        %max3A_301 = arith.constant 0.000000e+00 : f32
        %max3A_302 = vector.broadcast %max3A_301 : f32 to vector<16xf32>
        %max3A_303 = arith.maximumf %add3A_300, %max3A_302 : vector<16xf32>
        %min3A_304 = arith.constant 0.000000e+00 : f32
        %min3A_305 = vector.broadcast %min3A_304 : f32 to vector<16xf32>
        %min3A_306 = arith.minimumf %add3A_300, %min3A_305 : vector<16xf32>
        %mul3A_307 = arith.constant 2.000000e-01 : f32
        %mul3A_308 = vector.broadcast %mul3A_307 : f32 to vector<16xf32>
        %mul3A_309 = arith.mulf %mul3A_308, %min3A_306 : vector<16xf32>
        %add3A_310 = arith.addf %max3A_303, %mul3A_309 : vector<16xf32>
        %swap3A_311 = arith.constant 0 : i32
        %swap3A_312 = arith.index_cast %swap3A_311 : i32 to index
        %swap3A_313 = arith.index_cast %scan3A_201 : i32 to index
        %swap3A_314 = arith.constant 48 : index
        %swap3A_315 = tpu.vector_load %arg9[%swap3A_312, %swap3A_313, %swap3A_314] {strides = array<i32>} : memref<2x128x128xf32, #tpu.memory_space<vmem>>, vector<1x1x16xf32>,
        %swap3A_316 = vector.shape_cast %swap3A_315 : vector<1x1x16xf32> to vector<16xf32>
        %swap3A_317 = vector.shape_cast %add3A_310 : vector<16xf32> to vector<1x1x16xf32>
        tpu.vector_store %arg9[%swap3A_312, %swap3A_313, %swap3A_314], %swap3A_317 {strides = array<i32>} : memref<2x128x128xf32, #tpu.memory_space<vmem>>, vector<1x1x16xf32>,
        %get3A_318 = arith.constant 0 : i32
        %get3A_319 = arith.index_cast %get3A_318 : i32 to index
        %get3A_320 = arith.index_cast %scan3A_201 : i32 to index
        %get3A_321 = arith.constant 64 : index
        %get3A_322 = tpu.vector_load %arg9[%get3A_319, %get3A_320, %get3A_321] {strides = array<i32>} : memref<2x128x128xf32, #tpu.memory_space<vmem>>, vector<1x1x16xf32>,
        %get3A_323 = vector.shape_cast %get3A_322 : vector<1x1x16xf32> to vector<16xf32>
        %get3A_324 = arith.constant 0 : i32
        %get3A_325 = arith.index_cast %get3A_324 : i32 to index
        %get3A_326 = arith.index_cast %scan3A_201 : i32 to index
        %get3A_327 = arith.constant 64 : index
        %get3A_328 = tpu.vector_load %arg10[%get3A_325, %get3A_326, %get3A_327] {strides = array<i32>} : memref<2x128x128xf32, #tpu.memory_space<vmem>>, vector<1x1x16xf32>,
        %get3A_329 = vector.shape_cast %get3A_328 : vector<1x1x16xf32> to vector<16xf32>
        %add3A_330 = arith.addf %get3A_323, %get3A_329 : vector<16xf32>
        %max3A_331 = arith.constant 0.000000e+00 : f32
        %max3A_332 = vector.broadcast %max3A_331 : f32 to vector<16xf32>
        %max3A_333 = arith.maximumf %add3A_330, %max3A_332 : vector<16xf32>
        %min3A_334 = arith.constant 0.000000e+00 : f32
        %min3A_335 = vector.broadcast %min3A_334 : f32 to vector<16xf32>
        %min3A_336 = arith.minimumf %add3A_330, %min3A_335 : vector<16xf32>
        %mul3A_337 = arith.constant 2.000000e-01 : f32
        %mul3A_338 = vector.broadcast %mul3A_337 : f32 to vector<16xf32>
        %mul3A_339 = arith.mulf %mul3A_338, %min3A_336 : vector<16xf32>
        %add3A_340 = arith.addf %max3A_333, %mul3A_339 : vector<16xf32>
        %swap3A_341 = arith.constant 0 : i32
        %swap3A_342 = arith.index_cast %swap3A_341 : i32 to index
        %swap3A_343 = arith.index_cast %scan3A_201 : i32 to index
        %swap3A_344 = arith.constant 64 : index
        %swap3A_345 = tpu.vector_load %arg9[%swap3A_342, %swap3A_343, %swap3A_344] {strides = array<i32>} : memref<2x128x128xf32, #tpu.memory_space<vmem>>, vector<1x1x16xf32>,
        %swap3A_346 = vector.shape_cast %swap3A_345 : vector<1x1x16xf32> to vector<16xf32>
        %swap3A_347 = vector.shape_cast %add3A_340 : vector<16xf32> to vector<1x1x16xf32>
        tpu.vector_store %arg9[%swap3A_342, %swap3A_343, %swap3A_344], %swap3A_347 {strides = array<i32>} : memref<2x128x128xf32, #tpu.memory_space<vmem>>, vector<1x1x16xf32>,
        %get3A_348 = arith.constant 0 : i32
        %get3A_349 = arith.index_cast %get3A_348 : i32 to index
        %get3A_350 = arith.index_cast %scan3A_201 : i32 to index
        %get3A_351 = arith.constant 80 : index
        %get3A_352 = tpu.vector_load %arg9[%get3A_349, %get3A_350, %get3A_351] {strides = array<i32>} : memref<2x128x128xf32, #tpu.memory_space<vmem>>, vector<1x1x16xf32>,
        %get3A_353 = vector.shape_cast %get3A_352 : vector<1x1x16xf32> to vector<16xf32>
        %get3A_354 = arith.constant 0 : i32
        %get3A_355 = arith.index_cast %get3A_354 : i32 to index
        %get3A_356 = arith.index_cast %scan3A_201 : i32 to index
        %get3A_357 = arith.constant 80 : index
        %get3A_358 = tpu.vector_load %arg10[%get3A_355, %get3A_356, %get3A_357] {strides = array<i32>} : memref<2x128x128xf32, #tpu.memory_space<vmem>>, vector<1x1x16xf32>,
        %get3A_359 = vector.shape_cast %get3A_358 : vector<1x1x16xf32> to vector<16xf32>
        %add3A_360 = arith.addf %get3A_353, %get3A_359 : vector<16xf32>
        %max3A_361 = arith.constant 0.000000e+00 : f32
        %max3A_362 = vector.broadcast %max3A_361 : f32 to vector<16xf32>
        %max3A_363 = arith.maximumf %add3A_360, %max3A_362 : vector<16xf32>
        %min3A_364 = arith.constant 0.000000e+00 : f32
        %min3A_365 = vector.broadcast %min3A_364 : f32 to vector<16xf32>
        %min3A_366 = arith.minimumf %add3A_360, %min3A_365 : vector<16xf32>
        %mul3A_367 = arith.constant 2.000000e-01 : f32
        %mul3A_368 = vector.broadcast %mul3A_367 : f32 to vector<16xf32>
        %mul3A_369 = arith.mulf %mul3A_368, %min3A_366 : vector<16xf32>
        %add3A_370 = arith.addf %max3A_363, %mul3A_369 : vector<16xf32>
        %swap3A_371 = arith.constant 0 : i32
        %swap3A_372 = arith.index_cast %swap3A_371 : i32 to index
        %swap3A_373 = arith.index_cast %scan3A_201 : i32 to index
        %swap3A_374 = arith.constant 80 : index
        %swap3A_375 = tpu.vector_load %arg9[%swap3A_372, %swap3A_373, %swap3A_374] {strides = array<i32>} : memref<2x128x128xf32, #tpu.memory_space<vmem>>, vector<1x1x16xf32>,
        %swap3A_376 = vector.shape_cast %swap3A_375 : vector<1x1x16xf32> to vector<16xf32>
        %swap3A_377 = vector.shape_cast %add3A_370 : vector<16xf32> to vector<1x1x16xf32>
        tpu.vector_store %arg9[%swap3A_372, %swap3A_373, %swap3A_374], %swap3A_377 {strides = array<i32>} : memref<2x128x128xf32, #tpu.memory_space<vmem>>, vector<1x1x16xf32>,
        %get3A_378 = arith.constant 0 : i32
        %get3A_379 = arith.index_cast %get3A_378 : i32 to index
        %get3A_380 = arith.index_cast %scan3A_201 : i32 to index
        %get3A_381 = arith.constant 96 : index
        %get3A_382 = tpu.vector_load %arg9[%get3A_379, %get3A_380, %get3A_381] {strides = array<i32>} : memref<2x128x128xf32, #tpu.memory_space<vmem>>, vector<1x1x16xf32>,
        %get3A_383 = vector.shape_cast %get3A_382 : vector<1x1x16xf32> to vector<16xf32>
        %get3A_384 = arith.constant 0 : i32
        %get3A_385 = arith.index_cast %get3A_384 : i32 to index
        %get3A_386 = arith.index_cast %scan3A_201 : i32 to index
        %get3A_387 = arith.constant 96 : index
        %get3A_388 = tpu.vector_load %arg10[%get3A_385, %get3A_386, %get3A_387] {strides = array<i32>} : memref<2x128x128xf32, #tpu.memory_space<vmem>>, vector<1x1x16xf32>,
        %get3A_389 = vector.shape_cast %get3A_388 : vector<1x1x16xf32> to vector<16xf32>
        %add3A_390 = arith.addf %get3A_383, %get3A_389 : vector<16xf32>
        %max3A_391 = arith.constant 0.000000e+00 : f32
        %max3A_392 = vector.broadcast %max3A_391 : f32 to vector<16xf32>
        %max3A_393 = arith.maximumf %add3A_390, %max3A_392 : vector<16xf32>
        %min3A_394 = arith.constant 0.000000e+00 : f32
        %min3A_395 = vector.broadcast %min3A_394 : f32 to vector<16xf32>
        %min3A_396 = arith.minimumf %add3A_390, %min3A_395 : vector<16xf32>
        %mul3A_397 = arith.constant 2.000000e-01 : f32
        %mul3A_398 = vector.broadcast %mul3A_397 : f32 to vector<16xf32>
        %mul3A_399 = arith.mulf %mul3A_398, %min3A_396 : vector<16xf32>
        %add3A_400 = arith.addf %max3A_393, %mul3A_399 : vector<16xf32>
        %swap3A_401 = arith.constant 0 : i32
        %swap3A_402 = arith.index_cast %swap3A_401 : i32 to index
        %swap3A_403 = arith.index_cast %scan3A_201 : i32 to index
        %swap3A_404 = arith.constant 96 : index
        %swap3A_405 = tpu.vector_load %arg9[%swap3A_402, %swap3A_403, %swap3A_404] {strides = array<i32>} : memref<2x128x128xf32, #tpu.memory_space<vmem>>, vector<1x1x16xf32>,
        %swap3A_406 = vector.shape_cast %swap3A_405 : vector<1x1x16xf32> to vector<16xf32>
        %swap3A_407 = vector.shape_cast %add3A_400 : vector<16xf32> to vector<1x1x16xf32>
        tpu.vector_store %arg9[%swap3A_402, %swap3A_403, %swap3A_404], %swap3A_407 {strides = array<i32>} : memref<2x128x128xf32, #tpu.memory_space<vmem>>, vector<1x1x16xf32>,
        %get3A_408 = arith.constant 0 : i32
        %get3A_409 = arith.index_cast %get3A_408 : i32 to index
        %get3A_410 = arith.index_cast %scan3A_201 : i32 to index
        %get3A_411 = arith.constant 112 : index
        %get3A_412 = tpu.vector_load %arg9[%get3A_409, %get3A_410, %get3A_411] {strides = array<i32>} : memref<2x128x128xf32, #tpu.memory_space<vmem>>, vector<1x1x16xf32>,
        %get3A_413 = vector.shape_cast %get3A_412 : vector<1x1x16xf32> to vector<16xf32>
        %get3A_414 = arith.constant 0 : i32
        %get3A_415 = arith.index_cast %get3A_414 : i32 to index
        %get3A_416 = arith.index_cast %scan3A_201 : i32 to index
        %get3A_417 = arith.constant 112 : index
        %get3A_418 = tpu.vector_load %arg10[%get3A_415, %get3A_416, %get3A_417] {strides = array<i32>} : memref<2x128x128xf32, #tpu.memory_space<vmem>>, vector<1x1x16xf32>,
        %get3A_419 = vector.shape_cast %get3A_418 : vector<1x1x16xf32> to vector<16xf32>
        %add3A_420 = arith.addf %get3A_413, %get3A_419 : vector<16xf32>
        %max3A_421 = arith.constant 0.000000e+00 : f32
        %max3A_422 = vector.broadcast %max3A_421 : f32 to vector<16xf32>
        %max3A_423 = arith.maximumf %add3A_420, %max3A_422 : vector<16xf32>
        %min3A_424 = arith.constant 0.000000e+00 : f32
        %min3A_425 = vector.broadcast %min3A_424 : f32 to vector<16xf32>
        %min3A_426 = arith.minimumf %add3A_420, %min3A_425 : vector<16xf32>
        %mul3A_427 = arith.constant 2.000000e-01 : f32
        %mul3A_428 = vector.broadcast %mul3A_427 : f32 to vector<16xf32>
        %mul3A_429 = arith.mulf %mul3A_428, %min3A_426 : vector<16xf32>
        %add3A_430 = arith.addf %max3A_423, %mul3A_429 : vector<16xf32>
        %swap3A_431 = arith.constant 0 : i32
        %swap3A_432 = arith.index_cast %swap3A_431 : i32 to index
        %swap3A_433 = arith.index_cast %scan3A_201 : i32 to index
        %swap3A_434 = arith.constant 112 : index
        %swap3A_435 = tpu.vector_load %arg9[%swap3A_432, %swap3A_433, %swap3A_434] {strides = array<i32>} : memref<2x128x128xf32, #tpu.memory_space<vmem>>, vector<1x1x16xf32>,
        %swap3A_436 = vector.shape_cast %swap3A_435 : vector<1x1x16xf32> to vector<16xf32>
        %swap3A_437 = vector.shape_cast %add3A_430 : vector<16xf32> to vector<1x1x16xf32>
        tpu.vector_store %arg9[%swap3A_432, %swap3A_433, %swap3A_434], %swap3A_437 {strides = array<i32>} : memref<2x128x128xf32, #tpu.memory_space<vmem>>, vector<1x1x16xf32>,
      }
      %scan3A_132 = arith.constant 128 : i32
      %run_scoped3A_133 = arith.constant 0 : i32
      "tpu.region"() ({
        %run_scoped3A_201 = tpu.sem_alloc : memref<!tpu.dma_semaphore, #tpu.memory_space<semaphore_mem>>
        %dma_start3A_202 = arith.constant 0 : i32
        %dma_start3A_203 = arith.constant 0 : i32
        %dma_start3A_204 = tpu.memref_slice %arg9[%run_scoped3A_133, %dma_start3A_202, %dma_start3A_203] : memref<2x128x128xf32, #tpu.memory_space<vmem>> -> memref<1x128x128xf32, #tpu.memory_space<vmem>>
        %dma_start3A_205 = tpu.memref_squeeze %dma_start3A_204 : memref<1x128x128xf32, #tpu.memory_space<vmem>> -> memref<128x128xf32, #tpu.memory_space<vmem>>
        %dma_start3A_206 = arith.constant 0 : i32
        %dma_start3A_207 = tpu.memref_slice %arg6[%add3A_106, %dma_start3A_206] : memref<331776x128xf32, #tpu.memory_space<hbm>> -> memref<128x128xf32, #tpu.memory_space<hbm>>
        %dma_start3A_208 = arith.constant 0 : i32
        %dma_start3A_209 = tpu.memref_slice %arg6[%add3A_106, %dma_start3A_208] : memref<331776x128xf32, #tpu.memory_space<hbm>> -> memref<128x128xf32, #tpu.memory_space<hbm>>
        %dma_start3A_210 = arith.constant 0 : i32
        %dma_start3A_211 = arith.constant 0 : i32
        %dma_start3A_212 = tpu.memref_slice %arg9[%run_scoped3A_133, %dma_start3A_210, %dma_start3A_211] : memref<2x128x128xf32, #tpu.memory_space<vmem>> -> memref<1x128x128xf32, #tpu.memory_space<vmem>>
        %dma_start3A_213 = tpu.memref_squeeze %dma_start3A_212 : memref<1x128x128xf32, #tpu.memory_space<vmem>> -> memref<128x128xf32, #tpu.memory_space<vmem>>
        tpu.enqueue_dma source(%dma_start3A_213 : memref<128x128xf32, #tpu.memory_space<vmem>>) target(%dma_start3A_209 : memref<128x128xf32, #tpu.memory_space<hbm>>) target_semaphore(%run_scoped3A_201 : memref<!tpu.dma_semaphore, #tpu.memory_space<semaphore_mem>>)
        %dma_wait3A_214 = arith.constant 0 : i32
        %dma_wait3A_215 = arith.constant 0 : i32
        %dma_wait3A_216 = tpu.memref_slice %arg9[%run_scoped3A_133, %dma_wait3A_214, %dma_wait3A_215] : memref<2x128x128xf32, #tpu.memory_space<vmem>> -> memref<1x128x128xf32, #tpu.memory_space<vmem>>
        %dma_wait3A_217 = tpu.memref_squeeze %dma_wait3A_216 : memref<1x128x128xf32, #tpu.memory_space<vmem>> -> memref<128x128xf32, #tpu.memory_space<vmem>>
        %dma_wait3A_218 = arith.constant 0 : i32
        %dma_wait3A_219 = tpu.memref_slice %arg6[%add3A_106, %dma_wait3A_218] : memref<331776x128xf32, #tpu.memory_space<hbm>> -> memref<128x128xf32, #tpu.memory_space<hbm>>
        %dma_wait3A_220 = arith.constant 0 : i32
        %dma_wait3A_221 = tpu.memref_slice %arg6[%add3A_106, %dma_wait3A_220] : memref<331776x128xf32, #tpu.memory_space<hbm>> -> memref<128x128xf32, #tpu.memory_space<hbm>>
        %dma_wait3A_222 = arith.constant 0 : i32
        %dma_wait3A_223 = arith.constant 0 : i32
        %dma_wait3A_224 = tpu.memref_slice %arg9[%run_scoped3A_133, %dma_wait3A_222, %dma_wait3A_223] : memref<2x128x128xf32, #tpu.memory_space<vmem>> -> memref<1x128x128xf32, #tpu.memory_space<vmem>>
        %dma_wait3A_225 = tpu.memref_squeeze %dma_wait3A_224 : memref<1x128x128xf32, #tpu.memory_space<vmem>> -> memref<128x128xf32, #tpu.memory_space<vmem>>
        tpu.wait_dma2 semaphore(%run_scoped3A_201 : memref<!tpu.dma_semaphore, #tpu.memory_space<semaphore_mem>>) src(%dma_wait3A_225 : memref<128x128xf32, #tpu.memory_space<vmem>>) dst(%dma_wait3A_221 : memref<128x128xf32, #tpu.memory_space<hbm>>)
        tpu.yield
      }) : () -> ()
      %add3A_134 = arith.constant 2 : i32
      %add3A_135 = arith.addi %mul3A_72, %add3A_134 : i32
      %mul3A_136 = arith.constant 128 : i32
      %mul3A_137 = arith.muli %add3A_135, %mul3A_136 : i32
      %add3A_138 = arith.addi %mul3A_2, %mul3A_137 : i32
      %run_scoped3A_139 = arith.constant 0 : i32
      "tpu.region"() ({
        %run_scoped3A_201 = tpu.sem_alloc : memref<!tpu.dma_semaphore, #tpu.memory_space<semaphore_mem>>
        %dma_start3A_202 = arith.constant 0 : i32
        %dma_start3A_203 = tpu.memref_slice %arg7[%run_scoped3A_139, %dma_start3A_202] : memref<2x128xi32, #tpu.memory_space<vmem>> -> memref<1x128xi32, #tpu.memory_space<vmem>>
        %dma_start3A_204 = tpu.memref_squeeze %dma_start3A_203 : memref<1x128xi32, #tpu.memory_space<vmem>> -> memref<128xi32, #tpu.memory_space<vmem>>
        %dma_start3A_205 = tpu.memref_slice %arg2[%add3A_138] : memref<331776xi32, #tpu.memory_space<hbm>> -> memref<128xi32, #tpu.memory_space<hbm>>
        %dma_start3A_206 = arith.constant 0 : i32
        %dma_start3A_207 = tpu.memref_slice %arg7[%run_scoped3A_139, %dma_start3A_206] : memref<2x128xi32, #tpu.memory_space<vmem>> -> memref<1x128xi32, #tpu.memory_space<vmem>>
        %dma_start3A_208 = tpu.memref_squeeze %dma_start3A_207 : memref<1x128xi32, #tpu.memory_space<vmem>> -> memref<128xi32, #tpu.memory_space<vmem>>
        %dma_start3A_209 = tpu.memref_slice %arg2[%add3A_138] : memref<331776xi32, #tpu.memory_space<hbm>> -> memref<128xi32, #tpu.memory_space<hbm>>
        tpu.enqueue_dma source(%dma_start3A_209 : memref<128xi32, #tpu.memory_space<hbm>>) target(%dma_start3A_208 : memref<128xi32, #tpu.memory_space<vmem>>) target_semaphore(%run_scoped3A_201 : memref<!tpu.dma_semaphore, #tpu.memory_space<semaphore_mem>>)
        %dma_wait3A_210 = arith.constant 0 : i32
        %dma_wait3A_211 = tpu.memref_slice %arg7[%run_scoped3A_139, %dma_wait3A_210] : memref<2x128xi32, #tpu.memory_space<vmem>> -> memref<1x128xi32, #tpu.memory_space<vmem>>
        %dma_wait3A_212 = tpu.memref_squeeze %dma_wait3A_211 : memref<1x128xi32, #tpu.memory_space<vmem>> -> memref<128xi32, #tpu.memory_space<vmem>>
        %dma_wait3A_213 = tpu.memref_slice %arg2[%add3A_138] : memref<331776xi32, #tpu.memory_space<hbm>> -> memref<128xi32, #tpu.memory_space<hbm>>
        %dma_wait3A_214 = arith.constant 0 : i32
        %dma_wait3A_215 = tpu.memref_slice %arg7[%run_scoped3A_139, %dma_wait3A_214] : memref<2x128xi32, #tpu.memory_space<vmem>> -> memref<1x128xi32, #tpu.memory_space<vmem>>
        %dma_wait3A_216 = tpu.memref_squeeze %dma_wait3A_215 : memref<1x128xi32, #tpu.memory_space<vmem>> -> memref<128xi32, #tpu.memory_space<vmem>>
        %dma_wait3A_217 = tpu.memref_slice %arg2[%add3A_138] : memref<331776xi32, #tpu.memory_space<hbm>> -> memref<128xi32, #tpu.memory_space<hbm>>
        tpu.wait_dma2 semaphore(%run_scoped3A_201 : memref<!tpu.dma_semaphore, #tpu.memory_space<semaphore_mem>>) src(%dma_wait3A_217 : memref<128xi32, #tpu.memory_space<hbm>>) dst(%dma_wait3A_216 : memref<128xi32, #tpu.memory_space<vmem>>)
        tpu.yield
      }) : () -> ()
      %run_scoped3A_140 = arith.constant 0 : i32
      "tpu.region"() ({
        %run_scoped3A_201 = tpu.sem_alloc : memref<!tpu.dma_semaphore, #tpu.memory_space<semaphore_mem>>
        %dma_start3A_202 = arith.constant 0 : i32
        %dma_start3A_203 = tpu.memref_slice %arg8[%run_scoped3A_140, %dma_start3A_202] : memref<2x128xi32, #tpu.memory_space<vmem>> -> memref<1x128xi32, #tpu.memory_space<vmem>>
        %dma_start3A_204 = tpu.memref_squeeze %dma_start3A_203 : memref<1x128xi32, #tpu.memory_space<vmem>> -> memref<128xi32, #tpu.memory_space<vmem>>
        %dma_start3A_205 = tpu.memref_slice %arg3[%add3A_138] : memref<331776xi32, #tpu.memory_space<hbm>> -> memref<128xi32, #tpu.memory_space<hbm>>
        %dma_start3A_206 = arith.constant 0 : i32
        %dma_start3A_207 = tpu.memref_slice %arg8[%run_scoped3A_140, %dma_start3A_206] : memref<2x128xi32, #tpu.memory_space<vmem>> -> memref<1x128xi32, #tpu.memory_space<vmem>>
        %dma_start3A_208 = tpu.memref_squeeze %dma_start3A_207 : memref<1x128xi32, #tpu.memory_space<vmem>> -> memref<128xi32, #tpu.memory_space<vmem>>
        %dma_start3A_209 = tpu.memref_slice %arg3[%add3A_138] : memref<331776xi32, #tpu.memory_space<hbm>> -> memref<128xi32, #tpu.memory_space<hbm>>
        tpu.enqueue_dma source(%dma_start3A_209 : memref<128xi32, #tpu.memory_space<hbm>>) target(%dma_start3A_208 : memref<128xi32, #tpu.memory_space<vmem>>) target_semaphore(%run_scoped3A_201 : memref<!tpu.dma_semaphore, #tpu.memory_space<semaphore_mem>>)
        %dma_wait3A_210 = arith.constant 0 : i32
        %dma_wait3A_211 = tpu.memref_slice %arg8[%run_scoped3A_140, %dma_wait3A_210] : memref<2x128xi32, #tpu.memory_space<vmem>> -> memref<1x128xi32, #tpu.memory_space<vmem>>
        %dma_wait3A_212 = tpu.memref_squeeze %dma_wait3A_211 : memref<1x128xi32, #tpu.memory_space<vmem>> -> memref<128xi32, #tpu.memory_space<vmem>>
        %dma_wait3A_213 = tpu.memref_slice %arg3[%add3A_138] : memref<331776xi32, #tpu.memory_space<hbm>> -> memref<128xi32, #tpu.memory_space<hbm>>
        %dma_wait3A_214 = arith.constant 0 : i32
        %dma_wait3A_215 = tpu.memref_slice %arg8[%run_scoped3A_140, %dma_wait3A_214] : memref<2x128xi32, #tpu.memory_space<vmem>> -> memref<1x128xi32, #tpu.memory_space<vmem>>
        %dma_wait3A_216 = tpu.memref_squeeze %dma_wait3A_215 : memref<1x128xi32, #tpu.memory_space<vmem>> -> memref<128xi32, #tpu.memory_space<vmem>>
        %dma_wait3A_217 = tpu.memref_slice %arg3[%add3A_138] : memref<331776xi32, #tpu.memory_space<hbm>> -> memref<128xi32, #tpu.memory_space<hbm>>
        tpu.wait_dma2 semaphore(%run_scoped3A_201 : memref<!tpu.dma_semaphore, #tpu.memory_space<semaphore_mem>>) src(%dma_wait3A_217 : memref<128xi32, #tpu.memory_space<hbm>>) dst(%dma_wait3A_216 : memref<128xi32, #tpu.memory_space<vmem>>)
        tpu.yield
      }) : () -> ()
      %dma_start3A_141 = arith.constant 0 : i32
      %dma_start3A_142 = arith.constant 0 : i32
      %dma_start3A_143 = arith.constant 0 : i32
      %dma_start3A_144 = arith.constant 0 : i32
      %dma_start3A_145 = tpu.memref_slice %arg9[%dma_start3A_142, %dma_start3A_143, %dma_start3A_144] : memref<2x128x128xf32, #tpu.memory_space<vmem>> -> memref<1x128x128xf32, #tpu.memory_space<vmem>>
      %dma_start3A_146 = tpu.memref_squeeze %dma_start3A_145 : memref<1x128x128xf32, #tpu.memory_space<vmem>> -> memref<128x128xf32, #tpu.memory_space<vmem>>
      %dma_start3A_147 = arith.constant 0 : i32
      %dma_start3A_148 = tpu.memref_slice %arg7[%dma_start3A_141, %dma_start3A_147] : memref<2x128xi32, #tpu.memory_space<vmem>> -> memref<1x128xi32, #tpu.memory_space<vmem>>
      %dma_start3A_149 = tpu.memref_squeeze %dma_start3A_148 : memref<1x128xi32, #tpu.memory_space<vmem>> -> memref<128xi32, #tpu.memory_space<vmem>>
      %dma_start3A_150 = arith.constant 0 : i32
      %dma_start3A_151 = arith.constant 0 : i32
      %dma_start3A_152 = tpu.memref_slice %arg4[%dma_start3A_150, %dma_start3A_151] : memref<10000x128xf32, #tpu.memory_space<hbm>> -> memref<10000x128xf32, #tpu.memory_space<hbm>>
      tpu.enqueue_indirect_dma source(%dma_start3A_152 : memref<10000x128xf32, #tpu.memory_space<hbm>>) target(%dma_start3A_146 : memref<128x128xf32, #tpu.memory_space<vmem>>) offsets(%dma_start3A_149 : memref<128xi32, #tpu.memory_space<vmem>>) semaphore(%arg11 : memref<!tpu.dma_semaphore, #tpu.memory_space<semaphore_mem>>)
      %dma_start3A_153 = arith.constant 0 : i32
      %dma_start3A_154 = arith.constant 0 : i32
      %dma_start3A_155 = arith.constant 0 : i32
      %dma_start3A_156 = arith.constant 0 : i32
      %dma_start3A_157 = tpu.memref_slice %arg10[%dma_start3A_154, %dma_start3A_155, %dma_start3A_156] : memref<2x128x128xf32, #tpu.memory_space<vmem>> -> memref<1x128x128xf32, #tpu.memory_space<vmem>>
      %dma_start3A_158 = tpu.memref_squeeze %dma_start3A_157 : memref<1x128x128xf32, #tpu.memory_space<vmem>> -> memref<128x128xf32, #tpu.memory_space<vmem>>
      %dma_start3A_159 = arith.constant 0 : i32
      %dma_start3A_160 = tpu.memref_slice %arg8[%dma_start3A_153, %dma_start3A_159] : memref<2x128xi32, #tpu.memory_space<vmem>> -> memref<1x128xi32, #tpu.memory_space<vmem>>
      %dma_start3A_161 = tpu.memref_squeeze %dma_start3A_160 : memref<1x128xi32, #tpu.memory_space<vmem>> -> memref<128xi32, #tpu.memory_space<vmem>>
      %dma_start3A_162 = arith.constant 0 : i32
      %dma_start3A_163 = arith.constant 0 : i32
      %dma_start3A_164 = tpu.memref_slice %arg5[%dma_start3A_162, %dma_start3A_163] : memref<10000x128xf32, #tpu.memory_space<hbm>> -> memref<10000x128xf32, #tpu.memory_space<hbm>>
      tpu.enqueue_indirect_dma source(%dma_start3A_164 : memref<10000x128xf32, #tpu.memory_space<hbm>>) target(%dma_start3A_158 : memref<128x128xf32, #tpu.memory_space<vmem>>) offsets(%dma_start3A_161 : memref<128xi32, #tpu.memory_space<vmem>>) semaphore(%arg12 : memref<!tpu.dma_semaphore, #tpu.memory_space<semaphore_mem>>)
      %add3A_165 = arith.constant 1 : i32
      %add3A_166 = arith.addi %mul3A_72, %add3A_165 : i32
      %mul3A_167 = arith.constant 128 : i32
      %mul3A_168 = arith.muli %add3A_166, %mul3A_167 : i32
      %add3A_169 = arith.addi %mul3A_2, %mul3A_168 : i32
      %dma_wait3A_170 = arith.constant 1 : i32
      %dma_wait3A_171 = arith.constant 1 : i32
      %dma_wait3A_172 = arith.constant 0 : i32
      %dma_wait3A_173 = arith.constant 0 : i32
      %dma_wait3A_174 = tpu.memref_slice %arg9[%dma_wait3A_171, %dma_wait3A_172, %dma_wait3A_173] : memref<2x128x128xf32, #tpu.memory_space<vmem>> -> memref<1x128x128xf32, #tpu.memory_space<vmem>>
      %dma_wait3A_175 = tpu.memref_squeeze %dma_wait3A_174 : memref<1x128x128xf32, #tpu.memory_space<vmem>> -> memref<128x128xf32, #tpu.memory_space<vmem>>
      %dma_wait3A_176 = arith.constant 0 : i32
      %dma_wait3A_177 = tpu.memref_slice %arg7[%dma_wait3A_170, %dma_wait3A_176] : memref<2x128xi32, #tpu.memory_space<vmem>> -> memref<1x128xi32, #tpu.memory_space<vmem>>
      %dma_wait3A_178 = tpu.memref_squeeze %dma_wait3A_177 : memref<1x128xi32, #tpu.memory_space<vmem>> -> memref<128xi32, #tpu.memory_space<vmem>>
      %dma_wait3A_179 = arith.constant 0 : i32
      %dma_wait3A_180 = arith.constant 0 : i32
      %dma_wait3A_181 = tpu.memref_slice %arg4[%dma_wait3A_179, %dma_wait3A_180] : memref<10000x128xf32, #tpu.memory_space<hbm>> -> memref<10000x128xf32, #tpu.memory_space<hbm>>
      tpu.wait_indirect_dma semaphore(%arg13 : memref<!tpu.dma_semaphore, #tpu.memory_space<semaphore_mem>>) src(%dma_wait3A_181 : memref<10000x128xf32, #tpu.memory_space<hbm>>) dst(%dma_wait3A_175 : memref<128x128xf32, #tpu.memory_space<vmem>>)
      %dma_wait3A_182 = arith.constant 1 : i32
      %dma_wait3A_183 = arith.constant 1 : i32
      %dma_wait3A_184 = arith.constant 0 : i32
      %dma_wait3A_185 = arith.constant 0 : i32
      %dma_wait3A_186 = tpu.memref_slice %arg10[%dma_wait3A_183, %dma_wait3A_184, %dma_wait3A_185] : memref<2x128x128xf32, #tpu.memory_space<vmem>> -> memref<1x128x128xf32, #tpu.memory_space<vmem>>
      %dma_wait3A_187 = tpu.memref_squeeze %dma_wait3A_186 : memref<1x128x128xf32, #tpu.memory_space<vmem>> -> memref<128x128xf32, #tpu.memory_space<vmem>>
      %dma_wait3A_188 = arith.constant 0 : i32
      %dma_wait3A_189 = tpu.memref_slice %arg8[%dma_wait3A_182, %dma_wait3A_188] : memref<2x128xi32, #tpu.memory_space<vmem>> -> memref<1x128xi32, #tpu.memory_space<vmem>>
      %dma_wait3A_190 = tpu.memref_squeeze %dma_wait3A_189 : memref<1x128xi32, #tpu.memory_space<vmem>> -> memref<128xi32, #tpu.memory_space<vmem>>
      %dma_wait3A_191 = arith.constant 0 : i32
      %dma_wait3A_192 = arith.constant 0 : i32
      %dma_wait3A_193 = tpu.memref_slice %arg5[%dma_wait3A_191, %dma_wait3A_192] : memref<10000x128xf32, #tpu.memory_space<hbm>> -> memref<10000x128xf32, #tpu.memory_space<hbm>>
      tpu.wait_indirect_dma semaphore(%arg14 : memref<!tpu.dma_semaphore, #tpu.memory_space<semaphore_mem>>) src(%dma_wait3A_193 : memref<10000x128xf32, #tpu.memory_space<hbm>>) dst(%dma_wait3A_187 : memref<128x128xf32, #tpu.memory_space<vmem>>)
      %scan3A_194 = arith.constant 0 : i32
      %scan3A_195 = arith.constant 0 : i32
      %scan3A_196 = arith.constant 128 : i32
      %scan3A_197 = arith.addi %scan3A_195, %scan3A_196 : i32
      %scan3A_198 = arith.constant 1 : i32
      scf.for %scan3A_201 = %scan3A_195 to %scan3A_197 step %scan3A_198  : i32 {
        %get3A = arith.constant 1 : i32
        %get3A_202 = arith.index_cast %get3A : i32 to index
        %get3A_203 = arith.index_cast %scan3A_201 : i32 to index
        %get3A_204 = arith.constant 0 : index
        %get3A_205 = tpu.vector_load %arg9[%get3A_202, %get3A_203, %get3A_204] {strides = array<i32>} : memref<2x128x128xf32, #tpu.memory_space<vmem>>, vector<1x1x16xf32>,
        %get3A_206 = vector.shape_cast %get3A_205 : vector<1x1x16xf32> to vector<16xf32>
        %get3A_207 = arith.constant 1 : i32
        %get3A_208 = arith.index_cast %get3A_207 : i32 to index
        %get3A_209 = arith.index_cast %scan3A_201 : i32 to index
        %get3A_210 = arith.constant 0 : index
        %get3A_211 = tpu.vector_load %arg10[%get3A_208, %get3A_209, %get3A_210] {strides = array<i32>} : memref<2x128x128xf32, #tpu.memory_space<vmem>>, vector<1x1x16xf32>,
        %get3A_212 = vector.shape_cast %get3A_211 : vector<1x1x16xf32> to vector<16xf32>
        %add3A_213 = arith.addf %get3A_206, %get3A_212 : vector<16xf32>
        %max3A = arith.constant 0.000000e+00 : f32
        %max3A_214 = vector.broadcast %max3A : f32 to vector<16xf32>
        %max3A_215 = arith.maximumf %add3A_213, %max3A_214 : vector<16xf32>
        %min3A = arith.constant 0.000000e+00 : f32
        %min3A_216 = vector.broadcast %min3A : f32 to vector<16xf32>
        %min3A_217 = arith.minimumf %add3A_213, %min3A_216 : vector<16xf32>
        %mul3A_218 = arith.constant 2.000000e-01 : f32
        %mul3A_219 = vector.broadcast %mul3A_218 : f32 to vector<16xf32>
        %mul3A_220 = arith.mulf %mul3A_219, %min3A_217 : vector<16xf32>
        %add3A_221 = arith.addf %max3A_215, %mul3A_220 : vector<16xf32>
        %swap3A = arith.constant 1 : i32
        %swap3A_222 = arith.index_cast %swap3A : i32 to index
        %swap3A_223 = arith.index_cast %scan3A_201 : i32 to index
        %swap3A_224 = arith.constant 0 : index
        %swap3A_225 = tpu.vector_load %arg9[%swap3A_222, %swap3A_223, %swap3A_224] {strides = array<i32>} : memref<2x128x128xf32, #tpu.memory_space<vmem>>, vector<1x1x16xf32>,
        %swap3A_226 = vector.shape_cast %swap3A_225 : vector<1x1x16xf32> to vector<16xf32>
        %swap3A_227 = vector.shape_cast %add3A_221 : vector<16xf32> to vector<1x1x16xf32>
        tpu.vector_store %arg9[%swap3A_222, %swap3A_223, %swap3A_224], %swap3A_227 {strides = array<i32>} : memref<2x128x128xf32, #tpu.memory_space<vmem>>, vector<1x1x16xf32>,
        %get3A_228 = arith.constant 1 : i32
        %get3A_229 = arith.index_cast %get3A_228 : i32 to index
        %get3A_230 = arith.index_cast %scan3A_201 : i32 to index
        %get3A_231 = arith.constant 16 : index
        %get3A_232 = tpu.vector_load %arg9[%get3A_229, %get3A_230, %get3A_231] {strides = array<i32>} : memref<2x128x128xf32, #tpu.memory_space<vmem>>, vector<1x1x16xf32>,
        %get3A_233 = vector.shape_cast %get3A_232 : vector<1x1x16xf32> to vector<16xf32>
        %get3A_234 = arith.constant 1 : i32
        %get3A_235 = arith.index_cast %get3A_234 : i32 to index
        %get3A_236 = arith.index_cast %scan3A_201 : i32 to index
        %get3A_237 = arith.constant 16 : index
        %get3A_238 = tpu.vector_load %arg10[%get3A_235, %get3A_236, %get3A_237] {strides = array<i32>} : memref<2x128x128xf32, #tpu.memory_space<vmem>>, vector<1x1x16xf32>,
        %get3A_239 = vector.shape_cast %get3A_238 : vector<1x1x16xf32> to vector<16xf32>
        %add3A_240 = arith.addf %get3A_233, %get3A_239 : vector<16xf32>
        %max3A_241 = arith.constant 0.000000e+00 : f32
        %max3A_242 = vector.broadcast %max3A_241 : f32 to vector<16xf32>
        %max3A_243 = arith.maximumf %add3A_240, %max3A_242 : vector<16xf32>
        %min3A_244 = arith.constant 0.000000e+00 : f32
        %min3A_245 = vector.broadcast %min3A_244 : f32 to vector<16xf32>
        %min3A_246 = arith.minimumf %add3A_240, %min3A_245 : vector<16xf32>
        %mul3A_247 = arith.constant 2.000000e-01 : f32
        %mul3A_248 = vector.broadcast %mul3A_247 : f32 to vector<16xf32>
        %mul3A_249 = arith.mulf %mul3A_248, %min3A_246 : vector<16xf32>
        %add3A_250 = arith.addf %max3A_243, %mul3A_249 : vector<16xf32>
        %swap3A_251 = arith.constant 1 : i32
        %swap3A_252 = arith.index_cast %swap3A_251 : i32 to index
        %swap3A_253 = arith.index_cast %scan3A_201 : i32 to index
        %swap3A_254 = arith.constant 16 : index
        %swap3A_255 = tpu.vector_load %arg9[%swap3A_252, %swap3A_253, %swap3A_254] {strides = array<i32>} : memref<2x128x128xf32, #tpu.memory_space<vmem>>, vector<1x1x16xf32>,
        %swap3A_256 = vector.shape_cast %swap3A_255 : vector<1x1x16xf32> to vector<16xf32>
        %swap3A_257 = vector.shape_cast %add3A_250 : vector<16xf32> to vector<1x1x16xf32>
        tpu.vector_store %arg9[%swap3A_252, %swap3A_253, %swap3A_254], %swap3A_257 {strides = array<i32>} : memref<2x128x128xf32, #tpu.memory_space<vmem>>, vector<1x1x16xf32>,
        %get3A_258 = arith.constant 1 : i32
        %get3A_259 = arith.index_cast %get3A_258 : i32 to index
        %get3A_260 = arith.index_cast %scan3A_201 : i32 to index
        %get3A_261 = arith.constant 32 : index
        %get3A_262 = tpu.vector_load %arg9[%get3A_259, %get3A_260, %get3A_261] {strides = array<i32>} : memref<2x128x128xf32, #tpu.memory_space<vmem>>, vector<1x1x16xf32>,
        %get3A_263 = vector.shape_cast %get3A_262 : vector<1x1x16xf32> to vector<16xf32>
        %get3A_264 = arith.constant 1 : i32
        %get3A_265 = arith.index_cast %get3A_264 : i32 to index
        %get3A_266 = arith.index_cast %scan3A_201 : i32 to index
        %get3A_267 = arith.constant 32 : index
        %get3A_268 = tpu.vector_load %arg10[%get3A_265, %get3A_266, %get3A_267] {strides = array<i32>} : memref<2x128x128xf32, #tpu.memory_space<vmem>>, vector<1x1x16xf32>,
        %get3A_269 = vector.shape_cast %get3A_268 : vector<1x1x16xf32> to vector<16xf32>
        %add3A_270 = arith.addf %get3A_263, %get3A_269 : vector<16xf32>
        %max3A_271 = arith.constant 0.000000e+00 : f32
        %max3A_272 = vector.broadcast %max3A_271 : f32 to vector<16xf32>
        %max3A_273 = arith.maximumf %add3A_270, %max3A_272 : vector<16xf32>
        %min3A_274 = arith.constant 0.000000e+00 : f32
        %min3A_275 = vector.broadcast %min3A_274 : f32 to vector<16xf32>
        %min3A_276 = arith.minimumf %add3A_270, %min3A_275 : vector<16xf32>
        %mul3A_277 = arith.constant 2.000000e-01 : f32
        %mul3A_278 = vector.broadcast %mul3A_277 : f32 to vector<16xf32>
        %mul3A_279 = arith.mulf %mul3A_278, %min3A_276 : vector<16xf32>
        %add3A_280 = arith.addf %max3A_273, %mul3A_279 : vector<16xf32>
        %swap3A_281 = arith.constant 1 : i32
        %swap3A_282 = arith.index_cast %swap3A_281 : i32 to index
        %swap3A_283 = arith.index_cast %scan3A_201 : i32 to index
        %swap3A_284 = arith.constant 32 : index
        %swap3A_285 = tpu.vector_load %arg9[%swap3A_282, %swap3A_283, %swap3A_284] {strides = array<i32>} : memref<2x128x128xf32, #tpu.memory_space<vmem>>, vector<1x1x16xf32>,
        %swap3A_286 = vector.shape_cast %swap3A_285 : vector<1x1x16xf32> to vector<16xf32>
        %swap3A_287 = vector.shape_cast %add3A_280 : vector<16xf32> to vector<1x1x16xf32>
        tpu.vector_store %arg9[%swap3A_282, %swap3A_283, %swap3A_284], %swap3A_287 {strides = array<i32>} : memref<2x128x128xf32, #tpu.memory_space<vmem>>, vector<1x1x16xf32>,
        %get3A_288 = arith.constant 1 : i32
        %get3A_289 = arith.index_cast %get3A_288 : i32 to index
        %get3A_290 = arith.index_cast %scan3A_201 : i32 to index
        %get3A_291 = arith.constant 48 : index
        %get3A_292 = tpu.vector_load %arg9[%get3A_289, %get3A_290, %get3A_291] {strides = array<i32>} : memref<2x128x128xf32, #tpu.memory_space<vmem>>, vector<1x1x16xf32>,
        %get3A_293 = vector.shape_cast %get3A_292 : vector<1x1x16xf32> to vector<16xf32>
        %get3A_294 = arith.constant 1 : i32
        %get3A_295 = arith.index_cast %get3A_294 : i32 to index
        %get3A_296 = arith.index_cast %scan3A_201 : i32 to index
        %get3A_297 = arith.constant 48 : index
        %get3A_298 = tpu.vector_load %arg10[%get3A_295, %get3A_296, %get3A_297] {strides = array<i32>} : memref<2x128x128xf32, #tpu.memory_space<vmem>>, vector<1x1x16xf32>,
        %get3A_299 = vector.shape_cast %get3A_298 : vector<1x1x16xf32> to vector<16xf32>
        %add3A_300 = arith.addf %get3A_293, %get3A_299 : vector<16xf32>
        %max3A_301 = arith.constant 0.000000e+00 : f32
        %max3A_302 = vector.broadcast %max3A_301 : f32 to vector<16xf32>
        %max3A_303 = arith.maximumf %add3A_300, %max3A_302 : vector<16xf32>
        %min3A_304 = arith.constant 0.000000e+00 : f32
        %min3A_305 = vector.broadcast %min3A_304 : f32 to vector<16xf32>
        %min3A_306 = arith.minimumf %add3A_300, %min3A_305 : vector<16xf32>
        %mul3A_307 = arith.constant 2.000000e-01 : f32
        %mul3A_308 = vector.broadcast %mul3A_307 : f32 to vector<16xf32>
        %mul3A_309 = arith.mulf %mul3A_308, %min3A_306 : vector<16xf32>
        %add3A_310 = arith.addf %max3A_303, %mul3A_309 : vector<16xf32>
        %swap3A_311 = arith.constant 1 : i32
        %swap3A_312 = arith.index_cast %swap3A_311 : i32 to index
        %swap3A_313 = arith.index_cast %scan3A_201 : i32 to index
        %swap3A_314 = arith.constant 48 : index
        %swap3A_315 = tpu.vector_load %arg9[%swap3A_312, %swap3A_313, %swap3A_314] {strides = array<i32>} : memref<2x128x128xf32, #tpu.memory_space<vmem>>, vector<1x1x16xf32>,
        %swap3A_316 = vector.shape_cast %swap3A_315 : vector<1x1x16xf32> to vector<16xf32>
        %swap3A_317 = vector.shape_cast %add3A_310 : vector<16xf32> to vector<1x1x16xf32>
        tpu.vector_store %arg9[%swap3A_312, %swap3A_313, %swap3A_314], %swap3A_317 {strides = array<i32>} : memref<2x128x128xf32, #tpu.memory_space<vmem>>, vector<1x1x16xf32>,
        %get3A_318 = arith.constant 1 : i32
        %get3A_319 = arith.index_cast %get3A_318 : i32 to index
        %get3A_320 = arith.index_cast %scan3A_201 : i32 to index
        %get3A_321 = arith.constant 64 : index
        %get3A_322 = tpu.vector_load %arg9[%get3A_319, %get3A_320, %get3A_321] {strides = array<i32>} : memref<2x128x128xf32, #tpu.memory_space<vmem>>, vector<1x1x16xf32>,
        %get3A_323 = vector.shape_cast %get3A_322 : vector<1x1x16xf32> to vector<16xf32>
        %get3A_324 = arith.constant 1 : i32
        %get3A_325 = arith.index_cast %get3A_324 : i32 to index
        %get3A_326 = arith.index_cast %scan3A_201 : i32 to index
        %get3A_327 = arith.constant 64 : index
        %get3A_328 = tpu.vector_load %arg10[%get3A_325, %get3A_326, %get3A_327] {strides = array<i32>} : memref<2x128x128xf32, #tpu.memory_space<vmem>>, vector<1x1x16xf32>,
        %get3A_329 = vector.shape_cast %get3A_328 : vector<1x1x16xf32> to vector<16xf32>
        %add3A_330 = arith.addf %get3A_323, %get3A_329 : vector<16xf32>
        %max3A_331 = arith.constant 0.000000e+00 : f32
        %max3A_332 = vector.broadcast %max3A_331 : f32 to vector<16xf32>
        %max3A_333 = arith.maximumf %add3A_330, %max3A_332 : vector<16xf32>
        %min3A_334 = arith.constant 0.000000e+00 : f32
        %min3A_335 = vector.broadcast %min3A_334 : f32 to vector<16xf32>
        %min3A_336 = arith.minimumf %add3A_330, %min3A_335 : vector<16xf32>
        %mul3A_337 = arith.constant 2.000000e-01 : f32
        %mul3A_338 = vector.broadcast %mul3A_337 : f32 to vector<16xf32>
        %mul3A_339 = arith.mulf %mul3A_338, %min3A_336 : vector<16xf32>
        %add3A_340 = arith.addf %max3A_333, %mul3A_339 : vector<16xf32>
        %swap3A_341 = arith.constant 1 : i32
        %swap3A_342 = arith.index_cast %swap3A_341 : i32 to index
        %swap3A_343 = arith.index_cast %scan3A_201 : i32 to index
        %swap3A_344 = arith.constant 64 : index
        %swap3A_345 = tpu.vector_load %arg9[%swap3A_342, %swap3A_343, %swap3A_344] {strides = array<i32>} : memref<2x128x128xf32, #tpu.memory_space<vmem>>, vector<1x1x16xf32>,
        %swap3A_346 = vector.shape_cast %swap3A_345 : vector<1x1x16xf32> to vector<16xf32>
        %swap3A_347 = vector.shape_cast %add3A_340 : vector<16xf32> to vector<1x1x16xf32>
        tpu.vector_store %arg9[%swap3A_342, %swap3A_343, %swap3A_344], %swap3A_347 {strides = array<i32>} : memref<2x128x128xf32, #tpu.memory_space<vmem>>, vector<1x1x16xf32>,
        %get3A_348 = arith.constant 1 : i32
        %get3A_349 = arith.index_cast %get3A_348 : i32 to index
        %get3A_350 = arith.index_cast %scan3A_201 : i32 to index
        %get3A_351 = arith.constant 80 : index
        %get3A_352 = tpu.vector_load %arg9[%get3A_349, %get3A_350, %get3A_351] {strides = array<i32>} : memref<2x128x128xf32, #tpu.memory_space<vmem>>, vector<1x1x16xf32>,
        %get3A_353 = vector.shape_cast %get3A_352 : vector<1x1x16xf32> to vector<16xf32>
        %get3A_354 = arith.constant 1 : i32
        %get3A_355 = arith.index_cast %get3A_354 : i32 to index
        %get3A_356 = arith.index_cast %scan3A_201 : i32 to index
        %get3A_357 = arith.constant 80 : index
        %get3A_358 = tpu.vector_load %arg10[%get3A_355, %get3A_356, %get3A_357] {strides = array<i32>} : memref<2x128x128xf32, #tpu.memory_space<vmem>>, vector<1x1x16xf32>,
        %get3A_359 = vector.shape_cast %get3A_358 : vector<1x1x16xf32> to vector<16xf32>
        %add3A_360 = arith.addf %get3A_353, %get3A_359 : vector<16xf32>
        %max3A_361 = arith.constant 0.000000e+00 : f32
        %max3A_362 = vector.broadcast %max3A_361 : f32 to vector<16xf32>
        %max3A_363 = arith.maximumf %add3A_360, %max3A_362 : vector<16xf32>
        %min3A_364 = arith.constant 0.000000e+00 : f32
        %min3A_365 = vector.broadcast %min3A_364 : f32 to vector<16xf32>
        %min3A_366 = arith.minimumf %add3A_360, %min3A_365 : vector<16xf32>
        %mul3A_367 = arith.constant 2.000000e-01 : f32
        %mul3A_368 = vector.broadcast %mul3A_367 : f32 to vector<16xf32>
        %mul3A_369 = arith.mulf %mul3A_368, %min3A_366 : vector<16xf32>
        %add3A_370 = arith.addf %max3A_363, %mul3A_369 : vector<16xf32>
        %swap3A_371 = arith.constant 1 : i32
        %swap3A_372 = arith.index_cast %swap3A_371 : i32 to index
        %swap3A_373 = arith.index_cast %scan3A_201 : i32 to index
        %swap3A_374 = arith.constant 80 : index
        %swap3A_375 = tpu.vector_load %arg9[%swap3A_372, %swap3A_373, %swap3A_374] {strides = array<i32>} : memref<2x128x128xf32, #tpu.memory_space<vmem>>, vector<1x1x16xf32>,
        %swap3A_376 = vector.shape_cast %swap3A_375 : vector<1x1x16xf32> to vector<16xf32>
        %swap3A_377 = vector.shape_cast %add3A_370 : vector<16xf32> to vector<1x1x16xf32>
        tpu.vector_store %arg9[%swap3A_372, %swap3A_373, %swap3A_374], %swap3A_377 {strides = array<i32>} : memref<2x128x128xf32, #tpu.memory_space<vmem>>, vector<1x1x16xf32>,
        %get3A_378 = arith.constant 1 : i32
        %get3A_379 = arith.index_cast %get3A_378 : i32 to index
        %get3A_380 = arith.index_cast %scan3A_201 : i32 to index
        %get3A_381 = arith.constant 96 : index
        %get3A_382 = tpu.vector_load %arg9[%get3A_379, %get3A_380, %get3A_381] {strides = array<i32>} : memref<2x128x128xf32, #tpu.memory_space<vmem>>, vector<1x1x16xf32>,
        %get3A_383 = vector.shape_cast %get3A_382 : vector<1x1x16xf32> to vector<16xf32>
        %get3A_384 = arith.constant 1 : i32
        %get3A_385 = arith.index_cast %get3A_384 : i32 to index
        %get3A_386 = arith.index_cast %scan3A_201 : i32 to index
        %get3A_387 = arith.constant 96 : index
        %get3A_388 = tpu.vector_load %arg10[%get3A_385, %get3A_386, %get3A_387] {strides = array<i32>} : memref<2x128x128xf32, #tpu.memory_space<vmem>>, vector<1x1x16xf32>,
        %get3A_389 = vector.shape_cast %get3A_388 : vector<1x1x16xf32> to vector<16xf32>
        %add3A_390 = arith.addf %get3A_383, %get3A_389 : vector<16xf32>
        %max3A_391 = arith.constant 0.000000e+00 : f32
        %max3A_392 = vector.broadcast %max3A_391 : f32 to vector<16xf32>
        %max3A_393 = arith.maximumf %add3A_390, %max3A_392 : vector<16xf32>
        %min3A_394 = arith.constant 0.000000e+00 : f32
        %min3A_395 = vector.broadcast %min3A_394 : f32 to vector<16xf32>
        %min3A_396 = arith.minimumf %add3A_390, %min3A_395 : vector<16xf32>
        %mul3A_397 = arith.constant 2.000000e-01 : f32
        %mul3A_398 = vector.broadcast %mul3A_397 : f32 to vector<16xf32>
        %mul3A_399 = arith.mulf %mul3A_398, %min3A_396 : vector<16xf32>
        %add3A_400 = arith.addf %max3A_393, %mul3A_399 : vector<16xf32>
        %swap3A_401 = arith.constant 1 : i32
        %swap3A_402 = arith.index_cast %swap3A_401 : i32 to index
        %swap3A_403 = arith.index_cast %scan3A_201 : i32 to index
        %swap3A_404 = arith.constant 96 : index
        %swap3A_405 = tpu.vector_load %arg9[%swap3A_402, %swap3A_403, %swap3A_404] {strides = array<i32>} : memref<2x128x128xf32, #tpu.memory_space<vmem>>, vector<1x1x16xf32>,
        %swap3A_406 = vector.shape_cast %swap3A_405 : vector<1x1x16xf32> to vector<16xf32>
        %swap3A_407 = vector.shape_cast %add3A_400 : vector<16xf32> to vector<1x1x16xf32>
        tpu.vector_store %arg9[%swap3A_402, %swap3A_403, %swap3A_404], %swap3A_407 {strides = array<i32>} : memref<2x128x128xf32, #tpu.memory_space<vmem>>, vector<1x1x16xf32>,
        %get3A_408 = arith.constant 1 : i32
        %get3A_409 = arith.index_cast %get3A_408 : i32 to index
        %get3A_410 = arith.index_cast %scan3A_201 : i32 to index
        %get3A_411 = arith.constant 112 : index
        %get3A_412 = tpu.vector_load %arg9[%get3A_409, %get3A_410, %get3A_411] {strides = array<i32>} : memref<2x128x128xf32, #tpu.memory_space<vmem>>, vector<1x1x16xf32>,
        %get3A_413 = vector.shape_cast %get3A_412 : vector<1x1x16xf32> to vector<16xf32>
        %get3A_414 = arith.constant 1 : i32
        %get3A_415 = arith.index_cast %get3A_414 : i32 to index
        %get3A_416 = arith.index_cast %scan3A_201 : i32 to index
        %get3A_417 = arith.constant 112 : index
        %get3A_418 = tpu.vector_load %arg10[%get3A_415, %get3A_416, %get3A_417] {strides = array<i32>} : memref<2x128x128xf32, #tpu.memory_space<vmem>>, vector<1x1x16xf32>,
        %get3A_419 = vector.shape_cast %get3A_418 : vector<1x1x16xf32> to vector<16xf32>
        %add3A_420 = arith.addf %get3A_413, %get3A_419 : vector<16xf32>
        %max3A_421 = arith.constant 0.000000e+00 : f32
        %max3A_422 = vector.broadcast %max3A_421 : f32 to vector<16xf32>
        %max3A_423 = arith.maximumf %add3A_420, %max3A_422 : vector<16xf32>
        %min3A_424 = arith.constant 0.000000e+00 : f32
        %min3A_425 = vector.broadcast %min3A_424 : f32 to vector<16xf32>
        %min3A_426 = arith.minimumf %add3A_420, %min3A_425 : vector<16xf32>
        %mul3A_427 = arith.constant 2.000000e-01 : f32
        %mul3A_428 = vector.broadcast %mul3A_427 : f32 to vector<16xf32>
        %mul3A_429 = arith.mulf %mul3A_428, %min3A_426 : vector<16xf32>
        %add3A_430 = arith.addf %max3A_423, %mul3A_429 : vector<16xf32>
        %swap3A_431 = arith.constant 1 : i32
        %swap3A_432 = arith.index_cast %swap3A_431 : i32 to index
        %swap3A_433 = arith.index_cast %scan3A_201 : i32 to index
        %swap3A_434 = arith.constant 112 : index
        %swap3A_435 = tpu.vector_load %arg9[%swap3A_432, %swap3A_433, %swap3A_434] {strides = array<i32>} : memref<2x128x128xf32, #tpu.memory_space<vmem>>, vector<1x1x16xf32>,
        %swap3A_436 = vector.shape_cast %swap3A_435 : vector<1x1x16xf32> to vector<16xf32>
        %swap3A_437 = vector.shape_cast %add3A_430 : vector<16xf32> to vector<1x1x16xf32>
        tpu.vector_store %arg9[%swap3A_432, %swap3A_433, %swap3A_434], %swap3A_437 {strides = array<i32>} : memref<2x128x128xf32, #tpu.memory_space<vmem>>, vector<1x1x16xf32>,
      }
      %scan3A_199 = arith.constant 128 : i32
      %run_scoped3A_200 = arith.constant 1 : i32
      "tpu.region"() ({
        %run_scoped3A_201 = tpu.sem_alloc : memref<!tpu.dma_semaphore, #tpu.memory_space<semaphore_mem>>
        %dma_start3A_202 = arith.constant 0 : i32
        %dma_start3A_203 = arith.constant 0 : i32
        %dma_start3A_204 = tpu.memref_slice %arg9[%run_scoped3A_200, %dma_start3A_202, %dma_start3A_203] : memref<2x128x128xf32, #tpu.memory_space<vmem>> -> memref<1x128x128xf32, #tpu.memory_space<vmem>>
        %dma_start3A_205 = tpu.memref_squeeze %dma_start3A_204 : memref<1x128x128xf32, #tpu.memory_space<vmem>> -> memref<128x128xf32, #tpu.memory_space<vmem>>
        %dma_start3A_206 = arith.constant 0 : i32
        %dma_start3A_207 = tpu.memref_slice %arg6[%add3A_169, %dma_start3A_206] : memref<331776x128xf32, #tpu.memory_space<hbm>> -> memref<128x128xf32, #tpu.memory_space<hbm>>
        %dma_start3A_208 = arith.constant 0 : i32
        %dma_start3A_209 = tpu.memref_slice %arg6[%add3A_169, %dma_start3A_208] : memref<331776x128xf32, #tpu.memory_space<hbm>> -> memref<128x128xf32, #tpu.memory_space<hbm>>
        %dma_start3A_210 = arith.constant 0 : i32
        %dma_start3A_211 = arith.constant 0 : i32
        %dma_start3A_212 = tpu.memref_slice %arg9[%run_scoped3A_200, %dma_start3A_210, %dma_start3A_211] : memref<2x128x128xf32, #tpu.memory_space<vmem>> -> memref<1x128x128xf32, #tpu.memory_space<vmem>>
        %dma_start3A_213 = tpu.memref_squeeze %dma_start3A_212 : memref<1x128x128xf32, #tpu.memory_space<vmem>> -> memref<128x128xf32, #tpu.memory_space<vmem>>
        tpu.enqueue_dma source(%dma_start3A_213 : memref<128x128xf32, #tpu.memory_space<vmem>>) target(%dma_start3A_209 : memref<128x128xf32, #tpu.memory_space<hbm>>) target_semaphore(%run_scoped3A_201 : memref<!tpu.dma_semaphore, #tpu.memory_space<semaphore_mem>>)
        %dma_wait3A_214 = arith.constant 0 : i32
        %dma_wait3A_215 = arith.constant 0 : i32
        %dma_wait3A_216 = tpu.memref_slice %arg9[%run_scoped3A_200, %dma_wait3A_214, %dma_wait3A_215] : memref<2x128x128xf32, #tpu.memory_space<vmem>> -> memref<1x128x128xf32, #tpu.memory_space<vmem>>
        %dma_wait3A_217 = tpu.memref_squeeze %dma_wait3A_216 : memref<1x128x128xf32, #tpu.memory_space<vmem>> -> memref<128x128xf32, #tpu.memory_space<vmem>>
        %dma_wait3A_218 = arith.constant 0 : i32
        %dma_wait3A_219 = tpu.memref_slice %arg6[%add3A_169, %dma_wait3A_218] : memref<331776x128xf32, #tpu.memory_space<hbm>> -> memref<128x128xf32, #tpu.memory_space<hbm>>
        %dma_wait3A_220 = arith.constant 0 : i32
        %dma_wait3A_221 = tpu.memref_slice %arg6[%add3A_169, %dma_wait3A_220] : memref<331776x128xf32, #tpu.memory_space<hbm>> -> memref<128x128xf32, #tpu.memory_space<hbm>>
        %dma_wait3A_222 = arith.constant 0 : i32
        %dma_wait3A_223 = arith.constant 0 : i32
        %dma_wait3A_224 = tpu.memref_slice %arg9[%run_scoped3A_200, %dma_wait3A_222, %dma_wait3A_223] : memref<2x128x128xf32, #tpu.memory_space<vmem>> -> memref<1x128x128xf32, #tpu.memory_space<vmem>>
        %dma_wait3A_225 = tpu.memref_squeeze %dma_wait3A_224 : memref<1x128x128xf32, #tpu.memory_space<vmem>> -> memref<128x128xf32, #tpu.memory_space<vmem>>
        tpu.wait_dma2 semaphore(%run_scoped3A_201 : memref<!tpu.dma_semaphore, #tpu.memory_space<semaphore_mem>>) src(%dma_wait3A_225 : memref<128x128xf32, #tpu.memory_space<vmem>>) dst(%dma_wait3A_221 : memref<128x128xf32, #tpu.memory_space<hbm>>)
        tpu.yield
      }) : () -> ()
    }
    %scan3A_37 = arith.constant 40 : i32
    %add3A_38 = arith.constant 10240 : i32
    %add3A_39 = arith.addi %mul3A_2, %add3A_38 : i32
    %dma_wait3A = arith.constant 0 : i32
    %dma_wait3A_40 = arith.constant 0 : i32
    %dma_wait3A_41 = arith.constant 0 : i32
    %dma_wait3A_42 = arith.constant 0 : i32
    %dma_wait3A_43 = tpu.memref_slice %arg9[%dma_wait3A_40, %dma_wait3A_41, %dma_wait3A_42] : memref<2x128x128xf32, #tpu.memory_space<vmem>> -> memref<1x128x128xf32, #tpu.memory_space<vmem>>
    %dma_wait3A_44 = tpu.memref_squeeze %dma_wait3A_43 : memref<1x128x128xf32, #tpu.memory_space<vmem>> -> memref<128x128xf32, #tpu.memory_space<vmem>>
    %dma_wait3A_45 = arith.constant 0 : i32
    %dma_wait3A_46 = tpu.memref_slice %arg7[%dma_wait3A, %dma_wait3A_45] : memref<2x128xi32, #tpu.memory_space<vmem>> -> memref<1x128xi32, #tpu.memory_space<vmem>>
    %dma_wait3A_47 = tpu.memref_squeeze %dma_wait3A_46 : memref<1x128xi32, #tpu.memory_space<vmem>> -> memref<128xi32, #tpu.memory_space<vmem>>
    %dma_wait3A_48 = arith.constant 0 : i32
    %dma_wait3A_49 = arith.constant 0 : i32
    %dma_wait3A_50 = tpu.memref_slice %arg4[%dma_wait3A_48, %dma_wait3A_49] : memref<10000x128xf32, #tpu.memory_space<hbm>> -> memref<10000x128xf32, #tpu.memory_space<hbm>>
    tpu.wait_indirect_dma semaphore(%arg11 : memref<!tpu.dma_semaphore, #tpu.memory_space<semaphore_mem>>) src(%dma_wait3A_50 : memref<10000x128xf32, #tpu.memory_space<hbm>>) dst(%dma_wait3A_44 : memref<128x128xf32, #tpu.memory_space<vmem>>)
    %dma_wait3A_51 = arith.constant 0 : i32
    %dma_wait3A_52 = arith.constant 0 : i32
    %dma_wait3A_53 = arith.constant 0 : i32
    %dma_wait3A_54 = arith.constant 0 : i32
    %dma_wait3A_55 = tpu.memref_slice %arg10[%dma_wait3A_52, %dma_wait3A_53, %dma_wait3A_54] : memref<2x128x128xf32, #tpu.memory_space<vmem>> -> memref<1x128x128xf32, #tpu.memory_space<vmem>>
    %dma_wait3A_56 = tpu.memref_squeeze %dma_wait3A_55 : memref<1x128x128xf32, #tpu.memory_space<vmem>> -> memref<128x128xf32, #tpu.memory_space<vmem>>
    %dma_wait3A_57 = arith.constant 0 : i32
    %dma_wait3A_58 = tpu.memref_slice %arg8[%dma_wait3A_51, %dma_wait3A_57] : memref<2x128xi32, #tpu.memory_space<vmem>> -> memref<1x128xi32, #tpu.memory_space<vmem>>
    %dma_wait3A_59 = tpu.memref_squeeze %dma_wait3A_58 : memref<1x128xi32, #tpu.memory_space<vmem>> -> memref<128xi32, #tpu.memory_space<vmem>>
    %dma_wait3A_60 = arith.constant 0 : i32
    %dma_wait3A_61 = arith.constant 0 : i32
    %dma_wait3A_62 = tpu.memref_slice %arg5[%dma_wait3A_60, %dma_wait3A_61] : memref<10000x128xf32, #tpu.memory_space<hbm>> -> memref<10000x128xf32, #tpu.memory_space<hbm>>
    tpu.wait_indirect_dma semaphore(%arg12 : memref<!tpu.dma_semaphore, #tpu.memory_space<semaphore_mem>>) src(%dma_wait3A_62 : memref<10000x128xf32, #tpu.memory_space<hbm>>) dst(%dma_wait3A_56 : memref<128x128xf32, #tpu.memory_space<vmem>>)
    %scan3A_63 = arith.constant 0 : i32
    %scan3A_64 = arith.constant 0 : i32
    %scan3A_65 = arith.constant 128 : i32
    %scan3A_66 = arith.addi %scan3A_64, %scan3A_65 : i32
    %scan3A_67 = arith.constant 1 : i32
    scf.for %scan3A_70 = %scan3A_64 to %scan3A_66 step %scan3A_67  : i32 {
      %get3A = arith.constant 0 : i32
      %get3A_71 = arith.index_cast %get3A : i32 to index
      %get3A_72 = arith.index_cast %scan3A_70 : i32 to index
      %get3A_73 = arith.constant 0 : index
      %get3A_74 = tpu.vector_load %arg9[%get3A_71, %get3A_72, %get3A_73] {strides = array<i32>} : memref<2x128x128xf32, #tpu.memory_space<vmem>>, vector<1x1x16xf32>,
      %get3A_75 = vector.shape_cast %get3A_74 : vector<1x1x16xf32> to vector<16xf32>
      %get3A_76 = arith.constant 0 : i32
      %get3A_77 = arith.index_cast %get3A_76 : i32 to index
      %get3A_78 = arith.index_cast %scan3A_70 : i32 to index
      %get3A_79 = arith.constant 0 : index
      %get3A_80 = tpu.vector_load %arg10[%get3A_77, %get3A_78, %get3A_79] {strides = array<i32>} : memref<2x128x128xf32, #tpu.memory_space<vmem>>, vector<1x1x16xf32>,
      %get3A_81 = vector.shape_cast %get3A_80 : vector<1x1x16xf32> to vector<16xf32>
      %add3A_82 = arith.addf %get3A_75, %get3A_81 : vector<16xf32>
      %max3A = arith.constant 0.000000e+00 : f32
      %max3A_83 = vector.broadcast %max3A : f32 to vector<16xf32>
      %max3A_84 = arith.maximumf %add3A_82, %max3A_83 : vector<16xf32>
      %min3A = arith.constant 0.000000e+00 : f32
      %min3A_85 = vector.broadcast %min3A : f32 to vector<16xf32>
      %min3A_86 = arith.minimumf %add3A_82, %min3A_85 : vector<16xf32>
      %mul3A_87 = arith.constant 2.000000e-01 : f32
      %mul3A_88 = vector.broadcast %mul3A_87 : f32 to vector<16xf32>
      %mul3A_89 = arith.mulf %mul3A_88, %min3A_86 : vector<16xf32>
      %add3A_90 = arith.addf %max3A_84, %mul3A_89 : vector<16xf32>
      %swap3A = arith.constant 0 : i32
      %swap3A_91 = arith.index_cast %swap3A : i32 to index
      %swap3A_92 = arith.index_cast %scan3A_70 : i32 to index
      %swap3A_93 = arith.constant 0 : index
      %swap3A_94 = tpu.vector_load %arg9[%swap3A_91, %swap3A_92, %swap3A_93] {strides = array<i32>} : memref<2x128x128xf32, #tpu.memory_space<vmem>>, vector<1x1x16xf32>,
      %swap3A_95 = vector.shape_cast %swap3A_94 : vector<1x1x16xf32> to vector<16xf32>
      %swap3A_96 = vector.shape_cast %add3A_90 : vector<16xf32> to vector<1x1x16xf32>
      tpu.vector_store %arg9[%swap3A_91, %swap3A_92, %swap3A_93], %swap3A_96 {strides = array<i32>} : memref<2x128x128xf32, #tpu.memory_space<vmem>>, vector<1x1x16xf32>,
      %get3A_97 = arith.constant 0 : i32
      %get3A_98 = arith.index_cast %get3A_97 : i32 to index
      %get3A_99 = arith.index_cast %scan3A_70 : i32 to index
      %get3A_100 = arith.constant 16 : index
      %get3A_101 = tpu.vector_load %arg9[%get3A_98, %get3A_99, %get3A_100] {strides = array<i32>} : memref<2x128x128xf32, #tpu.memory_space<vmem>>, vector<1x1x16xf32>,
      %get3A_102 = vector.shape_cast %get3A_101 : vector<1x1x16xf32> to vector<16xf32>
      %get3A_103 = arith.constant 0 : i32
      %get3A_104 = arith.index_cast %get3A_103 : i32 to index
      %get3A_105 = arith.index_cast %scan3A_70 : i32 to index
      %get3A_106 = arith.constant 16 : index
      %get3A_107 = tpu.vector_load %arg10[%get3A_104, %get3A_105, %get3A_106] {strides = array<i32>} : memref<2x128x128xf32, #tpu.memory_space<vmem>>, vector<1x1x16xf32>,
      %get3A_108 = vector.shape_cast %get3A_107 : vector<1x1x16xf32> to vector<16xf32>
      %add3A_109 = arith.addf %get3A_102, %get3A_108 : vector<16xf32>
      %max3A_110 = arith.constant 0.000000e+00 : f32
      %max3A_111 = vector.broadcast %max3A_110 : f32 to vector<16xf32>
      %max3A_112 = arith.maximumf %add3A_109, %max3A_111 : vector<16xf32>
      %min3A_113 = arith.constant 0.000000e+00 : f32
      %min3A_114 = vector.broadcast %min3A_113 : f32 to vector<16xf32>
      %min3A_115 = arith.minimumf %add3A_109, %min3A_114 : vector<16xf32>
      %mul3A_116 = arith.constant 2.000000e-01 : f32
      %mul3A_117 = vector.broadcast %mul3A_116 : f32 to vector<16xf32>
      %mul3A_118 = arith.mulf %mul3A_117, %min3A_115 : vector<16xf32>
      %add3A_119 = arith.addf %max3A_112, %mul3A_118 : vector<16xf32>
      %swap3A_120 = arith.constant 0 : i32
      %swap3A_121 = arith.index_cast %swap3A_120 : i32 to index
      %swap3A_122 = arith.index_cast %scan3A_70 : i32 to index
      %swap3A_123 = arith.constant 16 : index
      %swap3A_124 = tpu.vector_load %arg9[%swap3A_121, %swap3A_122, %swap3A_123] {strides = array<i32>} : memref<2x128x128xf32, #tpu.memory_space<vmem>>, vector<1x1x16xf32>,
      %swap3A_125 = vector.shape_cast %swap3A_124 : vector<1x1x16xf32> to vector<16xf32>
      %swap3A_126 = vector.shape_cast %add3A_119 : vector<16xf32> to vector<1x1x16xf32>
      tpu.vector_store %arg9[%swap3A_121, %swap3A_122, %swap3A_123], %swap3A_126 {strides = array<i32>} : memref<2x128x128xf32, #tpu.memory_space<vmem>>, vector<1x1x16xf32>,
      %get3A_127 = arith.constant 0 : i32
      %get3A_128 = arith.index_cast %get3A_127 : i32 to index
      %get3A_129 = arith.index_cast %scan3A_70 : i32 to index
      %get3A_130 = arith.constant 32 : index
      %get3A_131 = tpu.vector_load %arg9[%get3A_128, %get3A_129, %get3A_130] {strides = array<i32>} : memref<2x128x128xf32, #tpu.memory_space<vmem>>, vector<1x1x16xf32>,
      %get3A_132 = vector.shape_cast %get3A_131 : vector<1x1x16xf32> to vector<16xf32>
      %get3A_133 = arith.constant 0 : i32
      %get3A_134 = arith.index_cast %get3A_133 : i32 to index
      %get3A_135 = arith.index_cast %scan3A_70 : i32 to index
      %get3A_136 = arith.constant 32 : index
      %get3A_137 = tpu.vector_load %arg10[%get3A_134, %get3A_135, %get3A_136] {strides = array<i32>} : memref<2x128x128xf32, #tpu.memory_space<vmem>>, vector<1x1x16xf32>,
      %get3A_138 = vector.shape_cast %get3A_137 : vector<1x1x16xf32> to vector<16xf32>
      %add3A_139 = arith.addf %get3A_132, %get3A_138 : vector<16xf32>
      %max3A_140 = arith.constant 0.000000e+00 : f32
      %max3A_141 = vector.broadcast %max3A_140 : f32 to vector<16xf32>
      %max3A_142 = arith.maximumf %add3A_139, %max3A_141 : vector<16xf32>
      %min3A_143 = arith.constant 0.000000e+00 : f32
      %min3A_144 = vector.broadcast %min3A_143 : f32 to vector<16xf32>
      %min3A_145 = arith.minimumf %add3A_139, %min3A_144 : vector<16xf32>
      %mul3A_146 = arith.constant 2.000000e-01 : f32
      %mul3A_147 = vector.broadcast %mul3A_146 : f32 to vector<16xf32>
      %mul3A_148 = arith.mulf %mul3A_147, %min3A_145 : vector<16xf32>
      %add3A_149 = arith.addf %max3A_142, %mul3A_148 : vector<16xf32>
      %swap3A_150 = arith.constant 0 : i32
      %swap3A_151 = arith.index_cast %swap3A_150 : i32 to index
      %swap3A_152 = arith.index_cast %scan3A_70 : i32 to index
      %swap3A_153 = arith.constant 32 : index
      %swap3A_154 = tpu.vector_load %arg9[%swap3A_151, %swap3A_152, %swap3A_153] {strides = array<i32>} : memref<2x128x128xf32, #tpu.memory_space<vmem>>, vector<1x1x16xf32>,
      %swap3A_155 = vector.shape_cast %swap3A_154 : vector<1x1x16xf32> to vector<16xf32>
      %swap3A_156 = vector.shape_cast %add3A_149 : vector<16xf32> to vector<1x1x16xf32>
      tpu.vector_store %arg9[%swap3A_151, %swap3A_152, %swap3A_153], %swap3A_156 {strides = array<i32>} : memref<2x128x128xf32, #tpu.memory_space<vmem>>, vector<1x1x16xf32>,
      %get3A_157 = arith.constant 0 : i32
      %get3A_158 = arith.index_cast %get3A_157 : i32 to index
      %get3A_159 = arith.index_cast %scan3A_70 : i32 to index
      %get3A_160 = arith.constant 48 : index
      %get3A_161 = tpu.vector_load %arg9[%get3A_158, %get3A_159, %get3A_160] {strides = array<i32>} : memref<2x128x128xf32, #tpu.memory_space<vmem>>, vector<1x1x16xf32>,
      %get3A_162 = vector.shape_cast %get3A_161 : vector<1x1x16xf32> to vector<16xf32>
      %get3A_163 = arith.constant 0 : i32
      %get3A_164 = arith.index_cast %get3A_163 : i32 to index
      %get3A_165 = arith.index_cast %scan3A_70 : i32 to index
      %get3A_166 = arith.constant 48 : index
      %get3A_167 = tpu.vector_load %arg10[%get3A_164, %get3A_165, %get3A_166] {strides = array<i32>} : memref<2x128x128xf32, #tpu.memory_space<vmem>>, vector<1x1x16xf32>,
      %get3A_168 = vector.shape_cast %get3A_167 : vector<1x1x16xf32> to vector<16xf32>
      %add3A_169 = arith.addf %get3A_162, %get3A_168 : vector<16xf32>
      %max3A_170 = arith.constant 0.000000e+00 : f32
      %max3A_171 = vector.broadcast %max3A_170 : f32 to vector<16xf32>
      %max3A_172 = arith.maximumf %add3A_169, %max3A_171 : vector<16xf32>
      %min3A_173 = arith.constant 0.000000e+00 : f32
      %min3A_174 = vector.broadcast %min3A_173 : f32 to vector<16xf32>
      %min3A_175 = arith.minimumf %add3A_169, %min3A_174 : vector<16xf32>
      %mul3A_176 = arith.constant 2.000000e-01 : f32
      %mul3A_177 = vector.broadcast %mul3A_176 : f32 to vector<16xf32>
      %mul3A_178 = arith.mulf %mul3A_177, %min3A_175 : vector<16xf32>
      %add3A_179 = arith.addf %max3A_172, %mul3A_178 : vector<16xf32>
      %swap3A_180 = arith.constant 0 : i32
      %swap3A_181 = arith.index_cast %swap3A_180 : i32 to index
      %swap3A_182 = arith.index_cast %scan3A_70 : i32 to index
      %swap3A_183 = arith.constant 48 : index
      %swap3A_184 = tpu.vector_load %arg9[%swap3A_181, %swap3A_182, %swap3A_183] {strides = array<i32>} : memref<2x128x128xf32, #tpu.memory_space<vmem>>, vector<1x1x16xf32>,
      %swap3A_185 = vector.shape_cast %swap3A_184 : vector<1x1x16xf32> to vector<16xf32>
      %swap3A_186 = vector.shape_cast %add3A_179 : vector<16xf32> to vector<1x1x16xf32>
      tpu.vector_store %arg9[%swap3A_181, %swap3A_182, %swap3A_183], %swap3A_186 {strides = array<i32>} : memref<2x128x128xf32, #tpu.memory_space<vmem>>, vector<1x1x16xf32>,
      %get3A_187 = arith.constant 0 : i32
      %get3A_188 = arith.index_cast %get3A_187 : i32 to index
      %get3A_189 = arith.index_cast %scan3A_70 : i32 to index
      %get3A_190 = arith.constant 64 : index
      %get3A_191 = tpu.vector_load %arg9[%get3A_188, %get3A_189, %get3A_190] {strides = array<i32>} : memref<2x128x128xf32, #tpu.memory_space<vmem>>, vector<1x1x16xf32>,
      %get3A_192 = vector.shape_cast %get3A_191 : vector<1x1x16xf32> to vector<16xf32>
      %get3A_193 = arith.constant 0 : i32
      %get3A_194 = arith.index_cast %get3A_193 : i32 to index
      %get3A_195 = arith.index_cast %scan3A_70 : i32 to index
      %get3A_196 = arith.constant 64 : index
      %get3A_197 = tpu.vector_load %arg10[%get3A_194, %get3A_195, %get3A_196] {strides = array<i32>} : memref<2x128x128xf32, #tpu.memory_space<vmem>>, vector<1x1x16xf32>,
      %get3A_198 = vector.shape_cast %get3A_197 : vector<1x1x16xf32> to vector<16xf32>
      %add3A_199 = arith.addf %get3A_192, %get3A_198 : vector<16xf32>
      %max3A_200 = arith.constant 0.000000e+00 : f32
      %max3A_201 = vector.broadcast %max3A_200 : f32 to vector<16xf32>
      %max3A_202 = arith.maximumf %add3A_199, %max3A_201 : vector<16xf32>
      %min3A_203 = arith.constant 0.000000e+00 : f32
      %min3A_204 = vector.broadcast %min3A_203 : f32 to vector<16xf32>
      %min3A_205 = arith.minimumf %add3A_199, %min3A_204 : vector<16xf32>
      %mul3A_206 = arith.constant 2.000000e-01 : f32
      %mul3A_207 = vector.broadcast %mul3A_206 : f32 to vector<16xf32>
      %mul3A_208 = arith.mulf %mul3A_207, %min3A_205 : vector<16xf32>
      %add3A_209 = arith.addf %max3A_202, %mul3A_208 : vector<16xf32>
      %swap3A_210 = arith.constant 0 : i32
      %swap3A_211 = arith.index_cast %swap3A_210 : i32 to index
      %swap3A_212 = arith.index_cast %scan3A_70 : i32 to index
      %swap3A_213 = arith.constant 64 : index
      %swap3A_214 = tpu.vector_load %arg9[%swap3A_211, %swap3A_212, %swap3A_213] {strides = array<i32>} : memref<2x128x128xf32, #tpu.memory_space<vmem>>, vector<1x1x16xf32>,
      %swap3A_215 = vector.shape_cast %swap3A_214 : vector<1x1x16xf32> to vector<16xf32>
      %swap3A_216 = vector.shape_cast %add3A_209 : vector<16xf32> to vector<1x1x16xf32>
      tpu.vector_store %arg9[%swap3A_211, %swap3A_212, %swap3A_213], %swap3A_216 {strides = array<i32>} : memref<2x128x128xf32, #tpu.memory_space<vmem>>, vector<1x1x16xf32>,
      %get3A_217 = arith.constant 0 : i32
      %get3A_218 = arith.index_cast %get3A_217 : i32 to index
      %get3A_219 = arith.index_cast %scan3A_70 : i32 to index
      %get3A_220 = arith.constant 80 : index
      %get3A_221 = tpu.vector_load %arg9[%get3A_218, %get3A_219, %get3A_220] {strides = array<i32>} : memref<2x128x128xf32, #tpu.memory_space<vmem>>, vector<1x1x16xf32>,
      %get3A_222 = vector.shape_cast %get3A_221 : vector<1x1x16xf32> to vector<16xf32>
      %get3A_223 = arith.constant 0 : i32
      %get3A_224 = arith.index_cast %get3A_223 : i32 to index
      %get3A_225 = arith.index_cast %scan3A_70 : i32 to index
      %get3A_226 = arith.constant 80 : index
      %get3A_227 = tpu.vector_load %arg10[%get3A_224, %get3A_225, %get3A_226] {strides = array<i32>} : memref<2x128x128xf32, #tpu.memory_space<vmem>>, vector<1x1x16xf32>,
      %get3A_228 = vector.shape_cast %get3A_227 : vector<1x1x16xf32> to vector<16xf32>
      %add3A_229 = arith.addf %get3A_222, %get3A_228 : vector<16xf32>
      %max3A_230 = arith.constant 0.000000e+00 : f32
      %max3A_231 = vector.broadcast %max3A_230 : f32 to vector<16xf32>
      %max3A_232 = arith.maximumf %add3A_229, %max3A_231 : vector<16xf32>
      %min3A_233 = arith.constant 0.000000e+00 : f32
      %min3A_234 = vector.broadcast %min3A_233 : f32 to vector<16xf32>
      %min3A_235 = arith.minimumf %add3A_229, %min3A_234 : vector<16xf32>
      %mul3A_236 = arith.constant 2.000000e-01 : f32
      %mul3A_237 = vector.broadcast %mul3A_236 : f32 to vector<16xf32>
      %mul3A_238 = arith.mulf %mul3A_237, %min3A_235 : vector<16xf32>
      %add3A_239 = arith.addf %max3A_232, %mul3A_238 : vector<16xf32>
      %swap3A_240 = arith.constant 0 : i32
      %swap3A_241 = arith.index_cast %swap3A_240 : i32 to index
      %swap3A_242 = arith.index_cast %scan3A_70 : i32 to index
      %swap3A_243 = arith.constant 80 : index
      %swap3A_244 = tpu.vector_load %arg9[%swap3A_241, %swap3A_242, %swap3A_243] {strides = array<i32>} : memref<2x128x128xf32, #tpu.memory_space<vmem>>, vector<1x1x16xf32>,
      %swap3A_245 = vector.shape_cast %swap3A_244 : vector<1x1x16xf32> to vector<16xf32>
      %swap3A_246 = vector.shape_cast %add3A_239 : vector<16xf32> to vector<1x1x16xf32>
      tpu.vector_store %arg9[%swap3A_241, %swap3A_242, %swap3A_243], %swap3A_246 {strides = array<i32>} : memref<2x128x128xf32, #tpu.memory_space<vmem>>, vector<1x1x16xf32>,
      %get3A_247 = arith.constant 0 : i32
      %get3A_248 = arith.index_cast %get3A_247 : i32 to index
      %get3A_249 = arith.index_cast %scan3A_70 : i32 to index
      %get3A_250 = arith.constant 96 : index
      %get3A_251 = tpu.vector_load %arg9[%get3A_248, %get3A_249, %get3A_250] {strides = array<i32>} : memref<2x128x128xf32, #tpu.memory_space<vmem>>, vector<1x1x16xf32>,
      %get3A_252 = vector.shape_cast %get3A_251 : vector<1x1x16xf32> to vector<16xf32>
      %get3A_253 = arith.constant 0 : i32
      %get3A_254 = arith.index_cast %get3A_253 : i32 to index
      %get3A_255 = arith.index_cast %scan3A_70 : i32 to index
      %get3A_256 = arith.constant 96 : index
      %get3A_257 = tpu.vector_load %arg10[%get3A_254, %get3A_255, %get3A_256] {strides = array<i32>} : memref<2x128x128xf32, #tpu.memory_space<vmem>>, vector<1x1x16xf32>,
      %get3A_258 = vector.shape_cast %get3A_257 : vector<1x1x16xf32> to vector<16xf32>
      %add3A_259 = arith.addf %get3A_252, %get3A_258 : vector<16xf32>
      %max3A_260 = arith.constant 0.000000e+00 : f32
      %max3A_261 = vector.broadcast %max3A_260 : f32 to vector<16xf32>
      %max3A_262 = arith.maximumf %add3A_259, %max3A_261 : vector<16xf32>
      %min3A_263 = arith.constant 0.000000e+00 : f32
      %min3A_264 = vector.broadcast %min3A_263 : f32 to vector<16xf32>
      %min3A_265 = arith.minimumf %add3A_259, %min3A_264 : vector<16xf32>
      %mul3A_266 = arith.constant 2.000000e-01 : f32
      %mul3A_267 = vector.broadcast %mul3A_266 : f32 to vector<16xf32>
      %mul3A_268 = arith.mulf %mul3A_267, %min3A_265 : vector<16xf32>
      %add3A_269 = arith.addf %max3A_262, %mul3A_268 : vector<16xf32>
      %swap3A_270 = arith.constant 0 : i32
      %swap3A_271 = arith.index_cast %swap3A_270 : i32 to index
      %swap3A_272 = arith.index_cast %scan3A_70 : i32 to index
      %swap3A_273 = arith.constant 96 : index
      %swap3A_274 = tpu.vector_load %arg9[%swap3A_271, %swap3A_272, %swap3A_273] {strides = array<i32>} : memref<2x128x128xf32, #tpu.memory_space<vmem>>, vector<1x1x16xf32>,
      %swap3A_275 = vector.shape_cast %swap3A_274 : vector<1x1x16xf32> to vector<16xf32>
      %swap3A_276 = vector.shape_cast %add3A_269 : vector<16xf32> to vector<1x1x16xf32>
      tpu.vector_store %arg9[%swap3A_271, %swap3A_272, %swap3A_273], %swap3A_276 {strides = array<i32>} : memref<2x128x128xf32, #tpu.memory_space<vmem>>, vector<1x1x16xf32>,
      %get3A_277 = arith.constant 0 : i32
      %get3A_278 = arith.index_cast %get3A_277 : i32 to index
      %get3A_279 = arith.index_cast %scan3A_70 : i32 to index
      %get3A_280 = arith.constant 112 : index
      %get3A_281 = tpu.vector_load %arg9[%get3A_278, %get3A_279, %get3A_280] {strides = array<i32>} : memref<2x128x128xf32, #tpu.memory_space<vmem>>, vector<1x1x16xf32>,
      %get3A_282 = vector.shape_cast %get3A_281 : vector<1x1x16xf32> to vector<16xf32>
      %get3A_283 = arith.constant 0 : i32
      %get3A_284 = arith.index_cast %get3A_283 : i32 to index
      %get3A_285 = arith.index_cast %scan3A_70 : i32 to index
      %get3A_286 = arith.constant 112 : index
      %get3A_287 = tpu.vector_load %arg10[%get3A_284, %get3A_285, %get3A_286] {strides = array<i32>} : memref<2x128x128xf32, #tpu.memory_space<vmem>>, vector<1x1x16xf32>,
      %get3A_288 = vector.shape_cast %get3A_287 : vector<1x1x16xf32> to vector<16xf32>
      %add3A_289 = arith.addf %get3A_282, %get3A_288 : vector<16xf32>
      %max3A_290 = arith.constant 0.000000e+00 : f32
      %max3A_291 = vector.broadcast %max3A_290 : f32 to vector<16xf32>
      %max3A_292 = arith.maximumf %add3A_289, %max3A_291 : vector<16xf32>
      %min3A_293 = arith.constant 0.000000e+00 : f32
      %min3A_294 = vector.broadcast %min3A_293 : f32 to vector<16xf32>
      %min3A_295 = arith.minimumf %add3A_289, %min3A_294 : vector<16xf32>
      %mul3A_296 = arith.constant 2.000000e-01 : f32
      %mul3A_297 = vector.broadcast %mul3A_296 : f32 to vector<16xf32>
      %mul3A_298 = arith.mulf %mul3A_297, %min3A_295 : vector<16xf32>
      %add3A_299 = arith.addf %max3A_292, %mul3A_298 : vector<16xf32>
      %swap3A_300 = arith.constant 0 : i32
      %swap3A_301 = arith.index_cast %swap3A_300 : i32 to index
      %swap3A_302 = arith.index_cast %scan3A_70 : i32 to index
      %swap3A_303 = arith.constant 112 : index
      %swap3A_304 = tpu.vector_load %arg9[%swap3A_301, %swap3A_302, %swap3A_303] {strides = array<i32>} : memref<2x128x128xf32, #tpu.memory_space<vmem>>, vector<1x1x16xf32>,
      %swap3A_305 = vector.shape_cast %swap3A_304 : vector<1x1x16xf32> to vector<16xf32>
      %swap3A_306 = vector.shape_cast %add3A_299 : vector<16xf32> to vector<1x1x16xf32>
      tpu.vector_store %arg9[%swap3A_301, %swap3A_302, %swap3A_303], %swap3A_306 {strides = array<i32>} : memref<2x128x128xf32, #tpu.memory_space<vmem>>, vector<1x1x16xf32>,
    }
    %scan3A_68 = arith.constant 128 : i32
    %run_scoped3A_69 = arith.constant 0 : i32
    "tpu.region"() ({
      %run_scoped3A_70 = tpu.sem_alloc : memref<!tpu.dma_semaphore, #tpu.memory_space<semaphore_mem>>
      %dma_start3A_71 = arith.constant 0 : i32
      %dma_start3A_72 = arith.constant 0 : i32
      %dma_start3A_73 = tpu.memref_slice %arg9[%run_scoped3A_69, %dma_start3A_71, %dma_start3A_72] : memref<2x128x128xf32, #tpu.memory_space<vmem>> -> memref<1x128x128xf32, #tpu.memory_space<vmem>>
      %dma_start3A_74 = tpu.memref_squeeze %dma_start3A_73 : memref<1x128x128xf32, #tpu.memory_space<vmem>> -> memref<128x128xf32, #tpu.memory_space<vmem>>
      %dma_start3A_75 = arith.constant 0 : i32
      %dma_start3A_76 = tpu.memref_slice %arg6[%add3A_39, %dma_start3A_75] : memref<331776x128xf32, #tpu.memory_space<hbm>> -> memref<128x128xf32, #tpu.memory_space<hbm>>
      %dma_start3A_77 = arith.constant 0 : i32
      %dma_start3A_78 = tpu.memref_slice %arg6[%add3A_39, %dma_start3A_77] : memref<331776x128xf32, #tpu.memory_space<hbm>> -> memref<128x128xf32, #tpu.memory_space<hbm>>
      %dma_start3A_79 = arith.constant 0 : i32
      %dma_start3A_80 = arith.constant 0 : i32
      %dma_start3A_81 = tpu.memref_slice %arg9[%run_scoped3A_69, %dma_start3A_79, %dma_start3A_80] : memref<2x128x128xf32, #tpu.memory_space<vmem>> -> memref<1x128x128xf32, #tpu.memory_space<vmem>>
      %dma_start3A_82 = tpu.memref_squeeze %dma_start3A_81 : memref<1x128x128xf32, #tpu.memory_space<vmem>> -> memref<128x128xf32, #tpu.memory_space<vmem>>
      tpu.enqueue_dma source(%dma_start3A_82 : memref<128x128xf32, #tpu.memory_space<vmem>>) target(%dma_start3A_78 : memref<128x128xf32, #tpu.memory_space<hbm>>) target_semaphore(%run_scoped3A_70 : memref<!tpu.dma_semaphore, #tpu.memory_space<semaphore_mem>>)
      %dma_wait3A_83 = arith.constant 0 : i32
      %dma_wait3A_84 = arith.constant 0 : i32
      %dma_wait3A_85 = tpu.memref_slice %arg9[%run_scoped3A_69, %dma_wait3A_83, %dma_wait3A_84] : memref<2x128x128xf32, #tpu.memory_space<vmem>> -> memref<1x128x128xf32, #tpu.memory_space<vmem>>
      %dma_wait3A_86 = tpu.memref_squeeze %dma_wait3A_85 : memref<1x128x128xf32, #tpu.memory_space<vmem>> -> memref<128x128xf32, #tpu.memory_space<vmem>>
      %dma_wait3A_87 = arith.constant 0 : i32
      %dma_wait3A_88 = tpu.memref_slice %arg6[%add3A_39, %dma_wait3A_87] : memref<331776x128xf32, #tpu.memory_space<hbm>> -> memref<128x128xf32, #tpu.memory_space<hbm>>
      %dma_wait3A_89 = arith.constant 0 : i32
      %dma_wait3A_90 = tpu.memref_slice %arg6[%add3A_39, %dma_wait3A_89] : memref<331776x128xf32, #tpu.memory_space<hbm>> -> memref<128x128xf32, #tpu.memory_space<hbm>>
      %dma_wait3A_91 = arith.constant 0 : i32
      %dma_wait3A_92 = arith.constant 0 : i32
      %dma_wait3A_93 = tpu.memref_slice %arg9[%run_scoped3A_69, %dma_wait3A_91, %dma_wait3A_92] : memref<2x128x128xf32, #tpu.memory_space<vmem>> -> memref<1x128x128xf32, #tpu.memory_space<vmem>>
      %dma_wait3A_94 = tpu.memref_squeeze %dma_wait3A_93 : memref<1x128x128xf32, #tpu.memory_space<vmem>> -> memref<128x128xf32, #tpu.memory_space<vmem>>
      tpu.wait_dma2 semaphore(%run_scoped3A_70 : memref<!tpu.dma_semaphore, #tpu.memory_space<semaphore_mem>>) src(%dma_wait3A_94 : memref<128x128xf32, #tpu.memory_space<vmem>>) dst(%dma_wait3A_90 : memref<128x128xf32, #tpu.memory_space<hbm>>)
      tpu.yield
    }) : () -> ()
    return
  }
}

#map = affine_map<(d0, d1) -> (0)>
#map1 = affine_map<(d0, d1) -> (0, 0)>
#map2 = affine_map<(d0, d1) -> (0, 0, 0)>
module attributes {stable_mosaic.version = 14 : i64} {
  func.func @k(%arg0: i32, %arg1: i32, %arg2: memref<331776xi32, #tpu.memory_space<hbm>>, %arg3: memref<331776xi32, #tpu.memory_space<hbm>>, %arg4: memref<10000x128xf32, #tpu.memory_space<hbm>>, %arg5: memref<331776x16xf32, #tpu.memory_space<hbm>>, %arg6: memref<2x10000x128xf32, #tpu.memory_space<hbm>>, %arg7: memref<2x10000x16xf32, #tpu.memory_space<hbm>>, %arg8: memref<128xi32, #tpu.memory_space<vmem>>, %arg9: memref<128xi32, #tpu.memory_space<vmem>>, %arg10: memref<128x128xf32, #tpu.memory_space<vmem>>, %arg11: memref<128x16xf32, #tpu.memory_space<vmem>>, %arg12: memref<10000x128xf32, #tpu.memory_space<vmem_shared>>, %arg13: memref<10000x16xf32, #tpu.memory_space<vmem_shared>>, %arg14: memref<!tpu.dma_semaphore, #tpu.memory_space<semaphore_mem>>) attributes {dimension_semantics = [#tpu.dimension_semantics<core_parallel>, #tpu.dimension_semantics<subcore_parallel>], iteration_bounds = array<i64: 2, 16>, scalar_prefetch = 0 : i64, scratch_operands = 7 : i64, tpu.core_type = #tpu.core_type<sc_vector_subcore>, window_params = [{transform_indices = #map}, {transform_indices = #map}, {transform_indices = #map1}, {transform_indices = #map1}, {transform_indices = #map2}, {transform_indices = #map2}]} {
    %mul3A = arith.constant 16 : i32
    %mul3A_0 = arith.muli %arg0, %mul3A : i32
    %add3A = arith.addi %mul3A_0, %arg1 : i32
    %mul3A_1 = arith.constant 10368 : i32
    %mul3A_2 = arith.muli %add3A, %mul3A_1 : i32
    %broadcast_in_dim3A = arith.constant 0.000000e+00 : f32
    %broadcast_in_dim3A_3 = vector.broadcast %broadcast_in_dim3A : f32 to vector<16xf32>
    %scan3A = arith.constant 0 : i32
    %scan3A_4 = arith.constant 0 : i32
    %scan3A_5 = arith.constant 128 : i32
    %scan3A_6 = arith.addi %scan3A_4, %scan3A_5 : i32
    %scan3A_7 = arith.constant 1 : i32
    scf.for %scan3A_71 = %scan3A_4 to %scan3A_6 step %scan3A_7  : i32 {
      %swap3A = arith.index_cast %scan3A_71 : i32 to index
      %swap3A_72 = arith.constant 0 : index
      %swap3A_73 = tpu.vector_load %arg10[%swap3A, %swap3A_72] {strides = array<i32>} : memref<128x128xf32, #tpu.memory_space<vmem>>, vector<1x16xf32>,
      %swap3A_74 = vector.shape_cast %swap3A_73 : vector<1x16xf32> to vector<16xf32>
      %swap3A_75 = vector.shape_cast %broadcast_in_dim3A_3 : vector<16xf32> to vector<1x16xf32>
      tpu.vector_store %arg10[%swap3A, %swap3A_72], %swap3A_75 {strides = array<i32>} : memref<128x128xf32, #tpu.memory_space<vmem>>, vector<1x16xf32>,
      %swap3A_76 = arith.index_cast %scan3A_71 : i32 to index
      %swap3A_77 = arith.constant 16 : index
      %swap3A_78 = tpu.vector_load %arg10[%swap3A_76, %swap3A_77] {strides = array<i32>} : memref<128x128xf32, #tpu.memory_space<vmem>>, vector<1x16xf32>,
      %swap3A_79 = vector.shape_cast %swap3A_78 : vector<1x16xf32> to vector<16xf32>
      %swap3A_80 = vector.shape_cast %broadcast_in_dim3A_3 : vector<16xf32> to vector<1x16xf32>
      tpu.vector_store %arg10[%swap3A_76, %swap3A_77], %swap3A_80 {strides = array<i32>} : memref<128x128xf32, #tpu.memory_space<vmem>>, vector<1x16xf32>,
      %swap3A_81 = arith.index_cast %scan3A_71 : i32 to index
      %swap3A_82 = arith.constant 32 : index
      %swap3A_83 = tpu.vector_load %arg10[%swap3A_81, %swap3A_82] {strides = array<i32>} : memref<128x128xf32, #tpu.memory_space<vmem>>, vector<1x16xf32>,
      %swap3A_84 = vector.shape_cast %swap3A_83 : vector<1x16xf32> to vector<16xf32>
      %swap3A_85 = vector.shape_cast %broadcast_in_dim3A_3 : vector<16xf32> to vector<1x16xf32>
      tpu.vector_store %arg10[%swap3A_81, %swap3A_82], %swap3A_85 {strides = array<i32>} : memref<128x128xf32, #tpu.memory_space<vmem>>, vector<1x16xf32>,
      %swap3A_86 = arith.index_cast %scan3A_71 : i32 to index
      %swap3A_87 = arith.constant 48 : index
      %swap3A_88 = tpu.vector_load %arg10[%swap3A_86, %swap3A_87] {strides = array<i32>} : memref<128x128xf32, #tpu.memory_space<vmem>>, vector<1x16xf32>,
      %swap3A_89 = vector.shape_cast %swap3A_88 : vector<1x16xf32> to vector<16xf32>
      %swap3A_90 = vector.shape_cast %broadcast_in_dim3A_3 : vector<16xf32> to vector<1x16xf32>
      tpu.vector_store %arg10[%swap3A_86, %swap3A_87], %swap3A_90 {strides = array<i32>} : memref<128x128xf32, #tpu.memory_space<vmem>>, vector<1x16xf32>,
      %swap3A_91 = arith.index_cast %scan3A_71 : i32 to index
      %swap3A_92 = arith.constant 64 : index
      %swap3A_93 = tpu.vector_load %arg10[%swap3A_91, %swap3A_92] {strides = array<i32>} : memref<128x128xf32, #tpu.memory_space<vmem>>, vector<1x16xf32>,
      %swap3A_94 = vector.shape_cast %swap3A_93 : vector<1x16xf32> to vector<16xf32>
      %swap3A_95 = vector.shape_cast %broadcast_in_dim3A_3 : vector<16xf32> to vector<1x16xf32>
      tpu.vector_store %arg10[%swap3A_91, %swap3A_92], %swap3A_95 {strides = array<i32>} : memref<128x128xf32, #tpu.memory_space<vmem>>, vector<1x16xf32>,
      %swap3A_96 = arith.index_cast %scan3A_71 : i32 to index
      %swap3A_97 = arith.constant 80 : index
      %swap3A_98 = tpu.vector_load %arg10[%swap3A_96, %swap3A_97] {strides = array<i32>} : memref<128x128xf32, #tpu.memory_space<vmem>>, vector<1x16xf32>,
      %swap3A_99 = vector.shape_cast %swap3A_98 : vector<1x16xf32> to vector<16xf32>
      %swap3A_100 = vector.shape_cast %broadcast_in_dim3A_3 : vector<16xf32> to vector<1x16xf32>
      tpu.vector_store %arg10[%swap3A_96, %swap3A_97], %swap3A_100 {strides = array<i32>} : memref<128x128xf32, #tpu.memory_space<vmem>>, vector<1x16xf32>,
      %swap3A_101 = arith.index_cast %scan3A_71 : i32 to index
      %swap3A_102 = arith.constant 96 : index
      %swap3A_103 = tpu.vector_load %arg10[%swap3A_101, %swap3A_102] {strides = array<i32>} : memref<128x128xf32, #tpu.memory_space<vmem>>, vector<1x16xf32>,
      %swap3A_104 = vector.shape_cast %swap3A_103 : vector<1x16xf32> to vector<16xf32>
      %swap3A_105 = vector.shape_cast %broadcast_in_dim3A_3 : vector<16xf32> to vector<1x16xf32>
      tpu.vector_store %arg10[%swap3A_101, %swap3A_102], %swap3A_105 {strides = array<i32>} : memref<128x128xf32, #tpu.memory_space<vmem>>, vector<1x16xf32>,
      %swap3A_106 = arith.index_cast %scan3A_71 : i32 to index
      %swap3A_107 = arith.constant 112 : index
      %swap3A_108 = tpu.vector_load %arg10[%swap3A_106, %swap3A_107] {strides = array<i32>} : memref<128x128xf32, #tpu.memory_space<vmem>>, vector<1x16xf32>,
      %swap3A_109 = vector.shape_cast %swap3A_108 : vector<1x16xf32> to vector<16xf32>
      %swap3A_110 = vector.shape_cast %broadcast_in_dim3A_3 : vector<16xf32> to vector<1x16xf32>
      tpu.vector_store %arg10[%swap3A_106, %swap3A_107], %swap3A_110 {strides = array<i32>} : memref<128x128xf32, #tpu.memory_space<vmem>>, vector<1x16xf32>,
      %swap3A_111 = arith.index_cast %scan3A_71 : i32 to index
      %swap3A_112 = arith.constant 0 : index
      %swap3A_113 = tpu.vector_load %arg11[%swap3A_111, %swap3A_112] {strides = array<i32>} : memref<128x16xf32, #tpu.memory_space<vmem>>, vector<1x16xf32>,
      %swap3A_114 = vector.shape_cast %swap3A_113 : vector<1x16xf32> to vector<16xf32>
      %swap3A_115 = vector.shape_cast %broadcast_in_dim3A_3 : vector<16xf32> to vector<1x16xf32>
      tpu.vector_store %arg11[%swap3A_111, %swap3A_112], %swap3A_115 {strides = array<i32>} : memref<128x16xf32, #tpu.memory_space<vmem>>, vector<1x16xf32>,
    }
    %scan3A_8 = arith.constant 128 : i32
    %mul3A_9 = arith.constant 624 : i32
    %mul3A_10 = arith.muli %arg1, %mul3A_9 : i32
    %add3A_11 = arith.constant 0 : i32
    %add3A_12 = arith.addi %mul3A_10, %add3A_11 : i32
    "tpu.region"() ({
      %run_scoped3A = tpu.sem_alloc : memref<!tpu.dma_semaphore, #tpu.memory_space<semaphore_mem>>
      %dma_start3A = arith.constant 0 : i32
      %dma_start3A_71 = arith.constant 0 : i32
      %dma_start3A_72 = tpu.memref_slice %arg10[%dma_start3A, %dma_start3A_71] : memref<128x128xf32, #tpu.memory_space<vmem>> -> memref<128x128xf32, #tpu.memory_space<vmem>>
      %dma_start3A_73 = arith.constant 0 : i32
      %dma_start3A_74 = tpu.memref_slice %arg12[%add3A_12, %dma_start3A_73] : memref<10000x128xf32, #tpu.memory_space<vmem_shared>> -> memref<128x128xf32, #tpu.memory_space<vmem_shared>>
      %dma_start3A_75 = arith.constant 0 : i32
      %dma_start3A_76 = tpu.memref_slice %arg12[%add3A_12, %dma_start3A_75] : memref<10000x128xf32, #tpu.memory_space<vmem_shared>> -> memref<128x128xf32, #tpu.memory_space<vmem_shared>>
      %dma_start3A_77 = arith.constant 0 : i32
      %dma_start3A_78 = arith.constant 0 : i32
      %dma_start3A_79 = tpu.memref_slice %arg10[%dma_start3A_77, %dma_start3A_78] : memref<128x128xf32, #tpu.memory_space<vmem>> -> memref<128x128xf32, #tpu.memory_space<vmem>>
      tpu.enqueue_dma source(%dma_start3A_79 : memref<128x128xf32, #tpu.memory_space<vmem>>) target(%dma_start3A_76 : memref<128x128xf32, #tpu.memory_space<vmem_shared>>) target_semaphore(%run_scoped3A : memref<!tpu.dma_semaphore, #tpu.memory_space<semaphore_mem>>)
      %dma_wait3A = arith.constant 0 : i32
      %dma_wait3A_80 = arith.constant 0 : i32
      %dma_wait3A_81 = tpu.memref_slice %arg10[%dma_wait3A, %dma_wait3A_80] : memref<128x128xf32, #tpu.memory_space<vmem>> -> memref<128x128xf32, #tpu.memory_space<vmem>>
      %dma_wait3A_82 = arith.constant 0 : i32
      %dma_wait3A_83 = tpu.memref_slice %arg12[%add3A_12, %dma_wait3A_82] : memref<10000x128xf32, #tpu.memory_space<vmem_shared>> -> memref<128x128xf32, #tpu.memory_space<vmem_shared>>
      %dma_wait3A_84 = arith.constant 0 : i32
      %dma_wait3A_85 = tpu.memref_slice %arg12[%add3A_12, %dma_wait3A_84] : memref<10000x128xf32, #tpu.memory_space<vmem_shared>> -> memref<128x128xf32, #tpu.memory_space<vmem_shared>>
      %dma_wait3A_86 = arith.constant 0 : i32
      %dma_wait3A_87 = arith.constant 0 : i32
      %dma_wait3A_88 = tpu.memref_slice %arg10[%dma_wait3A_86, %dma_wait3A_87] : memref<128x128xf32, #tpu.memory_space<vmem>> -> memref<128x128xf32, #tpu.memory_space<vmem>>
      tpu.wait_dma2 semaphore(%run_scoped3A : memref<!tpu.dma_semaphore, #tpu.memory_space<semaphore_mem>>) src(%dma_wait3A_88 : memref<128x128xf32, #tpu.memory_space<vmem>>) dst(%dma_wait3A_85 : memref<128x128xf32, #tpu.memory_space<vmem_shared>>)
      tpu.yield
    }) : () -> ()
    %mul3A_13 = arith.constant 624 : i32
    %mul3A_14 = arith.muli %arg1, %mul3A_13 : i32
    %add3A_15 = arith.constant 128 : i32
    %add3A_16 = arith.addi %mul3A_14, %add3A_15 : i32
    "tpu.region"() ({
      %run_scoped3A = tpu.sem_alloc : memref<!tpu.dma_semaphore, #tpu.memory_space<semaphore_mem>>
      %dma_start3A = arith.constant 0 : i32
      %dma_start3A_71 = arith.constant 0 : i32
      %dma_start3A_72 = tpu.memref_slice %arg10[%dma_start3A, %dma_start3A_71] : memref<128x128xf32, #tpu.memory_space<vmem>> -> memref<128x128xf32, #tpu.memory_space<vmem>>
      %dma_start3A_73 = arith.constant 0 : i32
      %dma_start3A_74 = tpu.memref_slice %arg12[%add3A_16, %dma_start3A_73] : memref<10000x128xf32, #tpu.memory_space<vmem_shared>> -> memref<128x128xf32, #tpu.memory_space<vmem_shared>>
      %dma_start3A_75 = arith.constant 0 : i32
      %dma_start3A_76 = tpu.memref_slice %arg12[%add3A_16, %dma_start3A_75] : memref<10000x128xf32, #tpu.memory_space<vmem_shared>> -> memref<128x128xf32, #tpu.memory_space<vmem_shared>>
      %dma_start3A_77 = arith.constant 0 : i32
      %dma_start3A_78 = arith.constant 0 : i32
      %dma_start3A_79 = tpu.memref_slice %arg10[%dma_start3A_77, %dma_start3A_78] : memref<128x128xf32, #tpu.memory_space<vmem>> -> memref<128x128xf32, #tpu.memory_space<vmem>>
      tpu.enqueue_dma source(%dma_start3A_79 : memref<128x128xf32, #tpu.memory_space<vmem>>) target(%dma_start3A_76 : memref<128x128xf32, #tpu.memory_space<vmem_shared>>) target_semaphore(%run_scoped3A : memref<!tpu.dma_semaphore, #tpu.memory_space<semaphore_mem>>)
      %dma_wait3A = arith.constant 0 : i32
      %dma_wait3A_80 = arith.constant 0 : i32
      %dma_wait3A_81 = tpu.memref_slice %arg10[%dma_wait3A, %dma_wait3A_80] : memref<128x128xf32, #tpu.memory_space<vmem>> -> memref<128x128xf32, #tpu.memory_space<vmem>>
      %dma_wait3A_82 = arith.constant 0 : i32
      %dma_wait3A_83 = tpu.memref_slice %arg12[%add3A_16, %dma_wait3A_82] : memref<10000x128xf32, #tpu.memory_space<vmem_shared>> -> memref<128x128xf32, #tpu.memory_space<vmem_shared>>
      %dma_wait3A_84 = arith.constant 0 : i32
      %dma_wait3A_85 = tpu.memref_slice %arg12[%add3A_16, %dma_wait3A_84] : memref<10000x128xf32, #tpu.memory_space<vmem_shared>> -> memref<128x128xf32, #tpu.memory_space<vmem_shared>>
      %dma_wait3A_86 = arith.constant 0 : i32
      %dma_wait3A_87 = arith.constant 0 : i32
      %dma_wait3A_88 = tpu.memref_slice %arg10[%dma_wait3A_86, %dma_wait3A_87] : memref<128x128xf32, #tpu.memory_space<vmem>> -> memref<128x128xf32, #tpu.memory_space<vmem>>
      tpu.wait_dma2 semaphore(%run_scoped3A : memref<!tpu.dma_semaphore, #tpu.memory_space<semaphore_mem>>) src(%dma_wait3A_88 : memref<128x128xf32, #tpu.memory_space<vmem>>) dst(%dma_wait3A_85 : memref<128x128xf32, #tpu.memory_space<vmem_shared>>)
      tpu.yield
    }) : () -> ()
    %mul3A_17 = arith.constant 624 : i32
    %mul3A_18 = arith.muli %arg1, %mul3A_17 : i32
    %add3A_19 = arith.constant 256 : i32
    %add3A_20 = arith.addi %mul3A_18, %add3A_19 : i32
    "tpu.region"() ({
      %run_scoped3A = tpu.sem_alloc : memref<!tpu.dma_semaphore, #tpu.memory_space<semaphore_mem>>
      %dma_start3A = arith.constant 0 : i32
      %dma_start3A_71 = arith.constant 0 : i32
      %dma_start3A_72 = tpu.memref_slice %arg10[%dma_start3A, %dma_start3A_71] : memref<128x128xf32, #tpu.memory_space<vmem>> -> memref<128x128xf32, #tpu.memory_space<vmem>>
      %dma_start3A_73 = arith.constant 0 : i32
      %dma_start3A_74 = tpu.memref_slice %arg12[%add3A_20, %dma_start3A_73] : memref<10000x128xf32, #tpu.memory_space<vmem_shared>> -> memref<128x128xf32, #tpu.memory_space<vmem_shared>>
      %dma_start3A_75 = arith.constant 0 : i32
      %dma_start3A_76 = tpu.memref_slice %arg12[%add3A_20, %dma_start3A_75] : memref<10000x128xf32, #tpu.memory_space<vmem_shared>> -> memref<128x128xf32, #tpu.memory_space<vmem_shared>>
      %dma_start3A_77 = arith.constant 0 : i32
      %dma_start3A_78 = arith.constant 0 : i32
      %dma_start3A_79 = tpu.memref_slice %arg10[%dma_start3A_77, %dma_start3A_78] : memref<128x128xf32, #tpu.memory_space<vmem>> -> memref<128x128xf32, #tpu.memory_space<vmem>>
      tpu.enqueue_dma source(%dma_start3A_79 : memref<128x128xf32, #tpu.memory_space<vmem>>) target(%dma_start3A_76 : memref<128x128xf32, #tpu.memory_space<vmem_shared>>) target_semaphore(%run_scoped3A : memref<!tpu.dma_semaphore, #tpu.memory_space<semaphore_mem>>)
      %dma_wait3A = arith.constant 0 : i32
      %dma_wait3A_80 = arith.constant 0 : i32
      %dma_wait3A_81 = tpu.memref_slice %arg10[%dma_wait3A, %dma_wait3A_80] : memref<128x128xf32, #tpu.memory_space<vmem>> -> memref<128x128xf32, #tpu.memory_space<vmem>>
      %dma_wait3A_82 = arith.constant 0 : i32
      %dma_wait3A_83 = tpu.memref_slice %arg12[%add3A_20, %dma_wait3A_82] : memref<10000x128xf32, #tpu.memory_space<vmem_shared>> -> memref<128x128xf32, #tpu.memory_space<vmem_shared>>
      %dma_wait3A_84 = arith.constant 0 : i32
      %dma_wait3A_85 = tpu.memref_slice %arg12[%add3A_20, %dma_wait3A_84] : memref<10000x128xf32, #tpu.memory_space<vmem_shared>> -> memref<128x128xf32, #tpu.memory_space<vmem_shared>>
      %dma_wait3A_86 = arith.constant 0 : i32
      %dma_wait3A_87 = arith.constant 0 : i32
      %dma_wait3A_88 = tpu.memref_slice %arg10[%dma_wait3A_86, %dma_wait3A_87] : memref<128x128xf32, #tpu.memory_space<vmem>> -> memref<128x128xf32, #tpu.memory_space<vmem>>
      tpu.wait_dma2 semaphore(%run_scoped3A : memref<!tpu.dma_semaphore, #tpu.memory_space<semaphore_mem>>) src(%dma_wait3A_88 : memref<128x128xf32, #tpu.memory_space<vmem>>) dst(%dma_wait3A_85 : memref<128x128xf32, #tpu.memory_space<vmem_shared>>)
      tpu.yield
    }) : () -> ()
    %mul3A_21 = arith.constant 624 : i32
    %mul3A_22 = arith.muli %arg1, %mul3A_21 : i32
    %add3A_23 = arith.constant 384 : i32
    %add3A_24 = arith.addi %mul3A_22, %add3A_23 : i32
    "tpu.region"() ({
      %run_scoped3A = tpu.sem_alloc : memref<!tpu.dma_semaphore, #tpu.memory_space<semaphore_mem>>
      %dma_start3A = arith.constant 0 : i32
      %dma_start3A_71 = arith.constant 0 : i32
      %dma_start3A_72 = tpu.memref_slice %arg10[%dma_start3A, %dma_start3A_71] : memref<128x128xf32, #tpu.memory_space<vmem>> -> memref<128x128xf32, #tpu.memory_space<vmem>>
      %dma_start3A_73 = arith.constant 0 : i32
      %dma_start3A_74 = tpu.memref_slice %arg12[%add3A_24, %dma_start3A_73] : memref<10000x128xf32, #tpu.memory_space<vmem_shared>> -> memref<128x128xf32, #tpu.memory_space<vmem_shared>>
      %dma_start3A_75 = arith.constant 0 : i32
      %dma_start3A_76 = tpu.memref_slice %arg12[%add3A_24, %dma_start3A_75] : memref<10000x128xf32, #tpu.memory_space<vmem_shared>> -> memref<128x128xf32, #tpu.memory_space<vmem_shared>>
      %dma_start3A_77 = arith.constant 0 : i32
      %dma_start3A_78 = arith.constant 0 : i32
      %dma_start3A_79 = tpu.memref_slice %arg10[%dma_start3A_77, %dma_start3A_78] : memref<128x128xf32, #tpu.memory_space<vmem>> -> memref<128x128xf32, #tpu.memory_space<vmem>>
      tpu.enqueue_dma source(%dma_start3A_79 : memref<128x128xf32, #tpu.memory_space<vmem>>) target(%dma_start3A_76 : memref<128x128xf32, #tpu.memory_space<vmem_shared>>) target_semaphore(%run_scoped3A : memref<!tpu.dma_semaphore, #tpu.memory_space<semaphore_mem>>)
      %dma_wait3A = arith.constant 0 : i32
      %dma_wait3A_80 = arith.constant 0 : i32
      %dma_wait3A_81 = tpu.memref_slice %arg10[%dma_wait3A, %dma_wait3A_80] : memref<128x128xf32, #tpu.memory_space<vmem>> -> memref<128x128xf32, #tpu.memory_space<vmem>>
      %dma_wait3A_82 = arith.constant 0 : i32
      %dma_wait3A_83 = tpu.memref_slice %arg12[%add3A_24, %dma_wait3A_82] : memref<10000x128xf32, #tpu.memory_space<vmem_shared>> -> memref<128x128xf32, #tpu.memory_space<vmem_shared>>
      %dma_wait3A_84 = arith.constant 0 : i32
      %dma_wait3A_85 = tpu.memref_slice %arg12[%add3A_24, %dma_wait3A_84] : memref<10000x128xf32, #tpu.memory_space<vmem_shared>> -> memref<128x128xf32, #tpu.memory_space<vmem_shared>>
      %dma_wait3A_86 = arith.constant 0 : i32
      %dma_wait3A_87 = arith.constant 0 : i32
      %dma_wait3A_88 = tpu.memref_slice %arg10[%dma_wait3A_86, %dma_wait3A_87] : memref<128x128xf32, #tpu.memory_space<vmem>> -> memref<128x128xf32, #tpu.memory_space<vmem>>
      tpu.wait_dma2 semaphore(%run_scoped3A : memref<!tpu.dma_semaphore, #tpu.memory_space<semaphore_mem>>) src(%dma_wait3A_88 : memref<128x128xf32, #tpu.memory_space<vmem>>) dst(%dma_wait3A_85 : memref<128x128xf32, #tpu.memory_space<vmem_shared>>)
      tpu.yield
    }) : () -> ()
    %mul3A_25 = arith.constant 624 : i32
    %mul3A_26 = arith.muli %arg1, %mul3A_25 : i32
    %add3A_27 = arith.constant 512 : i32
    %add3A_28 = arith.addi %mul3A_26, %add3A_27 : i32
    "tpu.region"() ({
      %run_scoped3A = tpu.sem_alloc : memref<!tpu.dma_semaphore, #tpu.memory_space<semaphore_mem>>
      %dma_start3A = arith.constant 0 : i32
      %dma_start3A_71 = arith.constant 0 : i32
      %dma_start3A_72 = tpu.memref_slice %arg10[%dma_start3A, %dma_start3A_71] : memref<128x128xf32, #tpu.memory_space<vmem>> -> memref<112x128xf32, #tpu.memory_space<vmem>>
      %dma_start3A_73 = arith.constant 0 : i32
      %dma_start3A_74 = tpu.memref_slice %arg12[%add3A_28, %dma_start3A_73] : memref<10000x128xf32, #tpu.memory_space<vmem_shared>> -> memref<112x128xf32, #tpu.memory_space<vmem_shared>>
      %dma_start3A_75 = arith.constant 0 : i32
      %dma_start3A_76 = tpu.memref_slice %arg12[%add3A_28, %dma_start3A_75] : memref<10000x128xf32, #tpu.memory_space<vmem_shared>> -> memref<112x128xf32, #tpu.memory_space<vmem_shared>>
      %dma_start3A_77 = arith.constant 0 : i32
      %dma_start3A_78 = arith.constant 0 : i32
      %dma_start3A_79 = tpu.memref_slice %arg10[%dma_start3A_77, %dma_start3A_78] : memref<128x128xf32, #tpu.memory_space<vmem>> -> memref<112x128xf32, #tpu.memory_space<vmem>>
      tpu.enqueue_dma source(%dma_start3A_79 : memref<112x128xf32, #tpu.memory_space<vmem>>) target(%dma_start3A_76 : memref<112x128xf32, #tpu.memory_space<vmem_shared>>) target_semaphore(%run_scoped3A : memref<!tpu.dma_semaphore, #tpu.memory_space<semaphore_mem>>)
      %dma_wait3A = arith.constant 0 : i32
      %dma_wait3A_80 = arith.constant 0 : i32
      %dma_wait3A_81 = tpu.memref_slice %arg10[%dma_wait3A, %dma_wait3A_80] : memref<128x128xf32, #tpu.memory_space<vmem>> -> memref<112x128xf32, #tpu.memory_space<vmem>>
      %dma_wait3A_82 = arith.constant 0 : i32
      %dma_wait3A_83 = tpu.memref_slice %arg12[%add3A_28, %dma_wait3A_82] : memref<10000x128xf32, #tpu.memory_space<vmem_shared>> -> memref<112x128xf32, #tpu.memory_space<vmem_shared>>
      %dma_wait3A_84 = arith.constant 0 : i32
      %dma_wait3A_85 = tpu.memref_slice %arg12[%add3A_28, %dma_wait3A_84] : memref<10000x128xf32, #tpu.memory_space<vmem_shared>> -> memref<112x128xf32, #tpu.memory_space<vmem_shared>>
      %dma_wait3A_86 = arith.constant 0 : i32
      %dma_wait3A_87 = arith.constant 0 : i32
      %dma_wait3A_88 = tpu.memref_slice %arg10[%dma_wait3A_86, %dma_wait3A_87] : memref<128x128xf32, #tpu.memory_space<vmem>> -> memref<112x128xf32, #tpu.memory_space<vmem>>
      tpu.wait_dma2 semaphore(%run_scoped3A : memref<!tpu.dma_semaphore, #tpu.memory_space<semaphore_mem>>) src(%dma_wait3A_88 : memref<112x128xf32, #tpu.memory_space<vmem>>) dst(%dma_wait3A_85 : memref<112x128xf32, #tpu.memory_space<vmem_shared>>)
      tpu.yield
    }) : () -> ()
    %mul3A_29 = arith.constant 624 : i32
    %mul3A_30 = arith.muli %arg1, %mul3A_29 : i32
    %add3A_31 = arith.constant 0 : i32
    %add3A_32 = arith.addi %mul3A_30, %add3A_31 : i32
    "tpu.region"() ({
      %run_scoped3A = tpu.sem_alloc : memref<!tpu.dma_semaphore, #tpu.memory_space<semaphore_mem>>
      %dma_start3A = arith.constant 0 : i32
      %dma_start3A_71 = arith.constant 0 : i32
      %dma_start3A_72 = tpu.memref_slice %arg11[%dma_start3A, %dma_start3A_71] : memref<128x16xf32, #tpu.memory_space<vmem>> -> memref<128x16xf32, #tpu.memory_space<vmem>>
      %dma_start3A_73 = arith.constant 0 : i32
      %dma_start3A_74 = tpu.memref_slice %arg13[%add3A_32, %dma_start3A_73] : memref<10000x16xf32, #tpu.memory_space<vmem_shared>> -> memref<128x16xf32, #tpu.memory_space<vmem_shared>>
      %dma_start3A_75 = arith.constant 0 : i32
      %dma_start3A_76 = tpu.memref_slice %arg13[%add3A_32, %dma_start3A_75] : memref<10000x16xf32, #tpu.memory_space<vmem_shared>> -> memref<128x16xf32, #tpu.memory_space<vmem_shared>>
      %dma_start3A_77 = arith.constant 0 : i32
      %dma_start3A_78 = arith.constant 0 : i32
      %dma_start3A_79 = tpu.memref_slice %arg11[%dma_start3A_77, %dma_start3A_78] : memref<128x16xf32, #tpu.memory_space<vmem>> -> memref<128x16xf32, #tpu.memory_space<vmem>>
      tpu.enqueue_dma source(%dma_start3A_79 : memref<128x16xf32, #tpu.memory_space<vmem>>) target(%dma_start3A_76 : memref<128x16xf32, #tpu.memory_space<vmem_shared>>) target_semaphore(%run_scoped3A : memref<!tpu.dma_semaphore, #tpu.memory_space<semaphore_mem>>)
      %dma_wait3A = arith.constant 0 : i32
      %dma_wait3A_80 = arith.constant 0 : i32
      %dma_wait3A_81 = tpu.memref_slice %arg11[%dma_wait3A, %dma_wait3A_80] : memref<128x16xf32, #tpu.memory_space<vmem>> -> memref<128x16xf32, #tpu.memory_space<vmem>>
      %dma_wait3A_82 = arith.constant 0 : i32
      %dma_wait3A_83 = tpu.memref_slice %arg13[%add3A_32, %dma_wait3A_82] : memref<10000x16xf32, #tpu.memory_space<vmem_shared>> -> memref<128x16xf32, #tpu.memory_space<vmem_shared>>
      %dma_wait3A_84 = arith.constant 0 : i32
      %dma_wait3A_85 = tpu.memref_slice %arg13[%add3A_32, %dma_wait3A_84] : memref<10000x16xf32, #tpu.memory_space<vmem_shared>> -> memref<128x16xf32, #tpu.memory_space<vmem_shared>>
      %dma_wait3A_86 = arith.constant 0 : i32
      %dma_wait3A_87 = arith.constant 0 : i32
      %dma_wait3A_88 = tpu.memref_slice %arg11[%dma_wait3A_86, %dma_wait3A_87] : memref<128x16xf32, #tpu.memory_space<vmem>> -> memref<128x16xf32, #tpu.memory_space<vmem>>
      tpu.wait_dma2 semaphore(%run_scoped3A : memref<!tpu.dma_semaphore, #tpu.memory_space<semaphore_mem>>) src(%dma_wait3A_88 : memref<128x16xf32, #tpu.memory_space<vmem>>) dst(%dma_wait3A_85 : memref<128x16xf32, #tpu.memory_space<vmem_shared>>)
      tpu.yield
    }) : () -> ()
    %mul3A_33 = arith.constant 624 : i32
    %mul3A_34 = arith.muli %arg1, %mul3A_33 : i32
    %add3A_35 = arith.constant 128 : i32
    %add3A_36 = arith.addi %mul3A_34, %add3A_35 : i32
    "tpu.region"() ({
      %run_scoped3A = tpu.sem_alloc : memref<!tpu.dma_semaphore, #tpu.memory_space<semaphore_mem>>
      %dma_start3A = arith.constant 0 : i32
      %dma_start3A_71 = arith.constant 0 : i32
      %dma_start3A_72 = tpu.memref_slice %arg11[%dma_start3A, %dma_start3A_71] : memref<128x16xf32, #tpu.memory_space<vmem>> -> memref<128x16xf32, #tpu.memory_space<vmem>>
      %dma_start3A_73 = arith.constant 0 : i32
      %dma_start3A_74 = tpu.memref_slice %arg13[%add3A_36, %dma_start3A_73] : memref<10000x16xf32, #tpu.memory_space<vmem_shared>> -> memref<128x16xf32, #tpu.memory_space<vmem_shared>>
      %dma_start3A_75 = arith.constant 0 : i32
      %dma_start3A_76 = tpu.memref_slice %arg13[%add3A_36, %dma_start3A_75] : memref<10000x16xf32, #tpu.memory_space<vmem_shared>> -> memref<128x16xf32, #tpu.memory_space<vmem_shared>>
      %dma_start3A_77 = arith.constant 0 : i32
      %dma_start3A_78 = arith.constant 0 : i32
      %dma_start3A_79 = tpu.memref_slice %arg11[%dma_start3A_77, %dma_start3A_78] : memref<128x16xf32, #tpu.memory_space<vmem>> -> memref<128x16xf32, #tpu.memory_space<vmem>>
      tpu.enqueue_dma source(%dma_start3A_79 : memref<128x16xf32, #tpu.memory_space<vmem>>) target(%dma_start3A_76 : memref<128x16xf32, #tpu.memory_space<vmem_shared>>) target_semaphore(%run_scoped3A : memref<!tpu.dma_semaphore, #tpu.memory_space<semaphore_mem>>)
      %dma_wait3A = arith.constant 0 : i32
      %dma_wait3A_80 = arith.constant 0 : i32
      %dma_wait3A_81 = tpu.memref_slice %arg11[%dma_wait3A, %dma_wait3A_80] : memref<128x16xf32, #tpu.memory_space<vmem>> -> memref<128x16xf32, #tpu.memory_space<vmem>>
      %dma_wait3A_82 = arith.constant 0 : i32
      %dma_wait3A_83 = tpu.memref_slice %arg13[%add3A_36, %dma_wait3A_82] : memref<10000x16xf32, #tpu.memory_space<vmem_shared>> -> memref<128x16xf32, #tpu.memory_space<vmem_shared>>
      %dma_wait3A_84 = arith.constant 0 : i32
      %dma_wait3A_85 = tpu.memref_slice %arg13[%add3A_36, %dma_wait3A_84] : memref<10000x16xf32, #tpu.memory_space<vmem_shared>> -> memref<128x16xf32, #tpu.memory_space<vmem_shared>>
      %dma_wait3A_86 = arith.constant 0 : i32
      %dma_wait3A_87 = arith.constant 0 : i32
      %dma_wait3A_88 = tpu.memref_slice %arg11[%dma_wait3A_86, %dma_wait3A_87] : memref<128x16xf32, #tpu.memory_space<vmem>> -> memref<128x16xf32, #tpu.memory_space<vmem>>
      tpu.wait_dma2 semaphore(%run_scoped3A : memref<!tpu.dma_semaphore, #tpu.memory_space<semaphore_mem>>) src(%dma_wait3A_88 : memref<128x16xf32, #tpu.memory_space<vmem>>) dst(%dma_wait3A_85 : memref<128x16xf32, #tpu.memory_space<vmem_shared>>)
      tpu.yield
    }) : () -> ()
    %mul3A_37 = arith.constant 624 : i32
    %mul3A_38 = arith.muli %arg1, %mul3A_37 : i32
    %add3A_39 = arith.constant 256 : i32
    %add3A_40 = arith.addi %mul3A_38, %add3A_39 : i32
    "tpu.region"() ({
      %run_scoped3A = tpu.sem_alloc : memref<!tpu.dma_semaphore, #tpu.memory_space<semaphore_mem>>
      %dma_start3A = arith.constant 0 : i32
      %dma_start3A_71 = arith.constant 0 : i32
      %dma_start3A_72 = tpu.memref_slice %arg11[%dma_start3A, %dma_start3A_71] : memref<128x16xf32, #tpu.memory_space<vmem>> -> memref<128x16xf32, #tpu.memory_space<vmem>>
      %dma_start3A_73 = arith.constant 0 : i32
      %dma_start3A_74 = tpu.memref_slice %arg13[%add3A_40, %dma_start3A_73] : memref<10000x16xf32, #tpu.memory_space<vmem_shared>> -> memref<128x16xf32, #tpu.memory_space<vmem_shared>>
      %dma_start3A_75 = arith.constant 0 : i32
      %dma_start3A_76 = tpu.memref_slice %arg13[%add3A_40, %dma_start3A_75] : memref<10000x16xf32, #tpu.memory_space<vmem_shared>> -> memref<128x16xf32, #tpu.memory_space<vmem_shared>>
      %dma_start3A_77 = arith.constant 0 : i32
      %dma_start3A_78 = arith.constant 0 : i32
      %dma_start3A_79 = tpu.memref_slice %arg11[%dma_start3A_77, %dma_start3A_78] : memref<128x16xf32, #tpu.memory_space<vmem>> -> memref<128x16xf32, #tpu.memory_space<vmem>>
      tpu.enqueue_dma source(%dma_start3A_79 : memref<128x16xf32, #tpu.memory_space<vmem>>) target(%dma_start3A_76 : memref<128x16xf32, #tpu.memory_space<vmem_shared>>) target_semaphore(%run_scoped3A : memref<!tpu.dma_semaphore, #tpu.memory_space<semaphore_mem>>)
      %dma_wait3A = arith.constant 0 : i32
      %dma_wait3A_80 = arith.constant 0 : i32
      %dma_wait3A_81 = tpu.memref_slice %arg11[%dma_wait3A, %dma_wait3A_80] : memref<128x16xf32, #tpu.memory_space<vmem>> -> memref<128x16xf32, #tpu.memory_space<vmem>>
      %dma_wait3A_82 = arith.constant 0 : i32
      %dma_wait3A_83 = tpu.memref_slice %arg13[%add3A_40, %dma_wait3A_82] : memref<10000x16xf32, #tpu.memory_space<vmem_shared>> -> memref<128x16xf32, #tpu.memory_space<vmem_shared>>
      %dma_wait3A_84 = arith.constant 0 : i32
      %dma_wait3A_85 = tpu.memref_slice %arg13[%add3A_40, %dma_wait3A_84] : memref<10000x16xf32, #tpu.memory_space<vmem_shared>> -> memref<128x16xf32, #tpu.memory_space<vmem_shared>>
      %dma_wait3A_86 = arith.constant 0 : i32
      %dma_wait3A_87 = arith.constant 0 : i32
      %dma_wait3A_88 = tpu.memref_slice %arg11[%dma_wait3A_86, %dma_wait3A_87] : memref<128x16xf32, #tpu.memory_space<vmem>> -> memref<128x16xf32, #tpu.memory_space<vmem>>
      tpu.wait_dma2 semaphore(%run_scoped3A : memref<!tpu.dma_semaphore, #tpu.memory_space<semaphore_mem>>) src(%dma_wait3A_88 : memref<128x16xf32, #tpu.memory_space<vmem>>) dst(%dma_wait3A_85 : memref<128x16xf32, #tpu.memory_space<vmem_shared>>)
      tpu.yield
    }) : () -> ()
    %mul3A_41 = arith.constant 624 : i32
    %mul3A_42 = arith.muli %arg1, %mul3A_41 : i32
    %add3A_43 = arith.constant 384 : i32
    %add3A_44 = arith.addi %mul3A_42, %add3A_43 : i32
    "tpu.region"() ({
      %run_scoped3A = tpu.sem_alloc : memref<!tpu.dma_semaphore, #tpu.memory_space<semaphore_mem>>
      %dma_start3A = arith.constant 0 : i32
      %dma_start3A_71 = arith.constant 0 : i32
      %dma_start3A_72 = tpu.memref_slice %arg11[%dma_start3A, %dma_start3A_71] : memref<128x16xf32, #tpu.memory_space<vmem>> -> memref<128x16xf32, #tpu.memory_space<vmem>>
      %dma_start3A_73 = arith.constant 0 : i32
      %dma_start3A_74 = tpu.memref_slice %arg13[%add3A_44, %dma_start3A_73] : memref<10000x16xf32, #tpu.memory_space<vmem_shared>> -> memref<128x16xf32, #tpu.memory_space<vmem_shared>>
      %dma_start3A_75 = arith.constant 0 : i32
      %dma_start3A_76 = tpu.memref_slice %arg13[%add3A_44, %dma_start3A_75] : memref<10000x16xf32, #tpu.memory_space<vmem_shared>> -> memref<128x16xf32, #tpu.memory_space<vmem_shared>>
      %dma_start3A_77 = arith.constant 0 : i32
      %dma_start3A_78 = arith.constant 0 : i32
      %dma_start3A_79 = tpu.memref_slice %arg11[%dma_start3A_77, %dma_start3A_78] : memref<128x16xf32, #tpu.memory_space<vmem>> -> memref<128x16xf32, #tpu.memory_space<vmem>>
      tpu.enqueue_dma source(%dma_start3A_79 : memref<128x16xf32, #tpu.memory_space<vmem>>) target(%dma_start3A_76 : memref<128x16xf32, #tpu.memory_space<vmem_shared>>) target_semaphore(%run_scoped3A : memref<!tpu.dma_semaphore, #tpu.memory_space<semaphore_mem>>)
      %dma_wait3A = arith.constant 0 : i32
      %dma_wait3A_80 = arith.constant 0 : i32
      %dma_wait3A_81 = tpu.memref_slice %arg11[%dma_wait3A, %dma_wait3A_80] : memref<128x16xf32, #tpu.memory_space<vmem>> -> memref<128x16xf32, #tpu.memory_space<vmem>>
      %dma_wait3A_82 = arith.constant 0 : i32
      %dma_wait3A_83 = tpu.memref_slice %arg13[%add3A_44, %dma_wait3A_82] : memref<10000x16xf32, #tpu.memory_space<vmem_shared>> -> memref<128x16xf32, #tpu.memory_space<vmem_shared>>
      %dma_wait3A_84 = arith.constant 0 : i32
      %dma_wait3A_85 = tpu.memref_slice %arg13[%add3A_44, %dma_wait3A_84] : memref<10000x16xf32, #tpu.memory_space<vmem_shared>> -> memref<128x16xf32, #tpu.memory_space<vmem_shared>>
      %dma_wait3A_86 = arith.constant 0 : i32
      %dma_wait3A_87 = arith.constant 0 : i32
      %dma_wait3A_88 = tpu.memref_slice %arg11[%dma_wait3A_86, %dma_wait3A_87] : memref<128x16xf32, #tpu.memory_space<vmem>> -> memref<128x16xf32, #tpu.memory_space<vmem>>
      tpu.wait_dma2 semaphore(%run_scoped3A : memref<!tpu.dma_semaphore, #tpu.memory_space<semaphore_mem>>) src(%dma_wait3A_88 : memref<128x16xf32, #tpu.memory_space<vmem>>) dst(%dma_wait3A_85 : memref<128x16xf32, #tpu.memory_space<vmem_shared>>)
      tpu.yield
    }) : () -> ()
    %mul3A_45 = arith.constant 624 : i32
    %mul3A_46 = arith.muli %arg1, %mul3A_45 : i32
    %add3A_47 = arith.constant 512 : i32
    %add3A_48 = arith.addi %mul3A_46, %add3A_47 : i32
    "tpu.region"() ({
      %run_scoped3A = tpu.sem_alloc : memref<!tpu.dma_semaphore, #tpu.memory_space<semaphore_mem>>
      %dma_start3A = arith.constant 0 : i32
      %dma_start3A_71 = arith.constant 0 : i32
      %dma_start3A_72 = tpu.memref_slice %arg11[%dma_start3A, %dma_start3A_71] : memref<128x16xf32, #tpu.memory_space<vmem>> -> memref<112x16xf32, #tpu.memory_space<vmem>>
      %dma_start3A_73 = arith.constant 0 : i32
      %dma_start3A_74 = tpu.memref_slice %arg13[%add3A_48, %dma_start3A_73] : memref<10000x16xf32, #tpu.memory_space<vmem_shared>> -> memref<112x16xf32, #tpu.memory_space<vmem_shared>>
      %dma_start3A_75 = arith.constant 0 : i32
      %dma_start3A_76 = tpu.memref_slice %arg13[%add3A_48, %dma_start3A_75] : memref<10000x16xf32, #tpu.memory_space<vmem_shared>> -> memref<112x16xf32, #tpu.memory_space<vmem_shared>>
      %dma_start3A_77 = arith.constant 0 : i32
      %dma_start3A_78 = arith.constant 0 : i32
      %dma_start3A_79 = tpu.memref_slice %arg11[%dma_start3A_77, %dma_start3A_78] : memref<128x16xf32, #tpu.memory_space<vmem>> -> memref<112x16xf32, #tpu.memory_space<vmem>>
      tpu.enqueue_dma source(%dma_start3A_79 : memref<112x16xf32, #tpu.memory_space<vmem>>) target(%dma_start3A_76 : memref<112x16xf32, #tpu.memory_space<vmem_shared>>) target_semaphore(%run_scoped3A : memref<!tpu.dma_semaphore, #tpu.memory_space<semaphore_mem>>)
      %dma_wait3A = arith.constant 0 : i32
      %dma_wait3A_80 = arith.constant 0 : i32
      %dma_wait3A_81 = tpu.memref_slice %arg11[%dma_wait3A, %dma_wait3A_80] : memref<128x16xf32, #tpu.memory_space<vmem>> -> memref<112x16xf32, #tpu.memory_space<vmem>>
      %dma_wait3A_82 = arith.constant 0 : i32
      %dma_wait3A_83 = tpu.memref_slice %arg13[%add3A_48, %dma_wait3A_82] : memref<10000x16xf32, #tpu.memory_space<vmem_shared>> -> memref<112x16xf32, #tpu.memory_space<vmem_shared>>
      %dma_wait3A_84 = arith.constant 0 : i32
      %dma_wait3A_85 = tpu.memref_slice %arg13[%add3A_48, %dma_wait3A_84] : memref<10000x16xf32, #tpu.memory_space<vmem_shared>> -> memref<112x16xf32, #tpu.memory_space<vmem_shared>>
      %dma_wait3A_86 = arith.constant 0 : i32
      %dma_wait3A_87 = arith.constant 0 : i32
      %dma_wait3A_88 = tpu.memref_slice %arg11[%dma_wait3A_86, %dma_wait3A_87] : memref<128x16xf32, #tpu.memory_space<vmem>> -> memref<112x16xf32, #tpu.memory_space<vmem>>
      tpu.wait_dma2 semaphore(%run_scoped3A : memref<!tpu.dma_semaphore, #tpu.memory_space<semaphore_mem>>) src(%dma_wait3A_88 : memref<112x16xf32, #tpu.memory_space<vmem>>) dst(%dma_wait3A_85 : memref<112x16xf32, #tpu.memory_space<vmem_shared>>)
      tpu.yield
    }) : () -> ()
    %eq3A = arith.constant 15 : i32
    %eq3A_49 = arith.cmpi eq, %arg1, %eq3A : i32
    %convert_element_type3A = arith.extui %eq3A_49 : i1 to i32
    %cond3A = arith.constant 0 : i32
    %cond3A_50 = arith.cmpi ne, %convert_element_type3A, %cond3A : i32
    scf.if %cond3A_50 {
      "tpu.region"() ({
        %run_scoped3A = tpu.sem_alloc : memref<!tpu.dma_semaphore, #tpu.memory_space<semaphore_mem>>
        %dma_start3A = arith.constant 0 : i32
        %dma_start3A_71 = arith.constant 0 : i32
        %dma_start3A_72 = tpu.memref_slice %arg10[%dma_start3A, %dma_start3A_71] : memref<128x128xf32, #tpu.memory_space<vmem>> -> memref<16x128xf32, #tpu.memory_space<vmem>>
        %dma_start3A_73 = arith.constant 9984 : i32
        %dma_start3A_74 = arith.constant 0 : i32
        %dma_start3A_75 = tpu.memref_slice %arg12[%dma_start3A_73, %dma_start3A_74] : memref<10000x128xf32, #tpu.memory_space<vmem_shared>> -> memref<16x128xf32, #tpu.memory_space<vmem_shared>>
        %dma_start3A_76 = arith.constant 9984 : i32
        %dma_start3A_77 = arith.constant 0 : i32
        %dma_start3A_78 = tpu.memref_slice %arg12[%dma_start3A_76, %dma_start3A_77] : memref<10000x128xf32, #tpu.memory_space<vmem_shared>> -> memref<16x128xf32, #tpu.memory_space<vmem_shared>>
        %dma_start3A_79 = arith.constant 0 : i32
        %dma_start3A_80 = arith.constant 0 : i32
        %dma_start3A_81 = tpu.memref_slice %arg10[%dma_start3A_79, %dma_start3A_80] : memref<128x128xf32, #tpu.memory_space<vmem>> -> memref<16x128xf32, #tpu.memory_space<vmem>>
        tpu.enqueue_dma source(%dma_start3A_81 : memref<16x128xf32, #tpu.memory_space<vmem>>) target(%dma_start3A_78 : memref<16x128xf32, #tpu.memory_space<vmem_shared>>) target_semaphore(%run_scoped3A : memref<!tpu.dma_semaphore, #tpu.memory_space<semaphore_mem>>)
        %dma_wait3A = arith.constant 0 : i32
        %dma_wait3A_82 = arith.constant 0 : i32
        %dma_wait3A_83 = tpu.memref_slice %arg10[%dma_wait3A, %dma_wait3A_82] : memref<128x128xf32, #tpu.memory_space<vmem>> -> memref<16x128xf32, #tpu.memory_space<vmem>>
        %dma_wait3A_84 = arith.constant 9984 : i32
        %dma_wait3A_85 = arith.constant 0 : i32
        %dma_wait3A_86 = tpu.memref_slice %arg12[%dma_wait3A_84, %dma_wait3A_85] : memref<10000x128xf32, #tpu.memory_space<vmem_shared>> -> memref<16x128xf32, #tpu.memory_space<vmem_shared>>
        %dma_wait3A_87 = arith.constant 9984 : i32
        %dma_wait3A_88 = arith.constant 0 : i32
        %dma_wait3A_89 = tpu.memref_slice %arg12[%dma_wait3A_87, %dma_wait3A_88] : memref<10000x128xf32, #tpu.memory_space<vmem_shared>> -> memref<16x128xf32, #tpu.memory_space<vmem_shared>>
        %dma_wait3A_90 = arith.constant 0 : i32
        %dma_wait3A_91 = arith.constant 0 : i32
        %dma_wait3A_92 = tpu.memref_slice %arg10[%dma_wait3A_90, %dma_wait3A_91] : memref<128x128xf32, #tpu.memory_space<vmem>> -> memref<16x128xf32, #tpu.memory_space<vmem>>
        tpu.wait_dma2 semaphore(%run_scoped3A : memref<!tpu.dma_semaphore, #tpu.memory_space<semaphore_mem>>) src(%dma_wait3A_92 : memref<16x128xf32, #tpu.memory_space<vmem>>) dst(%dma_wait3A_89 : memref<16x128xf32, #tpu.memory_space<vmem_shared>>)
        tpu.yield
      }) : () -> ()
      "tpu.region"() ({
        %run_scoped3A = tpu.sem_alloc : memref<!tpu.dma_semaphore, #tpu.memory_space<semaphore_mem>>
        %dma_start3A = arith.constant 0 : i32
        %dma_start3A_71 = arith.constant 0 : i32
        %dma_start3A_72 = tpu.memref_slice %arg11[%dma_start3A, %dma_start3A_71] : memref<128x16xf32, #tpu.memory_space<vmem>> -> memref<16x16xf32, #tpu.memory_space<vmem>>
        %dma_start3A_73 = arith.constant 9984 : i32
        %dma_start3A_74 = arith.constant 0 : i32
        %dma_start3A_75 = tpu.memref_slice %arg13[%dma_start3A_73, %dma_start3A_74] : memref<10000x16xf32, #tpu.memory_space<vmem_shared>> -> memref<16x16xf32, #tpu.memory_space<vmem_shared>>
        %dma_start3A_76 = arith.constant 9984 : i32
        %dma_start3A_77 = arith.constant 0 : i32
        %dma_start3A_78 = tpu.memref_slice %arg13[%dma_start3A_76, %dma_start3A_77] : memref<10000x16xf32, #tpu.memory_space<vmem_shared>> -> memref<16x16xf32, #tpu.memory_space<vmem_shared>>
        %dma_start3A_79 = arith.constant 0 : i32
        %dma_start3A_80 = arith.constant 0 : i32
        %dma_start3A_81 = tpu.memref_slice %arg11[%dma_start3A_79, %dma_start3A_80] : memref<128x16xf32, #tpu.memory_space<vmem>> -> memref<16x16xf32, #tpu.memory_space<vmem>>
        tpu.enqueue_dma source(%dma_start3A_81 : memref<16x16xf32, #tpu.memory_space<vmem>>) target(%dma_start3A_78 : memref<16x16xf32, #tpu.memory_space<vmem_shared>>) target_semaphore(%run_scoped3A : memref<!tpu.dma_semaphore, #tpu.memory_space<semaphore_mem>>)
        %dma_wait3A = arith.constant 0 : i32
        %dma_wait3A_82 = arith.constant 0 : i32
        %dma_wait3A_83 = tpu.memref_slice %arg11[%dma_wait3A, %dma_wait3A_82] : memref<128x16xf32, #tpu.memory_space<vmem>> -> memref<16x16xf32, #tpu.memory_space<vmem>>
        %dma_wait3A_84 = arith.constant 9984 : i32
        %dma_wait3A_85 = arith.constant 0 : i32
        %dma_wait3A_86 = tpu.memref_slice %arg13[%dma_wait3A_84, %dma_wait3A_85] : memref<10000x16xf32, #tpu.memory_space<vmem_shared>> -> memref<16x16xf32, #tpu.memory_space<vmem_shared>>
        %dma_wait3A_87 = arith.constant 9984 : i32
        %dma_wait3A_88 = arith.constant 0 : i32
        %dma_wait3A_89 = tpu.memref_slice %arg13[%dma_wait3A_87, %dma_wait3A_88] : memref<10000x16xf32, #tpu.memory_space<vmem_shared>> -> memref<16x16xf32, #tpu.memory_space<vmem_shared>>
        %dma_wait3A_90 = arith.constant 0 : i32
        %dma_wait3A_91 = arith.constant 0 : i32
        %dma_wait3A_92 = tpu.memref_slice %arg11[%dma_wait3A_90, %dma_wait3A_91] : memref<128x16xf32, #tpu.memory_space<vmem>> -> memref<16x16xf32, #tpu.memory_space<vmem>>
        tpu.wait_dma2 semaphore(%run_scoped3A : memref<!tpu.dma_semaphore, #tpu.memory_space<semaphore_mem>>) src(%dma_wait3A_92 : memref<16x16xf32, #tpu.memory_space<vmem>>) dst(%dma_wait3A_89 : memref<16x16xf32, #tpu.memory_space<vmem_shared>>)
        tpu.yield
      }) : () -> ()
    } else {
    }
    %barrier3A = arith.constant 0 : index
    tpu.barrier barrier_id(%barrier3A)
    %scan3A_51 = arith.constant 0 : i32
    %scan3A_52 = arith.constant 0 : i32
    %scan3A_53 = arith.constant 81 : i32
    %scan3A_54 = arith.addi %scan3A_52, %scan3A_53 : i32
    %scan3A_55 = arith.constant 1 : i32
    scf.for %scan3A_71 = %scan3A_52 to %scan3A_54 step %scan3A_55  : i32 {
      %mul3A_72 = arith.constant 128 : i32
      %mul3A_73 = arith.muli %scan3A_71, %mul3A_72 : i32
      %add3A_74 = arith.addi %mul3A_2, %mul3A_73 : i32
      "tpu.region"() ({
        %run_scoped3A = tpu.sem_alloc : memref<!tpu.dma_semaphore, #tpu.memory_space<semaphore_mem>>
        %dma_start3A_85 = tpu.memref_slice %arg2[%add3A_74] : memref<331776xi32, #tpu.memory_space<hbm>> -> memref<128xi32, #tpu.memory_space<hbm>>
        %dma_start3A_86 = tpu.memref_slice %arg2[%add3A_74] : memref<331776xi32, #tpu.memory_space<hbm>> -> memref<128xi32, #tpu.memory_space<hbm>>
        tpu.enqueue_dma source(%dma_start3A_86 : memref<128xi32, #tpu.memory_space<hbm>>) target(%arg8 : memref<128xi32, #tpu.memory_space<vmem>>) target_semaphore(%run_scoped3A : memref<!tpu.dma_semaphore, #tpu.memory_space<semaphore_mem>>)
        %dma_wait3A_87 = tpu.memref_slice %arg2[%add3A_74] : memref<331776xi32, #tpu.memory_space<hbm>> -> memref<128xi32, #tpu.memory_space<hbm>>
        %dma_wait3A_88 = tpu.memref_slice %arg2[%add3A_74] : memref<331776xi32, #tpu.memory_space<hbm>> -> memref<128xi32, #tpu.memory_space<hbm>>
        tpu.wait_dma2 semaphore(%run_scoped3A : memref<!tpu.dma_semaphore, #tpu.memory_space<semaphore_mem>>) src(%dma_wait3A_88 : memref<128xi32, #tpu.memory_space<hbm>>) dst(%arg8 : memref<128xi32, #tpu.memory_space<vmem>>)
        tpu.yield
      }) : () -> ()
      "tpu.region"() ({
        %run_scoped3A = tpu.sem_alloc : memref<!tpu.dma_semaphore, #tpu.memory_space<semaphore_mem>>
        %dma_start3A_85 = tpu.memref_slice %arg3[%add3A_74] : memref<331776xi32, #tpu.memory_space<hbm>> -> memref<128xi32, #tpu.memory_space<hbm>>
        %dma_start3A_86 = tpu.memref_slice %arg3[%add3A_74] : memref<331776xi32, #tpu.memory_space<hbm>> -> memref<128xi32, #tpu.memory_space<hbm>>
        tpu.enqueue_dma source(%dma_start3A_86 : memref<128xi32, #tpu.memory_space<hbm>>) target(%arg9 : memref<128xi32, #tpu.memory_space<vmem>>) target_semaphore(%run_scoped3A : memref<!tpu.dma_semaphore, #tpu.memory_space<semaphore_mem>>)
        %dma_wait3A_87 = tpu.memref_slice %arg3[%add3A_74] : memref<331776xi32, #tpu.memory_space<hbm>> -> memref<128xi32, #tpu.memory_space<hbm>>
        %dma_wait3A_88 = tpu.memref_slice %arg3[%add3A_74] : memref<331776xi32, #tpu.memory_space<hbm>> -> memref<128xi32, #tpu.memory_space<hbm>>
        tpu.wait_dma2 semaphore(%run_scoped3A : memref<!tpu.dma_semaphore, #tpu.memory_space<semaphore_mem>>) src(%dma_wait3A_88 : memref<128xi32, #tpu.memory_space<hbm>>) dst(%arg9 : memref<128xi32, #tpu.memory_space<vmem>>)
        tpu.yield
      }) : () -> ()
      %dma_start3A = arith.constant 0 : i32
      %dma_start3A_75 = arith.constant 0 : i32
      %dma_start3A_76 = tpu.memref_slice %arg4[%dma_start3A, %dma_start3A_75] : memref<10000x128xf32, #tpu.memory_space<hbm>> -> memref<10000x128xf32, #tpu.memory_space<hbm>>
      tpu.enqueue_indirect_dma source(%dma_start3A_76 : memref<10000x128xf32, #tpu.memory_space<hbm>>) target(%arg10 : memref<128x128xf32, #tpu.memory_space<vmem>>) offsets(%arg8 : memref<128xi32, #tpu.memory_space<vmem>>) semaphore(%arg14 : memref<!tpu.dma_semaphore, #tpu.memory_space<semaphore_mem>>)
      "tpu.region"() ({
        %run_scoped3A = tpu.sem_alloc : memref<!tpu.dma_semaphore, #tpu.memory_space<semaphore_mem>>
        %dma_start3A_85 = arith.constant 0 : i32
        %dma_start3A_86 = tpu.memref_slice %arg5[%add3A_74, %dma_start3A_85] : memref<331776x16xf32, #tpu.memory_space<hbm>> -> memref<128x16xf32, #tpu.memory_space<hbm>>
        %dma_start3A_87 = arith.constant 0 : i32
        %dma_start3A_88 = tpu.memref_slice %arg5[%add3A_74, %dma_start3A_87] : memref<331776x16xf32, #tpu.memory_space<hbm>> -> memref<128x16xf32, #tpu.memory_space<hbm>>
        tpu.enqueue_dma source(%dma_start3A_88 : memref<128x16xf32, #tpu.memory_space<hbm>>) target(%arg11 : memref<128x16xf32, #tpu.memory_space<vmem>>) target_semaphore(%run_scoped3A : memref<!tpu.dma_semaphore, #tpu.memory_space<semaphore_mem>>)
        %dma_wait3A_89 = arith.constant 0 : i32
        %dma_wait3A_90 = tpu.memref_slice %arg5[%add3A_74, %dma_wait3A_89] : memref<331776x16xf32, #tpu.memory_space<hbm>> -> memref<128x16xf32, #tpu.memory_space<hbm>>
        %dma_wait3A_91 = arith.constant 0 : i32
        %dma_wait3A_92 = tpu.memref_slice %arg5[%add3A_74, %dma_wait3A_91] : memref<331776x16xf32, #tpu.memory_space<hbm>> -> memref<128x16xf32, #tpu.memory_space<hbm>>
        tpu.wait_dma2 semaphore(%run_scoped3A : memref<!tpu.dma_semaphore, #tpu.memory_space<semaphore_mem>>) src(%dma_wait3A_92 : memref<128x16xf32, #tpu.memory_space<hbm>>) dst(%arg11 : memref<128x16xf32, #tpu.memory_space<vmem>>)
        tpu.yield
      }) : () -> ()
      %dma_wait3A = arith.constant 0 : i32
      %dma_wait3A_77 = arith.constant 0 : i32
      %dma_wait3A_78 = tpu.memref_slice %arg4[%dma_wait3A, %dma_wait3A_77] : memref<10000x128xf32, #tpu.memory_space<hbm>> -> memref<10000x128xf32, #tpu.memory_space<hbm>>
      tpu.wait_indirect_dma semaphore(%arg14 : memref<!tpu.dma_semaphore, #tpu.memory_space<semaphore_mem>>) src(%dma_wait3A_78 : memref<10000x128xf32, #tpu.memory_space<hbm>>) dst(%arg10 : memref<128x128xf32, #tpu.memory_space<vmem>>)
      %scan3A_79 = arith.constant 0 : i32
      %scan3A_80 = arith.constant 0 : i32
      %scan3A_81 = arith.constant 128 : i32
      %scan3A_82 = arith.addi %scan3A_80, %scan3A_81 : i32
      %scan3A_83 = arith.constant 1 : i32
      scf.for %scan3A_85 = %scan3A_80 to %scan3A_82 step %scan3A_83  : i32 {
        %get3A = arith.index_cast %scan3A_85 : i32 to index
        %get3A_86 = arith.constant 0 : index
        %get3A_87 = tpu.vector_load %arg11[%get3A, %get3A_86] {strides = array<i32>} : memref<128x16xf32, #tpu.memory_space<vmem>>, vector<1x16xf32>,
        %get3A_88 = vector.shape_cast %get3A_87 : vector<1x16xf32> to vector<16xf32>
        %slice3A = vector.extract_strided_slice %get3A_88 {offsets = [0], sizes = [1], strides = [1]} : vector<16xf32> to vector<1xf32>
        %squeeze3A = vector.extract %slice3A[0] : f32 from vector<1xf32>
        %get3A_89 = arith.index_cast %scan3A_85 : i32 to index
        %get3A_90 = arith.constant 0 : index
        %get3A_91 = tpu.vector_load %arg10[%get3A_89, %get3A_90] {strides = array<i32>} : memref<128x128xf32, #tpu.memory_space<vmem>>, vector<1x16xf32>,
        %get3A_92 = vector.shape_cast %get3A_91 : vector<1x16xf32> to vector<16xf32>
        %mul3A_93 = vector.broadcast %squeeze3A : f32 to vector<16xf32>
        %mul3A_94 = arith.mulf %get3A_92, %mul3A_93 : vector<16xf32>
        %swap3A = arith.index_cast %scan3A_85 : i32 to index
        %swap3A_95 = arith.constant 0 : index
        %swap3A_96 = tpu.vector_load %arg10[%swap3A, %swap3A_95] {strides = array<i32>} : memref<128x128xf32, #tpu.memory_space<vmem>>, vector<1x16xf32>,
        %swap3A_97 = vector.shape_cast %swap3A_96 : vector<1x16xf32> to vector<16xf32>
        %swap3A_98 = vector.shape_cast %mul3A_94 : vector<16xf32> to vector<1x16xf32>
        tpu.vector_store %arg10[%swap3A, %swap3A_95], %swap3A_98 {strides = array<i32>} : memref<128x128xf32, #tpu.memory_space<vmem>>, vector<1x16xf32>,
        %get3A_99 = arith.index_cast %scan3A_85 : i32 to index
        %get3A_100 = arith.constant 16 : index
        %get3A_101 = tpu.vector_load %arg10[%get3A_99, %get3A_100] {strides = array<i32>} : memref<128x128xf32, #tpu.memory_space<vmem>>, vector<1x16xf32>,
        %get3A_102 = vector.shape_cast %get3A_101 : vector<1x16xf32> to vector<16xf32>
        %mul3A_103 = vector.broadcast %squeeze3A : f32 to vector<16xf32>
        %mul3A_104 = arith.mulf %get3A_102, %mul3A_103 : vector<16xf32>
        %swap3A_105 = arith.index_cast %scan3A_85 : i32 to index
        %swap3A_106 = arith.constant 16 : index
        %swap3A_107 = tpu.vector_load %arg10[%swap3A_105, %swap3A_106] {strides = array<i32>} : memref<128x128xf32, #tpu.memory_space<vmem>>, vector<1x16xf32>,
        %swap3A_108 = vector.shape_cast %swap3A_107 : vector<1x16xf32> to vector<16xf32>
        %swap3A_109 = vector.shape_cast %mul3A_104 : vector<16xf32> to vector<1x16xf32>
        tpu.vector_store %arg10[%swap3A_105, %swap3A_106], %swap3A_109 {strides = array<i32>} : memref<128x128xf32, #tpu.memory_space<vmem>>, vector<1x16xf32>,
        %slice3A_110 = vector.extract_strided_slice %get3A_88 {offsets = [1], sizes = [1], strides = [1]} : vector<16xf32> to vector<1xf32>
        %squeeze3A_111 = vector.extract %slice3A_110[0] : f32 from vector<1xf32>
        %get3A_112 = arith.index_cast %scan3A_85 : i32 to index
        %get3A_113 = arith.constant 32 : index
        %get3A_114 = tpu.vector_load %arg10[%get3A_112, %get3A_113] {strides = array<i32>} : memref<128x128xf32, #tpu.memory_space<vmem>>, vector<1x16xf32>,
        %get3A_115 = vector.shape_cast %get3A_114 : vector<1x16xf32> to vector<16xf32>
        %mul3A_116 = vector.broadcast %squeeze3A_111 : f32 to vector<16xf32>
        %mul3A_117 = arith.mulf %get3A_115, %mul3A_116 : vector<16xf32>
        %swap3A_118 = arith.index_cast %scan3A_85 : i32 to index
        %swap3A_119 = arith.constant 32 : index
        %swap3A_120 = tpu.vector_load %arg10[%swap3A_118, %swap3A_119] {strides = array<i32>} : memref<128x128xf32, #tpu.memory_space<vmem>>, vector<1x16xf32>,
        %swap3A_121 = vector.shape_cast %swap3A_120 : vector<1x16xf32> to vector<16xf32>
        %swap3A_122 = vector.shape_cast %mul3A_117 : vector<16xf32> to vector<1x16xf32>
        tpu.vector_store %arg10[%swap3A_118, %swap3A_119], %swap3A_122 {strides = array<i32>} : memref<128x128xf32, #tpu.memory_space<vmem>>, vector<1x16xf32>,
        %get3A_123 = arith.index_cast %scan3A_85 : i32 to index
        %get3A_124 = arith.constant 48 : index
        %get3A_125 = tpu.vector_load %arg10[%get3A_123, %get3A_124] {strides = array<i32>} : memref<128x128xf32, #tpu.memory_space<vmem>>, vector<1x16xf32>,
        %get3A_126 = vector.shape_cast %get3A_125 : vector<1x16xf32> to vector<16xf32>
        %mul3A_127 = vector.broadcast %squeeze3A_111 : f32 to vector<16xf32>
        %mul3A_128 = arith.mulf %get3A_126, %mul3A_127 : vector<16xf32>
        %swap3A_129 = arith.index_cast %scan3A_85 : i32 to index
        %swap3A_130 = arith.constant 48 : index
        %swap3A_131 = tpu.vector_load %arg10[%swap3A_129, %swap3A_130] {strides = array<i32>} : memref<128x128xf32, #tpu.memory_space<vmem>>, vector<1x16xf32>,
        %swap3A_132 = vector.shape_cast %swap3A_131 : vector<1x16xf32> to vector<16xf32>
        %swap3A_133 = vector.shape_cast %mul3A_128 : vector<16xf32> to vector<1x16xf32>
        tpu.vector_store %arg10[%swap3A_129, %swap3A_130], %swap3A_133 {strides = array<i32>} : memref<128x128xf32, #tpu.memory_space<vmem>>, vector<1x16xf32>,
        %slice3A_134 = vector.extract_strided_slice %get3A_88 {offsets = [2], sizes = [1], strides = [1]} : vector<16xf32> to vector<1xf32>
        %squeeze3A_135 = vector.extract %slice3A_134[0] : f32 from vector<1xf32>
        %get3A_136 = arith.index_cast %scan3A_85 : i32 to index
        %get3A_137 = arith.constant 64 : index
        %get3A_138 = tpu.vector_load %arg10[%get3A_136, %get3A_137] {strides = array<i32>} : memref<128x128xf32, #tpu.memory_space<vmem>>, vector<1x16xf32>,
        %get3A_139 = vector.shape_cast %get3A_138 : vector<1x16xf32> to vector<16xf32>
        %mul3A_140 = vector.broadcast %squeeze3A_135 : f32 to vector<16xf32>
        %mul3A_141 = arith.mulf %get3A_139, %mul3A_140 : vector<16xf32>
        %swap3A_142 = arith.index_cast %scan3A_85 : i32 to index
        %swap3A_143 = arith.constant 64 : index
        %swap3A_144 = tpu.vector_load %arg10[%swap3A_142, %swap3A_143] {strides = array<i32>} : memref<128x128xf32, #tpu.memory_space<vmem>>, vector<1x16xf32>,
        %swap3A_145 = vector.shape_cast %swap3A_144 : vector<1x16xf32> to vector<16xf32>
        %swap3A_146 = vector.shape_cast %mul3A_141 : vector<16xf32> to vector<1x16xf32>
        tpu.vector_store %arg10[%swap3A_142, %swap3A_143], %swap3A_146 {strides = array<i32>} : memref<128x128xf32, #tpu.memory_space<vmem>>, vector<1x16xf32>,
        %get3A_147 = arith.index_cast %scan3A_85 : i32 to index
        %get3A_148 = arith.constant 80 : index
        %get3A_149 = tpu.vector_load %arg10[%get3A_147, %get3A_148] {strides = array<i32>} : memref<128x128xf32, #tpu.memory_space<vmem>>, vector<1x16xf32>,
        %get3A_150 = vector.shape_cast %get3A_149 : vector<1x16xf32> to vector<16xf32>
        %mul3A_151 = vector.broadcast %squeeze3A_135 : f32 to vector<16xf32>
        %mul3A_152 = arith.mulf %get3A_150, %mul3A_151 : vector<16xf32>
        %swap3A_153 = arith.index_cast %scan3A_85 : i32 to index
        %swap3A_154 = arith.constant 80 : index
        %swap3A_155 = tpu.vector_load %arg10[%swap3A_153, %swap3A_154] {strides = array<i32>} : memref<128x128xf32, #tpu.memory_space<vmem>>, vector<1x16xf32>,
        %swap3A_156 = vector.shape_cast %swap3A_155 : vector<1x16xf32> to vector<16xf32>
        %swap3A_157 = vector.shape_cast %mul3A_152 : vector<16xf32> to vector<1x16xf32>
        tpu.vector_store %arg10[%swap3A_153, %swap3A_154], %swap3A_157 {strides = array<i32>} : memref<128x128xf32, #tpu.memory_space<vmem>>, vector<1x16xf32>,
        %slice3A_158 = vector.extract_strided_slice %get3A_88 {offsets = [3], sizes = [1], strides = [1]} : vector<16xf32> to vector<1xf32>
        %squeeze3A_159 = vector.extract %slice3A_158[0] : f32 from vector<1xf32>
        %get3A_160 = arith.index_cast %scan3A_85 : i32 to index
        %get3A_161 = arith.constant 96 : index
        %get3A_162 = tpu.vector_load %arg10[%get3A_160, %get3A_161] {strides = array<i32>} : memref<128x128xf32, #tpu.memory_space<vmem>>, vector<1x16xf32>,
        %get3A_163 = vector.shape_cast %get3A_162 : vector<1x16xf32> to vector<16xf32>
        %mul3A_164 = vector.broadcast %squeeze3A_159 : f32 to vector<16xf32>
        %mul3A_165 = arith.mulf %get3A_163, %mul3A_164 : vector<16xf32>
        %swap3A_166 = arith.index_cast %scan3A_85 : i32 to index
        %swap3A_167 = arith.constant 96 : index
        %swap3A_168 = tpu.vector_load %arg10[%swap3A_166, %swap3A_167] {strides = array<i32>} : memref<128x128xf32, #tpu.memory_space<vmem>>, vector<1x16xf32>,
        %swap3A_169 = vector.shape_cast %swap3A_168 : vector<1x16xf32> to vector<16xf32>
        %swap3A_170 = vector.shape_cast %mul3A_165 : vector<16xf32> to vector<1x16xf32>
        tpu.vector_store %arg10[%swap3A_166, %swap3A_167], %swap3A_170 {strides = array<i32>} : memref<128x128xf32, #tpu.memory_space<vmem>>, vector<1x16xf32>,
        %get3A_171 = arith.index_cast %scan3A_85 : i32 to index
        %get3A_172 = arith.constant 112 : index
        %get3A_173 = tpu.vector_load %arg10[%get3A_171, %get3A_172] {strides = array<i32>} : memref<128x128xf32, #tpu.memory_space<vmem>>, vector<1x16xf32>,
        %get3A_174 = vector.shape_cast %get3A_173 : vector<1x16xf32> to vector<16xf32>
        %mul3A_175 = vector.broadcast %squeeze3A_159 : f32 to vector<16xf32>
        %mul3A_176 = arith.mulf %get3A_174, %mul3A_175 : vector<16xf32>
        %swap3A_177 = arith.index_cast %scan3A_85 : i32 to index
        %swap3A_178 = arith.constant 112 : index
        %swap3A_179 = tpu.vector_load %arg10[%swap3A_177, %swap3A_178] {strides = array<i32>} : memref<128x128xf32, #tpu.memory_space<vmem>>, vector<1x16xf32>,
        %swap3A_180 = vector.shape_cast %swap3A_179 : vector<1x16xf32> to vector<16xf32>
        %swap3A_181 = vector.shape_cast %mul3A_176 : vector<16xf32> to vector<1x16xf32>
        tpu.vector_store %arg10[%swap3A_177, %swap3A_178], %swap3A_181 {strides = array<i32>} : memref<128x128xf32, #tpu.memory_space<vmem>>, vector<1x16xf32>,
      }
      %scan3A_84 = arith.constant 128 : i32
      "tpu.region"() ({
        %run_scoped3A = tpu.sem_alloc : memref<!tpu.dma_semaphore, #tpu.memory_space<semaphore_mem>>
        %dma_start3A_85 = arith.constant 0 : i32
        %dma_start3A_86 = arith.constant 0 : i32
        %dma_start3A_87 = tpu.memref_slice %arg12[%dma_start3A_85, %dma_start3A_86] : memref<10000x128xf32, #tpu.memory_space<vmem_shared>> -> memref<10000x128xf32, #tpu.memory_space<vmem_shared>>
        tpu.enqueue_indirect_dma source(%arg10 : memref<128x128xf32, #tpu.memory_space<vmem>>) target(%dma_start3A_87 : memref<10000x128xf32, #tpu.memory_space<vmem_shared>>) offsets(%arg9 : memref<128xi32, #tpu.memory_space<vmem>>) semaphore(%run_scoped3A : memref<!tpu.dma_semaphore, #tpu.memory_space<semaphore_mem>>) {add = true}
        %dma_wait3A_88 = arith.constant 0 : i32
        %dma_wait3A_89 = arith.constant 0 : i32
        %dma_wait3A_90 = tpu.memref_slice %arg12[%dma_wait3A_88, %dma_wait3A_89] : memref<10000x128xf32, #tpu.memory_space<vmem_shared>> -> memref<10000x128xf32, #tpu.memory_space<vmem_shared>>
        tpu.wait_indirect_dma semaphore(%run_scoped3A : memref<!tpu.dma_semaphore, #tpu.memory_space<semaphore_mem>>) src(%arg10 : memref<128x128xf32, #tpu.memory_space<vmem>>) dst(%dma_wait3A_90 : memref<10000x128xf32, #tpu.memory_space<vmem_shared>>)
        tpu.yield
      }) : () -> ()
      "tpu.region"() ({
        %run_scoped3A = tpu.sem_alloc : memref<!tpu.dma_semaphore, #tpu.memory_space<semaphore_mem>>
        %dma_start3A_85 = arith.constant 0 : i32
        %dma_start3A_86 = arith.constant 0 : i32
        %dma_start3A_87 = tpu.memref_slice %arg13[%dma_start3A_85, %dma_start3A_86] : memref<10000x16xf32, #tpu.memory_space<vmem_shared>> -> memref<10000x16xf32, #tpu.memory_space<vmem_shared>>
        tpu.enqueue_indirect_dma source(%arg11 : memref<128x16xf32, #tpu.memory_space<vmem>>) target(%dma_start3A_87 : memref<10000x16xf32, #tpu.memory_space<vmem_shared>>) offsets(%arg9 : memref<128xi32, #tpu.memory_space<vmem>>) semaphore(%run_scoped3A : memref<!tpu.dma_semaphore, #tpu.memory_space<semaphore_mem>>) {add = true}
        %dma_wait3A_88 = arith.constant 0 : i32
        %dma_wait3A_89 = arith.constant 0 : i32
        %dma_wait3A_90 = tpu.memref_slice %arg13[%dma_wait3A_88, %dma_wait3A_89] : memref<10000x16xf32, #tpu.memory_space<vmem_shared>> -> memref<10000x16xf32, #tpu.memory_space<vmem_shared>>
        tpu.wait_indirect_dma semaphore(%run_scoped3A : memref<!tpu.dma_semaphore, #tpu.memory_space<semaphore_mem>>) src(%arg11 : memref<128x16xf32, #tpu.memory_space<vmem>>) dst(%dma_wait3A_90 : memref<10000x16xf32, #tpu.memory_space<vmem_shared>>)
        tpu.yield
      }) : () -> ()
    }
    %scan3A_56 = arith.constant 81 : i32
    %barrier3A_57 = arith.constant 0 : index
    tpu.barrier barrier_id(%barrier3A_57)
    %mul3A_58 = arith.constant 624 : i32
    %mul3A_59 = arith.muli %arg1, %mul3A_58 : i32
    %mul3A_60 = arith.constant 624 : i32
    %mul3A_61 = arith.muli %arg1, %mul3A_60 : i32
    "tpu.region"() ({
      %run_scoped3A = tpu.sem_alloc : memref<!tpu.dma_semaphore, #tpu.memory_space<semaphore_mem>>
      %dma_start3A = arith.constant 0 : i32
      %dma_start3A_71 = tpu.memref_slice %arg6[%arg0, %mul3A_61, %dma_start3A] : memref<2x10000x128xf32, #tpu.memory_space<hbm>> -> memref<1x624x128xf32, #tpu.memory_space<hbm>>
      %dma_start3A_72 = tpu.memref_squeeze %dma_start3A_71 : memref<1x624x128xf32, #tpu.memory_space<hbm>> -> memref<624x128xf32, #tpu.memory_space<hbm>>
      %dma_start3A_73 = arith.constant 0 : i32
      %dma_start3A_74 = tpu.memref_slice %arg12[%mul3A_59, %dma_start3A_73] : memref<10000x128xf32, #tpu.memory_space<vmem_shared>> -> memref<624x128xf32, #tpu.memory_space<vmem_shared>>
      tpu.enqueue_dma source(%dma_start3A_74 : memref<624x128xf32, #tpu.memory_space<vmem_shared>>) target(%dma_start3A_72 : memref<624x128xf32, #tpu.memory_space<hbm>>) target_semaphore(%run_scoped3A : memref<!tpu.dma_semaphore, #tpu.memory_space<semaphore_mem>>)
      %dma_wait3A = arith.constant 0 : i32
      %dma_wait3A_75 = tpu.memref_slice %arg6[%arg0, %mul3A_61, %dma_wait3A] : memref<2x10000x128xf32, #tpu.memory_space<hbm>> -> memref<1x624x128xf32, #tpu.memory_space<hbm>>
      %dma_wait3A_76 = tpu.memref_squeeze %dma_wait3A_75 : memref<1x624x128xf32, #tpu.memory_space<hbm>> -> memref<624x128xf32, #tpu.memory_space<hbm>>
      %dma_wait3A_77 = arith.constant 0 : i32
      %dma_wait3A_78 = tpu.memref_slice %arg12[%mul3A_59, %dma_wait3A_77] : memref<10000x128xf32, #tpu.memory_space<vmem_shared>> -> memref<624x128xf32, #tpu.memory_space<vmem_shared>>
      tpu.wait_dma2 semaphore(%run_scoped3A : memref<!tpu.dma_semaphore, #tpu.memory_space<semaphore_mem>>) src(%dma_wait3A_78 : memref<624x128xf32, #tpu.memory_space<vmem_shared>>) dst(%dma_wait3A_76 : memref<624x128xf32, #tpu.memory_space<hbm>>)
      tpu.yield
    }) : () -> ()
    %mul3A_62 = arith.constant 624 : i32
    %mul3A_63 = arith.muli %arg1, %mul3A_62 : i32
    %mul3A_64 = arith.constant 624 : i32
    %mul3A_65 = arith.muli %arg1, %mul3A_64 : i32
    "tpu.region"() ({
      %run_scoped3A = tpu.sem_alloc : memref<!tpu.dma_semaphore, #tpu.memory_space<semaphore_mem>>
      %dma_start3A = arith.constant 0 : i32
      %dma_start3A_71 = tpu.memref_slice %arg7[%arg0, %mul3A_65, %dma_start3A] : memref<2x10000x16xf32, #tpu.memory_space<hbm>> -> memref<1x624x16xf32, #tpu.memory_space<hbm>>
      %dma_start3A_72 = tpu.memref_squeeze %dma_start3A_71 : memref<1x624x16xf32, #tpu.memory_space<hbm>> -> memref<624x16xf32, #tpu.memory_space<hbm>>
      %dma_start3A_73 = arith.constant 0 : i32
      %dma_start3A_74 = tpu.memref_slice %arg13[%mul3A_63, %dma_start3A_73] : memref<10000x16xf32, #tpu.memory_space<vmem_shared>> -> memref<624x16xf32, #tpu.memory_space<vmem_shared>>
      tpu.enqueue_dma source(%dma_start3A_74 : memref<624x16xf32, #tpu.memory_space<vmem_shared>>) target(%dma_start3A_72 : memref<624x16xf32, #tpu.memory_space<hbm>>) target_semaphore(%run_scoped3A : memref<!tpu.dma_semaphore, #tpu.memory_space<semaphore_mem>>)
      %dma_wait3A = arith.constant 0 : i32
      %dma_wait3A_75 = tpu.memref_slice %arg7[%arg0, %mul3A_65, %dma_wait3A] : memref<2x10000x16xf32, #tpu.memory_space<hbm>> -> memref<1x624x16xf32, #tpu.memory_space<hbm>>
      %dma_wait3A_76 = tpu.memref_squeeze %dma_wait3A_75 : memref<1x624x16xf32, #tpu.memory_space<hbm>> -> memref<624x16xf32, #tpu.memory_space<hbm>>
      %dma_wait3A_77 = arith.constant 0 : i32
      %dma_wait3A_78 = tpu.memref_slice %arg13[%mul3A_63, %dma_wait3A_77] : memref<10000x16xf32, #tpu.memory_space<vmem_shared>> -> memref<624x16xf32, #tpu.memory_space<vmem_shared>>
      tpu.wait_dma2 semaphore(%run_scoped3A : memref<!tpu.dma_semaphore, #tpu.memory_space<semaphore_mem>>) src(%dma_wait3A_78 : memref<624x16xf32, #tpu.memory_space<vmem_shared>>) dst(%dma_wait3A_76 : memref<624x16xf32, #tpu.memory_space<hbm>>)
      tpu.yield
    }) : () -> ()
    %eq3A_66 = arith.constant 15 : i32
    %eq3A_67 = arith.cmpi eq, %arg1, %eq3A_66 : i32
    %convert_element_type3A_68 = arith.extui %eq3A_67 : i1 to i32
    %cond3A_69 = arith.constant 0 : i32
    %cond3A_70 = arith.cmpi ne, %convert_element_type3A_68, %cond3A_69 : i32
    scf.if %cond3A_70 {
      "tpu.region"() ({
        %run_scoped3A = tpu.sem_alloc : memref<!tpu.dma_semaphore, #tpu.memory_space<semaphore_mem>>
        %dma_start3A = arith.constant 9984 : i32
        %dma_start3A_71 = arith.constant 0 : i32
        %dma_start3A_72 = tpu.memref_slice %arg6[%arg0, %dma_start3A, %dma_start3A_71] : memref<2x10000x128xf32, #tpu.memory_space<hbm>> -> memref<1x16x128xf32, #tpu.memory_space<hbm>>
        %dma_start3A_73 = tpu.memref_squeeze %dma_start3A_72 : memref<1x16x128xf32, #tpu.memory_space<hbm>> -> memref<16x128xf32, #tpu.memory_space<hbm>>
        %dma_start3A_74 = arith.constant 9984 : i32
        %dma_start3A_75 = arith.constant 0 : i32
        %dma_start3A_76 = tpu.memref_slice %arg12[%dma_start3A_74, %dma_start3A_75] : memref<10000x128xf32, #tpu.memory_space<vmem_shared>> -> memref<16x128xf32, #tpu.memory_space<vmem_shared>>
        tpu.enqueue_dma source(%dma_start3A_76 : memref<16x128xf32, #tpu.memory_space<vmem_shared>>) target(%dma_start3A_73 : memref<16x128xf32, #tpu.memory_space<hbm>>) target_semaphore(%run_scoped3A : memref<!tpu.dma_semaphore, #tpu.memory_space<semaphore_mem>>)
        %dma_wait3A = arith.constant 9984 : i32
        %dma_wait3A_77 = arith.constant 0 : i32
        %dma_wait3A_78 = tpu.memref_slice %arg6[%arg0, %dma_wait3A, %dma_wait3A_77] : memref<2x10000x128xf32, #tpu.memory_space<hbm>> -> memref<1x16x128xf32, #tpu.memory_space<hbm>>
        %dma_wait3A_79 = tpu.memref_squeeze %dma_wait3A_78 : memref<1x16x128xf32, #tpu.memory_space<hbm>> -> memref<16x128xf32, #tpu.memory_space<hbm>>
        %dma_wait3A_80 = arith.constant 9984 : i32
        %dma_wait3A_81 = arith.constant 0 : i32
        %dma_wait3A_82 = tpu.memref_slice %arg12[%dma_wait3A_80, %dma_wait3A_81] : memref<10000x128xf32, #tpu.memory_space<vmem_shared>> -> memref<16x128xf32, #tpu.memory_space<vmem_shared>>
        tpu.wait_dma2 semaphore(%run_scoped3A : memref<!tpu.dma_semaphore, #tpu.memory_space<semaphore_mem>>) src(%dma_wait3A_82 : memref<16x128xf32, #tpu.memory_space<vmem_shared>>) dst(%dma_wait3A_79 : memref<16x128xf32, #tpu.memory_space<hbm>>)
        tpu.yield
      }) : () -> ()
      "tpu.region"() ({
        %run_scoped3A = tpu.sem_alloc : memref<!tpu.dma_semaphore, #tpu.memory_space<semaphore_mem>>
        %dma_start3A = arith.constant 9984 : i32
        %dma_start3A_71 = arith.constant 0 : i32
        %dma_start3A_72 = tpu.memref_slice %arg7[%arg0, %dma_start3A, %dma_start3A_71] : memref<2x10000x16xf32, #tpu.memory_space<hbm>> -> memref<1x16x16xf32, #tpu.memory_space<hbm>>
        %dma_start3A_73 = tpu.memref_squeeze %dma_start3A_72 : memref<1x16x16xf32, #tpu.memory_space<hbm>> -> memref<16x16xf32, #tpu.memory_space<hbm>>
        %dma_start3A_74 = arith.constant 9984 : i32
        %dma_start3A_75 = arith.constant 0 : i32
        %dma_start3A_76 = tpu.memref_slice %arg13[%dma_start3A_74, %dma_start3A_75] : memref<10000x16xf32, #tpu.memory_space<vmem_shared>> -> memref<16x16xf32, #tpu.memory_space<vmem_shared>>
        tpu.enqueue_dma source(%dma_start3A_76 : memref<16x16xf32, #tpu.memory_space<vmem_shared>>) target(%dma_start3A_73 : memref<16x16xf32, #tpu.memory_space<hbm>>) target_semaphore(%run_scoped3A : memref<!tpu.dma_semaphore, #tpu.memory_space<semaphore_mem>>)
        %dma_wait3A = arith.constant 9984 : i32
        %dma_wait3A_77 = arith.constant 0 : i32
        %dma_wait3A_78 = tpu.memref_slice %arg7[%arg0, %dma_wait3A, %dma_wait3A_77] : memref<2x10000x16xf32, #tpu.memory_space<hbm>> -> memref<1x16x16xf32, #tpu.memory_space<hbm>>
        %dma_wait3A_79 = tpu.memref_squeeze %dma_wait3A_78 : memref<1x16x16xf32, #tpu.memory_space<hbm>> -> memref<16x16xf32, #tpu.memory_space<hbm>>
        %dma_wait3A_80 = arith.constant 9984 : i32
        %dma_wait3A_81 = arith.constant 0 : i32
        %dma_wait3A_82 = tpu.memref_slice %arg13[%dma_wait3A_80, %dma_wait3A_81] : memref<10000x16xf32, #tpu.memory_space<vmem_shared>> -> memref<16x16xf32, #tpu.memory_space<vmem_shared>>
        tpu.wait_dma2 semaphore(%run_scoped3A : memref<!tpu.dma_semaphore, #tpu.memory_space<semaphore_mem>>) src(%dma_wait3A_82 : memref<16x16xf32, #tpu.memory_space<vmem_shared>>) dst(%dma_wait3A_79 : memref<16x16xf32, #tpu.memory_space<hbm>>)
        tpu.yield
      }) : () -> ()
    } else {
    }
    return
  }
}

#map = affine_map<(d0, d1) -> (0)>
#map1 = affine_map<(d0, d1) -> (0, 0)>
module attributes {stable_mosaic.version = 14 : i64} {
  func.func @k(%arg0: i32, %arg1: i32, %arg2: memref<331776xi32, #tpu.memory_space<hbm>>, %arg3: memref<331776xi32, #tpu.memory_space<hbm>>, %arg4: memref<10000x128xf32, #tpu.memory_space<hbm>>, %arg5: memref<10000x128xf32, #tpu.memory_space<hbm>>, %arg6: memref<331776x128xf32, #tpu.memory_space<hbm>>, %arg7: memref<2x128xi32, #tpu.memory_space<vmem>>, %arg8: memref<2x128xi32, #tpu.memory_space<vmem>>, %arg9: memref<2x128x128xf32, #tpu.memory_space<vmem>>, %arg10: memref<2x128x128xf32, #tpu.memory_space<vmem>>, %arg11: memref<!tpu.dma_semaphore, #tpu.memory_space<semaphore_mem>>, %arg12: memref<!tpu.dma_semaphore, #tpu.memory_space<semaphore_mem>>, %arg13: memref<!tpu.dma_semaphore, #tpu.memory_space<semaphore_mem>>, %arg14: memref<!tpu.dma_semaphore, #tpu.memory_space<semaphore_mem>>) attributes {dimension_semantics = [#tpu.dimension_semantics<core_parallel>, #tpu.dimension_semantics<subcore_parallel>], iteration_bounds = array<i64: 2, 16>, scalar_prefetch = 0 : i64, scratch_operands = 8 : i64, tpu.core_type = #tpu.core_type<sc_vector_subcore>, window_params = [{transform_indices = #map}, {transform_indices = #map}, {transform_indices = #map1}, {transform_indices = #map1}, {transform_indices = #map1}]} {
    %mul3A = arith.constant 16 : i32
    %mul3A_0 = arith.muli %arg0, %mul3A : i32
    %add3A = arith.addi %mul3A_0, %arg1 : i32
    %mul3A_1 = arith.constant 10368 : i32
    %mul3A_2 = arith.muli %add3A, %mul3A_1 : i32
    %add3A_3 = arith.constant 0 : i32
    %add3A_4 = arith.addi %mul3A_2, %add3A_3 : i32
    %run_scoped3A = arith.constant 0 : i32
    "tpu.region"() ({
      %run_scoped3A_70 = tpu.sem_alloc : memref<!tpu.dma_semaphore, #tpu.memory_space<semaphore_mem>>
      %dma_start3A_71 = arith.constant 0 : i32
      %dma_start3A_72 = tpu.memref_slice %arg7[%run_scoped3A, %dma_start3A_71] : memref<2x128xi32, #tpu.memory_space<vmem>> -> memref<1x128xi32, #tpu.memory_space<vmem>>
      %dma_start3A_73 = tpu.memref_squeeze %dma_start3A_72 : memref<1x128xi32, #tpu.memory_space<vmem>> -> memref<128xi32, #tpu.memory_space<vmem>>
      %dma_start3A_74 = tpu.memref_slice %arg2[%add3A_4] : memref<331776xi32, #tpu.memory_space<hbm>> -> memref<128xi32, #tpu.memory_space<hbm>>
      %dma_start3A_75 = arith.constant 0 : i32
      %dma_start3A_76 = tpu.memref_slice %arg7[%run_scoped3A, %dma_start3A_75] : memref<2x128xi32, #tpu.memory_space<vmem>> -> memref<1x128xi32, #tpu.memory_space<vmem>>
      %dma_start3A_77 = tpu.memref_squeeze %dma_start3A_76 : memref<1x128xi32, #tpu.memory_space<vmem>> -> memref<128xi32, #tpu.memory_space<vmem>>
      %dma_start3A_78 = tpu.memref_slice %arg2[%add3A_4] : memref<331776xi32, #tpu.memory_space<hbm>> -> memref<128xi32, #tpu.memory_space<hbm>>
      tpu.enqueue_dma source(%dma_start3A_78 : memref<128xi32, #tpu.memory_space<hbm>>) target(%dma_start3A_77 : memref<128xi32, #tpu.memory_space<vmem>>) target_semaphore(%run_scoped3A_70 : memref<!tpu.dma_semaphore, #tpu.memory_space<semaphore_mem>>)
      %dma_wait3A_79 = arith.constant 0 : i32
      %dma_wait3A_80 = tpu.memref_slice %arg7[%run_scoped3A, %dma_wait3A_79] : memref<2x128xi32, #tpu.memory_space<vmem>> -> memref<1x128xi32, #tpu.memory_space<vmem>>
      %dma_wait3A_81 = tpu.memref_squeeze %dma_wait3A_80 : memref<1x128xi32, #tpu.memory_space<vmem>> -> memref<128xi32, #tpu.memory_space<vmem>>
      %dma_wait3A_82 = tpu.memref_slice %arg2[%add3A_4] : memref<331776xi32, #tpu.memory_space<hbm>> -> memref<128xi32, #tpu.memory_space<hbm>>
      %dma_wait3A_83 = arith.constant 0 : i32
      %dma_wait3A_84 = tpu.memref_slice %arg7[%run_scoped3A, %dma_wait3A_83] : memref<2x128xi32, #tpu.memory_space<vmem>> -> memref<1x128xi32, #tpu.memory_space<vmem>>
      %dma_wait3A_85 = tpu.memref_squeeze %dma_wait3A_84 : memref<1x128xi32, #tpu.memory_space<vmem>> -> memref<128xi32, #tpu.memory_space<vmem>>
      %dma_wait3A_86 = tpu.memref_slice %arg2[%add3A_4] : memref<331776xi32, #tpu.memory_space<hbm>> -> memref<128xi32, #tpu.memory_space<hbm>>
      tpu.wait_dma2 semaphore(%run_scoped3A_70 : memref<!tpu.dma_semaphore, #tpu.memory_space<semaphore_mem>>) src(%dma_wait3A_86 : memref<128xi32, #tpu.memory_space<hbm>>) dst(%dma_wait3A_85 : memref<128xi32, #tpu.memory_space<vmem>>)
      tpu.yield
    }) : () -> ()
    %run_scoped3A_5 = arith.constant 0 : i32
    "tpu.region"() ({
      %run_scoped3A_70 = tpu.sem_alloc : memref<!tpu.dma_semaphore, #tpu.memory_space<semaphore_mem>>
      %dma_start3A_71 = arith.constant 0 : i32
      %dma_start3A_72 = tpu.memref_slice %arg8[%run_scoped3A_5, %dma_start3A_71] : memref<2x128xi32, #tpu.memory_space<vmem>> -> memref<1x128xi32, #tpu.memory_space<vmem>>
      %dma_start3A_73 = tpu.memref_squeeze %dma_start3A_72 : memref<1x128xi32, #tpu.memory_space<vmem>> -> memref<128xi32, #tpu.memory_space<vmem>>
      %dma_start3A_74 = tpu.memref_slice %arg3[%add3A_4] : memref<331776xi32, #tpu.memory_space<hbm>> -> memref<128xi32, #tpu.memory_space<hbm>>
      %dma_start3A_75 = arith.constant 0 : i32
      %dma_start3A_76 = tpu.memref_slice %arg8[%run_scoped3A_5, %dma_start3A_75] : memref<2x128xi32, #tpu.memory_space<vmem>> -> memref<1x128xi32, #tpu.memory_space<vmem>>
      %dma_start3A_77 = tpu.memref_squeeze %dma_start3A_76 : memref<1x128xi32, #tpu.memory_space<vmem>> -> memref<128xi32, #tpu.memory_space<vmem>>
      %dma_start3A_78 = tpu.memref_slice %arg3[%add3A_4] : memref<331776xi32, #tpu.memory_space<hbm>> -> memref<128xi32, #tpu.memory_space<hbm>>
      tpu.enqueue_dma source(%dma_start3A_78 : memref<128xi32, #tpu.memory_space<hbm>>) target(%dma_start3A_77 : memref<128xi32, #tpu.memory_space<vmem>>) target_semaphore(%run_scoped3A_70 : memref<!tpu.dma_semaphore, #tpu.memory_space<semaphore_mem>>)
      %dma_wait3A_79 = arith.constant 0 : i32
      %dma_wait3A_80 = tpu.memref_slice %arg8[%run_scoped3A_5, %dma_wait3A_79] : memref<2x128xi32, #tpu.memory_space<vmem>> -> memref<1x128xi32, #tpu.memory_space<vmem>>
      %dma_wait3A_81 = tpu.memref_squeeze %dma_wait3A_80 : memref<1x128xi32, #tpu.memory_space<vmem>> -> memref<128xi32, #tpu.memory_space<vmem>>
      %dma_wait3A_82 = tpu.memref_slice %arg3[%add3A_4] : memref<331776xi32, #tpu.memory_space<hbm>> -> memref<128xi32, #tpu.memory_space<hbm>>
      %dma_wait3A_83 = arith.constant 0 : i32
      %dma_wait3A_84 = tpu.memref_slice %arg8[%run_scoped3A_5, %dma_wait3A_83] : memref<2x128xi32, #tpu.memory_space<vmem>> -> memref<1x128xi32, #tpu.memory_space<vmem>>
      %dma_wait3A_85 = tpu.memref_squeeze %dma_wait3A_84 : memref<1x128xi32, #tpu.memory_space<vmem>> -> memref<128xi32, #tpu.memory_space<vmem>>
      %dma_wait3A_86 = tpu.memref_slice %arg3[%add3A_4] : memref<331776xi32, #tpu.memory_space<hbm>> -> memref<128xi32, #tpu.memory_space<hbm>>
      tpu.wait_dma2 semaphore(%run_scoped3A_70 : memref<!tpu.dma_semaphore, #tpu.memory_space<semaphore_mem>>) src(%dma_wait3A_86 : memref<128xi32, #tpu.memory_space<hbm>>) dst(%dma_wait3A_85 : memref<128xi32, #tpu.memory_space<vmem>>)
      tpu.yield
    }) : () -> ()
    %dma_start3A = arith.constant 0 : i32
    %dma_start3A_6 = arith.constant 0 : i32
    %dma_start3A_7 = arith.constant 0 : i32
    %dma_start3A_8 = arith.constant 0 : i32
    %dma_start3A_9 = tpu.memref_slice %arg9[%dma_start3A_6, %dma_start3A_7, %dma_start3A_8] : memref<2x128x128xf32, #tpu.memory_space<vmem>> -> memref<1x128x128xf32, #tpu.memory_space<vmem>>
    %dma_start3A_10 = tpu.memref_squeeze %dma_start3A_9 : memref<1x128x128xf32, #tpu.memory_space<vmem>> -> memref<128x128xf32, #tpu.memory_space<vmem>>
    %dma_start3A_11 = arith.constant 0 : i32
    %dma_start3A_12 = tpu.memref_slice %arg7[%dma_start3A, %dma_start3A_11] : memref<2x128xi32, #tpu.memory_space<vmem>> -> memref<1x128xi32, #tpu.memory_space<vmem>>
    %dma_start3A_13 = tpu.memref_squeeze %dma_start3A_12 : memref<1x128xi32, #tpu.memory_space<vmem>> -> memref<128xi32, #tpu.memory_space<vmem>>
    %dma_start3A_14 = arith.constant 0 : i32
    %dma_start3A_15 = arith.constant 0 : i32
    %dma_start3A_16 = tpu.memref_slice %arg4[%dma_start3A_14, %dma_start3A_15] : memref<10000x128xf32, #tpu.memory_space<hbm>> -> memref<10000x128xf32, #tpu.memory_space<hbm>>
    tpu.enqueue_indirect_dma source(%dma_start3A_16 : memref<10000x128xf32, #tpu.memory_space<hbm>>) target(%dma_start3A_10 : memref<128x128xf32, #tpu.memory_space<vmem>>) offsets(%dma_start3A_13 : memref<128xi32, #tpu.memory_space<vmem>>) semaphore(%arg11 : memref<!tpu.dma_semaphore, #tpu.memory_space<semaphore_mem>>)
    %dma_start3A_17 = arith.constant 0 : i32
    %dma_start3A_18 = arith.constant 0 : i32
    %dma_start3A_19 = arith.constant 0 : i32
    %dma_start3A_20 = arith.constant 0 : i32
    %dma_start3A_21 = tpu.memref_slice %arg10[%dma_start3A_18, %dma_start3A_19, %dma_start3A_20] : memref<2x128x128xf32, #tpu.memory_space<vmem>> -> memref<1x128x128xf32, #tpu.memory_space<vmem>>
    %dma_start3A_22 = tpu.memref_squeeze %dma_start3A_21 : memref<1x128x128xf32, #tpu.memory_space<vmem>> -> memref<128x128xf32, #tpu.memory_space<vmem>>
    %dma_start3A_23 = arith.constant 0 : i32
    %dma_start3A_24 = tpu.memref_slice %arg8[%dma_start3A_17, %dma_start3A_23] : memref<2x128xi32, #tpu.memory_space<vmem>> -> memref<1x128xi32, #tpu.memory_space<vmem>>
    %dma_start3A_25 = tpu.memref_squeeze %dma_start3A_24 : memref<1x128xi32, #tpu.memory_space<vmem>> -> memref<128xi32, #tpu.memory_space<vmem>>
    %dma_start3A_26 = arith.constant 0 : i32
    %dma_start3A_27 = arith.constant 0 : i32
    %dma_start3A_28 = tpu.memref_slice %arg5[%dma_start3A_26, %dma_start3A_27] : memref<10000x128xf32, #tpu.memory_space<hbm>> -> memref<10000x128xf32, #tpu.memory_space<hbm>>
    tpu.enqueue_indirect_dma source(%dma_start3A_28 : memref<10000x128xf32, #tpu.memory_space<hbm>>) target(%dma_start3A_22 : memref<128x128xf32, #tpu.memory_space<vmem>>) offsets(%dma_start3A_25 : memref<128xi32, #tpu.memory_space<vmem>>) semaphore(%arg12 : memref<!tpu.dma_semaphore, #tpu.memory_space<semaphore_mem>>)
    %scan3A = arith.constant 0 : i32
    %scan3A_29 = arith.constant 0 : i32
    %scan3A_30 = arith.constant 0 : i32
    %scan3A_31 = arith.constant 0 : i32
    %scan3A_32 = arith.constant 0 : i32
    %scan3A_33 = arith.constant 0 : i32
    %scan3A_34 = arith.constant 40 : i32
    %scan3A_35 = arith.addi %scan3A_33, %scan3A_34 : i32
    %scan3A_36 = arith.constant 1 : i32
    scf.for %scan3A_70 = %scan3A_33 to %scan3A_35 step %scan3A_36  : i32 {
      %mul3A_71 = arith.constant 2 : i32
      %mul3A_72 = arith.muli %scan3A_70, %mul3A_71 : i32
      %add3A_73 = arith.constant 1 : i32
      %add3A_74 = arith.addi %mul3A_72, %add3A_73 : i32
      %mul3A_75 = arith.constant 128 : i32
      %mul3A_76 = arith.muli %add3A_74, %mul3A_75 : i32
      %add3A_77 = arith.addi %mul3A_2, %mul3A_76 : i32
      %run_scoped3A_78 = arith.constant 1 : i32
      "tpu.region"() ({
        %run_scoped3A_201 = tpu.sem_alloc : memref<!tpu.dma_semaphore, #tpu.memory_space<semaphore_mem>>
        %dma_start3A_202 = arith.constant 0 : i32
        %dma_start3A_203 = tpu.memref_slice %arg7[%run_scoped3A_78, %dma_start3A_202] : memref<2x128xi32, #tpu.memory_space<vmem>> -> memref<1x128xi32, #tpu.memory_space<vmem>>
        %dma_start3A_204 = tpu.memref_squeeze %dma_start3A_203 : memref<1x128xi32, #tpu.memory_space<vmem>> -> memref<128xi32, #tpu.memory_space<vmem>>
        %dma_start3A_205 = tpu.memref_slice %arg2[%add3A_77] : memref<331776xi32, #tpu.memory_space<hbm>> -> memref<128xi32, #tpu.memory_space<hbm>>
        %dma_start3A_206 = arith.constant 0 : i32
        %dma_start3A_207 = tpu.memref_slice %arg7[%run_scoped3A_78, %dma_start3A_206] : memref<2x128xi32, #tpu.memory_space<vmem>> -> memref<1x128xi32, #tpu.memory_space<vmem>>
        %dma_start3A_208 = tpu.memref_squeeze %dma_start3A_207 : memref<1x128xi32, #tpu.memory_space<vmem>> -> memref<128xi32, #tpu.memory_space<vmem>>
        %dma_start3A_209 = tpu.memref_slice %arg2[%add3A_77] : memref<331776xi32, #tpu.memory_space<hbm>> -> memref<128xi32, #tpu.memory_space<hbm>>
        tpu.enqueue_dma source(%dma_start3A_209 : memref<128xi32, #tpu.memory_space<hbm>>) target(%dma_start3A_208 : memref<128xi32, #tpu.memory_space<vmem>>) target_semaphore(%run_scoped3A_201 : memref<!tpu.dma_semaphore, #tpu.memory_space<semaphore_mem>>)
        %dma_wait3A_210 = arith.constant 0 : i32
        %dma_wait3A_211 = tpu.memref_slice %arg7[%run_scoped3A_78, %dma_wait3A_210] : memref<2x128xi32, #tpu.memory_space<vmem>> -> memref<1x128xi32, #tpu.memory_space<vmem>>
        %dma_wait3A_212 = tpu.memref_squeeze %dma_wait3A_211 : memref<1x128xi32, #tpu.memory_space<vmem>> -> memref<128xi32, #tpu.memory_space<vmem>>
        %dma_wait3A_213 = tpu.memref_slice %arg2[%add3A_77] : memref<331776xi32, #tpu.memory_space<hbm>> -> memref<128xi32, #tpu.memory_space<hbm>>
        %dma_wait3A_214 = arith.constant 0 : i32
        %dma_wait3A_215 = tpu.memref_slice %arg7[%run_scoped3A_78, %dma_wait3A_214] : memref<2x128xi32, #tpu.memory_space<vmem>> -> memref<1x128xi32, #tpu.memory_space<vmem>>
        %dma_wait3A_216 = tpu.memref_squeeze %dma_wait3A_215 : memref<1x128xi32, #tpu.memory_space<vmem>> -> memref<128xi32, #tpu.memory_space<vmem>>
        %dma_wait3A_217 = tpu.memref_slice %arg2[%add3A_77] : memref<331776xi32, #tpu.memory_space<hbm>> -> memref<128xi32, #tpu.memory_space<hbm>>
        tpu.wait_dma2 semaphore(%run_scoped3A_201 : memref<!tpu.dma_semaphore, #tpu.memory_space<semaphore_mem>>) src(%dma_wait3A_217 : memref<128xi32, #tpu.memory_space<hbm>>) dst(%dma_wait3A_216 : memref<128xi32, #tpu.memory_space<vmem>>)
        tpu.yield
      }) : () -> ()
      %run_scoped3A_79 = arith.constant 1 : i32
      "tpu.region"() ({
        %run_scoped3A_201 = tpu.sem_alloc : memref<!tpu.dma_semaphore, #tpu.memory_space<semaphore_mem>>
        %dma_start3A_202 = arith.constant 0 : i32
        %dma_start3A_203 = tpu.memref_slice %arg8[%run_scoped3A_79, %dma_start3A_202] : memref<2x128xi32, #tpu.memory_space<vmem>> -> memref<1x128xi32, #tpu.memory_space<vmem>>
        %dma_start3A_204 = tpu.memref_squeeze %dma_start3A_203 : memref<1x128xi32, #tpu.memory_space<vmem>> -> memref<128xi32, #tpu.memory_space<vmem>>
        %dma_start3A_205 = tpu.memref_slice %arg3[%add3A_77] : memref<331776xi32, #tpu.memory_space<hbm>> -> memref<128xi32, #tpu.memory_space<hbm>>
        %dma_start3A_206 = arith.constant 0 : i32
        %dma_start3A_207 = tpu.memref_slice %arg8[%run_scoped3A_79, %dma_start3A_206] : memref<2x128xi32, #tpu.memory_space<vmem>> -> memref<1x128xi32, #tpu.memory_space<vmem>>
        %dma_start3A_208 = tpu.memref_squeeze %dma_start3A_207 : memref<1x128xi32, #tpu.memory_space<vmem>> -> memref<128xi32, #tpu.memory_space<vmem>>
        %dma_start3A_209 = tpu.memref_slice %arg3[%add3A_77] : memref<331776xi32, #tpu.memory_space<hbm>> -> memref<128xi32, #tpu.memory_space<hbm>>
        tpu.enqueue_dma source(%dma_start3A_209 : memref<128xi32, #tpu.memory_space<hbm>>) target(%dma_start3A_208 : memref<128xi32, #tpu.memory_space<vmem>>) target_semaphore(%run_scoped3A_201 : memref<!tpu.dma_semaphore, #tpu.memory_space<semaphore_mem>>)
        %dma_wait3A_210 = arith.constant 0 : i32
        %dma_wait3A_211 = tpu.memref_slice %arg8[%run_scoped3A_79, %dma_wait3A_210] : memref<2x128xi32, #tpu.memory_space<vmem>> -> memref<1x128xi32, #tpu.memory_space<vmem>>
        %dma_wait3A_212 = tpu.memref_squeeze %dma_wait3A_211 : memref<1x128xi32, #tpu.memory_space<vmem>> -> memref<128xi32, #tpu.memory_space<vmem>>
        %dma_wait3A_213 = tpu.memref_slice %arg3[%add3A_77] : memref<331776xi32, #tpu.memory_space<hbm>> -> memref<128xi32, #tpu.memory_space<hbm>>
        %dma_wait3A_214 = arith.constant 0 : i32
        %dma_wait3A_215 = tpu.memref_slice %arg8[%run_scoped3A_79, %dma_wait3A_214] : memref<2x128xi32, #tpu.memory_space<vmem>> -> memref<1x128xi32, #tpu.memory_space<vmem>>
        %dma_wait3A_216 = tpu.memref_squeeze %dma_wait3A_215 : memref<1x128xi32, #tpu.memory_space<vmem>> -> memref<128xi32, #tpu.memory_space<vmem>>
        %dma_wait3A_217 = tpu.memref_slice %arg3[%add3A_77] : memref<331776xi32, #tpu.memory_space<hbm>> -> memref<128xi32, #tpu.memory_space<hbm>>
        tpu.wait_dma2 semaphore(%run_scoped3A_201 : memref<!tpu.dma_semaphore, #tpu.memory_space<semaphore_mem>>) src(%dma_wait3A_217 : memref<128xi32, #tpu.memory_space<hbm>>) dst(%dma_wait3A_216 : memref<128xi32, #tpu.memory_space<vmem>>)
        tpu.yield
      }) : () -> ()
      %dma_start3A_80 = arith.constant 1 : i32
      %dma_start3A_81 = arith.constant 1 : i32
      %dma_start3A_82 = arith.constant 0 : i32
      %dma_start3A_83 = arith.constant 0 : i32
      %dma_start3A_84 = tpu.memref_slice %arg9[%dma_start3A_81, %dma_start3A_82, %dma_start3A_83] : memref<2x128x128xf32, #tpu.memory_space<vmem>> -> memref<1x128x128xf32, #tpu.memory_space<vmem>>
      %dma_start3A_85 = tpu.memref_squeeze %dma_start3A_84 : memref<1x128x128xf32, #tpu.memory_space<vmem>> -> memref<128x128xf32, #tpu.memory_space<vmem>>
      %dma_start3A_86 = arith.constant 0 : i32
      %dma_start3A_87 = tpu.memref_slice %arg7[%dma_start3A_80, %dma_start3A_86] : memref<2x128xi32, #tpu.memory_space<vmem>> -> memref<1x128xi32, #tpu.memory_space<vmem>>
      %dma_start3A_88 = tpu.memref_squeeze %dma_start3A_87 : memref<1x128xi32, #tpu.memory_space<vmem>> -> memref<128xi32, #tpu.memory_space<vmem>>
      %dma_start3A_89 = arith.constant 0 : i32
      %dma_start3A_90 = arith.constant 0 : i32
      %dma_start3A_91 = tpu.memref_slice %arg4[%dma_start3A_89, %dma_start3A_90] : memref<10000x128xf32, #tpu.memory_space<hbm>> -> memref<10000x128xf32, #tpu.memory_space<hbm>>
      tpu.enqueue_indirect_dma source(%dma_start3A_91 : memref<10000x128xf32, #tpu.memory_space<hbm>>) target(%dma_start3A_85 : memref<128x128xf32, #tpu.memory_space<vmem>>) offsets(%dma_start3A_88 : memref<128xi32, #tpu.memory_space<vmem>>) semaphore(%arg13 : memref<!tpu.dma_semaphore, #tpu.memory_space<semaphore_mem>>)
      %dma_start3A_92 = arith.constant 1 : i32
      %dma_start3A_93 = arith.constant 1 : i32
      %dma_start3A_94 = arith.constant 0 : i32
      %dma_start3A_95 = arith.constant 0 : i32
      %dma_start3A_96 = tpu.memref_slice %arg10[%dma_start3A_93, %dma_start3A_94, %dma_start3A_95] : memref<2x128x128xf32, #tpu.memory_space<vmem>> -> memref<1x128x128xf32, #tpu.memory_space<vmem>>
      %dma_start3A_97 = tpu.memref_squeeze %dma_start3A_96 : memref<1x128x128xf32, #tpu.memory_space<vmem>> -> memref<128x128xf32, #tpu.memory_space<vmem>>
      %dma_start3A_98 = arith.constant 0 : i32
      %dma_start3A_99 = tpu.memref_slice %arg8[%dma_start3A_92, %dma_start3A_98] : memref<2x128xi32, #tpu.memory_space<vmem>> -> memref<1x128xi32, #tpu.memory_space<vmem>>
      %dma_start3A_100 = tpu.memref_squeeze %dma_start3A_99 : memref<1x128xi32, #tpu.memory_space<vmem>> -> memref<128xi32, #tpu.memory_space<vmem>>
      %dma_start3A_101 = arith.constant 0 : i32
      %dma_start3A_102 = arith.constant 0 : i32
      %dma_start3A_103 = tpu.memref_slice %arg5[%dma_start3A_101, %dma_start3A_102] : memref<10000x128xf32, #tpu.memory_space<hbm>> -> memref<10000x128xf32, #tpu.memory_space<hbm>>
      tpu.enqueue_indirect_dma source(%dma_start3A_103 : memref<10000x128xf32, #tpu.memory_space<hbm>>) target(%dma_start3A_97 : memref<128x128xf32, #tpu.memory_space<vmem>>) offsets(%dma_start3A_100 : memref<128xi32, #tpu.memory_space<vmem>>) semaphore(%arg14 : memref<!tpu.dma_semaphore, #tpu.memory_space<semaphore_mem>>)
      %mul3A_104 = arith.constant 128 : i32
      %mul3A_105 = arith.muli %mul3A_72, %mul3A_104 : i32
      %add3A_106 = arith.addi %mul3A_2, %mul3A_105 : i32
      %dma_wait3A_107 = arith.constant 0 : i32
      %dma_wait3A_108 = arith.constant 0 : i32
      %dma_wait3A_109 = tpu.memref_slice %arg9[%scan3A_30, %dma_wait3A_107, %dma_wait3A_108] : memref<2x128x128xf32, #tpu.memory_space<vmem>> -> memref<1x128x128xf32, #tpu.memory_space<vmem>>
      %dma_wait3A_110 = tpu.memref_squeeze %dma_wait3A_109 : memref<1x128x128xf32, #tpu.memory_space<vmem>> -> memref<128x128xf32, #tpu.memory_space<vmem>>
      %dma_wait3A_111 = arith.constant 0 : i32
      %dma_wait3A_112 = tpu.memref_slice %arg7[%scan3A_29, %dma_wait3A_111] : memref<2x128xi32, #tpu.memory_space<vmem>> -> memref<1x128xi32, #tpu.memory_space<vmem>>
      %dma_wait3A_113 = tpu.memref_squeeze %dma_wait3A_112 : memref<1x128xi32, #tpu.memory_space<vmem>> -> memref<128xi32, #tpu.memory_space<vmem>>
      %dma_wait3A_114 = arith.constant 0 : i32
      %dma_wait3A_115 = arith.constant 0 : i32
      %dma_wait3A_116 = tpu.memref_slice %arg4[%dma_wait3A_114, %dma_wait3A_115] : memref<10000x128xf32, #tpu.memory_space<hbm>> -> memref<10000x128xf32, #tpu.memory_space<hbm>>
      tpu.wait_indirect_dma semaphore(%arg11 : memref<!tpu.dma_semaphore, #tpu.memory_space<semaphore_mem>>) src(%dma_wait3A_116 : memref<10000x128xf32, #tpu.memory_space<hbm>>) dst(%dma_wait3A_110 : memref<128x128xf32, #tpu.memory_space<vmem>>)
      %dma_wait3A_117 = arith.constant 0 : i32
      %dma_wait3A_118 = arith.constant 0 : i32
      %dma_wait3A_119 = tpu.memref_slice %arg10[%scan3A_32, %dma_wait3A_117, %dma_wait3A_118] : memref<2x128x128xf32, #tpu.memory_space<vmem>> -> memref<1x128x128xf32, #tpu.memory_space<vmem>>
      %dma_wait3A_120 = tpu.memref_squeeze %dma_wait3A_119 : memref<1x128x128xf32, #tpu.memory_space<vmem>> -> memref<128x128xf32, #tpu.memory_space<vmem>>
      %dma_wait3A_121 = arith.constant 0 : i32
      %dma_wait3A_122 = tpu.memref_slice %arg8[%scan3A_31, %dma_wait3A_121] : memref<2x128xi32, #tpu.memory_space<vmem>> -> memref<1x128xi32, #tpu.memory_space<vmem>>
      %dma_wait3A_123 = tpu.memref_squeeze %dma_wait3A_122 : memref<1x128xi32, #tpu.memory_space<vmem>> -> memref<128xi32, #tpu.memory_space<vmem>>
      %dma_wait3A_124 = arith.constant 0 : i32
      %dma_wait3A_125 = arith.constant 0 : i32
      %dma_wait3A_126 = tpu.memref_slice %arg5[%dma_wait3A_124, %dma_wait3A_125] : memref<10000x128xf32, #tpu.memory_space<hbm>> -> memref<10000x128xf32, #tpu.memory_space<hbm>>
      tpu.wait_indirect_dma semaphore(%arg12 : memref<!tpu.dma_semaphore, #tpu.memory_space<semaphore_mem>>) src(%dma_wait3A_126 : memref<10000x128xf32, #tpu.memory_space<hbm>>) dst(%dma_wait3A_120 : memref<128x128xf32, #tpu.memory_space<vmem>>)
      %scan3A_127 = arith.constant 0 : i32
      %scan3A_128 = arith.constant 0 : i32
      %scan3A_129 = arith.constant 128 : i32
      %scan3A_130 = arith.addi %scan3A_128, %scan3A_129 : i32
      %scan3A_131 = arith.constant 1 : i32
      scf.for %scan3A_201 = %scan3A_128 to %scan3A_130 step %scan3A_131  : i32 {
        %get3A = arith.constant 0 : i32
        %get3A_202 = arith.index_cast %get3A : i32 to index
        %get3A_203 = arith.index_cast %scan3A_201 : i32 to index
        %get3A_204 = arith.constant 0 : index
        %get3A_205 = tpu.vector_load %arg9[%get3A_202, %get3A_203, %get3A_204] {strides = array<i32>} : memref<2x128x128xf32, #tpu.memory_space<vmem>>, vector<1x1x16xf32>,
        %get3A_206 = vector.shape_cast %get3A_205 : vector<1x1x16xf32> to vector<16xf32>
        %get3A_207 = arith.constant 0 : i32
        %get3A_208 = arith.index_cast %get3A_207 : i32 to index
        %get3A_209 = arith.index_cast %scan3A_201 : i32 to index
        %get3A_210 = arith.constant 0 : index
        %get3A_211 = tpu.vector_load %arg10[%get3A_208, %get3A_209, %get3A_210] {strides = array<i32>} : memref<2x128x128xf32, #tpu.memory_space<vmem>>, vector<1x1x16xf32>,
        %get3A_212 = vector.shape_cast %get3A_211 : vector<1x1x16xf32> to vector<16xf32>
        %add3A_213 = arith.addf %get3A_206, %get3A_212 : vector<16xf32>
        %max3A = arith.constant 0.000000e+00 : f32
        %max3A_214 = vector.broadcast %max3A : f32 to vector<16xf32>
        %max3A_215 = arith.maximumf %add3A_213, %max3A_214 : vector<16xf32>
        %min3A = arith.constant 0.000000e+00 : f32
        %min3A_216 = vector.broadcast %min3A : f32 to vector<16xf32>
        %min3A_217 = arith.minimumf %add3A_213, %min3A_216 : vector<16xf32>
        %mul3A_218 = arith.constant 2.000000e-01 : f32
        %mul3A_219 = vector.broadcast %mul3A_218 : f32 to vector<16xf32>
        %mul3A_220 = arith.mulf %mul3A_219, %min3A_217 : vector<16xf32>
        %add3A_221 = arith.addf %max3A_215, %mul3A_220 : vector<16xf32>
        %swap3A = arith.constant 0 : i32
        %swap3A_222 = arith.index_cast %swap3A : i32 to index
        %swap3A_223 = arith.index_cast %scan3A_201 : i32 to index
        %swap3A_224 = arith.constant 0 : index
        %swap3A_225 = tpu.vector_load %arg9[%swap3A_222, %swap3A_223, %swap3A_224] {strides = array<i32>} : memref<2x128x128xf32, #tpu.memory_space<vmem>>, vector<1x1x16xf32>,
        %swap3A_226 = vector.shape_cast %swap3A_225 : vector<1x1x16xf32> to vector<16xf32>
        %swap3A_227 = vector.shape_cast %add3A_221 : vector<16xf32> to vector<1x1x16xf32>
        tpu.vector_store %arg9[%swap3A_222, %swap3A_223, %swap3A_224], %swap3A_227 {strides = array<i32>} : memref<2x128x128xf32, #tpu.memory_space<vmem>>, vector<1x1x16xf32>,
        %get3A_228 = arith.constant 0 : i32
        %get3A_229 = arith.index_cast %get3A_228 : i32 to index
        %get3A_230 = arith.index_cast %scan3A_201 : i32 to index
        %get3A_231 = arith.constant 16 : index
        %get3A_232 = tpu.vector_load %arg9[%get3A_229, %get3A_230, %get3A_231] {strides = array<i32>} : memref<2x128x128xf32, #tpu.memory_space<vmem>>, vector<1x1x16xf32>,
        %get3A_233 = vector.shape_cast %get3A_232 : vector<1x1x16xf32> to vector<16xf32>
        %get3A_234 = arith.constant 0 : i32
        %get3A_235 = arith.index_cast %get3A_234 : i32 to index
        %get3A_236 = arith.index_cast %scan3A_201 : i32 to index
        %get3A_237 = arith.constant 16 : index
        %get3A_238 = tpu.vector_load %arg10[%get3A_235, %get3A_236, %get3A_237] {strides = array<i32>} : memref<2x128x128xf32, #tpu.memory_space<vmem>>, vector<1x1x16xf32>,
        %get3A_239 = vector.shape_cast %get3A_238 : vector<1x1x16xf32> to vector<16xf32>
        %add3A_240 = arith.addf %get3A_233, %get3A_239 : vector<16xf32>
        %max3A_241 = arith.constant 0.000000e+00 : f32
        %max3A_242 = vector.broadcast %max3A_241 : f32 to vector<16xf32>
        %max3A_243 = arith.maximumf %add3A_240, %max3A_242 : vector<16xf32>
        %min3A_244 = arith.constant 0.000000e+00 : f32
        %min3A_245 = vector.broadcast %min3A_244 : f32 to vector<16xf32>
        %min3A_246 = arith.minimumf %add3A_240, %min3A_245 : vector<16xf32>
        %mul3A_247 = arith.constant 2.000000e-01 : f32
        %mul3A_248 = vector.broadcast %mul3A_247 : f32 to vector<16xf32>
        %mul3A_249 = arith.mulf %mul3A_248, %min3A_246 : vector<16xf32>
        %add3A_250 = arith.addf %max3A_243, %mul3A_249 : vector<16xf32>
        %swap3A_251 = arith.constant 0 : i32
        %swap3A_252 = arith.index_cast %swap3A_251 : i32 to index
        %swap3A_253 = arith.index_cast %scan3A_201 : i32 to index
        %swap3A_254 = arith.constant 16 : index
        %swap3A_255 = tpu.vector_load %arg9[%swap3A_252, %swap3A_253, %swap3A_254] {strides = array<i32>} : memref<2x128x128xf32, #tpu.memory_space<vmem>>, vector<1x1x16xf32>,
        %swap3A_256 = vector.shape_cast %swap3A_255 : vector<1x1x16xf32> to vector<16xf32>
        %swap3A_257 = vector.shape_cast %add3A_250 : vector<16xf32> to vector<1x1x16xf32>
        tpu.vector_store %arg9[%swap3A_252, %swap3A_253, %swap3A_254], %swap3A_257 {strides = array<i32>} : memref<2x128x128xf32, #tpu.memory_space<vmem>>, vector<1x1x16xf32>,
        %get3A_258 = arith.constant 0 : i32
        %get3A_259 = arith.index_cast %get3A_258 : i32 to index
        %get3A_260 = arith.index_cast %scan3A_201 : i32 to index
        %get3A_261 = arith.constant 32 : index
        %get3A_262 = tpu.vector_load %arg9[%get3A_259, %get3A_260, %get3A_261] {strides = array<i32>} : memref<2x128x128xf32, #tpu.memory_space<vmem>>, vector<1x1x16xf32>,
        %get3A_263 = vector.shape_cast %get3A_262 : vector<1x1x16xf32> to vector<16xf32>
        %get3A_264 = arith.constant 0 : i32
        %get3A_265 = arith.index_cast %get3A_264 : i32 to index
        %get3A_266 = arith.index_cast %scan3A_201 : i32 to index
        %get3A_267 = arith.constant 32 : index
        %get3A_268 = tpu.vector_load %arg10[%get3A_265, %get3A_266, %get3A_267] {strides = array<i32>} : memref<2x128x128xf32, #tpu.memory_space<vmem>>, vector<1x1x16xf32>,
        %get3A_269 = vector.shape_cast %get3A_268 : vector<1x1x16xf32> to vector<16xf32>
        %add3A_270 = arith.addf %get3A_263, %get3A_269 : vector<16xf32>
        %max3A_271 = arith.constant 0.000000e+00 : f32
        %max3A_272 = vector.broadcast %max3A_271 : f32 to vector<16xf32>
        %max3A_273 = arith.maximumf %add3A_270, %max3A_272 : vector<16xf32>
        %min3A_274 = arith.constant 0.000000e+00 : f32
        %min3A_275 = vector.broadcast %min3A_274 : f32 to vector<16xf32>
        %min3A_276 = arith.minimumf %add3A_270, %min3A_275 : vector<16xf32>
        %mul3A_277 = arith.constant 2.000000e-01 : f32
        %mul3A_278 = vector.broadcast %mul3A_277 : f32 to vector<16xf32>
        %mul3A_279 = arith.mulf %mul3A_278, %min3A_276 : vector<16xf32>
        %add3A_280 = arith.addf %max3A_273, %mul3A_279 : vector<16xf32>
        %swap3A_281 = arith.constant 0 : i32
        %swap3A_282 = arith.index_cast %swap3A_281 : i32 to index
        %swap3A_283 = arith.index_cast %scan3A_201 : i32 to index
        %swap3A_284 = arith.constant 32 : index
        %swap3A_285 = tpu.vector_load %arg9[%swap3A_282, %swap3A_283, %swap3A_284] {strides = array<i32>} : memref<2x128x128xf32, #tpu.memory_space<vmem>>, vector<1x1x16xf32>,
        %swap3A_286 = vector.shape_cast %swap3A_285 : vector<1x1x16xf32> to vector<16xf32>
        %swap3A_287 = vector.shape_cast %add3A_280 : vector<16xf32> to vector<1x1x16xf32>
        tpu.vector_store %arg9[%swap3A_282, %swap3A_283, %swap3A_284], %swap3A_287 {strides = array<i32>} : memref<2x128x128xf32, #tpu.memory_space<vmem>>, vector<1x1x16xf32>,
        %get3A_288 = arith.constant 0 : i32
        %get3A_289 = arith.index_cast %get3A_288 : i32 to index
        %get3A_290 = arith.index_cast %scan3A_201 : i32 to index
        %get3A_291 = arith.constant 48 : index
        %get3A_292 = tpu.vector_load %arg9[%get3A_289, %get3A_290, %get3A_291] {strides = array<i32>} : memref<2x128x128xf32, #tpu.memory_space<vmem>>, vector<1x1x16xf32>,
        %get3A_293 = vector.shape_cast %get3A_292 : vector<1x1x16xf32> to vector<16xf32>
        %get3A_294 = arith.constant 0 : i32
        %get3A_295 = arith.index_cast %get3A_294 : i32 to index
        %get3A_296 = arith.index_cast %scan3A_201 : i32 to index
        %get3A_297 = arith.constant 48 : index
        %get3A_298 = tpu.vector_load %arg10[%get3A_295, %get3A_296, %get3A_297] {strides = array<i32>} : memref<2x128x128xf32, #tpu.memory_space<vmem>>, vector<1x1x16xf32>,
        %get3A_299 = vector.shape_cast %get3A_298 : vector<1x1x16xf32> to vector<16xf32>
        %add3A_300 = arith.addf %get3A_293, %get3A_299 : vector<16xf32>
        %max3A_301 = arith.constant 0.000000e+00 : f32
        %max3A_302 = vector.broadcast %max3A_301 : f32 to vector<16xf32>
        %max3A_303 = arith.maximumf %add3A_300, %max3A_302 : vector<16xf32>
        %min3A_304 = arith.constant 0.000000e+00 : f32
        %min3A_305 = vector.broadcast %min3A_304 : f32 to vector<16xf32>
        %min3A_306 = arith.minimumf %add3A_300, %min3A_305 : vector<16xf32>
        %mul3A_307 = arith.constant 2.000000e-01 : f32
        %mul3A_308 = vector.broadcast %mul3A_307 : f32 to vector<16xf32>
        %mul3A_309 = arith.mulf %mul3A_308, %min3A_306 : vector<16xf32>
        %add3A_310 = arith.addf %max3A_303, %mul3A_309 : vector<16xf32>
        %swap3A_311 = arith.constant 0 : i32
        %swap3A_312 = arith.index_cast %swap3A_311 : i32 to index
        %swap3A_313 = arith.index_cast %scan3A_201 : i32 to index
        %swap3A_314 = arith.constant 48 : index
        %swap3A_315 = tpu.vector_load %arg9[%swap3A_312, %swap3A_313, %swap3A_314] {strides = array<i32>} : memref<2x128x128xf32, #tpu.memory_space<vmem>>, vector<1x1x16xf32>,
        %swap3A_316 = vector.shape_cast %swap3A_315 : vector<1x1x16xf32> to vector<16xf32>
        %swap3A_317 = vector.shape_cast %add3A_310 : vector<16xf32> to vector<1x1x16xf32>
        tpu.vector_store %arg9[%swap3A_312, %swap3A_313, %swap3A_314], %swap3A_317 {strides = array<i32>} : memref<2x128x128xf32, #tpu.memory_space<vmem>>, vector<1x1x16xf32>,
        %get3A_318 = arith.constant 0 : i32
        %get3A_319 = arith.index_cast %get3A_318 : i32 to index
        %get3A_320 = arith.index_cast %scan3A_201 : i32 to index
        %get3A_321 = arith.constant 64 : index
        %get3A_322 = tpu.vector_load %arg9[%get3A_319, %get3A_320, %get3A_321] {strides = array<i32>} : memref<2x128x128xf32, #tpu.memory_space<vmem>>, vector<1x1x16xf32>,
        %get3A_323 = vector.shape_cast %get3A_322 : vector<1x1x16xf32> to vector<16xf32>
        %get3A_324 = arith.constant 0 : i32
        %get3A_325 = arith.index_cast %get3A_324 : i32 to index
        %get3A_326 = arith.index_cast %scan3A_201 : i32 to index
        %get3A_327 = arith.constant 64 : index
        %get3A_328 = tpu.vector_load %arg10[%get3A_325, %get3A_326, %get3A_327] {strides = array<i32>} : memref<2x128x128xf32, #tpu.memory_space<vmem>>, vector<1x1x16xf32>,
        %get3A_329 = vector.shape_cast %get3A_328 : vector<1x1x16xf32> to vector<16xf32>
        %add3A_330 = arith.addf %get3A_323, %get3A_329 : vector<16xf32>
        %max3A_331 = arith.constant 0.000000e+00 : f32
        %max3A_332 = vector.broadcast %max3A_331 : f32 to vector<16xf32>
        %max3A_333 = arith.maximumf %add3A_330, %max3A_332 : vector<16xf32>
        %min3A_334 = arith.constant 0.000000e+00 : f32
        %min3A_335 = vector.broadcast %min3A_334 : f32 to vector<16xf32>
        %min3A_336 = arith.minimumf %add3A_330, %min3A_335 : vector<16xf32>
        %mul3A_337 = arith.constant 2.000000e-01 : f32
        %mul3A_338 = vector.broadcast %mul3A_337 : f32 to vector<16xf32>
        %mul3A_339 = arith.mulf %mul3A_338, %min3A_336 : vector<16xf32>
        %add3A_340 = arith.addf %max3A_333, %mul3A_339 : vector<16xf32>
        %swap3A_341 = arith.constant 0 : i32
        %swap3A_342 = arith.index_cast %swap3A_341 : i32 to index
        %swap3A_343 = arith.index_cast %scan3A_201 : i32 to index
        %swap3A_344 = arith.constant 64 : index
        %swap3A_345 = tpu.vector_load %arg9[%swap3A_342, %swap3A_343, %swap3A_344] {strides = array<i32>} : memref<2x128x128xf32, #tpu.memory_space<vmem>>, vector<1x1x16xf32>,
        %swap3A_346 = vector.shape_cast %swap3A_345 : vector<1x1x16xf32> to vector<16xf32>
        %swap3A_347 = vector.shape_cast %add3A_340 : vector<16xf32> to vector<1x1x16xf32>
        tpu.vector_store %arg9[%swap3A_342, %swap3A_343, %swap3A_344], %swap3A_347 {strides = array<i32>} : memref<2x128x128xf32, #tpu.memory_space<vmem>>, vector<1x1x16xf32>,
        %get3A_348 = arith.constant 0 : i32
        %get3A_349 = arith.index_cast %get3A_348 : i32 to index
        %get3A_350 = arith.index_cast %scan3A_201 : i32 to index
        %get3A_351 = arith.constant 80 : index
        %get3A_352 = tpu.vector_load %arg9[%get3A_349, %get3A_350, %get3A_351] {strides = array<i32>} : memref<2x128x128xf32, #tpu.memory_space<vmem>>, vector<1x1x16xf32>,
        %get3A_353 = vector.shape_cast %get3A_352 : vector<1x1x16xf32> to vector<16xf32>
        %get3A_354 = arith.constant 0 : i32
        %get3A_355 = arith.index_cast %get3A_354 : i32 to index
        %get3A_356 = arith.index_cast %scan3A_201 : i32 to index
        %get3A_357 = arith.constant 80 : index
        %get3A_358 = tpu.vector_load %arg10[%get3A_355, %get3A_356, %get3A_357] {strides = array<i32>} : memref<2x128x128xf32, #tpu.memory_space<vmem>>, vector<1x1x16xf32>,
        %get3A_359 = vector.shape_cast %get3A_358 : vector<1x1x16xf32> to vector<16xf32>
        %add3A_360 = arith.addf %get3A_353, %get3A_359 : vector<16xf32>
        %max3A_361 = arith.constant 0.000000e+00 : f32
        %max3A_362 = vector.broadcast %max3A_361 : f32 to vector<16xf32>
        %max3A_363 = arith.maximumf %add3A_360, %max3A_362 : vector<16xf32>
        %min3A_364 = arith.constant 0.000000e+00 : f32
        %min3A_365 = vector.broadcast %min3A_364 : f32 to vector<16xf32>
        %min3A_366 = arith.minimumf %add3A_360, %min3A_365 : vector<16xf32>
        %mul3A_367 = arith.constant 2.000000e-01 : f32
        %mul3A_368 = vector.broadcast %mul3A_367 : f32 to vector<16xf32>
        %mul3A_369 = arith.mulf %mul3A_368, %min3A_366 : vector<16xf32>
        %add3A_370 = arith.addf %max3A_363, %mul3A_369 : vector<16xf32>
        %swap3A_371 = arith.constant 0 : i32
        %swap3A_372 = arith.index_cast %swap3A_371 : i32 to index
        %swap3A_373 = arith.index_cast %scan3A_201 : i32 to index
        %swap3A_374 = arith.constant 80 : index
        %swap3A_375 = tpu.vector_load %arg9[%swap3A_372, %swap3A_373, %swap3A_374] {strides = array<i32>} : memref<2x128x128xf32, #tpu.memory_space<vmem>>, vector<1x1x16xf32>,
        %swap3A_376 = vector.shape_cast %swap3A_375 : vector<1x1x16xf32> to vector<16xf32>
        %swap3A_377 = vector.shape_cast %add3A_370 : vector<16xf32> to vector<1x1x16xf32>
        tpu.vector_store %arg9[%swap3A_372, %swap3A_373, %swap3A_374], %swap3A_377 {strides = array<i32>} : memref<2x128x128xf32, #tpu.memory_space<vmem>>, vector<1x1x16xf32>,
        %get3A_378 = arith.constant 0 : i32
        %get3A_379 = arith.index_cast %get3A_378 : i32 to index
        %get3A_380 = arith.index_cast %scan3A_201 : i32 to index
        %get3A_381 = arith.constant 96 : index
        %get3A_382 = tpu.vector_load %arg9[%get3A_379, %get3A_380, %get3A_381] {strides = array<i32>} : memref<2x128x128xf32, #tpu.memory_space<vmem>>, vector<1x1x16xf32>,
        %get3A_383 = vector.shape_cast %get3A_382 : vector<1x1x16xf32> to vector<16xf32>
        %get3A_384 = arith.constant 0 : i32
        %get3A_385 = arith.index_cast %get3A_384 : i32 to index
        %get3A_386 = arith.index_cast %scan3A_201 : i32 to index
        %get3A_387 = arith.constant 96 : index
        %get3A_388 = tpu.vector_load %arg10[%get3A_385, %get3A_386, %get3A_387] {strides = array<i32>} : memref<2x128x128xf32, #tpu.memory_space<vmem>>, vector<1x1x16xf32>,
        %get3A_389 = vector.shape_cast %get3A_388 : vector<1x1x16xf32> to vector<16xf32>
        %add3A_390 = arith.addf %get3A_383, %get3A_389 : vector<16xf32>
        %max3A_391 = arith.constant 0.000000e+00 : f32
        %max3A_392 = vector.broadcast %max3A_391 : f32 to vector<16xf32>
        %max3A_393 = arith.maximumf %add3A_390, %max3A_392 : vector<16xf32>
        %min3A_394 = arith.constant 0.000000e+00 : f32
        %min3A_395 = vector.broadcast %min3A_394 : f32 to vector<16xf32>
        %min3A_396 = arith.minimumf %add3A_390, %min3A_395 : vector<16xf32>
        %mul3A_397 = arith.constant 2.000000e-01 : f32
        %mul3A_398 = vector.broadcast %mul3A_397 : f32 to vector<16xf32>
        %mul3A_399 = arith.mulf %mul3A_398, %min3A_396 : vector<16xf32>
        %add3A_400 = arith.addf %max3A_393, %mul3A_399 : vector<16xf32>
        %swap3A_401 = arith.constant 0 : i32
        %swap3A_402 = arith.index_cast %swap3A_401 : i32 to index
        %swap3A_403 = arith.index_cast %scan3A_201 : i32 to index
        %swap3A_404 = arith.constant 96 : index
        %swap3A_405 = tpu.vector_load %arg9[%swap3A_402, %swap3A_403, %swap3A_404] {strides = array<i32>} : memref<2x128x128xf32, #tpu.memory_space<vmem>>, vector<1x1x16xf32>,
        %swap3A_406 = vector.shape_cast %swap3A_405 : vector<1x1x16xf32> to vector<16xf32>
        %swap3A_407 = vector.shape_cast %add3A_400 : vector<16xf32> to vector<1x1x16xf32>
        tpu.vector_store %arg9[%swap3A_402, %swap3A_403, %swap3A_404], %swap3A_407 {strides = array<i32>} : memref<2x128x128xf32, #tpu.memory_space<vmem>>, vector<1x1x16xf32>,
        %get3A_408 = arith.constant 0 : i32
        %get3A_409 = arith.index_cast %get3A_408 : i32 to index
        %get3A_410 = arith.index_cast %scan3A_201 : i32 to index
        %get3A_411 = arith.constant 112 : index
        %get3A_412 = tpu.vector_load %arg9[%get3A_409, %get3A_410, %get3A_411] {strides = array<i32>} : memref<2x128x128xf32, #tpu.memory_space<vmem>>, vector<1x1x16xf32>,
        %get3A_413 = vector.shape_cast %get3A_412 : vector<1x1x16xf32> to vector<16xf32>
        %get3A_414 = arith.constant 0 : i32
        %get3A_415 = arith.index_cast %get3A_414 : i32 to index
        %get3A_416 = arith.index_cast %scan3A_201 : i32 to index
        %get3A_417 = arith.constant 112 : index
        %get3A_418 = tpu.vector_load %arg10[%get3A_415, %get3A_416, %get3A_417] {strides = array<i32>} : memref<2x128x128xf32, #tpu.memory_space<vmem>>, vector<1x1x16xf32>,
        %get3A_419 = vector.shape_cast %get3A_418 : vector<1x1x16xf32> to vector<16xf32>
        %add3A_420 = arith.addf %get3A_413, %get3A_419 : vector<16xf32>
        %max3A_421 = arith.constant 0.000000e+00 : f32
        %max3A_422 = vector.broadcast %max3A_421 : f32 to vector<16xf32>
        %max3A_423 = arith.maximumf %add3A_420, %max3A_422 : vector<16xf32>
        %min3A_424 = arith.constant 0.000000e+00 : f32
        %min3A_425 = vector.broadcast %min3A_424 : f32 to vector<16xf32>
        %min3A_426 = arith.minimumf %add3A_420, %min3A_425 : vector<16xf32>
        %mul3A_427 = arith.constant 2.000000e-01 : f32
        %mul3A_428 = vector.broadcast %mul3A_427 : f32 to vector<16xf32>
        %mul3A_429 = arith.mulf %mul3A_428, %min3A_426 : vector<16xf32>
        %add3A_430 = arith.addf %max3A_423, %mul3A_429 : vector<16xf32>
        %swap3A_431 = arith.constant 0 : i32
        %swap3A_432 = arith.index_cast %swap3A_431 : i32 to index
        %swap3A_433 = arith.index_cast %scan3A_201 : i32 to index
        %swap3A_434 = arith.constant 112 : index
        %swap3A_435 = tpu.vector_load %arg9[%swap3A_432, %swap3A_433, %swap3A_434] {strides = array<i32>} : memref<2x128x128xf32, #tpu.memory_space<vmem>>, vector<1x1x16xf32>,
        %swap3A_436 = vector.shape_cast %swap3A_435 : vector<1x1x16xf32> to vector<16xf32>
        %swap3A_437 = vector.shape_cast %add3A_430 : vector<16xf32> to vector<1x1x16xf32>
        tpu.vector_store %arg9[%swap3A_432, %swap3A_433, %swap3A_434], %swap3A_437 {strides = array<i32>} : memref<2x128x128xf32, #tpu.memory_space<vmem>>, vector<1x1x16xf32>,
      }
      %scan3A_132 = arith.constant 128 : i32
      %run_scoped3A_133 = arith.constant 0 : i32
      "tpu.region"() ({
        %run_scoped3A_201 = tpu.sem_alloc : memref<!tpu.dma_semaphore, #tpu.memory_space<semaphore_mem>>
        %dma_start3A_202 = arith.constant 0 : i32
        %dma_start3A_203 = arith.constant 0 : i32
        %dma_start3A_204 = tpu.memref_slice %arg9[%run_scoped3A_133, %dma_start3A_202, %dma_start3A_203] : memref<2x128x128xf32, #tpu.memory_space<vmem>> -> memref<1x128x128xf32, #tpu.memory_space<vmem>>
        %dma_start3A_205 = tpu.memref_squeeze %dma_start3A_204 : memref<1x128x128xf32, #tpu.memory_space<vmem>> -> memref<128x128xf32, #tpu.memory_space<vmem>>
        %dma_start3A_206 = arith.constant 0 : i32
        %dma_start3A_207 = tpu.memref_slice %arg6[%add3A_106, %dma_start3A_206] : memref<331776x128xf32, #tpu.memory_space<hbm>> -> memref<128x128xf32, #tpu.memory_space<hbm>>
        %dma_start3A_208 = arith.constant 0 : i32
        %dma_start3A_209 = tpu.memref_slice %arg6[%add3A_106, %dma_start3A_208] : memref<331776x128xf32, #tpu.memory_space<hbm>> -> memref<128x128xf32, #tpu.memory_space<hbm>>
        %dma_start3A_210 = arith.constant 0 : i32
        %dma_start3A_211 = arith.constant 0 : i32
        %dma_start3A_212 = tpu.memref_slice %arg9[%run_scoped3A_133, %dma_start3A_210, %dma_start3A_211] : memref<2x128x128xf32, #tpu.memory_space<vmem>> -> memref<1x128x128xf32, #tpu.memory_space<vmem>>
        %dma_start3A_213 = tpu.memref_squeeze %dma_start3A_212 : memref<1x128x128xf32, #tpu.memory_space<vmem>> -> memref<128x128xf32, #tpu.memory_space<vmem>>
        tpu.enqueue_dma source(%dma_start3A_213 : memref<128x128xf32, #tpu.memory_space<vmem>>) target(%dma_start3A_209 : memref<128x128xf32, #tpu.memory_space<hbm>>) target_semaphore(%run_scoped3A_201 : memref<!tpu.dma_semaphore, #tpu.memory_space<semaphore_mem>>)
        %dma_wait3A_214 = arith.constant 0 : i32
        %dma_wait3A_215 = arith.constant 0 : i32
        %dma_wait3A_216 = tpu.memref_slice %arg9[%run_scoped3A_133, %dma_wait3A_214, %dma_wait3A_215] : memref<2x128x128xf32, #tpu.memory_space<vmem>> -> memref<1x128x128xf32, #tpu.memory_space<vmem>>
        %dma_wait3A_217 = tpu.memref_squeeze %dma_wait3A_216 : memref<1x128x128xf32, #tpu.memory_space<vmem>> -> memref<128x128xf32, #tpu.memory_space<vmem>>
        %dma_wait3A_218 = arith.constant 0 : i32
        %dma_wait3A_219 = tpu.memref_slice %arg6[%add3A_106, %dma_wait3A_218] : memref<331776x128xf32, #tpu.memory_space<hbm>> -> memref<128x128xf32, #tpu.memory_space<hbm>>
        %dma_wait3A_220 = arith.constant 0 : i32
        %dma_wait3A_221 = tpu.memref_slice %arg6[%add3A_106, %dma_wait3A_220] : memref<331776x128xf32, #tpu.memory_space<hbm>> -> memref<128x128xf32, #tpu.memory_space<hbm>>
        %dma_wait3A_222 = arith.constant 0 : i32
        %dma_wait3A_223 = arith.constant 0 : i32
        %dma_wait3A_224 = tpu.memref_slice %arg9[%run_scoped3A_133, %dma_wait3A_222, %dma_wait3A_223] : memref<2x128x128xf32, #tpu.memory_space<vmem>> -> memref<1x128x128xf32, #tpu.memory_space<vmem>>
        %dma_wait3A_225 = tpu.memref_squeeze %dma_wait3A_224 : memref<1x128x128xf32, #tpu.memory_space<vmem>> -> memref<128x128xf32, #tpu.memory_space<vmem>>
        tpu.wait_dma2 semaphore(%run_scoped3A_201 : memref<!tpu.dma_semaphore, #tpu.memory_space<semaphore_mem>>) src(%dma_wait3A_225 : memref<128x128xf32, #tpu.memory_space<vmem>>) dst(%dma_wait3A_221 : memref<128x128xf32, #tpu.memory_space<hbm>>)
        tpu.yield
      }) : () -> ()
      %add3A_134 = arith.constant 2 : i32
      %add3A_135 = arith.addi %mul3A_72, %add3A_134 : i32
      %mul3A_136 = arith.constant 128 : i32
      %mul3A_137 = arith.muli %add3A_135, %mul3A_136 : i32
      %add3A_138 = arith.addi %mul3A_2, %mul3A_137 : i32
      %run_scoped3A_139 = arith.constant 0 : i32
      "tpu.region"() ({
        %run_scoped3A_201 = tpu.sem_alloc : memref<!tpu.dma_semaphore, #tpu.memory_space<semaphore_mem>>
        %dma_start3A_202 = arith.constant 0 : i32
        %dma_start3A_203 = tpu.memref_slice %arg7[%run_scoped3A_139, %dma_start3A_202] : memref<2x128xi32, #tpu.memory_space<vmem>> -> memref<1x128xi32, #tpu.memory_space<vmem>>
        %dma_start3A_204 = tpu.memref_squeeze %dma_start3A_203 : memref<1x128xi32, #tpu.memory_space<vmem>> -> memref<128xi32, #tpu.memory_space<vmem>>
        %dma_start3A_205 = tpu.memref_slice %arg2[%add3A_138] : memref<331776xi32, #tpu.memory_space<hbm>> -> memref<128xi32, #tpu.memory_space<hbm>>
        %dma_start3A_206 = arith.constant 0 : i32
        %dma_start3A_207 = tpu.memref_slice %arg7[%run_scoped3A_139, %dma_start3A_206] : memref<2x128xi32, #tpu.memory_space<vmem>> -> memref<1x128xi32, #tpu.memory_space<vmem>>
        %dma_start3A_208 = tpu.memref_squeeze %dma_start3A_207 : memref<1x128xi32, #tpu.memory_space<vmem>> -> memref<128xi32, #tpu.memory_space<vmem>>
        %dma_start3A_209 = tpu.memref_slice %arg2[%add3A_138] : memref<331776xi32, #tpu.memory_space<hbm>> -> memref<128xi32, #tpu.memory_space<hbm>>
        tpu.enqueue_dma source(%dma_start3A_209 : memref<128xi32, #tpu.memory_space<hbm>>) target(%dma_start3A_208 : memref<128xi32, #tpu.memory_space<vmem>>) target_semaphore(%run_scoped3A_201 : memref<!tpu.dma_semaphore, #tpu.memory_space<semaphore_mem>>)
        %dma_wait3A_210 = arith.constant 0 : i32
        %dma_wait3A_211 = tpu.memref_slice %arg7[%run_scoped3A_139, %dma_wait3A_210] : memref<2x128xi32, #tpu.memory_space<vmem>> -> memref<1x128xi32, #tpu.memory_space<vmem>>
        %dma_wait3A_212 = tpu.memref_squeeze %dma_wait3A_211 : memref<1x128xi32, #tpu.memory_space<vmem>> -> memref<128xi32, #tpu.memory_space<vmem>>
        %dma_wait3A_213 = tpu.memref_slice %arg2[%add3A_138] : memref<331776xi32, #tpu.memory_space<hbm>> -> memref<128xi32, #tpu.memory_space<hbm>>
        %dma_wait3A_214 = arith.constant 0 : i32
        %dma_wait3A_215 = tpu.memref_slice %arg7[%run_scoped3A_139, %dma_wait3A_214] : memref<2x128xi32, #tpu.memory_space<vmem>> -> memref<1x128xi32, #tpu.memory_space<vmem>>
        %dma_wait3A_216 = tpu.memref_squeeze %dma_wait3A_215 : memref<1x128xi32, #tpu.memory_space<vmem>> -> memref<128xi32, #tpu.memory_space<vmem>>
        %dma_wait3A_217 = tpu.memref_slice %arg2[%add3A_138] : memref<331776xi32, #tpu.memory_space<hbm>> -> memref<128xi32, #tpu.memory_space<hbm>>
        tpu.wait_dma2 semaphore(%run_scoped3A_201 : memref<!tpu.dma_semaphore, #tpu.memory_space<semaphore_mem>>) src(%dma_wait3A_217 : memref<128xi32, #tpu.memory_space<hbm>>) dst(%dma_wait3A_216 : memref<128xi32, #tpu.memory_space<vmem>>)
        tpu.yield
      }) : () -> ()
      %run_scoped3A_140 = arith.constant 0 : i32
      "tpu.region"() ({
        %run_scoped3A_201 = tpu.sem_alloc : memref<!tpu.dma_semaphore, #tpu.memory_space<semaphore_mem>>
        %dma_start3A_202 = arith.constant 0 : i32
        %dma_start3A_203 = tpu.memref_slice %arg8[%run_scoped3A_140, %dma_start3A_202] : memref<2x128xi32, #tpu.memory_space<vmem>> -> memref<1x128xi32, #tpu.memory_space<vmem>>
        %dma_start3A_204 = tpu.memref_squeeze %dma_start3A_203 : memref<1x128xi32, #tpu.memory_space<vmem>> -> memref<128xi32, #tpu.memory_space<vmem>>
        %dma_start3A_205 = tpu.memref_slice %arg3[%add3A_138] : memref<331776xi32, #tpu.memory_space<hbm>> -> memref<128xi32, #tpu.memory_space<hbm>>
        %dma_start3A_206 = arith.constant 0 : i32
        %dma_start3A_207 = tpu.memref_slice %arg8[%run_scoped3A_140, %dma_start3A_206] : memref<2x128xi32, #tpu.memory_space<vmem>> -> memref<1x128xi32, #tpu.memory_space<vmem>>
        %dma_start3A_208 = tpu.memref_squeeze %dma_start3A_207 : memref<1x128xi32, #tpu.memory_space<vmem>> -> memref<128xi32, #tpu.memory_space<vmem>>
        %dma_start3A_209 = tpu.memref_slice %arg3[%add3A_138] : memref<331776xi32, #tpu.memory_space<hbm>> -> memref<128xi32, #tpu.memory_space<hbm>>
        tpu.enqueue_dma source(%dma_start3A_209 : memref<128xi32, #tpu.memory_space<hbm>>) target(%dma_start3A_208 : memref<128xi32, #tpu.memory_space<vmem>>) target_semaphore(%run_scoped3A_201 : memref<!tpu.dma_semaphore, #tpu.memory_space<semaphore_mem>>)
        %dma_wait3A_210 = arith.constant 0 : i32
        %dma_wait3A_211 = tpu.memref_slice %arg8[%run_scoped3A_140, %dma_wait3A_210] : memref<2x128xi32, #tpu.memory_space<vmem>> -> memref<1x128xi32, #tpu.memory_space<vmem>>
        %dma_wait3A_212 = tpu.memref_squeeze %dma_wait3A_211 : memref<1x128xi32, #tpu.memory_space<vmem>> -> memref<128xi32, #tpu.memory_space<vmem>>
        %dma_wait3A_213 = tpu.memref_slice %arg3[%add3A_138] : memref<331776xi32, #tpu.memory_space<hbm>> -> memref<128xi32, #tpu.memory_space<hbm>>
        %dma_wait3A_214 = arith.constant 0 : i32
        %dma_wait3A_215 = tpu.memref_slice %arg8[%run_scoped3A_140, %dma_wait3A_214] : memref<2x128xi32, #tpu.memory_space<vmem>> -> memref<1x128xi32, #tpu.memory_space<vmem>>
        %dma_wait3A_216 = tpu.memref_squeeze %dma_wait3A_215 : memref<1x128xi32, #tpu.memory_space<vmem>> -> memref<128xi32, #tpu.memory_space<vmem>>
        %dma_wait3A_217 = tpu.memref_slice %arg3[%add3A_138] : memref<331776xi32, #tpu.memory_space<hbm>> -> memref<128xi32, #tpu.memory_space<hbm>>
        tpu.wait_dma2 semaphore(%run_scoped3A_201 : memref<!tpu.dma_semaphore, #tpu.memory_space<semaphore_mem>>) src(%dma_wait3A_217 : memref<128xi32, #tpu.memory_space<hbm>>) dst(%dma_wait3A_216 : memref<128xi32, #tpu.memory_space<vmem>>)
        tpu.yield
      }) : () -> ()
      %dma_start3A_141 = arith.constant 0 : i32
      %dma_start3A_142 = arith.constant 0 : i32
      %dma_start3A_143 = arith.constant 0 : i32
      %dma_start3A_144 = arith.constant 0 : i32
      %dma_start3A_145 = tpu.memref_slice %arg9[%dma_start3A_142, %dma_start3A_143, %dma_start3A_144] : memref<2x128x128xf32, #tpu.memory_space<vmem>> -> memref<1x128x128xf32, #tpu.memory_space<vmem>>
      %dma_start3A_146 = tpu.memref_squeeze %dma_start3A_145 : memref<1x128x128xf32, #tpu.memory_space<vmem>> -> memref<128x128xf32, #tpu.memory_space<vmem>>
      %dma_start3A_147 = arith.constant 0 : i32
      %dma_start3A_148 = tpu.memref_slice %arg7[%dma_start3A_141, %dma_start3A_147] : memref<2x128xi32, #tpu.memory_space<vmem>> -> memref<1x128xi32, #tpu.memory_space<vmem>>
      %dma_start3A_149 = tpu.memref_squeeze %dma_start3A_148 : memref<1x128xi32, #tpu.memory_space<vmem>> -> memref<128xi32, #tpu.memory_space<vmem>>
      %dma_start3A_150 = arith.constant 0 : i32
      %dma_start3A_151 = arith.constant 0 : i32
      %dma_start3A_152 = tpu.memref_slice %arg4[%dma_start3A_150, %dma_start3A_151] : memref<10000x128xf32, #tpu.memory_space<hbm>> -> memref<10000x128xf32, #tpu.memory_space<hbm>>
      tpu.enqueue_indirect_dma source(%dma_start3A_152 : memref<10000x128xf32, #tpu.memory_space<hbm>>) target(%dma_start3A_146 : memref<128x128xf32, #tpu.memory_space<vmem>>) offsets(%dma_start3A_149 : memref<128xi32, #tpu.memory_space<vmem>>) semaphore(%arg11 : memref<!tpu.dma_semaphore, #tpu.memory_space<semaphore_mem>>)
      %dma_start3A_153 = arith.constant 0 : i32
      %dma_start3A_154 = arith.constant 0 : i32
      %dma_start3A_155 = arith.constant 0 : i32
      %dma_start3A_156 = arith.constant 0 : i32
      %dma_start3A_157 = tpu.memref_slice %arg10[%dma_start3A_154, %dma_start3A_155, %dma_start3A_156] : memref<2x128x128xf32, #tpu.memory_space<vmem>> -> memref<1x128x128xf32, #tpu.memory_space<vmem>>
      %dma_start3A_158 = tpu.memref_squeeze %dma_start3A_157 : memref<1x128x128xf32, #tpu.memory_space<vmem>> -> memref<128x128xf32, #tpu.memory_space<vmem>>
      %dma_start3A_159 = arith.constant 0 : i32
      %dma_start3A_160 = tpu.memref_slice %arg8[%dma_start3A_153, %dma_start3A_159] : memref<2x128xi32, #tpu.memory_space<vmem>> -> memref<1x128xi32, #tpu.memory_space<vmem>>
      %dma_start3A_161 = tpu.memref_squeeze %dma_start3A_160 : memref<1x128xi32, #tpu.memory_space<vmem>> -> memref<128xi32, #tpu.memory_space<vmem>>
      %dma_start3A_162 = arith.constant 0 : i32
      %dma_start3A_163 = arith.constant 0 : i32
      %dma_start3A_164 = tpu.memref_slice %arg5[%dma_start3A_162, %dma_start3A_163] : memref<10000x128xf32, #tpu.memory_space<hbm>> -> memref<10000x128xf32, #tpu.memory_space<hbm>>
      tpu.enqueue_indirect_dma source(%dma_start3A_164 : memref<10000x128xf32, #tpu.memory_space<hbm>>) target(%dma_start3A_158 : memref<128x128xf32, #tpu.memory_space<vmem>>) offsets(%dma_start3A_161 : memref<128xi32, #tpu.memory_space<vmem>>) semaphore(%arg12 : memref<!tpu.dma_semaphore, #tpu.memory_space<semaphore_mem>>)
      %add3A_165 = arith.constant 1 : i32
      %add3A_166 = arith.addi %mul3A_72, %add3A_165 : i32
      %mul3A_167 = arith.constant 128 : i32
      %mul3A_168 = arith.muli %add3A_166, %mul3A_167 : i32
      %add3A_169 = arith.addi %mul3A_2, %mul3A_168 : i32
      %dma_wait3A_170 = arith.constant 1 : i32
      %dma_wait3A_171 = arith.constant 1 : i32
      %dma_wait3A_172 = arith.constant 0 : i32
      %dma_wait3A_173 = arith.constant 0 : i32
      %dma_wait3A_174 = tpu.memref_slice %arg9[%dma_wait3A_171, %dma_wait3A_172, %dma_wait3A_173] : memref<2x128x128xf32, #tpu.memory_space<vmem>> -> memref<1x128x128xf32, #tpu.memory_space<vmem>>
      %dma_wait3A_175 = tpu.memref_squeeze %dma_wait3A_174 : memref<1x128x128xf32, #tpu.memory_space<vmem>> -> memref<128x128xf32, #tpu.memory_space<vmem>>
      %dma_wait3A_176 = arith.constant 0 : i32
      %dma_wait3A_177 = tpu.memref_slice %arg7[%dma_wait3A_170, %dma_wait3A_176] : memref<2x128xi32, #tpu.memory_space<vmem>> -> memref<1x128xi32, #tpu.memory_space<vmem>>
      %dma_wait3A_178 = tpu.memref_squeeze %dma_wait3A_177 : memref<1x128xi32, #tpu.memory_space<vmem>> -> memref<128xi32, #tpu.memory_space<vmem>>
      %dma_wait3A_179 = arith.constant 0 : i32
      %dma_wait3A_180 = arith.constant 0 : i32
      %dma_wait3A_181 = tpu.memref_slice %arg4[%dma_wait3A_179, %dma_wait3A_180] : memref<10000x128xf32, #tpu.memory_space<hbm>> -> memref<10000x128xf32, #tpu.memory_space<hbm>>
      tpu.wait_indirect_dma semaphore(%arg13 : memref<!tpu.dma_semaphore, #tpu.memory_space<semaphore_mem>>) src(%dma_wait3A_181 : memref<10000x128xf32, #tpu.memory_space<hbm>>) dst(%dma_wait3A_175 : memref<128x128xf32, #tpu.memory_space<vmem>>)
      %dma_wait3A_182 = arith.constant 1 : i32
      %dma_wait3A_183 = arith.constant 1 : i32
      %dma_wait3A_184 = arith.constant 0 : i32
      %dma_wait3A_185 = arith.constant 0 : i32
      %dma_wait3A_186 = tpu.memref_slice %arg10[%dma_wait3A_183, %dma_wait3A_184, %dma_wait3A_185] : memref<2x128x128xf32, #tpu.memory_space<vmem>> -> memref<1x128x128xf32, #tpu.memory_space<vmem>>
      %dma_wait3A_187 = tpu.memref_squeeze %dma_wait3A_186 : memref<1x128x128xf32, #tpu.memory_space<vmem>> -> memref<128x128xf32, #tpu.memory_space<vmem>>
      %dma_wait3A_188 = arith.constant 0 : i32
      %dma_wait3A_189 = tpu.memref_slice %arg8[%dma_wait3A_182, %dma_wait3A_188] : memref<2x128xi32, #tpu.memory_space<vmem>> -> memref<1x128xi32, #tpu.memory_space<vmem>>
      %dma_wait3A_190 = tpu.memref_squeeze %dma_wait3A_189 : memref<1x128xi32, #tpu.memory_space<vmem>> -> memref<128xi32, #tpu.memory_space<vmem>>
      %dma_wait3A_191 = arith.constant 0 : i32
      %dma_wait3A_192 = arith.constant 0 : i32
      %dma_wait3A_193 = tpu.memref_slice %arg5[%dma_wait3A_191, %dma_wait3A_192] : memref<10000x128xf32, #tpu.memory_space<hbm>> -> memref<10000x128xf32, #tpu.memory_space<hbm>>
      tpu.wait_indirect_dma semaphore(%arg14 : memref<!tpu.dma_semaphore, #tpu.memory_space<semaphore_mem>>) src(%dma_wait3A_193 : memref<10000x128xf32, #tpu.memory_space<hbm>>) dst(%dma_wait3A_187 : memref<128x128xf32, #tpu.memory_space<vmem>>)
      %scan3A_194 = arith.constant 0 : i32
      %scan3A_195 = arith.constant 0 : i32
      %scan3A_196 = arith.constant 128 : i32
      %scan3A_197 = arith.addi %scan3A_195, %scan3A_196 : i32
      %scan3A_198 = arith.constant 1 : i32
      scf.for %scan3A_201 = %scan3A_195 to %scan3A_197 step %scan3A_198  : i32 {
        %get3A = arith.constant 1 : i32
        %get3A_202 = arith.index_cast %get3A : i32 to index
        %get3A_203 = arith.index_cast %scan3A_201 : i32 to index
        %get3A_204 = arith.constant 0 : index
        %get3A_205 = tpu.vector_load %arg9[%get3A_202, %get3A_203, %get3A_204] {strides = array<i32>} : memref<2x128x128xf32, #tpu.memory_space<vmem>>, vector<1x1x16xf32>,
        %get3A_206 = vector.shape_cast %get3A_205 : vector<1x1x16xf32> to vector<16xf32>
        %get3A_207 = arith.constant 1 : i32
        %get3A_208 = arith.index_cast %get3A_207 : i32 to index
        %get3A_209 = arith.index_cast %scan3A_201 : i32 to index
        %get3A_210 = arith.constant 0 : index
        %get3A_211 = tpu.vector_load %arg10[%get3A_208, %get3A_209, %get3A_210] {strides = array<i32>} : memref<2x128x128xf32, #tpu.memory_space<vmem>>, vector<1x1x16xf32>,
        %get3A_212 = vector.shape_cast %get3A_211 : vector<1x1x16xf32> to vector<16xf32>
        %add3A_213 = arith.addf %get3A_206, %get3A_212 : vector<16xf32>
        %max3A = arith.constant 0.000000e+00 : f32
        %max3A_214 = vector.broadcast %max3A : f32 to vector<16xf32>
        %max3A_215 = arith.maximumf %add3A_213, %max3A_214 : vector<16xf32>
        %min3A = arith.constant 0.000000e+00 : f32
        %min3A_216 = vector.broadcast %min3A : f32 to vector<16xf32>
        %min3A_217 = arith.minimumf %add3A_213, %min3A_216 : vector<16xf32>
        %mul3A_218 = arith.constant 2.000000e-01 : f32
        %mul3A_219 = vector.broadcast %mul3A_218 : f32 to vector<16xf32>
        %mul3A_220 = arith.mulf %mul3A_219, %min3A_217 : vector<16xf32>
        %add3A_221 = arith.addf %max3A_215, %mul3A_220 : vector<16xf32>
        %swap3A = arith.constant 1 : i32
        %swap3A_222 = arith.index_cast %swap3A : i32 to index
        %swap3A_223 = arith.index_cast %scan3A_201 : i32 to index
        %swap3A_224 = arith.constant 0 : index
        %swap3A_225 = tpu.vector_load %arg9[%swap3A_222, %swap3A_223, %swap3A_224] {strides = array<i32>} : memref<2x128x128xf32, #tpu.memory_space<vmem>>, vector<1x1x16xf32>,
        %swap3A_226 = vector.shape_cast %swap3A_225 : vector<1x1x16xf32> to vector<16xf32>
        %swap3A_227 = vector.shape_cast %add3A_221 : vector<16xf32> to vector<1x1x16xf32>
        tpu.vector_store %arg9[%swap3A_222, %swap3A_223, %swap3A_224], %swap3A_227 {strides = array<i32>} : memref<2x128x128xf32, #tpu.memory_space<vmem>>, vector<1x1x16xf32>,
        %get3A_228 = arith.constant 1 : i32
        %get3A_229 = arith.index_cast %get3A_228 : i32 to index
        %get3A_230 = arith.index_cast %scan3A_201 : i32 to index
        %get3A_231 = arith.constant 16 : index
        %get3A_232 = tpu.vector_load %arg9[%get3A_229, %get3A_230, %get3A_231] {strides = array<i32>} : memref<2x128x128xf32, #tpu.memory_space<vmem>>, vector<1x1x16xf32>,
        %get3A_233 = vector.shape_cast %get3A_232 : vector<1x1x16xf32> to vector<16xf32>
        %get3A_234 = arith.constant 1 : i32
        %get3A_235 = arith.index_cast %get3A_234 : i32 to index
        %get3A_236 = arith.index_cast %scan3A_201 : i32 to index
        %get3A_237 = arith.constant 16 : index
        %get3A_238 = tpu.vector_load %arg10[%get3A_235, %get3A_236, %get3A_237] {strides = array<i32>} : memref<2x128x128xf32, #tpu.memory_space<vmem>>, vector<1x1x16xf32>,
        %get3A_239 = vector.shape_cast %get3A_238 : vector<1x1x16xf32> to vector<16xf32>
        %add3A_240 = arith.addf %get3A_233, %get3A_239 : vector<16xf32>
        %max3A_241 = arith.constant 0.000000e+00 : f32
        %max3A_242 = vector.broadcast %max3A_241 : f32 to vector<16xf32>
        %max3A_243 = arith.maximumf %add3A_240, %max3A_242 : vector<16xf32>
        %min3A_244 = arith.constant 0.000000e+00 : f32
        %min3A_245 = vector.broadcast %min3A_244 : f32 to vector<16xf32>
        %min3A_246 = arith.minimumf %add3A_240, %min3A_245 : vector<16xf32>
        %mul3A_247 = arith.constant 2.000000e-01 : f32
        %mul3A_248 = vector.broadcast %mul3A_247 : f32 to vector<16xf32>
        %mul3A_249 = arith.mulf %mul3A_248, %min3A_246 : vector<16xf32>
        %add3A_250 = arith.addf %max3A_243, %mul3A_249 : vector<16xf32>
        %swap3A_251 = arith.constant 1 : i32
        %swap3A_252 = arith.index_cast %swap3A_251 : i32 to index
        %swap3A_253 = arith.index_cast %scan3A_201 : i32 to index
        %swap3A_254 = arith.constant 16 : index
        %swap3A_255 = tpu.vector_load %arg9[%swap3A_252, %swap3A_253, %swap3A_254] {strides = array<i32>} : memref<2x128x128xf32, #tpu.memory_space<vmem>>, vector<1x1x16xf32>,
        %swap3A_256 = vector.shape_cast %swap3A_255 : vector<1x1x16xf32> to vector<16xf32>
        %swap3A_257 = vector.shape_cast %add3A_250 : vector<16xf32> to vector<1x1x16xf32>
        tpu.vector_store %arg9[%swap3A_252, %swap3A_253, %swap3A_254], %swap3A_257 {strides = array<i32>} : memref<2x128x128xf32, #tpu.memory_space<vmem>>, vector<1x1x16xf32>,
        %get3A_258 = arith.constant 1 : i32
        %get3A_259 = arith.index_cast %get3A_258 : i32 to index
        %get3A_260 = arith.index_cast %scan3A_201 : i32 to index
        %get3A_261 = arith.constant 32 : index
        %get3A_262 = tpu.vector_load %arg9[%get3A_259, %get3A_260, %get3A_261] {strides = array<i32>} : memref<2x128x128xf32, #tpu.memory_space<vmem>>, vector<1x1x16xf32>,
        %get3A_263 = vector.shape_cast %get3A_262 : vector<1x1x16xf32> to vector<16xf32>
        %get3A_264 = arith.constant 1 : i32
        %get3A_265 = arith.index_cast %get3A_264 : i32 to index
        %get3A_266 = arith.index_cast %scan3A_201 : i32 to index
        %get3A_267 = arith.constant 32 : index
        %get3A_268 = tpu.vector_load %arg10[%get3A_265, %get3A_266, %get3A_267] {strides = array<i32>} : memref<2x128x128xf32, #tpu.memory_space<vmem>>, vector<1x1x16xf32>,
        %get3A_269 = vector.shape_cast %get3A_268 : vector<1x1x16xf32> to vector<16xf32>
        %add3A_270 = arith.addf %get3A_263, %get3A_269 : vector<16xf32>
        %max3A_271 = arith.constant 0.000000e+00 : f32
        %max3A_272 = vector.broadcast %max3A_271 : f32 to vector<16xf32>
        %max3A_273 = arith.maximumf %add3A_270, %max3A_272 : vector<16xf32>
        %min3A_274 = arith.constant 0.000000e+00 : f32
        %min3A_275 = vector.broadcast %min3A_274 : f32 to vector<16xf32>
        %min3A_276 = arith.minimumf %add3A_270, %min3A_275 : vector<16xf32>
        %mul3A_277 = arith.constant 2.000000e-01 : f32
        %mul3A_278 = vector.broadcast %mul3A_277 : f32 to vector<16xf32>
        %mul3A_279 = arith.mulf %mul3A_278, %min3A_276 : vector<16xf32>
        %add3A_280 = arith.addf %max3A_273, %mul3A_279 : vector<16xf32>
        %swap3A_281 = arith.constant 1 : i32
        %swap3A_282 = arith.index_cast %swap3A_281 : i32 to index
        %swap3A_283 = arith.index_cast %scan3A_201 : i32 to index
        %swap3A_284 = arith.constant 32 : index
        %swap3A_285 = tpu.vector_load %arg9[%swap3A_282, %swap3A_283, %swap3A_284] {strides = array<i32>} : memref<2x128x128xf32, #tpu.memory_space<vmem>>, vector<1x1x16xf32>,
        %swap3A_286 = vector.shape_cast %swap3A_285 : vector<1x1x16xf32> to vector<16xf32>
        %swap3A_287 = vector.shape_cast %add3A_280 : vector<16xf32> to vector<1x1x16xf32>
        tpu.vector_store %arg9[%swap3A_282, %swap3A_283, %swap3A_284], %swap3A_287 {strides = array<i32>} : memref<2x128x128xf32, #tpu.memory_space<vmem>>, vector<1x1x16xf32>,
        %get3A_288 = arith.constant 1 : i32
        %get3A_289 = arith.index_cast %get3A_288 : i32 to index
        %get3A_290 = arith.index_cast %scan3A_201 : i32 to index
        %get3A_291 = arith.constant 48 : index
        %get3A_292 = tpu.vector_load %arg9[%get3A_289, %get3A_290, %get3A_291] {strides = array<i32>} : memref<2x128x128xf32, #tpu.memory_space<vmem>>, vector<1x1x16xf32>,
        %get3A_293 = vector.shape_cast %get3A_292 : vector<1x1x16xf32> to vector<16xf32>
        %get3A_294 = arith.constant 1 : i32
        %get3A_295 = arith.index_cast %get3A_294 : i32 to index
        %get3A_296 = arith.index_cast %scan3A_201 : i32 to index
        %get3A_297 = arith.constant 48 : index
        %get3A_298 = tpu.vector_load %arg10[%get3A_295, %get3A_296, %get3A_297] {strides = array<i32>} : memref<2x128x128xf32, #tpu.memory_space<vmem>>, vector<1x1x16xf32>,
        %get3A_299 = vector.shape_cast %get3A_298 : vector<1x1x16xf32> to vector<16xf32>
        %add3A_300 = arith.addf %get3A_293, %get3A_299 : vector<16xf32>
        %max3A_301 = arith.constant 0.000000e+00 : f32
        %max3A_302 = vector.broadcast %max3A_301 : f32 to vector<16xf32>
        %max3A_303 = arith.maximumf %add3A_300, %max3A_302 : vector<16xf32>
        %min3A_304 = arith.constant 0.000000e+00 : f32
        %min3A_305 = vector.broadcast %min3A_304 : f32 to vector<16xf32>
        %min3A_306 = arith.minimumf %add3A_300, %min3A_305 : vector<16xf32>
        %mul3A_307 = arith.constant 2.000000e-01 : f32
        %mul3A_308 = vector.broadcast %mul3A_307 : f32 to vector<16xf32>
        %mul3A_309 = arith.mulf %mul3A_308, %min3A_306 : vector<16xf32>
        %add3A_310 = arith.addf %max3A_303, %mul3A_309 : vector<16xf32>
        %swap3A_311 = arith.constant 1 : i32
        %swap3A_312 = arith.index_cast %swap3A_311 : i32 to index
        %swap3A_313 = arith.index_cast %scan3A_201 : i32 to index
        %swap3A_314 = arith.constant 48 : index
        %swap3A_315 = tpu.vector_load %arg9[%swap3A_312, %swap3A_313, %swap3A_314] {strides = array<i32>} : memref<2x128x128xf32, #tpu.memory_space<vmem>>, vector<1x1x16xf32>,
        %swap3A_316 = vector.shape_cast %swap3A_315 : vector<1x1x16xf32> to vector<16xf32>
        %swap3A_317 = vector.shape_cast %add3A_310 : vector<16xf32> to vector<1x1x16xf32>
        tpu.vector_store %arg9[%swap3A_312, %swap3A_313, %swap3A_314], %swap3A_317 {strides = array<i32>} : memref<2x128x128xf32, #tpu.memory_space<vmem>>, vector<1x1x16xf32>,
        %get3A_318 = arith.constant 1 : i32
        %get3A_319 = arith.index_cast %get3A_318 : i32 to index
        %get3A_320 = arith.index_cast %scan3A_201 : i32 to index
        %get3A_321 = arith.constant 64 : index
        %get3A_322 = tpu.vector_load %arg9[%get3A_319, %get3A_320, %get3A_321] {strides = array<i32>} : memref<2x128x128xf32, #tpu.memory_space<vmem>>, vector<1x1x16xf32>,
        %get3A_323 = vector.shape_cast %get3A_322 : vector<1x1x16xf32> to vector<16xf32>
        %get3A_324 = arith.constant 1 : i32
        %get3A_325 = arith.index_cast %get3A_324 : i32 to index
        %get3A_326 = arith.index_cast %scan3A_201 : i32 to index
        %get3A_327 = arith.constant 64 : index
        %get3A_328 = tpu.vector_load %arg10[%get3A_325, %get3A_326, %get3A_327] {strides = array<i32>} : memref<2x128x128xf32, #tpu.memory_space<vmem>>, vector<1x1x16xf32>,
        %get3A_329 = vector.shape_cast %get3A_328 : vector<1x1x16xf32> to vector<16xf32>
        %add3A_330 = arith.addf %get3A_323, %get3A_329 : vector<16xf32>
        %max3A_331 = arith.constant 0.000000e+00 : f32
        %max3A_332 = vector.broadcast %max3A_331 : f32 to vector<16xf32>
        %max3A_333 = arith.maximumf %add3A_330, %max3A_332 : vector<16xf32>
        %min3A_334 = arith.constant 0.000000e+00 : f32
        %min3A_335 = vector.broadcast %min3A_334 : f32 to vector<16xf32>
        %min3A_336 = arith.minimumf %add3A_330, %min3A_335 : vector<16xf32>
        %mul3A_337 = arith.constant 2.000000e-01 : f32
        %mul3A_338 = vector.broadcast %mul3A_337 : f32 to vector<16xf32>
        %mul3A_339 = arith.mulf %mul3A_338, %min3A_336 : vector<16xf32>
        %add3A_340 = arith.addf %max3A_333, %mul3A_339 : vector<16xf32>
        %swap3A_341 = arith.constant 1 : i32
        %swap3A_342 = arith.index_cast %swap3A_341 : i32 to index
        %swap3A_343 = arith.index_cast %scan3A_201 : i32 to index
        %swap3A_344 = arith.constant 64 : index
        %swap3A_345 = tpu.vector_load %arg9[%swap3A_342, %swap3A_343, %swap3A_344] {strides = array<i32>} : memref<2x128x128xf32, #tpu.memory_space<vmem>>, vector<1x1x16xf32>,
        %swap3A_346 = vector.shape_cast %swap3A_345 : vector<1x1x16xf32> to vector<16xf32>
        %swap3A_347 = vector.shape_cast %add3A_340 : vector<16xf32> to vector<1x1x16xf32>
        tpu.vector_store %arg9[%swap3A_342, %swap3A_343, %swap3A_344], %swap3A_347 {strides = array<i32>} : memref<2x128x128xf32, #tpu.memory_space<vmem>>, vector<1x1x16xf32>,
        %get3A_348 = arith.constant 1 : i32
        %get3A_349 = arith.index_cast %get3A_348 : i32 to index
        %get3A_350 = arith.index_cast %scan3A_201 : i32 to index
        %get3A_351 = arith.constant 80 : index
        %get3A_352 = tpu.vector_load %arg9[%get3A_349, %get3A_350, %get3A_351] {strides = array<i32>} : memref<2x128x128xf32, #tpu.memory_space<vmem>>, vector<1x1x16xf32>,
        %get3A_353 = vector.shape_cast %get3A_352 : vector<1x1x16xf32> to vector<16xf32>
        %get3A_354 = arith.constant 1 : i32
        %get3A_355 = arith.index_cast %get3A_354 : i32 to index
        %get3A_356 = arith.index_cast %scan3A_201 : i32 to index
        %get3A_357 = arith.constant 80 : index
        %get3A_358 = tpu.vector_load %arg10[%get3A_355, %get3A_356, %get3A_357] {strides = array<i32>} : memref<2x128x128xf32, #tpu.memory_space<vmem>>, vector<1x1x16xf32>,
        %get3A_359 = vector.shape_cast %get3A_358 : vector<1x1x16xf32> to vector<16xf32>
        %add3A_360 = arith.addf %get3A_353, %get3A_359 : vector<16xf32>
        %max3A_361 = arith.constant 0.000000e+00 : f32
        %max3A_362 = vector.broadcast %max3A_361 : f32 to vector<16xf32>
        %max3A_363 = arith.maximumf %add3A_360, %max3A_362 : vector<16xf32>
        %min3A_364 = arith.constant 0.000000e+00 : f32
        %min3A_365 = vector.broadcast %min3A_364 : f32 to vector<16xf32>
        %min3A_366 = arith.minimumf %add3A_360, %min3A_365 : vector<16xf32>
        %mul3A_367 = arith.constant 2.000000e-01 : f32
        %mul3A_368 = vector.broadcast %mul3A_367 : f32 to vector<16xf32>
        %mul3A_369 = arith.mulf %mul3A_368, %min3A_366 : vector<16xf32>
        %add3A_370 = arith.addf %max3A_363, %mul3A_369 : vector<16xf32>
        %swap3A_371 = arith.constant 1 : i32
        %swap3A_372 = arith.index_cast %swap3A_371 : i32 to index
        %swap3A_373 = arith.index_cast %scan3A_201 : i32 to index
        %swap3A_374 = arith.constant 80 : index
        %swap3A_375 = tpu.vector_load %arg9[%swap3A_372, %swap3A_373, %swap3A_374] {strides = array<i32>} : memref<2x128x128xf32, #tpu.memory_space<vmem>>, vector<1x1x16xf32>,
        %swap3A_376 = vector.shape_cast %swap3A_375 : vector<1x1x16xf32> to vector<16xf32>
        %swap3A_377 = vector.shape_cast %add3A_370 : vector<16xf32> to vector<1x1x16xf32>
        tpu.vector_store %arg9[%swap3A_372, %swap3A_373, %swap3A_374], %swap3A_377 {strides = array<i32>} : memref<2x128x128xf32, #tpu.memory_space<vmem>>, vector<1x1x16xf32>,
        %get3A_378 = arith.constant 1 : i32
        %get3A_379 = arith.index_cast %get3A_378 : i32 to index
        %get3A_380 = arith.index_cast %scan3A_201 : i32 to index
        %get3A_381 = arith.constant 96 : index
        %get3A_382 = tpu.vector_load %arg9[%get3A_379, %get3A_380, %get3A_381] {strides = array<i32>} : memref<2x128x128xf32, #tpu.memory_space<vmem>>, vector<1x1x16xf32>,
        %get3A_383 = vector.shape_cast %get3A_382 : vector<1x1x16xf32> to vector<16xf32>
        %get3A_384 = arith.constant 1 : i32
        %get3A_385 = arith.index_cast %get3A_384 : i32 to index
        %get3A_386 = arith.index_cast %scan3A_201 : i32 to index
        %get3A_387 = arith.constant 96 : index
        %get3A_388 = tpu.vector_load %arg10[%get3A_385, %get3A_386, %get3A_387] {strides = array<i32>} : memref<2x128x128xf32, #tpu.memory_space<vmem>>, vector<1x1x16xf32>,
        %get3A_389 = vector.shape_cast %get3A_388 : vector<1x1x16xf32> to vector<16xf32>
        %add3A_390 = arith.addf %get3A_383, %get3A_389 : vector<16xf32>
        %max3A_391 = arith.constant 0.000000e+00 : f32
        %max3A_392 = vector.broadcast %max3A_391 : f32 to vector<16xf32>
        %max3A_393 = arith.maximumf %add3A_390, %max3A_392 : vector<16xf32>
        %min3A_394 = arith.constant 0.000000e+00 : f32
        %min3A_395 = vector.broadcast %min3A_394 : f32 to vector<16xf32>
        %min3A_396 = arith.minimumf %add3A_390, %min3A_395 : vector<16xf32>
        %mul3A_397 = arith.constant 2.000000e-01 : f32
        %mul3A_398 = vector.broadcast %mul3A_397 : f32 to vector<16xf32>
        %mul3A_399 = arith.mulf %mul3A_398, %min3A_396 : vector<16xf32>
        %add3A_400 = arith.addf %max3A_393, %mul3A_399 : vector<16xf32>
        %swap3A_401 = arith.constant 1 : i32
        %swap3A_402 = arith.index_cast %swap3A_401 : i32 to index
        %swap3A_403 = arith.index_cast %scan3A_201 : i32 to index
        %swap3A_404 = arith.constant 96 : index
        %swap3A_405 = tpu.vector_load %arg9[%swap3A_402, %swap3A_403, %swap3A_404] {strides = array<i32>} : memref<2x128x128xf32, #tpu.memory_space<vmem>>, vector<1x1x16xf32>,
        %swap3A_406 = vector.shape_cast %swap3A_405 : vector<1x1x16xf32> to vector<16xf32>
        %swap3A_407 = vector.shape_cast %add3A_400 : vector<16xf32> to vector<1x1x16xf32>
        tpu.vector_store %arg9[%swap3A_402, %swap3A_403, %swap3A_404], %swap3A_407 {strides = array<i32>} : memref<2x128x128xf32, #tpu.memory_space<vmem>>, vector<1x1x16xf32>,
        %get3A_408 = arith.constant 1 : i32
        %get3A_409 = arith.index_cast %get3A_408 : i32 to index
        %get3A_410 = arith.index_cast %scan3A_201 : i32 to index
        %get3A_411 = arith.constant 112 : index
        %get3A_412 = tpu.vector_load %arg9[%get3A_409, %get3A_410, %get3A_411] {strides = array<i32>} : memref<2x128x128xf32, #tpu.memory_space<vmem>>, vector<1x1x16xf32>,
        %get3A_413 = vector.shape_cast %get3A_412 : vector<1x1x16xf32> to vector<16xf32>
        %get3A_414 = arith.constant 1 : i32
        %get3A_415 = arith.index_cast %get3A_414 : i32 to index
        %get3A_416 = arith.index_cast %scan3A_201 : i32 to index
        %get3A_417 = arith.constant 112 : index
        %get3A_418 = tpu.vector_load %arg10[%get3A_415, %get3A_416, %get3A_417] {strides = array<i32>} : memref<2x128x128xf32, #tpu.memory_space<vmem>>, vector<1x1x16xf32>,
        %get3A_419 = vector.shape_cast %get3A_418 : vector<1x1x16xf32> to vector<16xf32>
        %add3A_420 = arith.addf %get3A_413, %get3A_419 : vector<16xf32>
        %max3A_421 = arith.constant 0.000000e+00 : f32
        %max3A_422 = vector.broadcast %max3A_421 : f32 to vector<16xf32>
        %max3A_423 = arith.maximumf %add3A_420, %max3A_422 : vector<16xf32>
        %min3A_424 = arith.constant 0.000000e+00 : f32
        %min3A_425 = vector.broadcast %min3A_424 : f32 to vector<16xf32>
        %min3A_426 = arith.minimumf %add3A_420, %min3A_425 : vector<16xf32>
        %mul3A_427 = arith.constant 2.000000e-01 : f32
        %mul3A_428 = vector.broadcast %mul3A_427 : f32 to vector<16xf32>
        %mul3A_429 = arith.mulf %mul3A_428, %min3A_426 : vector<16xf32>
        %add3A_430 = arith.addf %max3A_423, %mul3A_429 : vector<16xf32>
        %swap3A_431 = arith.constant 1 : i32
        %swap3A_432 = arith.index_cast %swap3A_431 : i32 to index
        %swap3A_433 = arith.index_cast %scan3A_201 : i32 to index
        %swap3A_434 = arith.constant 112 : index
        %swap3A_435 = tpu.vector_load %arg9[%swap3A_432, %swap3A_433, %swap3A_434] {strides = array<i32>} : memref<2x128x128xf32, #tpu.memory_space<vmem>>, vector<1x1x16xf32>,
        %swap3A_436 = vector.shape_cast %swap3A_435 : vector<1x1x16xf32> to vector<16xf32>
        %swap3A_437 = vector.shape_cast %add3A_430 : vector<16xf32> to vector<1x1x16xf32>
        tpu.vector_store %arg9[%swap3A_432, %swap3A_433, %swap3A_434], %swap3A_437 {strides = array<i32>} : memref<2x128x128xf32, #tpu.memory_space<vmem>>, vector<1x1x16xf32>,
      }
      %scan3A_199 = arith.constant 128 : i32
      %run_scoped3A_200 = arith.constant 1 : i32
      "tpu.region"() ({
        %run_scoped3A_201 = tpu.sem_alloc : memref<!tpu.dma_semaphore, #tpu.memory_space<semaphore_mem>>
        %dma_start3A_202 = arith.constant 0 : i32
        %dma_start3A_203 = arith.constant 0 : i32
        %dma_start3A_204 = tpu.memref_slice %arg9[%run_scoped3A_200, %dma_start3A_202, %dma_start3A_203] : memref<2x128x128xf32, #tpu.memory_space<vmem>> -> memref<1x128x128xf32, #tpu.memory_space<vmem>>
        %dma_start3A_205 = tpu.memref_squeeze %dma_start3A_204 : memref<1x128x128xf32, #tpu.memory_space<vmem>> -> memref<128x128xf32, #tpu.memory_space<vmem>>
        %dma_start3A_206 = arith.constant 0 : i32
        %dma_start3A_207 = tpu.memref_slice %arg6[%add3A_169, %dma_start3A_206] : memref<331776x128xf32, #tpu.memory_space<hbm>> -> memref<128x128xf32, #tpu.memory_space<hbm>>
        %dma_start3A_208 = arith.constant 0 : i32
        %dma_start3A_209 = tpu.memref_slice %arg6[%add3A_169, %dma_start3A_208] : memref<331776x128xf32, #tpu.memory_space<hbm>> -> memref<128x128xf32, #tpu.memory_space<hbm>>
        %dma_start3A_210 = arith.constant 0 : i32
        %dma_start3A_211 = arith.constant 0 : i32
        %dma_start3A_212 = tpu.memref_slice %arg9[%run_scoped3A_200, %dma_start3A_210, %dma_start3A_211] : memref<2x128x128xf32, #tpu.memory_space<vmem>> -> memref<1x128x128xf32, #tpu.memory_space<vmem>>
        %dma_start3A_213 = tpu.memref_squeeze %dma_start3A_212 : memref<1x128x128xf32, #tpu.memory_space<vmem>> -> memref<128x128xf32, #tpu.memory_space<vmem>>
        tpu.enqueue_dma source(%dma_start3A_213 : memref<128x128xf32, #tpu.memory_space<vmem>>) target(%dma_start3A_209 : memref<128x128xf32, #tpu.memory_space<hbm>>) target_semaphore(%run_scoped3A_201 : memref<!tpu.dma_semaphore, #tpu.memory_space<semaphore_mem>>)
        %dma_wait3A_214 = arith.constant 0 : i32
        %dma_wait3A_215 = arith.constant 0 : i32
        %dma_wait3A_216 = tpu.memref_slice %arg9[%run_scoped3A_200, %dma_wait3A_214, %dma_wait3A_215] : memref<2x128x128xf32, #tpu.memory_space<vmem>> -> memref<1x128x128xf32, #tpu.memory_space<vmem>>
        %dma_wait3A_217 = tpu.memref_squeeze %dma_wait3A_216 : memref<1x128x128xf32, #tpu.memory_space<vmem>> -> memref<128x128xf32, #tpu.memory_space<vmem>>
        %dma_wait3A_218 = arith.constant 0 : i32
        %dma_wait3A_219 = tpu.memref_slice %arg6[%add3A_169, %dma_wait3A_218] : memref<331776x128xf32, #tpu.memory_space<hbm>> -> memref<128x128xf32, #tpu.memory_space<hbm>>
        %dma_wait3A_220 = arith.constant 0 : i32
        %dma_wait3A_221 = tpu.memref_slice %arg6[%add3A_169, %dma_wait3A_220] : memref<331776x128xf32, #tpu.memory_space<hbm>> -> memref<128x128xf32, #tpu.memory_space<hbm>>
        %dma_wait3A_222 = arith.constant 0 : i32
        %dma_wait3A_223 = arith.constant 0 : i32
        %dma_wait3A_224 = tpu.memref_slice %arg9[%run_scoped3A_200, %dma_wait3A_222, %dma_wait3A_223] : memref<2x128x128xf32, #tpu.memory_space<vmem>> -> memref<1x128x128xf32, #tpu.memory_space<vmem>>
        %dma_wait3A_225 = tpu.memref_squeeze %dma_wait3A_224 : memref<1x128x128xf32, #tpu.memory_space<vmem>> -> memref<128x128xf32, #tpu.memory_space<vmem>>
        tpu.wait_dma2 semaphore(%run_scoped3A_201 : memref<!tpu.dma_semaphore, #tpu.memory_space<semaphore_mem>>) src(%dma_wait3A_225 : memref<128x128xf32, #tpu.memory_space<vmem>>) dst(%dma_wait3A_221 : memref<128x128xf32, #tpu.memory_space<hbm>>)
        tpu.yield
      }) : () -> ()
    }
    %scan3A_37 = arith.constant 40 : i32
    %add3A_38 = arith.constant 10240 : i32
    %add3A_39 = arith.addi %mul3A_2, %add3A_38 : i32
    %dma_wait3A = arith.constant 0 : i32
    %dma_wait3A_40 = arith.constant 0 : i32
    %dma_wait3A_41 = arith.constant 0 : i32
    %dma_wait3A_42 = arith.constant 0 : i32
    %dma_wait3A_43 = tpu.memref_slice %arg9[%dma_wait3A_40, %dma_wait3A_41, %dma_wait3A_42] : memref<2x128x128xf32, #tpu.memory_space<vmem>> -> memref<1x128x128xf32, #tpu.memory_space<vmem>>
    %dma_wait3A_44 = tpu.memref_squeeze %dma_wait3A_43 : memref<1x128x128xf32, #tpu.memory_space<vmem>> -> memref<128x128xf32, #tpu.memory_space<vmem>>
    %dma_wait3A_45 = arith.constant 0 : i32
    %dma_wait3A_46 = tpu.memref_slice %arg7[%dma_wait3A, %dma_wait3A_45] : memref<2x128xi32, #tpu.memory_space<vmem>> -> memref<1x128xi32, #tpu.memory_space<vmem>>
    %dma_wait3A_47 = tpu.memref_squeeze %dma_wait3A_46 : memref<1x128xi32, #tpu.memory_space<vmem>> -> memref<128xi32, #tpu.memory_space<vmem>>
    %dma_wait3A_48 = arith.constant 0 : i32
    %dma_wait3A_49 = arith.constant 0 : i32
    %dma_wait3A_50 = tpu.memref_slice %arg4[%dma_wait3A_48, %dma_wait3A_49] : memref<10000x128xf32, #tpu.memory_space<hbm>> -> memref<10000x128xf32, #tpu.memory_space<hbm>>
    tpu.wait_indirect_dma semaphore(%arg11 : memref<!tpu.dma_semaphore, #tpu.memory_space<semaphore_mem>>) src(%dma_wait3A_50 : memref<10000x128xf32, #tpu.memory_space<hbm>>) dst(%dma_wait3A_44 : memref<128x128xf32, #tpu.memory_space<vmem>>)
    %dma_wait3A_51 = arith.constant 0 : i32
    %dma_wait3A_52 = arith.constant 0 : i32
    %dma_wait3A_53 = arith.constant 0 : i32
    %dma_wait3A_54 = arith.constant 0 : i32
    %dma_wait3A_55 = tpu.memref_slice %arg10[%dma_wait3A_52, %dma_wait3A_53, %dma_wait3A_54] : memref<2x128x128xf32, #tpu.memory_space<vmem>> -> memref<1x128x128xf32, #tpu.memory_space<vmem>>
    %dma_wait3A_56 = tpu.memref_squeeze %dma_wait3A_55 : memref<1x128x128xf32, #tpu.memory_space<vmem>> -> memref<128x128xf32, #tpu.memory_space<vmem>>
    %dma_wait3A_57 = arith.constant 0 : i32
    %dma_wait3A_58 = tpu.memref_slice %arg8[%dma_wait3A_51, %dma_wait3A_57] : memref<2x128xi32, #tpu.memory_space<vmem>> -> memref<1x128xi32, #tpu.memory_space<vmem>>
    %dma_wait3A_59 = tpu.memref_squeeze %dma_wait3A_58 : memref<1x128xi32, #tpu.memory_space<vmem>> -> memref<128xi32, #tpu.memory_space<vmem>>
    %dma_wait3A_60 = arith.constant 0 : i32
    %dma_wait3A_61 = arith.constant 0 : i32
    %dma_wait3A_62 = tpu.memref_slice %arg5[%dma_wait3A_60, %dma_wait3A_61] : memref<10000x128xf32, #tpu.memory_space<hbm>> -> memref<10000x128xf32, #tpu.memory_space<hbm>>
    tpu.wait_indirect_dma semaphore(%arg12 : memref<!tpu.dma_semaphore, #tpu.memory_space<semaphore_mem>>) src(%dma_wait3A_62 : memref<10000x128xf32, #tpu.memory_space<hbm>>) dst(%dma_wait3A_56 : memref<128x128xf32, #tpu.memory_space<vmem>>)
    %scan3A_63 = arith.constant 0 : i32
    %scan3A_64 = arith.constant 0 : i32
    %scan3A_65 = arith.constant 128 : i32
    %scan3A_66 = arith.addi %scan3A_64, %scan3A_65 : i32
    %scan3A_67 = arith.constant 1 : i32
    scf.for %scan3A_70 = %scan3A_64 to %scan3A_66 step %scan3A_67  : i32 {
      %get3A = arith.constant 0 : i32
      %get3A_71 = arith.index_cast %get3A : i32 to index
      %get3A_72 = arith.index_cast %scan3A_70 : i32 to index
      %get3A_73 = arith.constant 0 : index
      %get3A_74 = tpu.vector_load %arg9[%get3A_71, %get3A_72, %get3A_73] {strides = array<i32>} : memref<2x128x128xf32, #tpu.memory_space<vmem>>, vector<1x1x16xf32>,
      %get3A_75 = vector.shape_cast %get3A_74 : vector<1x1x16xf32> to vector<16xf32>
      %get3A_76 = arith.constant 0 : i32
      %get3A_77 = arith.index_cast %get3A_76 : i32 to index
      %get3A_78 = arith.index_cast %scan3A_70 : i32 to index
      %get3A_79 = arith.constant 0 : index
      %get3A_80 = tpu.vector_load %arg10[%get3A_77, %get3A_78, %get3A_79] {strides = array<i32>} : memref<2x128x128xf32, #tpu.memory_space<vmem>>, vector<1x1x16xf32>,
      %get3A_81 = vector.shape_cast %get3A_80 : vector<1x1x16xf32> to vector<16xf32>
      %add3A_82 = arith.addf %get3A_75, %get3A_81 : vector<16xf32>
      %max3A = arith.constant 0.000000e+00 : f32
      %max3A_83 = vector.broadcast %max3A : f32 to vector<16xf32>
      %max3A_84 = arith.maximumf %add3A_82, %max3A_83 : vector<16xf32>
      %min3A = arith.constant 0.000000e+00 : f32
      %min3A_85 = vector.broadcast %min3A : f32 to vector<16xf32>
      %min3A_86 = arith.minimumf %add3A_82, %min3A_85 : vector<16xf32>
      %mul3A_87 = arith.constant 2.000000e-01 : f32
      %mul3A_88 = vector.broadcast %mul3A_87 : f32 to vector<16xf32>
      %mul3A_89 = arith.mulf %mul3A_88, %min3A_86 : vector<16xf32>
      %add3A_90 = arith.addf %max3A_84, %mul3A_89 : vector<16xf32>
      %swap3A = arith.constant 0 : i32
      %swap3A_91 = arith.index_cast %swap3A : i32 to index
      %swap3A_92 = arith.index_cast %scan3A_70 : i32 to index
      %swap3A_93 = arith.constant 0 : index
      %swap3A_94 = tpu.vector_load %arg9[%swap3A_91, %swap3A_92, %swap3A_93] {strides = array<i32>} : memref<2x128x128xf32, #tpu.memory_space<vmem>>, vector<1x1x16xf32>,
      %swap3A_95 = vector.shape_cast %swap3A_94 : vector<1x1x16xf32> to vector<16xf32>
      %swap3A_96 = vector.shape_cast %add3A_90 : vector<16xf32> to vector<1x1x16xf32>
      tpu.vector_store %arg9[%swap3A_91, %swap3A_92, %swap3A_93], %swap3A_96 {strides = array<i32>} : memref<2x128x128xf32, #tpu.memory_space<vmem>>, vector<1x1x16xf32>,
      %get3A_97 = arith.constant 0 : i32
      %get3A_98 = arith.index_cast %get3A_97 : i32 to index
      %get3A_99 = arith.index_cast %scan3A_70 : i32 to index
      %get3A_100 = arith.constant 16 : index
      %get3A_101 = tpu.vector_load %arg9[%get3A_98, %get3A_99, %get3A_100] {strides = array<i32>} : memref<2x128x128xf32, #tpu.memory_space<vmem>>, vector<1x1x16xf32>,
      %get3A_102 = vector.shape_cast %get3A_101 : vector<1x1x16xf32> to vector<16xf32>
      %get3A_103 = arith.constant 0 : i32
      %get3A_104 = arith.index_cast %get3A_103 : i32 to index
      %get3A_105 = arith.index_cast %scan3A_70 : i32 to index
      %get3A_106 = arith.constant 16 : index
      %get3A_107 = tpu.vector_load %arg10[%get3A_104, %get3A_105, %get3A_106] {strides = array<i32>} : memref<2x128x128xf32, #tpu.memory_space<vmem>>, vector<1x1x16xf32>,
      %get3A_108 = vector.shape_cast %get3A_107 : vector<1x1x16xf32> to vector<16xf32>
      %add3A_109 = arith.addf %get3A_102, %get3A_108 : vector<16xf32>
      %max3A_110 = arith.constant 0.000000e+00 : f32
      %max3A_111 = vector.broadcast %max3A_110 : f32 to vector<16xf32>
      %max3A_112 = arith.maximumf %add3A_109, %max3A_111 : vector<16xf32>
      %min3A_113 = arith.constant 0.000000e+00 : f32
      %min3A_114 = vector.broadcast %min3A_113 : f32 to vector<16xf32>
      %min3A_115 = arith.minimumf %add3A_109, %min3A_114 : vector<16xf32>
      %mul3A_116 = arith.constant 2.000000e-01 : f32
      %mul3A_117 = vector.broadcast %mul3A_116 : f32 to vector<16xf32>
      %mul3A_118 = arith.mulf %mul3A_117, %min3A_115 : vector<16xf32>
      %add3A_119 = arith.addf %max3A_112, %mul3A_118 : vector<16xf32>
      %swap3A_120 = arith.constant 0 : i32
      %swap3A_121 = arith.index_cast %swap3A_120 : i32 to index
      %swap3A_122 = arith.index_cast %scan3A_70 : i32 to index
      %swap3A_123 = arith.constant 16 : index
      %swap3A_124 = tpu.vector_load %arg9[%swap3A_121, %swap3A_122, %swap3A_123] {strides = array<i32>} : memref<2x128x128xf32, #tpu.memory_space<vmem>>, vector<1x1x16xf32>,
      %swap3A_125 = vector.shape_cast %swap3A_124 : vector<1x1x16xf32> to vector<16xf32>
      %swap3A_126 = vector.shape_cast %add3A_119 : vector<16xf32> to vector<1x1x16xf32>
      tpu.vector_store %arg9[%swap3A_121, %swap3A_122, %swap3A_123], %swap3A_126 {strides = array<i32>} : memref<2x128x128xf32, #tpu.memory_space<vmem>>, vector<1x1x16xf32>,
      %get3A_127 = arith.constant 0 : i32
      %get3A_128 = arith.index_cast %get3A_127 : i32 to index
      %get3A_129 = arith.index_cast %scan3A_70 : i32 to index
      %get3A_130 = arith.constant 32 : index
      %get3A_131 = tpu.vector_load %arg9[%get3A_128, %get3A_129, %get3A_130] {strides = array<i32>} : memref<2x128x128xf32, #tpu.memory_space<vmem>>, vector<1x1x16xf32>,
      %get3A_132 = vector.shape_cast %get3A_131 : vector<1x1x16xf32> to vector<16xf32>
      %get3A_133 = arith.constant 0 : i32
      %get3A_134 = arith.index_cast %get3A_133 : i32 to index
      %get3A_135 = arith.index_cast %scan3A_70 : i32 to index
      %get3A_136 = arith.constant 32 : index
      %get3A_137 = tpu.vector_load %arg10[%get3A_134, %get3A_135, %get3A_136] {strides = array<i32>} : memref<2x128x128xf32, #tpu.memory_space<vmem>>, vector<1x1x16xf32>,
      %get3A_138 = vector.shape_cast %get3A_137 : vector<1x1x16xf32> to vector<16xf32>
      %add3A_139 = arith.addf %get3A_132, %get3A_138 : vector<16xf32>
      %max3A_140 = arith.constant 0.000000e+00 : f32
      %max3A_141 = vector.broadcast %max3A_140 : f32 to vector<16xf32>
      %max3A_142 = arith.maximumf %add3A_139, %max3A_141 : vector<16xf32>
      %min3A_143 = arith.constant 0.000000e+00 : f32
      %min3A_144 = vector.broadcast %min3A_143 : f32 to vector<16xf32>
      %min3A_145 = arith.minimumf %add3A_139, %min3A_144 : vector<16xf32>
      %mul3A_146 = arith.constant 2.000000e-01 : f32
      %mul3A_147 = vector.broadcast %mul3A_146 : f32 to vector<16xf32>
      %mul3A_148 = arith.mulf %mul3A_147, %min3A_145 : vector<16xf32>
      %add3A_149 = arith.addf %max3A_142, %mul3A_148 : vector<16xf32>
      %swap3A_150 = arith.constant 0 : i32
      %swap3A_151 = arith.index_cast %swap3A_150 : i32 to index
      %swap3A_152 = arith.index_cast %scan3A_70 : i32 to index
      %swap3A_153 = arith.constant 32 : index
      %swap3A_154 = tpu.vector_load %arg9[%swap3A_151, %swap3A_152, %swap3A_153] {strides = array<i32>} : memref<2x128x128xf32, #tpu.memory_space<vmem>>, vector<1x1x16xf32>,
      %swap3A_155 = vector.shape_cast %swap3A_154 : vector<1x1x16xf32> to vector<16xf32>
      %swap3A_156 = vector.shape_cast %add3A_149 : vector<16xf32> to vector<1x1x16xf32>
      tpu.vector_store %arg9[%swap3A_151, %swap3A_152, %swap3A_153], %swap3A_156 {strides = array<i32>} : memref<2x128x128xf32, #tpu.memory_space<vmem>>, vector<1x1x16xf32>,
      %get3A_157 = arith.constant 0 : i32
      %get3A_158 = arith.index_cast %get3A_157 : i32 to index
      %get3A_159 = arith.index_cast %scan3A_70 : i32 to index
      %get3A_160 = arith.constant 48 : index
      %get3A_161 = tpu.vector_load %arg9[%get3A_158, %get3A_159, %get3A_160] {strides = array<i32>} : memref<2x128x128xf32, #tpu.memory_space<vmem>>, vector<1x1x16xf32>,
      %get3A_162 = vector.shape_cast %get3A_161 : vector<1x1x16xf32> to vector<16xf32>
      %get3A_163 = arith.constant 0 : i32
      %get3A_164 = arith.index_cast %get3A_163 : i32 to index
      %get3A_165 = arith.index_cast %scan3A_70 : i32 to index
      %get3A_166 = arith.constant 48 : index
      %get3A_167 = tpu.vector_load %arg10[%get3A_164, %get3A_165, %get3A_166] {strides = array<i32>} : memref<2x128x128xf32, #tpu.memory_space<vmem>>, vector<1x1x16xf32>,
      %get3A_168 = vector.shape_cast %get3A_167 : vector<1x1x16xf32> to vector<16xf32>
      %add3A_169 = arith.addf %get3A_162, %get3A_168 : vector<16xf32>
      %max3A_170 = arith.constant 0.000000e+00 : f32
      %max3A_171 = vector.broadcast %max3A_170 : f32 to vector<16xf32>
      %max3A_172 = arith.maximumf %add3A_169, %max3A_171 : vector<16xf32>
      %min3A_173 = arith.constant 0.000000e+00 : f32
      %min3A_174 = vector.broadcast %min3A_173 : f32 to vector<16xf32>
      %min3A_175 = arith.minimumf %add3A_169, %min3A_174 : vector<16xf32>
      %mul3A_176 = arith.constant 2.000000e-01 : f32
      %mul3A_177 = vector.broadcast %mul3A_176 : f32 to vector<16xf32>
      %mul3A_178 = arith.mulf %mul3A_177, %min3A_175 : vector<16xf32>
      %add3A_179 = arith.addf %max3A_172, %mul3A_178 : vector<16xf32>
      %swap3A_180 = arith.constant 0 : i32
      %swap3A_181 = arith.index_cast %swap3A_180 : i32 to index
      %swap3A_182 = arith.index_cast %scan3A_70 : i32 to index
      %swap3A_183 = arith.constant 48 : index
      %swap3A_184 = tpu.vector_load %arg9[%swap3A_181, %swap3A_182, %swap3A_183] {strides = array<i32>} : memref<2x128x128xf32, #tpu.memory_space<vmem>>, vector<1x1x16xf32>,
      %swap3A_185 = vector.shape_cast %swap3A_184 : vector<1x1x16xf32> to vector<16xf32>
      %swap3A_186 = vector.shape_cast %add3A_179 : vector<16xf32> to vector<1x1x16xf32>
      tpu.vector_store %arg9[%swap3A_181, %swap3A_182, %swap3A_183], %swap3A_186 {strides = array<i32>} : memref<2x128x128xf32, #tpu.memory_space<vmem>>, vector<1x1x16xf32>,
      %get3A_187 = arith.constant 0 : i32
      %get3A_188 = arith.index_cast %get3A_187 : i32 to index
      %get3A_189 = arith.index_cast %scan3A_70 : i32 to index
      %get3A_190 = arith.constant 64 : index
      %get3A_191 = tpu.vector_load %arg9[%get3A_188, %get3A_189, %get3A_190] {strides = array<i32>} : memref<2x128x128xf32, #tpu.memory_space<vmem>>, vector<1x1x16xf32>,
      %get3A_192 = vector.shape_cast %get3A_191 : vector<1x1x16xf32> to vector<16xf32>
      %get3A_193 = arith.constant 0 : i32
      %get3A_194 = arith.index_cast %get3A_193 : i32 to index
      %get3A_195 = arith.index_cast %scan3A_70 : i32 to index
      %get3A_196 = arith.constant 64 : index
      %get3A_197 = tpu.vector_load %arg10[%get3A_194, %get3A_195, %get3A_196] {strides = array<i32>} : memref<2x128x128xf32, #tpu.memory_space<vmem>>, vector<1x1x16xf32>,
      %get3A_198 = vector.shape_cast %get3A_197 : vector<1x1x16xf32> to vector<16xf32>
      %add3A_199 = arith.addf %get3A_192, %get3A_198 : vector<16xf32>
      %max3A_200 = arith.constant 0.000000e+00 : f32
      %max3A_201 = vector.broadcast %max3A_200 : f32 to vector<16xf32>
      %max3A_202 = arith.maximumf %add3A_199, %max3A_201 : vector<16xf32>
      %min3A_203 = arith.constant 0.000000e+00 : f32
      %min3A_204 = vector.broadcast %min3A_203 : f32 to vector<16xf32>
      %min3A_205 = arith.minimumf %add3A_199, %min3A_204 : vector<16xf32>
      %mul3A_206 = arith.constant 2.000000e-01 : f32
      %mul3A_207 = vector.broadcast %mul3A_206 : f32 to vector<16xf32>
      %mul3A_208 = arith.mulf %mul3A_207, %min3A_205 : vector<16xf32>
      %add3A_209 = arith.addf %max3A_202, %mul3A_208 : vector<16xf32>
      %swap3A_210 = arith.constant 0 : i32
      %swap3A_211 = arith.index_cast %swap3A_210 : i32 to index
      %swap3A_212 = arith.index_cast %scan3A_70 : i32 to index
      %swap3A_213 = arith.constant 64 : index
      %swap3A_214 = tpu.vector_load %arg9[%swap3A_211, %swap3A_212, %swap3A_213] {strides = array<i32>} : memref<2x128x128xf32, #tpu.memory_space<vmem>>, vector<1x1x16xf32>,
      %swap3A_215 = vector.shape_cast %swap3A_214 : vector<1x1x16xf32> to vector<16xf32>
      %swap3A_216 = vector.shape_cast %add3A_209 : vector<16xf32> to vector<1x1x16xf32>
      tpu.vector_store %arg9[%swap3A_211, %swap3A_212, %swap3A_213], %swap3A_216 {strides = array<i32>} : memref<2x128x128xf32, #tpu.memory_space<vmem>>, vector<1x1x16xf32>,
      %get3A_217 = arith.constant 0 : i32
      %get3A_218 = arith.index_cast %get3A_217 : i32 to index
      %get3A_219 = arith.index_cast %scan3A_70 : i32 to index
      %get3A_220 = arith.constant 80 : index
      %get3A_221 = tpu.vector_load %arg9[%get3A_218, %get3A_219, %get3A_220] {strides = array<i32>} : memref<2x128x128xf32, #tpu.memory_space<vmem>>, vector<1x1x16xf32>,
      %get3A_222 = vector.shape_cast %get3A_221 : vector<1x1x16xf32> to vector<16xf32>
      %get3A_223 = arith.constant 0 : i32
      %get3A_224 = arith.index_cast %get3A_223 : i32 to index
      %get3A_225 = arith.index_cast %scan3A_70 : i32 to index
      %get3A_226 = arith.constant 80 : index
      %get3A_227 = tpu.vector_load %arg10[%get3A_224, %get3A_225, %get3A_226] {strides = array<i32>} : memref<2x128x128xf32, #tpu.memory_space<vmem>>, vector<1x1x16xf32>,
      %get3A_228 = vector.shape_cast %get3A_227 : vector<1x1x16xf32> to vector<16xf32>
      %add3A_229 = arith.addf %get3A_222, %get3A_228 : vector<16xf32>
      %max3A_230 = arith.constant 0.000000e+00 : f32
      %max3A_231 = vector.broadcast %max3A_230 : f32 to vector<16xf32>
      %max3A_232 = arith.maximumf %add3A_229, %max3A_231 : vector<16xf32>
      %min3A_233 = arith.constant 0.000000e+00 : f32
      %min3A_234 = vector.broadcast %min3A_233 : f32 to vector<16xf32>
      %min3A_235 = arith.minimumf %add3A_229, %min3A_234 : vector<16xf32>
      %mul3A_236 = arith.constant 2.000000e-01 : f32
      %mul3A_237 = vector.broadcast %mul3A_236 : f32 to vector<16xf32>
      %mul3A_238 = arith.mulf %mul3A_237, %min3A_235 : vector<16xf32>
      %add3A_239 = arith.addf %max3A_232, %mul3A_238 : vector<16xf32>
      %swap3A_240 = arith.constant 0 : i32
      %swap3A_241 = arith.index_cast %swap3A_240 : i32 to index
      %swap3A_242 = arith.index_cast %scan3A_70 : i32 to index
      %swap3A_243 = arith.constant 80 : index
      %swap3A_244 = tpu.vector_load %arg9[%swap3A_241, %swap3A_242, %swap3A_243] {strides = array<i32>} : memref<2x128x128xf32, #tpu.memory_space<vmem>>, vector<1x1x16xf32>,
      %swap3A_245 = vector.shape_cast %swap3A_244 : vector<1x1x16xf32> to vector<16xf32>
      %swap3A_246 = vector.shape_cast %add3A_239 : vector<16xf32> to vector<1x1x16xf32>
      tpu.vector_store %arg9[%swap3A_241, %swap3A_242, %swap3A_243], %swap3A_246 {strides = array<i32>} : memref<2x128x128xf32, #tpu.memory_space<vmem>>, vector<1x1x16xf32>,
      %get3A_247 = arith.constant 0 : i32
      %get3A_248 = arith.index_cast %get3A_247 : i32 to index
      %get3A_249 = arith.index_cast %scan3A_70 : i32 to index
      %get3A_250 = arith.constant 96 : index
      %get3A_251 = tpu.vector_load %arg9[%get3A_248, %get3A_249, %get3A_250] {strides = array<i32>} : memref<2x128x128xf32, #tpu.memory_space<vmem>>, vector<1x1x16xf32>,
      %get3A_252 = vector.shape_cast %get3A_251 : vector<1x1x16xf32> to vector<16xf32>
      %get3A_253 = arith.constant 0 : i32
      %get3A_254 = arith.index_cast %get3A_253 : i32 to index
      %get3A_255 = arith.index_cast %scan3A_70 : i32 to index
      %get3A_256 = arith.constant 96 : index
      %get3A_257 = tpu.vector_load %arg10[%get3A_254, %get3A_255, %get3A_256] {strides = array<i32>} : memref<2x128x128xf32, #tpu.memory_space<vmem>>, vector<1x1x16xf32>,
      %get3A_258 = vector.shape_cast %get3A_257 : vector<1x1x16xf32> to vector<16xf32>
      %add3A_259 = arith.addf %get3A_252, %get3A_258 : vector<16xf32>
      %max3A_260 = arith.constant 0.000000e+00 : f32
      %max3A_261 = vector.broadcast %max3A_260 : f32 to vector<16xf32>
      %max3A_262 = arith.maximumf %add3A_259, %max3A_261 : vector<16xf32>
      %min3A_263 = arith.constant 0.000000e+00 : f32
      %min3A_264 = vector.broadcast %min3A_263 : f32 to vector<16xf32>
      %min3A_265 = arith.minimumf %add3A_259, %min3A_264 : vector<16xf32>
      %mul3A_266 = arith.constant 2.000000e-01 : f32
      %mul3A_267 = vector.broadcast %mul3A_266 : f32 to vector<16xf32>
      %mul3A_268 = arith.mulf %mul3A_267, %min3A_265 : vector<16xf32>
      %add3A_269 = arith.addf %max3A_262, %mul3A_268 : vector<16xf32>
      %swap3A_270 = arith.constant 0 : i32
      %swap3A_271 = arith.index_cast %swap3A_270 : i32 to index
      %swap3A_272 = arith.index_cast %scan3A_70 : i32 to index
      %swap3A_273 = arith.constant 96 : index
      %swap3A_274 = tpu.vector_load %arg9[%swap3A_271, %swap3A_272, %swap3A_273] {strides = array<i32>} : memref<2x128x128xf32, #tpu.memory_space<vmem>>, vector<1x1x16xf32>,
      %swap3A_275 = vector.shape_cast %swap3A_274 : vector<1x1x16xf32> to vector<16xf32>
      %swap3A_276 = vector.shape_cast %add3A_269 : vector<16xf32> to vector<1x1x16xf32>
      tpu.vector_store %arg9[%swap3A_271, %swap3A_272, %swap3A_273], %swap3A_276 {strides = array<i32>} : memref<2x128x128xf32, #tpu.memory_space<vmem>>, vector<1x1x16xf32>,
      %get3A_277 = arith.constant 0 : i32
      %get3A_278 = arith.index_cast %get3A_277 : i32 to index
      %get3A_279 = arith.index_cast %scan3A_70 : i32 to index
      %get3A_280 = arith.constant 112 : index
      %get3A_281 = tpu.vector_load %arg9[%get3A_278, %get3A_279, %get3A_280] {strides = array<i32>} : memref<2x128x128xf32, #tpu.memory_space<vmem>>, vector<1x1x16xf32>,
      %get3A_282 = vector.shape_cast %get3A_281 : vector<1x1x16xf32> to vector<16xf32>
      %get3A_283 = arith.constant 0 : i32
      %get3A_284 = arith.index_cast %get3A_283 : i32 to index
      %get3A_285 = arith.index_cast %scan3A_70 : i32 to index
      %get3A_286 = arith.constant 112 : index
      %get3A_287 = tpu.vector_load %arg10[%get3A_284, %get3A_285, %get3A_286] {strides = array<i32>} : memref<2x128x128xf32, #tpu.memory_space<vmem>>, vector<1x1x16xf32>,
      %get3A_288 = vector.shape_cast %get3A_287 : vector<1x1x16xf32> to vector<16xf32>
      %add3A_289 = arith.addf %get3A_282, %get3A_288 : vector<16xf32>
      %max3A_290 = arith.constant 0.000000e+00 : f32
      %max3A_291 = vector.broadcast %max3A_290 : f32 to vector<16xf32>
      %max3A_292 = arith.maximumf %add3A_289, %max3A_291 : vector<16xf32>
      %min3A_293 = arith.constant 0.000000e+00 : f32
      %min3A_294 = vector.broadcast %min3A_293 : f32 to vector<16xf32>
      %min3A_295 = arith.minimumf %add3A_289, %min3A_294 : vector<16xf32>
      %mul3A_296 = arith.constant 2.000000e-01 : f32
      %mul3A_297 = vector.broadcast %mul3A_296 : f32 to vector<16xf32>
      %mul3A_298 = arith.mulf %mul3A_297, %min3A_295 : vector<16xf32>
      %add3A_299 = arith.addf %max3A_292, %mul3A_298 : vector<16xf32>
      %swap3A_300 = arith.constant 0 : i32
      %swap3A_301 = arith.index_cast %swap3A_300 : i32 to index
      %swap3A_302 = arith.index_cast %scan3A_70 : i32 to index
      %swap3A_303 = arith.constant 112 : index
      %swap3A_304 = tpu.vector_load %arg9[%swap3A_301, %swap3A_302, %swap3A_303] {strides = array<i32>} : memref<2x128x128xf32, #tpu.memory_space<vmem>>, vector<1x1x16xf32>,
      %swap3A_305 = vector.shape_cast %swap3A_304 : vector<1x1x16xf32> to vector<16xf32>
      %swap3A_306 = vector.shape_cast %add3A_299 : vector<16xf32> to vector<1x1x16xf32>
      tpu.vector_store %arg9[%swap3A_301, %swap3A_302, %swap3A_303], %swap3A_306 {strides = array<i32>} : memref<2x128x128xf32, #tpu.memory_space<vmem>>, vector<1x1x16xf32>,
    }
    %scan3A_68 = arith.constant 128 : i32
    %run_scoped3A_69 = arith.constant 0 : i32
    "tpu.region"() ({
      %run_scoped3A_70 = tpu.sem_alloc : memref<!tpu.dma_semaphore, #tpu.memory_space<semaphore_mem>>
      %dma_start3A_71 = arith.constant 0 : i32
      %dma_start3A_72 = arith.constant 0 : i32
      %dma_start3A_73 = tpu.memref_slice %arg9[%run_scoped3A_69, %dma_start3A_71, %dma_start3A_72] : memref<2x128x128xf32, #tpu.memory_space<vmem>> -> memref<1x128x128xf32, #tpu.memory_space<vmem>>
      %dma_start3A_74 = tpu.memref_squeeze %dma_start3A_73 : memref<1x128x128xf32, #tpu.memory_space<vmem>> -> memref<128x128xf32, #tpu.memory_space<vmem>>
      %dma_start3A_75 = arith.constant 0 : i32
      %dma_start3A_76 = tpu.memref_slice %arg6[%add3A_39, %dma_start3A_75] : memref<331776x128xf32, #tpu.memory_space<hbm>> -> memref<128x128xf32, #tpu.memory_space<hbm>>
      %dma_start3A_77 = arith.constant 0 : i32
      %dma_start3A_78 = tpu.memref_slice %arg6[%add3A_39, %dma_start3A_77] : memref<331776x128xf32, #tpu.memory_space<hbm>> -> memref<128x128xf32, #tpu.memory_space<hbm>>
      %dma_start3A_79 = arith.constant 0 : i32
      %dma_start3A_80 = arith.constant 0 : i32
      %dma_start3A_81 = tpu.memref_slice %arg9[%run_scoped3A_69, %dma_start3A_79, %dma_start3A_80] : memref<2x128x128xf32, #tpu.memory_space<vmem>> -> memref<1x128x128xf32, #tpu.memory_space<vmem>>
      %dma_start3A_82 = tpu.memref_squeeze %dma_start3A_81 : memref<1x128x128xf32, #tpu.memory_space<vmem>> -> memref<128x128xf32, #tpu.memory_space<vmem>>
      tpu.enqueue_dma source(%dma_start3A_82 : memref<128x128xf32, #tpu.memory_space<vmem>>) target(%dma_start3A_78 : memref<128x128xf32, #tpu.memory_space<hbm>>) target_semaphore(%run_scoped3A_70 : memref<!tpu.dma_semaphore, #tpu.memory_space<semaphore_mem>>)
      %dma_wait3A_83 = arith.constant 0 : i32
      %dma_wait3A_84 = arith.constant 0 : i32
      %dma_wait3A_85 = tpu.memref_slice %arg9[%run_scoped3A_69, %dma_wait3A_83, %dma_wait3A_84] : memref<2x128x128xf32, #tpu.memory_space<vmem>> -> memref<1x128x128xf32, #tpu.memory_space<vmem>>
      %dma_wait3A_86 = tpu.memref_squeeze %dma_wait3A_85 : memref<1x128x128xf32, #tpu.memory_space<vmem>> -> memref<128x128xf32, #tpu.memory_space<vmem>>
      %dma_wait3A_87 = arith.constant 0 : i32
      %dma_wait3A_88 = tpu.memref_slice %arg6[%add3A_39, %dma_wait3A_87] : memref<331776x128xf32, #tpu.memory_space<hbm>> -> memref<128x128xf32, #tpu.memory_space<hbm>>
      %dma_wait3A_89 = arith.constant 0 : i32
      %dma_wait3A_90 = tpu.memref_slice %arg6[%add3A_39, %dma_wait3A_89] : memref<331776x128xf32, #tpu.memory_space<hbm>> -> memref<128x128xf32, #tpu.memory_space<hbm>>
      %dma_wait3A_91 = arith.constant 0 : i32
      %dma_wait3A_92 = arith.constant 0 : i32
      %dma_wait3A_93 = tpu.memref_slice %arg9[%run_scoped3A_69, %dma_wait3A_91, %dma_wait3A_92] : memref<2x128x128xf32, #tpu.memory_space<vmem>> -> memref<1x128x128xf32, #tpu.memory_space<vmem>>
      %dma_wait3A_94 = tpu.memref_squeeze %dma_wait3A_93 : memref<1x128x128xf32, #tpu.memory_space<vmem>> -> memref<128x128xf32, #tpu.memory_space<vmem>>
      tpu.wait_dma2 semaphore(%run_scoped3A_70 : memref<!tpu.dma_semaphore, #tpu.memory_space<semaphore_mem>>) src(%dma_wait3A_94 : memref<128x128xf32, #tpu.memory_space<vmem>>) dst(%dma_wait3A_90 : memref<128x128xf32, #tpu.memory_space<hbm>>)
      tpu.yield
    }) : () -> ()
    return
  }
}

#map = affine_map<(d0, d1) -> (0)>
#map1 = affine_map<(d0, d1) -> (0, 0)>
#map2 = affine_map<(d0, d1) -> (0, 0, 0)>
module attributes {stable_mosaic.version = 14 : i64} {
  func.func @k(%arg0: i32, %arg1: i32, %arg2: memref<331776xi32, #tpu.memory_space<hbm>>, %arg3: memref<331776xi32, #tpu.memory_space<hbm>>, %arg4: memref<10000x128xf32, #tpu.memory_space<hbm>>, %arg5: memref<331776x16xf32, #tpu.memory_space<hbm>>, %arg6: memref<2x10000x128xf32, #tpu.memory_space<hbm>>, %arg7: memref<2x10000x16xf32, #tpu.memory_space<hbm>>, %arg8: memref<128xi32, #tpu.memory_space<vmem>>, %arg9: memref<128xi32, #tpu.memory_space<vmem>>, %arg10: memref<128x128xf32, #tpu.memory_space<vmem>>, %arg11: memref<128x16xf32, #tpu.memory_space<vmem>>, %arg12: memref<10000x128xf32, #tpu.memory_space<vmem_shared>>, %arg13: memref<10000x16xf32, #tpu.memory_space<vmem_shared>>, %arg14: memref<!tpu.dma_semaphore, #tpu.memory_space<semaphore_mem>>) attributes {dimension_semantics = [#tpu.dimension_semantics<core_parallel>, #tpu.dimension_semantics<subcore_parallel>], iteration_bounds = array<i64: 2, 16>, scalar_prefetch = 0 : i64, scratch_operands = 7 : i64, tpu.core_type = #tpu.core_type<sc_vector_subcore>, window_params = [{transform_indices = #map}, {transform_indices = #map}, {transform_indices = #map1}, {transform_indices = #map1}, {transform_indices = #map2}, {transform_indices = #map2}]} {
    %mul3A = arith.constant 16 : i32
    %mul3A_0 = arith.muli %arg0, %mul3A : i32
    %add3A = arith.addi %mul3A_0, %arg1 : i32
    %mul3A_1 = arith.constant 10368 : i32
    %mul3A_2 = arith.muli %add3A, %mul3A_1 : i32
    %broadcast_in_dim3A = arith.constant 0.000000e+00 : f32
    %broadcast_in_dim3A_3 = vector.broadcast %broadcast_in_dim3A : f32 to vector<16xf32>
    %scan3A = arith.constant 0 : i32
    %scan3A_4 = arith.constant 0 : i32
    %scan3A_5 = arith.constant 128 : i32
    %scan3A_6 = arith.addi %scan3A_4, %scan3A_5 : i32
    %scan3A_7 = arith.constant 1 : i32
    scf.for %scan3A_71 = %scan3A_4 to %scan3A_6 step %scan3A_7  : i32 {
      %swap3A = arith.index_cast %scan3A_71 : i32 to index
      %swap3A_72 = arith.constant 0 : index
      %swap3A_73 = tpu.vector_load %arg10[%swap3A, %swap3A_72] {strides = array<i32>} : memref<128x128xf32, #tpu.memory_space<vmem>>, vector<1x16xf32>,
      %swap3A_74 = vector.shape_cast %swap3A_73 : vector<1x16xf32> to vector<16xf32>
      %swap3A_75 = vector.shape_cast %broadcast_in_dim3A_3 : vector<16xf32> to vector<1x16xf32>
      tpu.vector_store %arg10[%swap3A, %swap3A_72], %swap3A_75 {strides = array<i32>} : memref<128x128xf32, #tpu.memory_space<vmem>>, vector<1x16xf32>,
      %swap3A_76 = arith.index_cast %scan3A_71 : i32 to index
      %swap3A_77 = arith.constant 16 : index
      %swap3A_78 = tpu.vector_load %arg10[%swap3A_76, %swap3A_77] {strides = array<i32>} : memref<128x128xf32, #tpu.memory_space<vmem>>, vector<1x16xf32>,
      %swap3A_79 = vector.shape_cast %swap3A_78 : vector<1x16xf32> to vector<16xf32>
      %swap3A_80 = vector.shape_cast %broadcast_in_dim3A_3 : vector<16xf32> to vector<1x16xf32>
      tpu.vector_store %arg10[%swap3A_76, %swap3A_77], %swap3A_80 {strides = array<i32>} : memref<128x128xf32, #tpu.memory_space<vmem>>, vector<1x16xf32>,
      %swap3A_81 = arith.index_cast %scan3A_71 : i32 to index
      %swap3A_82 = arith.constant 32 : index
      %swap3A_83 = tpu.vector_load %arg10[%swap3A_81, %swap3A_82] {strides = array<i32>} : memref<128x128xf32, #tpu.memory_space<vmem>>, vector<1x16xf32>,
      %swap3A_84 = vector.shape_cast %swap3A_83 : vector<1x16xf32> to vector<16xf32>
      %swap3A_85 = vector.shape_cast %broadcast_in_dim3A_3 : vector<16xf32> to vector<1x16xf32>
      tpu.vector_store %arg10[%swap3A_81, %swap3A_82], %swap3A_85 {strides = array<i32>} : memref<128x128xf32, #tpu.memory_space<vmem>>, vector<1x16xf32>,
      %swap3A_86 = arith.index_cast %scan3A_71 : i32 to index
      %swap3A_87 = arith.constant 48 : index
      %swap3A_88 = tpu.vector_load %arg10[%swap3A_86, %swap3A_87] {strides = array<i32>} : memref<128x128xf32, #tpu.memory_space<vmem>>, vector<1x16xf32>,
      %swap3A_89 = vector.shape_cast %swap3A_88 : vector<1x16xf32> to vector<16xf32>
      %swap3A_90 = vector.shape_cast %broadcast_in_dim3A_3 : vector<16xf32> to vector<1x16xf32>
      tpu.vector_store %arg10[%swap3A_86, %swap3A_87], %swap3A_90 {strides = array<i32>} : memref<128x128xf32, #tpu.memory_space<vmem>>, vector<1x16xf32>,
      %swap3A_91 = arith.index_cast %scan3A_71 : i32 to index
      %swap3A_92 = arith.constant 64 : index
      %swap3A_93 = tpu.vector_load %arg10[%swap3A_91, %swap3A_92] {strides = array<i32>} : memref<128x128xf32, #tpu.memory_space<vmem>>, vector<1x16xf32>,
      %swap3A_94 = vector.shape_cast %swap3A_93 : vector<1x16xf32> to vector<16xf32>
      %swap3A_95 = vector.shape_cast %broadcast_in_dim3A_3 : vector<16xf32> to vector<1x16xf32>
      tpu.vector_store %arg10[%swap3A_91, %swap3A_92], %swap3A_95 {strides = array<i32>} : memref<128x128xf32, #tpu.memory_space<vmem>>, vector<1x16xf32>,
      %swap3A_96 = arith.index_cast %scan3A_71 : i32 to index
      %swap3A_97 = arith.constant 80 : index
      %swap3A_98 = tpu.vector_load %arg10[%swap3A_96, %swap3A_97] {strides = array<i32>} : memref<128x128xf32, #tpu.memory_space<vmem>>, vector<1x16xf32>,
      %swap3A_99 = vector.shape_cast %swap3A_98 : vector<1x16xf32> to vector<16xf32>
      %swap3A_100 = vector.shape_cast %broadcast_in_dim3A_3 : vector<16xf32> to vector<1x16xf32>
      tpu.vector_store %arg10[%swap3A_96, %swap3A_97], %swap3A_100 {strides = array<i32>} : memref<128x128xf32, #tpu.memory_space<vmem>>, vector<1x16xf32>,
      %swap3A_101 = arith.index_cast %scan3A_71 : i32 to index
      %swap3A_102 = arith.constant 96 : index
      %swap3A_103 = tpu.vector_load %arg10[%swap3A_101, %swap3A_102] {strides = array<i32>} : memref<128x128xf32, #tpu.memory_space<vmem>>, vector<1x16xf32>,
      %swap3A_104 = vector.shape_cast %swap3A_103 : vector<1x16xf32> to vector<16xf32>
      %swap3A_105 = vector.shape_cast %broadcast_in_dim3A_3 : vector<16xf32> to vector<1x16xf32>
      tpu.vector_store %arg10[%swap3A_101, %swap3A_102], %swap3A_105 {strides = array<i32>} : memref<128x128xf32, #tpu.memory_space<vmem>>, vector<1x16xf32>,
      %swap3A_106 = arith.index_cast %scan3A_71 : i32 to index
      %swap3A_107 = arith.constant 112 : index
      %swap3A_108 = tpu.vector_load %arg10[%swap3A_106, %swap3A_107] {strides = array<i32>} : memref<128x128xf32, #tpu.memory_space<vmem>>, vector<1x16xf32>,
      %swap3A_109 = vector.shape_cast %swap3A_108 : vector<1x16xf32> to vector<16xf32>
      %swap3A_110 = vector.shape_cast %broadcast_in_dim3A_3 : vector<16xf32> to vector<1x16xf32>
      tpu.vector_store %arg10[%swap3A_106, %swap3A_107], %swap3A_110 {strides = array<i32>} : memref<128x128xf32, #tpu.memory_space<vmem>>, vector<1x16xf32>,
      %swap3A_111 = arith.index_cast %scan3A_71 : i32 to index
      %swap3A_112 = arith.constant 0 : index
      %swap3A_113 = tpu.vector_load %arg11[%swap3A_111, %swap3A_112] {strides = array<i32>} : memref<128x16xf32, #tpu.memory_space<vmem>>, vector<1x16xf32>,
      %swap3A_114 = vector.shape_cast %swap3A_113 : vector<1x16xf32> to vector<16xf32>
      %swap3A_115 = vector.shape_cast %broadcast_in_dim3A_3 : vector<16xf32> to vector<1x16xf32>
      tpu.vector_store %arg11[%swap3A_111, %swap3A_112], %swap3A_115 {strides = array<i32>} : memref<128x16xf32, #tpu.memory_space<vmem>>, vector<1x16xf32>,
    }
    %scan3A_8 = arith.constant 128 : i32
    %mul3A_9 = arith.constant 624 : i32
    %mul3A_10 = arith.muli %arg1, %mul3A_9 : i32
    %add3A_11 = arith.constant 0 : i32
    %add3A_12 = arith.addi %mul3A_10, %add3A_11 : i32
    "tpu.region"() ({
      %run_scoped3A = tpu.sem_alloc : memref<!tpu.dma_semaphore, #tpu.memory_space<semaphore_mem>>
      %dma_start3A = arith.constant 0 : i32
      %dma_start3A_71 = arith.constant 0 : i32
      %dma_start3A_72 = tpu.memref_slice %arg10[%dma_start3A, %dma_start3A_71] : memref<128x128xf32, #tpu.memory_space<vmem>> -> memref<128x128xf32, #tpu.memory_space<vmem>>
      %dma_start3A_73 = arith.constant 0 : i32
      %dma_start3A_74 = tpu.memref_slice %arg12[%add3A_12, %dma_start3A_73] : memref<10000x128xf32, #tpu.memory_space<vmem_shared>> -> memref<128x128xf32, #tpu.memory_space<vmem_shared>>
      %dma_start3A_75 = arith.constant 0 : i32
      %dma_start3A_76 = tpu.memref_slice %arg12[%add3A_12, %dma_start3A_75] : memref<10000x128xf32, #tpu.memory_space<vmem_shared>> -> memref<128x128xf32, #tpu.memory_space<vmem_shared>>
      %dma_start3A_77 = arith.constant 0 : i32
      %dma_start3A_78 = arith.constant 0 : i32
      %dma_start3A_79 = tpu.memref_slice %arg10[%dma_start3A_77, %dma_start3A_78] : memref<128x128xf32, #tpu.memory_space<vmem>> -> memref<128x128xf32, #tpu.memory_space<vmem>>
      tpu.enqueue_dma source(%dma_start3A_79 : memref<128x128xf32, #tpu.memory_space<vmem>>) target(%dma_start3A_76 : memref<128x128xf32, #tpu.memory_space<vmem_shared>>) target_semaphore(%run_scoped3A : memref<!tpu.dma_semaphore, #tpu.memory_space<semaphore_mem>>)
      %dma_wait3A = arith.constant 0 : i32
      %dma_wait3A_80 = arith.constant 0 : i32
      %dma_wait3A_81 = tpu.memref_slice %arg10[%dma_wait3A, %dma_wait3A_80] : memref<128x128xf32, #tpu.memory_space<vmem>> -> memref<128x128xf32, #tpu.memory_space<vmem>>
      %dma_wait3A_82 = arith.constant 0 : i32
      %dma_wait3A_83 = tpu.memref_slice %arg12[%add3A_12, %dma_wait3A_82] : memref<10000x128xf32, #tpu.memory_space<vmem_shared>> -> memref<128x128xf32, #tpu.memory_space<vmem_shared>>
      %dma_wait3A_84 = arith.constant 0 : i32
      %dma_wait3A_85 = tpu.memref_slice %arg12[%add3A_12, %dma_wait3A_84] : memref<10000x128xf32, #tpu.memory_space<vmem_shared>> -> memref<128x128xf32, #tpu.memory_space<vmem_shared>>
      %dma_wait3A_86 = arith.constant 0 : i32
      %dma_wait3A_87 = arith.constant 0 : i32
      %dma_wait3A_88 = tpu.memref_slice %arg10[%dma_wait3A_86, %dma_wait3A_87] : memref<128x128xf32, #tpu.memory_space<vmem>> -> memref<128x128xf32, #tpu.memory_space<vmem>>
      tpu.wait_dma2 semaphore(%run_scoped3A : memref<!tpu.dma_semaphore, #tpu.memory_space<semaphore_mem>>) src(%dma_wait3A_88 : memref<128x128xf32, #tpu.memory_space<vmem>>) dst(%dma_wait3A_85 : memref<128x128xf32, #tpu.memory_space<vmem_shared>>)
      tpu.yield
    }) : () -> ()
    %mul3A_13 = arith.constant 624 : i32
    %mul3A_14 = arith.muli %arg1, %mul3A_13 : i32
    %add3A_15 = arith.constant 128 : i32
    %add3A_16 = arith.addi %mul3A_14, %add3A_15 : i32
    "tpu.region"() ({
      %run_scoped3A = tpu.sem_alloc : memref<!tpu.dma_semaphore, #tpu.memory_space<semaphore_mem>>
      %dma_start3A = arith.constant 0 : i32
      %dma_start3A_71 = arith.constant 0 : i32
      %dma_start3A_72 = tpu.memref_slice %arg10[%dma_start3A, %dma_start3A_71] : memref<128x128xf32, #tpu.memory_space<vmem>> -> memref<128x128xf32, #tpu.memory_space<vmem>>
      %dma_start3A_73 = arith.constant 0 : i32
      %dma_start3A_74 = tpu.memref_slice %arg12[%add3A_16, %dma_start3A_73] : memref<10000x128xf32, #tpu.memory_space<vmem_shared>> -> memref<128x128xf32, #tpu.memory_space<vmem_shared>>
      %dma_start3A_75 = arith.constant 0 : i32
      %dma_start3A_76 = tpu.memref_slice %arg12[%add3A_16, %dma_start3A_75] : memref<10000x128xf32, #tpu.memory_space<vmem_shared>> -> memref<128x128xf32, #tpu.memory_space<vmem_shared>>
      %dma_start3A_77 = arith.constant 0 : i32
      %dma_start3A_78 = arith.constant 0 : i32
      %dma_start3A_79 = tpu.memref_slice %arg10[%dma_start3A_77, %dma_start3A_78] : memref<128x128xf32, #tpu.memory_space<vmem>> -> memref<128x128xf32, #tpu.memory_space<vmem>>
      tpu.enqueue_dma source(%dma_start3A_79 : memref<128x128xf32, #tpu.memory_space<vmem>>) target(%dma_start3A_76 : memref<128x128xf32, #tpu.memory_space<vmem_shared>>) target_semaphore(%run_scoped3A : memref<!tpu.dma_semaphore, #tpu.memory_space<semaphore_mem>>)
      %dma_wait3A = arith.constant 0 : i32
      %dma_wait3A_80 = arith.constant 0 : i32
      %dma_wait3A_81 = tpu.memref_slice %arg10[%dma_wait3A, %dma_wait3A_80] : memref<128x128xf32, #tpu.memory_space<vmem>> -> memref<128x128xf32, #tpu.memory_space<vmem>>
      %dma_wait3A_82 = arith.constant 0 : i32
      %dma_wait3A_83 = tpu.memref_slice %arg12[%add3A_16, %dma_wait3A_82] : memref<10000x128xf32, #tpu.memory_space<vmem_shared>> -> memref<128x128xf32, #tpu.memory_space<vmem_shared>>
      %dma_wait3A_84 = arith.constant 0 : i32
      %dma_wait3A_85 = tpu.memref_slice %arg12[%add3A_16, %dma_wait3A_84] : memref<10000x128xf32, #tpu.memory_space<vmem_shared>> -> memref<128x128xf32, #tpu.memory_space<vmem_shared>>
      %dma_wait3A_86 = arith.constant 0 : i32
      %dma_wait3A_87 = arith.constant 0 : i32
      %dma_wait3A_88 = tpu.memref_slice %arg10[%dma_wait3A_86, %dma_wait3A_87] : memref<128x128xf32, #tpu.memory_space<vmem>> -> memref<128x128xf32, #tpu.memory_space<vmem>>
      tpu.wait_dma2 semaphore(%run_scoped3A : memref<!tpu.dma_semaphore, #tpu.memory_space<semaphore_mem>>) src(%dma_wait3A_88 : memref<128x128xf32, #tpu.memory_space<vmem>>) dst(%dma_wait3A_85 : memref<128x128xf32, #tpu.memory_space<vmem_shared>>)
      tpu.yield
    }) : () -> ()
    %mul3A_17 = arith.constant 624 : i32
    %mul3A_18 = arith.muli %arg1, %mul3A_17 : i32
    %add3A_19 = arith.constant 256 : i32
    %add3A_20 = arith.addi %mul3A_18, %add3A_19 : i32
    "tpu.region"() ({
      %run_scoped3A = tpu.sem_alloc : memref<!tpu.dma_semaphore, #tpu.memory_space<semaphore_mem>>
      %dma_start3A = arith.constant 0 : i32
      %dma_start3A_71 = arith.constant 0 : i32
      %dma_start3A_72 = tpu.memref_slice %arg10[%dma_start3A, %dma_start3A_71] : memref<128x128xf32, #tpu.memory_space<vmem>> -> memref<128x128xf32, #tpu.memory_space<vmem>>
      %dma_start3A_73 = arith.constant 0 : i32
      %dma_start3A_74 = tpu.memref_slice %arg12[%add3A_20, %dma_start3A_73] : memref<10000x128xf32, #tpu.memory_space<vmem_shared>> -> memref<128x128xf32, #tpu.memory_space<vmem_shared>>
      %dma_start3A_75 = arith.constant 0 : i32
      %dma_start3A_76 = tpu.memref_slice %arg12[%add3A_20, %dma_start3A_75] : memref<10000x128xf32, #tpu.memory_space<vmem_shared>> -> memref<128x128xf32, #tpu.memory_space<vmem_shared>>
      %dma_start3A_77 = arith.constant 0 : i32
      %dma_start3A_78 = arith.constant 0 : i32
      %dma_start3A_79 = tpu.memref_slice %arg10[%dma_start3A_77, %dma_start3A_78] : memref<128x128xf32, #tpu.memory_space<vmem>> -> memref<128x128xf32, #tpu.memory_space<vmem>>
      tpu.enqueue_dma source(%dma_start3A_79 : memref<128x128xf32, #tpu.memory_space<vmem>>) target(%dma_start3A_76 : memref<128x128xf32, #tpu.memory_space<vmem_shared>>) target_semaphore(%run_scoped3A : memref<!tpu.dma_semaphore, #tpu.memory_space<semaphore_mem>>)
      %dma_wait3A = arith.constant 0 : i32
      %dma_wait3A_80 = arith.constant 0 : i32
      %dma_wait3A_81 = tpu.memref_slice %arg10[%dma_wait3A, %dma_wait3A_80] : memref<128x128xf32, #tpu.memory_space<vmem>> -> memref<128x128xf32, #tpu.memory_space<vmem>>
      %dma_wait3A_82 = arith.constant 0 : i32
      %dma_wait3A_83 = tpu.memref_slice %arg12[%add3A_20, %dma_wait3A_82] : memref<10000x128xf32, #tpu.memory_space<vmem_shared>> -> memref<128x128xf32, #tpu.memory_space<vmem_shared>>
      %dma_wait3A_84 = arith.constant 0 : i32
      %dma_wait3A_85 = tpu.memref_slice %arg12[%add3A_20, %dma_wait3A_84] : memref<10000x128xf32, #tpu.memory_space<vmem_shared>> -> memref<128x128xf32, #tpu.memory_space<vmem_shared>>
      %dma_wait3A_86 = arith.constant 0 : i32
      %dma_wait3A_87 = arith.constant 0 : i32
      %dma_wait3A_88 = tpu.memref_slice %arg10[%dma_wait3A_86, %dma_wait3A_87] : memref<128x128xf32, #tpu.memory_space<vmem>> -> memref<128x128xf32, #tpu.memory_space<vmem>>
      tpu.wait_dma2 semaphore(%run_scoped3A : memref<!tpu.dma_semaphore, #tpu.memory_space<semaphore_mem>>) src(%dma_wait3A_88 : memref<128x128xf32, #tpu.memory_space<vmem>>) dst(%dma_wait3A_85 : memref<128x128xf32, #tpu.memory_space<vmem_shared>>)
      tpu.yield
    }) : () -> ()
    %mul3A_21 = arith.constant 624 : i32
    %mul3A_22 = arith.muli %arg1, %mul3A_21 : i32
    %add3A_23 = arith.constant 384 : i32
    %add3A_24 = arith.addi %mul3A_22, %add3A_23 : i32
    "tpu.region"() ({
      %run_scoped3A = tpu.sem_alloc : memref<!tpu.dma_semaphore, #tpu.memory_space<semaphore_mem>>
      %dma_start3A = arith.constant 0 : i32
      %dma_start3A_71 = arith.constant 0 : i32
      %dma_start3A_72 = tpu.memref_slice %arg10[%dma_start3A, %dma_start3A_71] : memref<128x128xf32, #tpu.memory_space<vmem>> -> memref<128x128xf32, #tpu.memory_space<vmem>>
      %dma_start3A_73 = arith.constant 0 : i32
      %dma_start3A_74 = tpu.memref_slice %arg12[%add3A_24, %dma_start3A_73] : memref<10000x128xf32, #tpu.memory_space<vmem_shared>> -> memref<128x128xf32, #tpu.memory_space<vmem_shared>>
      %dma_start3A_75 = arith.constant 0 : i32
      %dma_start3A_76 = tpu.memref_slice %arg12[%add3A_24, %dma_start3A_75] : memref<10000x128xf32, #tpu.memory_space<vmem_shared>> -> memref<128x128xf32, #tpu.memory_space<vmem_shared>>
      %dma_start3A_77 = arith.constant 0 : i32
      %dma_start3A_78 = arith.constant 0 : i32
      %dma_start3A_79 = tpu.memref_slice %arg10[%dma_start3A_77, %dma_start3A_78] : memref<128x128xf32, #tpu.memory_space<vmem>> -> memref<128x128xf32, #tpu.memory_space<vmem>>
      tpu.enqueue_dma source(%dma_start3A_79 : memref<128x128xf32, #tpu.memory_space<vmem>>) target(%dma_start3A_76 : memref<128x128xf32, #tpu.memory_space<vmem_shared>>) target_semaphore(%run_scoped3A : memref<!tpu.dma_semaphore, #tpu.memory_space<semaphore_mem>>)
      %dma_wait3A = arith.constant 0 : i32
      %dma_wait3A_80 = arith.constant 0 : i32
      %dma_wait3A_81 = tpu.memref_slice %arg10[%dma_wait3A, %dma_wait3A_80] : memref<128x128xf32, #tpu.memory_space<vmem>> -> memref<128x128xf32, #tpu.memory_space<vmem>>
      %dma_wait3A_82 = arith.constant 0 : i32
      %dma_wait3A_83 = tpu.memref_slice %arg12[%add3A_24, %dma_wait3A_82] : memref<10000x128xf32, #tpu.memory_space<vmem_shared>> -> memref<128x128xf32, #tpu.memory_space<vmem_shared>>
      %dma_wait3A_84 = arith.constant 0 : i32
      %dma_wait3A_85 = tpu.memref_slice %arg12[%add3A_24, %dma_wait3A_84] : memref<10000x128xf32, #tpu.memory_space<vmem_shared>> -> memref<128x128xf32, #tpu.memory_space<vmem_shared>>
      %dma_wait3A_86 = arith.constant 0 : i32
      %dma_wait3A_87 = arith.constant 0 : i32
      %dma_wait3A_88 = tpu.memref_slice %arg10[%dma_wait3A_86, %dma_wait3A_87] : memref<128x128xf32, #tpu.memory_space<vmem>> -> memref<128x128xf32, #tpu.memory_space<vmem>>
      tpu.wait_dma2 semaphore(%run_scoped3A : memref<!tpu.dma_semaphore, #tpu.memory_space<semaphore_mem>>) src(%dma_wait3A_88 : memref<128x128xf32, #tpu.memory_space<vmem>>) dst(%dma_wait3A_85 : memref<128x128xf32, #tpu.memory_space<vmem_shared>>)
      tpu.yield
    }) : () -> ()
    %mul3A_25 = arith.constant 624 : i32
    %mul3A_26 = arith.muli %arg1, %mul3A_25 : i32
    %add3A_27 = arith.constant 512 : i32
    %add3A_28 = arith.addi %mul3A_26, %add3A_27 : i32
    "tpu.region"() ({
      %run_scoped3A = tpu.sem_alloc : memref<!tpu.dma_semaphore, #tpu.memory_space<semaphore_mem>>
      %dma_start3A = arith.constant 0 : i32
      %dma_start3A_71 = arith.constant 0 : i32
      %dma_start3A_72 = tpu.memref_slice %arg10[%dma_start3A, %dma_start3A_71] : memref<128x128xf32, #tpu.memory_space<vmem>> -> memref<112x128xf32, #tpu.memory_space<vmem>>
      %dma_start3A_73 = arith.constant 0 : i32
      %dma_start3A_74 = tpu.memref_slice %arg12[%add3A_28, %dma_start3A_73] : memref<10000x128xf32, #tpu.memory_space<vmem_shared>> -> memref<112x128xf32, #tpu.memory_space<vmem_shared>>
      %dma_start3A_75 = arith.constant 0 : i32
      %dma_start3A_76 = tpu.memref_slice %arg12[%add3A_28, %dma_start3A_75] : memref<10000x128xf32, #tpu.memory_space<vmem_shared>> -> memref<112x128xf32, #tpu.memory_space<vmem_shared>>
      %dma_start3A_77 = arith.constant 0 : i32
      %dma_start3A_78 = arith.constant 0 : i32
      %dma_start3A_79 = tpu.memref_slice %arg10[%dma_start3A_77, %dma_start3A_78] : memref<128x128xf32, #tpu.memory_space<vmem>> -> memref<112x128xf32, #tpu.memory_space<vmem>>
      tpu.enqueue_dma source(%dma_start3A_79 : memref<112x128xf32, #tpu.memory_space<vmem>>) target(%dma_start3A_76 : memref<112x128xf32, #tpu.memory_space<vmem_shared>>) target_semaphore(%run_scoped3A : memref<!tpu.dma_semaphore, #tpu.memory_space<semaphore_mem>>)
      %dma_wait3A = arith.constant 0 : i32
      %dma_wait3A_80 = arith.constant 0 : i32
      %dma_wait3A_81 = tpu.memref_slice %arg10[%dma_wait3A, %dma_wait3A_80] : memref<128x128xf32, #tpu.memory_space<vmem>> -> memref<112x128xf32, #tpu.memory_space<vmem>>
      %dma_wait3A_82 = arith.constant 0 : i32
      %dma_wait3A_83 = tpu.memref_slice %arg12[%add3A_28, %dma_wait3A_82] : memref<10000x128xf32, #tpu.memory_space<vmem_shared>> -> memref<112x128xf32, #tpu.memory_space<vmem_shared>>
      %dma_wait3A_84 = arith.constant 0 : i32
      %dma_wait3A_85 = tpu.memref_slice %arg12[%add3A_28, %dma_wait3A_84] : memref<10000x128xf32, #tpu.memory_space<vmem_shared>> -> memref<112x128xf32, #tpu.memory_space<vmem_shared>>
      %dma_wait3A_86 = arith.constant 0 : i32
      %dma_wait3A_87 = arith.constant 0 : i32
      %dma_wait3A_88 = tpu.memref_slice %arg10[%dma_wait3A_86, %dma_wait3A_87] : memref<128x128xf32, #tpu.memory_space<vmem>> -> memref<112x128xf32, #tpu.memory_space<vmem>>
      tpu.wait_dma2 semaphore(%run_scoped3A : memref<!tpu.dma_semaphore, #tpu.memory_space<semaphore_mem>>) src(%dma_wait3A_88 : memref<112x128xf32, #tpu.memory_space<vmem>>) dst(%dma_wait3A_85 : memref<112x128xf32, #tpu.memory_space<vmem_shared>>)
      tpu.yield
    }) : () -> ()
    %mul3A_29 = arith.constant 624 : i32
    %mul3A_30 = arith.muli %arg1, %mul3A_29 : i32
    %add3A_31 = arith.constant 0 : i32
    %add3A_32 = arith.addi %mul3A_30, %add3A_31 : i32
    "tpu.region"() ({
      %run_scoped3A = tpu.sem_alloc : memref<!tpu.dma_semaphore, #tpu.memory_space<semaphore_mem>>
      %dma_start3A = arith.constant 0 : i32
      %dma_start3A_71 = arith.constant 0 : i32
      %dma_start3A_72 = tpu.memref_slice %arg11[%dma_start3A, %dma_start3A_71] : memref<128x16xf32, #tpu.memory_space<vmem>> -> memref<128x16xf32, #tpu.memory_space<vmem>>
      %dma_start3A_73 = arith.constant 0 : i32
      %dma_start3A_74 = tpu.memref_slice %arg13[%add3A_32, %dma_start3A_73] : memref<10000x16xf32, #tpu.memory_space<vmem_shared>> -> memref<128x16xf32, #tpu.memory_space<vmem_shared>>
      %dma_start3A_75 = arith.constant 0 : i32
      %dma_start3A_76 = tpu.memref_slice %arg13[%add3A_32, %dma_start3A_75] : memref<10000x16xf32, #tpu.memory_space<vmem_shared>> -> memref<128x16xf32, #tpu.memory_space<vmem_shared>>
      %dma_start3A_77 = arith.constant 0 : i32
      %dma_start3A_78 = arith.constant 0 : i32
      %dma_start3A_79 = tpu.memref_slice %arg11[%dma_start3A_77, %dma_start3A_78] : memref<128x16xf32, #tpu.memory_space<vmem>> -> memref<128x16xf32, #tpu.memory_space<vmem>>
      tpu.enqueue_dma source(%dma_start3A_79 : memref<128x16xf32, #tpu.memory_space<vmem>>) target(%dma_start3A_76 : memref<128x16xf32, #tpu.memory_space<vmem_shared>>) target_semaphore(%run_scoped3A : memref<!tpu.dma_semaphore, #tpu.memory_space<semaphore_mem>>)
      %dma_wait3A = arith.constant 0 : i32
      %dma_wait3A_80 = arith.constant 0 : i32
      %dma_wait3A_81 = tpu.memref_slice %arg11[%dma_wait3A, %dma_wait3A_80] : memref<128x16xf32, #tpu.memory_space<vmem>> -> memref<128x16xf32, #tpu.memory_space<vmem>>
      %dma_wait3A_82 = arith.constant 0 : i32
      %dma_wait3A_83 = tpu.memref_slice %arg13[%add3A_32, %dma_wait3A_82] : memref<10000x16xf32, #tpu.memory_space<vmem_shared>> -> memref<128x16xf32, #tpu.memory_space<vmem_shared>>
      %dma_wait3A_84 = arith.constant 0 : i32
      %dma_wait3A_85 = tpu.memref_slice %arg13[%add3A_32, %dma_wait3A_84] : memref<10000x16xf32, #tpu.memory_space<vmem_shared>> -> memref<128x16xf32, #tpu.memory_space<vmem_shared>>
      %dma_wait3A_86 = arith.constant 0 : i32
      %dma_wait3A_87 = arith.constant 0 : i32
      %dma_wait3A_88 = tpu.memref_slice %arg11[%dma_wait3A_86, %dma_wait3A_87] : memref<128x16xf32, #tpu.memory_space<vmem>> -> memref<128x16xf32, #tpu.memory_space<vmem>>
      tpu.wait_dma2 semaphore(%run_scoped3A : memref<!tpu.dma_semaphore, #tpu.memory_space<semaphore_mem>>) src(%dma_wait3A_88 : memref<128x16xf32, #tpu.memory_space<vmem>>) dst(%dma_wait3A_85 : memref<128x16xf32, #tpu.memory_space<vmem_shared>>)
      tpu.yield
    }) : () -> ()
    %mul3A_33 = arith.constant 624 : i32
    %mul3A_34 = arith.muli %arg1, %mul3A_33 : i32
    %add3A_35 = arith.constant 128 : i32
    %add3A_36 = arith.addi %mul3A_34, %add3A_35 : i32
    "tpu.region"() ({
      %run_scoped3A = tpu.sem_alloc : memref<!tpu.dma_semaphore, #tpu.memory_space<semaphore_mem>>
      %dma_start3A = arith.constant 0 : i32
      %dma_start3A_71 = arith.constant 0 : i32
      %dma_start3A_72 = tpu.memref_slice %arg11[%dma_start3A, %dma_start3A_71] : memref<128x16xf32, #tpu.memory_space<vmem>> -> memref<128x16xf32, #tpu.memory_space<vmem>>
      %dma_start3A_73 = arith.constant 0 : i32
      %dma_start3A_74 = tpu.memref_slice %arg13[%add3A_36, %dma_start3A_73] : memref<10000x16xf32, #tpu.memory_space<vmem_shared>> -> memref<128x16xf32, #tpu.memory_space<vmem_shared>>
      %dma_start3A_75 = arith.constant 0 : i32
      %dma_start3A_76 = tpu.memref_slice %arg13[%add3A_36, %dma_start3A_75] : memref<10000x16xf32, #tpu.memory_space<vmem_shared>> -> memref<128x16xf32, #tpu.memory_space<vmem_shared>>
      %dma_start3A_77 = arith.constant 0 : i32
      %dma_start3A_78 = arith.constant 0 : i32
      %dma_start3A_79 = tpu.memref_slice %arg11[%dma_start3A_77, %dma_start3A_78] : memref<128x16xf32, #tpu.memory_space<vmem>> -> memref<128x16xf32, #tpu.memory_space<vmem>>
      tpu.enqueue_dma source(%dma_start3A_79 : memref<128x16xf32, #tpu.memory_space<vmem>>) target(%dma_start3A_76 : memref<128x16xf32, #tpu.memory_space<vmem_shared>>) target_semaphore(%run_scoped3A : memref<!tpu.dma_semaphore, #tpu.memory_space<semaphore_mem>>)
      %dma_wait3A = arith.constant 0 : i32
      %dma_wait3A_80 = arith.constant 0 : i32
      %dma_wait3A_81 = tpu.memref_slice %arg11[%dma_wait3A, %dma_wait3A_80] : memref<128x16xf32, #tpu.memory_space<vmem>> -> memref<128x16xf32, #tpu.memory_space<vmem>>
      %dma_wait3A_82 = arith.constant 0 : i32
      %dma_wait3A_83 = tpu.memref_slice %arg13[%add3A_36, %dma_wait3A_82] : memref<10000x16xf32, #tpu.memory_space<vmem_shared>> -> memref<128x16xf32, #tpu.memory_space<vmem_shared>>
      %dma_wait3A_84 = arith.constant 0 : i32
      %dma_wait3A_85 = tpu.memref_slice %arg13[%add3A_36, %dma_wait3A_84] : memref<10000x16xf32, #tpu.memory_space<vmem_shared>> -> memref<128x16xf32, #tpu.memory_space<vmem_shared>>
      %dma_wait3A_86 = arith.constant 0 : i32
      %dma_wait3A_87 = arith.constant 0 : i32
      %dma_wait3A_88 = tpu.memref_slice %arg11[%dma_wait3A_86, %dma_wait3A_87] : memref<128x16xf32, #tpu.memory_space<vmem>> -> memref<128x16xf32, #tpu.memory_space<vmem>>
      tpu.wait_dma2 semaphore(%run_scoped3A : memref<!tpu.dma_semaphore, #tpu.memory_space<semaphore_mem>>) src(%dma_wait3A_88 : memref<128x16xf32, #tpu.memory_space<vmem>>) dst(%dma_wait3A_85 : memref<128x16xf32, #tpu.memory_space<vmem_shared>>)
      tpu.yield
    }) : () -> ()
    %mul3A_37 = arith.constant 624 : i32
    %mul3A_38 = arith.muli %arg1, %mul3A_37 : i32
    %add3A_39 = arith.constant 256 : i32
    %add3A_40 = arith.addi %mul3A_38, %add3A_39 : i32
    "tpu.region"() ({
      %run_scoped3A = tpu.sem_alloc : memref<!tpu.dma_semaphore, #tpu.memory_space<semaphore_mem>>
      %dma_start3A = arith.constant 0 : i32
      %dma_start3A_71 = arith.constant 0 : i32
      %dma_start3A_72 = tpu.memref_slice %arg11[%dma_start3A, %dma_start3A_71] : memref<128x16xf32, #tpu.memory_space<vmem>> -> memref<128x16xf32, #tpu.memory_space<vmem>>
      %dma_start3A_73 = arith.constant 0 : i32
      %dma_start3A_74 = tpu.memref_slice %arg13[%add3A_40, %dma_start3A_73] : memref<10000x16xf32, #tpu.memory_space<vmem_shared>> -> memref<128x16xf32, #tpu.memory_space<vmem_shared>>
      %dma_start3A_75 = arith.constant 0 : i32
      %dma_start3A_76 = tpu.memref_slice %arg13[%add3A_40, %dma_start3A_75] : memref<10000x16xf32, #tpu.memory_space<vmem_shared>> -> memref<128x16xf32, #tpu.memory_space<vmem_shared>>
      %dma_start3A_77 = arith.constant 0 : i32
      %dma_start3A_78 = arith.constant 0 : i32
      %dma_start3A_79 = tpu.memref_slice %arg11[%dma_start3A_77, %dma_start3A_78] : memref<128x16xf32, #tpu.memory_space<vmem>> -> memref<128x16xf32, #tpu.memory_space<vmem>>
      tpu.enqueue_dma source(%dma_start3A_79 : memref<128x16xf32, #tpu.memory_space<vmem>>) target(%dma_start3A_76 : memref<128x16xf32, #tpu.memory_space<vmem_shared>>) target_semaphore(%run_scoped3A : memref<!tpu.dma_semaphore, #tpu.memory_space<semaphore_mem>>)
      %dma_wait3A = arith.constant 0 : i32
      %dma_wait3A_80 = arith.constant 0 : i32
      %dma_wait3A_81 = tpu.memref_slice %arg11[%dma_wait3A, %dma_wait3A_80] : memref<128x16xf32, #tpu.memory_space<vmem>> -> memref<128x16xf32, #tpu.memory_space<vmem>>
      %dma_wait3A_82 = arith.constant 0 : i32
      %dma_wait3A_83 = tpu.memref_slice %arg13[%add3A_40, %dma_wait3A_82] : memref<10000x16xf32, #tpu.memory_space<vmem_shared>> -> memref<128x16xf32, #tpu.memory_space<vmem_shared>>
      %dma_wait3A_84 = arith.constant 0 : i32
      %dma_wait3A_85 = tpu.memref_slice %arg13[%add3A_40, %dma_wait3A_84] : memref<10000x16xf32, #tpu.memory_space<vmem_shared>> -> memref<128x16xf32, #tpu.memory_space<vmem_shared>>
      %dma_wait3A_86 = arith.constant 0 : i32
      %dma_wait3A_87 = arith.constant 0 : i32
      %dma_wait3A_88 = tpu.memref_slice %arg11[%dma_wait3A_86, %dma_wait3A_87] : memref<128x16xf32, #tpu.memory_space<vmem>> -> memref<128x16xf32, #tpu.memory_space<vmem>>
      tpu.wait_dma2 semaphore(%run_scoped3A : memref<!tpu.dma_semaphore, #tpu.memory_space<semaphore_mem>>) src(%dma_wait3A_88 : memref<128x16xf32, #tpu.memory_space<vmem>>) dst(%dma_wait3A_85 : memref<128x16xf32, #tpu.memory_space<vmem_shared>>)
      tpu.yield
    }) : () -> ()
    %mul3A_41 = arith.constant 624 : i32
    %mul3A_42 = arith.muli %arg1, %mul3A_41 : i32
    %add3A_43 = arith.constant 384 : i32
    %add3A_44 = arith.addi %mul3A_42, %add3A_43 : i32
    "tpu.region"() ({
      %run_scoped3A = tpu.sem_alloc : memref<!tpu.dma_semaphore, #tpu.memory_space<semaphore_mem>>
      %dma_start3A = arith.constant 0 : i32
      %dma_start3A_71 = arith.constant 0 : i32
      %dma_start3A_72 = tpu.memref_slice %arg11[%dma_start3A, %dma_start3A_71] : memref<128x16xf32, #tpu.memory_space<vmem>> -> memref<128x16xf32, #tpu.memory_space<vmem>>
      %dma_start3A_73 = arith.constant 0 : i32
      %dma_start3A_74 = tpu.memref_slice %arg13[%add3A_44, %dma_start3A_73] : memref<10000x16xf32, #tpu.memory_space<vmem_shared>> -> memref<128x16xf32, #tpu.memory_space<vmem_shared>>
      %dma_start3A_75 = arith.constant 0 : i32
      %dma_start3A_76 = tpu.memref_slice %arg13[%add3A_44, %dma_start3A_75] : memref<10000x16xf32, #tpu.memory_space<vmem_shared>> -> memref<128x16xf32, #tpu.memory_space<vmem_shared>>
      %dma_start3A_77 = arith.constant 0 : i32
      %dma_start3A_78 = arith.constant 0 : i32
      %dma_start3A_79 = tpu.memref_slice %arg11[%dma_start3A_77, %dma_start3A_78] : memref<128x16xf32, #tpu.memory_space<vmem>> -> memref<128x16xf32, #tpu.memory_space<vmem>>
      tpu.enqueue_dma source(%dma_start3A_79 : memref<128x16xf32, #tpu.memory_space<vmem>>) target(%dma_start3A_76 : memref<128x16xf32, #tpu.memory_space<vmem_shared>>) target_semaphore(%run_scoped3A : memref<!tpu.dma_semaphore, #tpu.memory_space<semaphore_mem>>)
      %dma_wait3A = arith.constant 0 : i32
      %dma_wait3A_80 = arith.constant 0 : i32
      %dma_wait3A_81 = tpu.memref_slice %arg11[%dma_wait3A, %dma_wait3A_80] : memref<128x16xf32, #tpu.memory_space<vmem>> -> memref<128x16xf32, #tpu.memory_space<vmem>>
      %dma_wait3A_82 = arith.constant 0 : i32
      %dma_wait3A_83 = tpu.memref_slice %arg13[%add3A_44, %dma_wait3A_82] : memref<10000x16xf32, #tpu.memory_space<vmem_shared>> -> memref<128x16xf32, #tpu.memory_space<vmem_shared>>
      %dma_wait3A_84 = arith.constant 0 : i32
      %dma_wait3A_85 = tpu.memref_slice %arg13[%add3A_44, %dma_wait3A_84] : memref<10000x16xf32, #tpu.memory_space<vmem_shared>> -> memref<128x16xf32, #tpu.memory_space<vmem_shared>>
      %dma_wait3A_86 = arith.constant 0 : i32
      %dma_wait3A_87 = arith.constant 0 : i32
      %dma_wait3A_88 = tpu.memref_slice %arg11[%dma_wait3A_86, %dma_wait3A_87] : memref<128x16xf32, #tpu.memory_space<vmem>> -> memref<128x16xf32, #tpu.memory_space<vmem>>
      tpu.wait_dma2 semaphore(%run_scoped3A : memref<!tpu.dma_semaphore, #tpu.memory_space<semaphore_mem>>) src(%dma_wait3A_88 : memref<128x16xf32, #tpu.memory_space<vmem>>) dst(%dma_wait3A_85 : memref<128x16xf32, #tpu.memory_space<vmem_shared>>)
      tpu.yield
    }) : () -> ()
    %mul3A_45 = arith.constant 624 : i32
    %mul3A_46 = arith.muli %arg1, %mul3A_45 : i32
    %add3A_47 = arith.constant 512 : i32
    %add3A_48 = arith.addi %mul3A_46, %add3A_47 : i32
    "tpu.region"() ({
      %run_scoped3A = tpu.sem_alloc : memref<!tpu.dma_semaphore, #tpu.memory_space<semaphore_mem>>
      %dma_start3A = arith.constant 0 : i32
      %dma_start3A_71 = arith.constant 0 : i32
      %dma_start3A_72 = tpu.memref_slice %arg11[%dma_start3A, %dma_start3A_71] : memref<128x16xf32, #tpu.memory_space<vmem>> -> memref<112x16xf32, #tpu.memory_space<vmem>>
      %dma_start3A_73 = arith.constant 0 : i32
      %dma_start3A_74 = tpu.memref_slice %arg13[%add3A_48, %dma_start3A_73] : memref<10000x16xf32, #tpu.memory_space<vmem_shared>> -> memref<112x16xf32, #tpu.memory_space<vmem_shared>>
      %dma_start3A_75 = arith.constant 0 : i32
      %dma_start3A_76 = tpu.memref_slice %arg13[%add3A_48, %dma_start3A_75] : memref<10000x16xf32, #tpu.memory_space<vmem_shared>> -> memref<112x16xf32, #tpu.memory_space<vmem_shared>>
      %dma_start3A_77 = arith.constant 0 : i32
      %dma_start3A_78 = arith.constant 0 : i32
      %dma_start3A_79 = tpu.memref_slice %arg11[%dma_start3A_77, %dma_start3A_78] : memref<128x16xf32, #tpu.memory_space<vmem>> -> memref<112x16xf32, #tpu.memory_space<vmem>>
      tpu.enqueue_dma source(%dma_start3A_79 : memref<112x16xf32, #tpu.memory_space<vmem>>) target(%dma_start3A_76 : memref<112x16xf32, #tpu.memory_space<vmem_shared>>) target_semaphore(%run_scoped3A : memref<!tpu.dma_semaphore, #tpu.memory_space<semaphore_mem>>)
      %dma_wait3A = arith.constant 0 : i32
      %dma_wait3A_80 = arith.constant 0 : i32
      %dma_wait3A_81 = tpu.memref_slice %arg11[%dma_wait3A, %dma_wait3A_80] : memref<128x16xf32, #tpu.memory_space<vmem>> -> memref<112x16xf32, #tpu.memory_space<vmem>>
      %dma_wait3A_82 = arith.constant 0 : i32
      %dma_wait3A_83 = tpu.memref_slice %arg13[%add3A_48, %dma_wait3A_82] : memref<10000x16xf32, #tpu.memory_space<vmem_shared>> -> memref<112x16xf32, #tpu.memory_space<vmem_shared>>
      %dma_wait3A_84 = arith.constant 0 : i32
      %dma_wait3A_85 = tpu.memref_slice %arg13[%add3A_48, %dma_wait3A_84] : memref<10000x16xf32, #tpu.memory_space<vmem_shared>> -> memref<112x16xf32, #tpu.memory_space<vmem_shared>>
      %dma_wait3A_86 = arith.constant 0 : i32
      %dma_wait3A_87 = arith.constant 0 : i32
      %dma_wait3A_88 = tpu.memref_slice %arg11[%dma_wait3A_86, %dma_wait3A_87] : memref<128x16xf32, #tpu.memory_space<vmem>> -> memref<112x16xf32, #tpu.memory_space<vmem>>
      tpu.wait_dma2 semaphore(%run_scoped3A : memref<!tpu.dma_semaphore, #tpu.memory_space<semaphore_mem>>) src(%dma_wait3A_88 : memref<112x16xf32, #tpu.memory_space<vmem>>) dst(%dma_wait3A_85 : memref<112x16xf32, #tpu.memory_space<vmem_shared>>)
      tpu.yield
    }) : () -> ()
    %eq3A = arith.constant 15 : i32
    %eq3A_49 = arith.cmpi eq, %arg1, %eq3A : i32
    %convert_element_type3A = arith.extui %eq3A_49 : i1 to i32
    %cond3A = arith.constant 0 : i32
    %cond3A_50 = arith.cmpi ne, %convert_element_type3A, %cond3A : i32
    scf.if %cond3A_50 {
      "tpu.region"() ({
        %run_scoped3A = tpu.sem_alloc : memref<!tpu.dma_semaphore, #tpu.memory_space<semaphore_mem>>
        %dma_start3A = arith.constant 0 : i32
        %dma_start3A_71 = arith.constant 0 : i32
        %dma_start3A_72 = tpu.memref_slice %arg10[%dma_start3A, %dma_start3A_71] : memref<128x128xf32, #tpu.memory_space<vmem>> -> memref<16x128xf32, #tpu.memory_space<vmem>>
        %dma_start3A_73 = arith.constant 9984 : i32
        %dma_start3A_74 = arith.constant 0 : i32
        %dma_start3A_75 = tpu.memref_slice %arg12[%dma_start3A_73, %dma_start3A_74] : memref<10000x128xf32, #tpu.memory_space<vmem_shared>> -> memref<16x128xf32, #tpu.memory_space<vmem_shared>>
        %dma_start3A_76 = arith.constant 9984 : i32
        %dma_start3A_77 = arith.constant 0 : i32
        %dma_start3A_78 = tpu.memref_slice %arg12[%dma_start3A_76, %dma_start3A_77] : memref<10000x128xf32, #tpu.memory_space<vmem_shared>> -> memref<16x128xf32, #tpu.memory_space<vmem_shared>>
        %dma_start3A_79 = arith.constant 0 : i32
        %dma_start3A_80 = arith.constant 0 : i32
        %dma_start3A_81 = tpu.memref_slice %arg10[%dma_start3A_79, %dma_start3A_80] : memref<128x128xf32, #tpu.memory_space<vmem>> -> memref<16x128xf32, #tpu.memory_space<vmem>>
        tpu.enqueue_dma source(%dma_start3A_81 : memref<16x128xf32, #tpu.memory_space<vmem>>) target(%dma_start3A_78 : memref<16x128xf32, #tpu.memory_space<vmem_shared>>) target_semaphore(%run_scoped3A : memref<!tpu.dma_semaphore, #tpu.memory_space<semaphore_mem>>)
        %dma_wait3A = arith.constant 0 : i32
        %dma_wait3A_82 = arith.constant 0 : i32
        %dma_wait3A_83 = tpu.memref_slice %arg10[%dma_wait3A, %dma_wait3A_82] : memref<128x128xf32, #tpu.memory_space<vmem>> -> memref<16x128xf32, #tpu.memory_space<vmem>>
        %dma_wait3A_84 = arith.constant 9984 : i32
        %dma_wait3A_85 = arith.constant 0 : i32
        %dma_wait3A_86 = tpu.memref_slice %arg12[%dma_wait3A_84, %dma_wait3A_85] : memref<10000x128xf32, #tpu.memory_space<vmem_shared>> -> memref<16x128xf32, #tpu.memory_space<vmem_shared>>
        %dma_wait3A_87 = arith.constant 9984 : i32
        %dma_wait3A_88 = arith.constant 0 : i32
        %dma_wait3A_89 = tpu.memref_slice %arg12[%dma_wait3A_87, %dma_wait3A_88] : memref<10000x128xf32, #tpu.memory_space<vmem_shared>> -> memref<16x128xf32, #tpu.memory_space<vmem_shared>>
        %dma_wait3A_90 = arith.constant 0 : i32
        %dma_wait3A_91 = arith.constant 0 : i32
        %dma_wait3A_92 = tpu.memref_slice %arg10[%dma_wait3A_90, %dma_wait3A_91] : memref<128x128xf32, #tpu.memory_space<vmem>> -> memref<16x128xf32, #tpu.memory_space<vmem>>
        tpu.wait_dma2 semaphore(%run_scoped3A : memref<!tpu.dma_semaphore, #tpu.memory_space<semaphore_mem>>) src(%dma_wait3A_92 : memref<16x128xf32, #tpu.memory_space<vmem>>) dst(%dma_wait3A_89 : memref<16x128xf32, #tpu.memory_space<vmem_shared>>)
        tpu.yield
      }) : () -> ()
      "tpu.region"() ({
        %run_scoped3A = tpu.sem_alloc : memref<!tpu.dma_semaphore, #tpu.memory_space<semaphore_mem>>
        %dma_start3A = arith.constant 0 : i32
        %dma_start3A_71 = arith.constant 0 : i32
        %dma_start3A_72 = tpu.memref_slice %arg11[%dma_start3A, %dma_start3A_71] : memref<128x16xf32, #tpu.memory_space<vmem>> -> memref<16x16xf32, #tpu.memory_space<vmem>>
        %dma_start3A_73 = arith.constant 9984 : i32
        %dma_start3A_74 = arith.constant 0 : i32
        %dma_start3A_75 = tpu.memref_slice %arg13[%dma_start3A_73, %dma_start3A_74] : memref<10000x16xf32, #tpu.memory_space<vmem_shared>> -> memref<16x16xf32, #tpu.memory_space<vmem_shared>>
        %dma_start3A_76 = arith.constant 9984 : i32
        %dma_start3A_77 = arith.constant 0 : i32
        %dma_start3A_78 = tpu.memref_slice %arg13[%dma_start3A_76, %dma_start3A_77] : memref<10000x16xf32, #tpu.memory_space<vmem_shared>> -> memref<16x16xf32, #tpu.memory_space<vmem_shared>>
        %dma_start3A_79 = arith.constant 0 : i32
        %dma_start3A_80 = arith.constant 0 : i32
        %dma_start3A_81 = tpu.memref_slice %arg11[%dma_start3A_79, %dma_start3A_80] : memref<128x16xf32, #tpu.memory_space<vmem>> -> memref<16x16xf32, #tpu.memory_space<vmem>>
        tpu.enqueue_dma source(%dma_start3A_81 : memref<16x16xf32, #tpu.memory_space<vmem>>) target(%dma_start3A_78 : memref<16x16xf32, #tpu.memory_space<vmem_shared>>) target_semaphore(%run_scoped3A : memref<!tpu.dma_semaphore, #tpu.memory_space<semaphore_mem>>)
        %dma_wait3A = arith.constant 0 : i32
        %dma_wait3A_82 = arith.constant 0 : i32
        %dma_wait3A_83 = tpu.memref_slice %arg11[%dma_wait3A, %dma_wait3A_82] : memref<128x16xf32, #tpu.memory_space<vmem>> -> memref<16x16xf32, #tpu.memory_space<vmem>>
        %dma_wait3A_84 = arith.constant 9984 : i32
        %dma_wait3A_85 = arith.constant 0 : i32
        %dma_wait3A_86 = tpu.memref_slice %arg13[%dma_wait3A_84, %dma_wait3A_85] : memref<10000x16xf32, #tpu.memory_space<vmem_shared>> -> memref<16x16xf32, #tpu.memory_space<vmem_shared>>
        %dma_wait3A_87 = arith.constant 9984 : i32
        %dma_wait3A_88 = arith.constant 0 : i32
        %dma_wait3A_89 = tpu.memref_slice %arg13[%dma_wait3A_87, %dma_wait3A_88] : memref<10000x16xf32, #tpu.memory_space<vmem_shared>> -> memref<16x16xf32, #tpu.memory_space<vmem_shared>>
        %dma_wait3A_90 = arith.constant 0 : i32
        %dma_wait3A_91 = arith.constant 0 : i32
        %dma_wait3A_92 = tpu.memref_slice %arg11[%dma_wait3A_90, %dma_wait3A_91] : memref<128x16xf32, #tpu.memory_space<vmem>> -> memref<16x16xf32, #tpu.memory_space<vmem>>
        tpu.wait_dma2 semaphore(%run_scoped3A : memref<!tpu.dma_semaphore, #tpu.memory_space<semaphore_mem>>) src(%dma_wait3A_92 : memref<16x16xf32, #tpu.memory_space<vmem>>) dst(%dma_wait3A_89 : memref<16x16xf32, #tpu.memory_space<vmem_shared>>)
        tpu.yield
      }) : () -> ()
    } else {
    }
    %barrier3A = arith.constant 0 : index
    tpu.barrier barrier_id(%barrier3A)
    %scan3A_51 = arith.constant 0 : i32
    %scan3A_52 = arith.constant 0 : i32
    %scan3A_53 = arith.constant 81 : i32
    %scan3A_54 = arith.addi %scan3A_52, %scan3A_53 : i32
    %scan3A_55 = arith.constant 1 : i32
    scf.for %scan3A_71 = %scan3A_52 to %scan3A_54 step %scan3A_55  : i32 {
      %mul3A_72 = arith.constant 128 : i32
      %mul3A_73 = arith.muli %scan3A_71, %mul3A_72 : i32
      %add3A_74 = arith.addi %mul3A_2, %mul3A_73 : i32
      "tpu.region"() ({
        %run_scoped3A = tpu.sem_alloc : memref<!tpu.dma_semaphore, #tpu.memory_space<semaphore_mem>>
        %dma_start3A_85 = tpu.memref_slice %arg2[%add3A_74] : memref<331776xi32, #tpu.memory_space<hbm>> -> memref<128xi32, #tpu.memory_space<hbm>>
        %dma_start3A_86 = tpu.memref_slice %arg2[%add3A_74] : memref<331776xi32, #tpu.memory_space<hbm>> -> memref<128xi32, #tpu.memory_space<hbm>>
        tpu.enqueue_dma source(%dma_start3A_86 : memref<128xi32, #tpu.memory_space<hbm>>) target(%arg8 : memref<128xi32, #tpu.memory_space<vmem>>) target_semaphore(%run_scoped3A : memref<!tpu.dma_semaphore, #tpu.memory_space<semaphore_mem>>)
        %dma_wait3A_87 = tpu.memref_slice %arg2[%add3A_74] : memref<331776xi32, #tpu.memory_space<hbm>> -> memref<128xi32, #tpu.memory_space<hbm>>
        %dma_wait3A_88 = tpu.memref_slice %arg2[%add3A_74] : memref<331776xi32, #tpu.memory_space<hbm>> -> memref<128xi32, #tpu.memory_space<hbm>>
        tpu.wait_dma2 semaphore(%run_scoped3A : memref<!tpu.dma_semaphore, #tpu.memory_space<semaphore_mem>>) src(%dma_wait3A_88 : memref<128xi32, #tpu.memory_space<hbm>>) dst(%arg8 : memref<128xi32, #tpu.memory_space<vmem>>)
        tpu.yield
      }) : () -> ()
      "tpu.region"() ({
        %run_scoped3A = tpu.sem_alloc : memref<!tpu.dma_semaphore, #tpu.memory_space<semaphore_mem>>
        %dma_start3A_85 = tpu.memref_slice %arg3[%add3A_74] : memref<331776xi32, #tpu.memory_space<hbm>> -> memref<128xi32, #tpu.memory_space<hbm>>
        %dma_start3A_86 = tpu.memref_slice %arg3[%add3A_74] : memref<331776xi32, #tpu.memory_space<hbm>> -> memref<128xi32, #tpu.memory_space<hbm>>
        tpu.enqueue_dma source(%dma_start3A_86 : memref<128xi32, #tpu.memory_space<hbm>>) target(%arg9 : memref<128xi32, #tpu.memory_space<vmem>>) target_semaphore(%run_scoped3A : memref<!tpu.dma_semaphore, #tpu.memory_space<semaphore_mem>>)
        %dma_wait3A_87 = tpu.memref_slice %arg3[%add3A_74] : memref<331776xi32, #tpu.memory_space<hbm>> -> memref<128xi32, #tpu.memory_space<hbm>>
        %dma_wait3A_88 = tpu.memref_slice %arg3[%add3A_74] : memref<331776xi32, #tpu.memory_space<hbm>> -> memref<128xi32, #tpu.memory_space<hbm>>
        tpu.wait_dma2 semaphore(%run_scoped3A : memref<!tpu.dma_semaphore, #tpu.memory_space<semaphore_mem>>) src(%dma_wait3A_88 : memref<128xi32, #tpu.memory_space<hbm>>) dst(%arg9 : memref<128xi32, #tpu.memory_space<vmem>>)
        tpu.yield
      }) : () -> ()
      %dma_start3A = arith.constant 0 : i32
      %dma_start3A_75 = arith.constant 0 : i32
      %dma_start3A_76 = tpu.memref_slice %arg4[%dma_start3A, %dma_start3A_75] : memref<10000x128xf32, #tpu.memory_space<hbm>> -> memref<10000x128xf32, #tpu.memory_space<hbm>>
      tpu.enqueue_indirect_dma source(%dma_start3A_76 : memref<10000x128xf32, #tpu.memory_space<hbm>>) target(%arg10 : memref<128x128xf32, #tpu.memory_space<vmem>>) offsets(%arg8 : memref<128xi32, #tpu.memory_space<vmem>>) semaphore(%arg14 : memref<!tpu.dma_semaphore, #tpu.memory_space<semaphore_mem>>)
      "tpu.region"() ({
        %run_scoped3A = tpu.sem_alloc : memref<!tpu.dma_semaphore, #tpu.memory_space<semaphore_mem>>
        %dma_start3A_85 = arith.constant 0 : i32
        %dma_start3A_86 = tpu.memref_slice %arg5[%add3A_74, %dma_start3A_85] : memref<331776x16xf32, #tpu.memory_space<hbm>> -> memref<128x16xf32, #tpu.memory_space<hbm>>
        %dma_start3A_87 = arith.constant 0 : i32
        %dma_start3A_88 = tpu.memref_slice %arg5[%add3A_74, %dma_start3A_87] : memref<331776x16xf32, #tpu.memory_space<hbm>> -> memref<128x16xf32, #tpu.memory_space<hbm>>
        tpu.enqueue_dma source(%dma_start3A_88 : memref<128x16xf32, #tpu.memory_space<hbm>>) target(%arg11 : memref<128x16xf32, #tpu.memory_space<vmem>>) target_semaphore(%run_scoped3A : memref<!tpu.dma_semaphore, #tpu.memory_space<semaphore_mem>>)
        %dma_wait3A_89 = arith.constant 0 : i32
        %dma_wait3A_90 = tpu.memref_slice %arg5[%add3A_74, %dma_wait3A_89] : memref<331776x16xf32, #tpu.memory_space<hbm>> -> memref<128x16xf32, #tpu.memory_space<hbm>>
        %dma_wait3A_91 = arith.constant 0 : i32
        %dma_wait3A_92 = tpu.memref_slice %arg5[%add3A_74, %dma_wait3A_91] : memref<331776x16xf32, #tpu.memory_space<hbm>> -> memref<128x16xf32, #tpu.memory_space<hbm>>
        tpu.wait_dma2 semaphore(%run_scoped3A : memref<!tpu.dma_semaphore, #tpu.memory_space<semaphore_mem>>) src(%dma_wait3A_92 : memref<128x16xf32, #tpu.memory_space<hbm>>) dst(%arg11 : memref<128x16xf32, #tpu.memory_space<vmem>>)
        tpu.yield
      }) : () -> ()
      %dma_wait3A = arith.constant 0 : i32
      %dma_wait3A_77 = arith.constant 0 : i32
      %dma_wait3A_78 = tpu.memref_slice %arg4[%dma_wait3A, %dma_wait3A_77] : memref<10000x128xf32, #tpu.memory_space<hbm>> -> memref<10000x128xf32, #tpu.memory_space<hbm>>
      tpu.wait_indirect_dma semaphore(%arg14 : memref<!tpu.dma_semaphore, #tpu.memory_space<semaphore_mem>>) src(%dma_wait3A_78 : memref<10000x128xf32, #tpu.memory_space<hbm>>) dst(%arg10 : memref<128x128xf32, #tpu.memory_space<vmem>>)
      %scan3A_79 = arith.constant 0 : i32
      %scan3A_80 = arith.constant 0 : i32
      %scan3A_81 = arith.constant 128 : i32
      %scan3A_82 = arith.addi %scan3A_80, %scan3A_81 : i32
      %scan3A_83 = arith.constant 1 : i32
      scf.for %scan3A_85 = %scan3A_80 to %scan3A_82 step %scan3A_83  : i32 {
        %get3A = arith.index_cast %scan3A_85 : i32 to index
        %get3A_86 = arith.constant 0 : index
        %get3A_87 = tpu.vector_load %arg11[%get3A, %get3A_86] {strides = array<i32>} : memref<128x16xf32, #tpu.memory_space<vmem>>, vector<1x16xf32>,
        %get3A_88 = vector.shape_cast %get3A_87 : vector<1x16xf32> to vector<16xf32>
        %slice3A = vector.extract_strided_slice %get3A_88 {offsets = [0], sizes = [1], strides = [1]} : vector<16xf32> to vector<1xf32>
        %squeeze3A = vector.extract %slice3A[0] : f32 from vector<1xf32>
        %get3A_89 = arith.index_cast %scan3A_85 : i32 to index
        %get3A_90 = arith.constant 0 : index
        %get3A_91 = tpu.vector_load %arg10[%get3A_89, %get3A_90] {strides = array<i32>} : memref<128x128xf32, #tpu.memory_space<vmem>>, vector<1x16xf32>,
        %get3A_92 = vector.shape_cast %get3A_91 : vector<1x16xf32> to vector<16xf32>
        %mul3A_93 = vector.broadcast %squeeze3A : f32 to vector<16xf32>
        %mul3A_94 = arith.mulf %get3A_92, %mul3A_93 : vector<16xf32>
        %swap3A = arith.index_cast %scan3A_85 : i32 to index
        %swap3A_95 = arith.constant 0 : index
        %swap3A_96 = tpu.vector_load %arg10[%swap3A, %swap3A_95] {strides = array<i32>} : memref<128x128xf32, #tpu.memory_space<vmem>>, vector<1x16xf32>,
        %swap3A_97 = vector.shape_cast %swap3A_96 : vector<1x16xf32> to vector<16xf32>
        %swap3A_98 = vector.shape_cast %mul3A_94 : vector<16xf32> to vector<1x16xf32>
        tpu.vector_store %arg10[%swap3A, %swap3A_95], %swap3A_98 {strides = array<i32>} : memref<128x128xf32, #tpu.memory_space<vmem>>, vector<1x16xf32>,
        %get3A_99 = arith.index_cast %scan3A_85 : i32 to index
        %get3A_100 = arith.constant 16 : index
        %get3A_101 = tpu.vector_load %arg10[%get3A_99, %get3A_100] {strides = array<i32>} : memref<128x128xf32, #tpu.memory_space<vmem>>, vector<1x16xf32>,
        %get3A_102 = vector.shape_cast %get3A_101 : vector<1x16xf32> to vector<16xf32>
        %mul3A_103 = vector.broadcast %squeeze3A : f32 to vector<16xf32>
        %mul3A_104 = arith.mulf %get3A_102, %mul3A_103 : vector<16xf32>
        %swap3A_105 = arith.index_cast %scan3A_85 : i32 to index
        %swap3A_106 = arith.constant 16 : index
        %swap3A_107 = tpu.vector_load %arg10[%swap3A_105, %swap3A_106] {strides = array<i32>} : memref<128x128xf32, #tpu.memory_space<vmem>>, vector<1x16xf32>,
        %swap3A_108 = vector.shape_cast %swap3A_107 : vector<1x16xf32> to vector<16xf32>
        %swap3A_109 = vector.shape_cast %mul3A_104 : vector<16xf32> to vector<1x16xf32>
        tpu.vector_store %arg10[%swap3A_105, %swap3A_106], %swap3A_109 {strides = array<i32>} : memref<128x128xf32, #tpu.memory_space<vmem>>, vector<1x16xf32>,
        %slice3A_110 = vector.extract_strided_slice %get3A_88 {offsets = [1], sizes = [1], strides = [1]} : vector<16xf32> to vector<1xf32>
        %squeeze3A_111 = vector.extract %slice3A_110[0] : f32 from vector<1xf32>
        %get3A_112 = arith.index_cast %scan3A_85 : i32 to index
        %get3A_113 = arith.constant 32 : index
        %get3A_114 = tpu.vector_load %arg10[%get3A_112, %get3A_113] {strides = array<i32>} : memref<128x128xf32, #tpu.memory_space<vmem>>, vector<1x16xf32>,
        %get3A_115 = vector.shape_cast %get3A_114 : vector<1x16xf32> to vector<16xf32>
        %mul3A_116 = vector.broadcast %squeeze3A_111 : f32 to vector<16xf32>
        %mul3A_117 = arith.mulf %get3A_115, %mul3A_116 : vector<16xf32>
        %swap3A_118 = arith.index_cast %scan3A_85 : i32 to index
        %swap3A_119 = arith.constant 32 : index
        %swap3A_120 = tpu.vector_load %arg10[%swap3A_118, %swap3A_119] {strides = array<i32>} : memref<128x128xf32, #tpu.memory_space<vmem>>, vector<1x16xf32>,
        %swap3A_121 = vector.shape_cast %swap3A_120 : vector<1x16xf32> to vector<16xf32>
        %swap3A_122 = vector.shape_cast %mul3A_117 : vector<16xf32> to vector<1x16xf32>
        tpu.vector_store %arg10[%swap3A_118, %swap3A_119], %swap3A_122 {strides = array<i32>} : memref<128x128xf32, #tpu.memory_space<vmem>>, vector<1x16xf32>,
        %get3A_123 = arith.index_cast %scan3A_85 : i32 to index
        %get3A_124 = arith.constant 48 : index
        %get3A_125 = tpu.vector_load %arg10[%get3A_123, %get3A_124] {strides = array<i32>} : memref<128x128xf32, #tpu.memory_space<vmem>>, vector<1x16xf32>,
        %get3A_126 = vector.shape_cast %get3A_125 : vector<1x16xf32> to vector<16xf32>
        %mul3A_127 = vector.broadcast %squeeze3A_111 : f32 to vector<16xf32>
        %mul3A_128 = arith.mulf %get3A_126, %mul3A_127 : vector<16xf32>
        %swap3A_129 = arith.index_cast %scan3A_85 : i32 to index
        %swap3A_130 = arith.constant 48 : index
        %swap3A_131 = tpu.vector_load %arg10[%swap3A_129, %swap3A_130] {strides = array<i32>} : memref<128x128xf32, #tpu.memory_space<vmem>>, vector<1x16xf32>,
        %swap3A_132 = vector.shape_cast %swap3A_131 : vector<1x16xf32> to vector<16xf32>
        %swap3A_133 = vector.shape_cast %mul3A_128 : vector<16xf32> to vector<1x16xf32>
        tpu.vector_store %arg10[%swap3A_129, %swap3A_130], %swap3A_133 {strides = array<i32>} : memref<128x128xf32, #tpu.memory_space<vmem>>, vector<1x16xf32>,
        %slice3A_134 = vector.extract_strided_slice %get3A_88 {offsets = [2], sizes = [1], strides = [1]} : vector<16xf32> to vector<1xf32>
        %squeeze3A_135 = vector.extract %slice3A_134[0] : f32 from vector<1xf32>
        %get3A_136 = arith.index_cast %scan3A_85 : i32 to index
        %get3A_137 = arith.constant 64 : index
        %get3A_138 = tpu.vector_load %arg10[%get3A_136, %get3A_137] {strides = array<i32>} : memref<128x128xf32, #tpu.memory_space<vmem>>, vector<1x16xf32>,
        %get3A_139 = vector.shape_cast %get3A_138 : vector<1x16xf32> to vector<16xf32>
        %mul3A_140 = vector.broadcast %squeeze3A_135 : f32 to vector<16xf32>
        %mul3A_141 = arith.mulf %get3A_139, %mul3A_140 : vector<16xf32>
        %swap3A_142 = arith.index_cast %scan3A_85 : i32 to index
        %swap3A_143 = arith.constant 64 : index
        %swap3A_144 = tpu.vector_load %arg10[%swap3A_142, %swap3A_143] {strides = array<i32>} : memref<128x128xf32, #tpu.memory_space<vmem>>, vector<1x16xf32>,
        %swap3A_145 = vector.shape_cast %swap3A_144 : vector<1x16xf32> to vector<16xf32>
        %swap3A_146 = vector.shape_cast %mul3A_141 : vector<16xf32> to vector<1x16xf32>
        tpu.vector_store %arg10[%swap3A_142, %swap3A_143], %swap3A_146 {strides = array<i32>} : memref<128x128xf32, #tpu.memory_space<vmem>>, vector<1x16xf32>,
        %get3A_147 = arith.index_cast %scan3A_85 : i32 to index
        %get3A_148 = arith.constant 80 : index
        %get3A_149 = tpu.vector_load %arg10[%get3A_147, %get3A_148] {strides = array<i32>} : memref<128x128xf32, #tpu.memory_space<vmem>>, vector<1x16xf32>,
        %get3A_150 = vector.shape_cast %get3A_149 : vector<1x16xf32> to vector<16xf32>
        %mul3A_151 = vector.broadcast %squeeze3A_135 : f32 to vector<16xf32>
        %mul3A_152 = arith.mulf %get3A_150, %mul3A_151 : vector<16xf32>
        %swap3A_153 = arith.index_cast %scan3A_85 : i32 to index
        %swap3A_154 = arith.constant 80 : index
        %swap3A_155 = tpu.vector_load %arg10[%swap3A_153, %swap3A_154] {strides = array<i32>} : memref<128x128xf32, #tpu.memory_space<vmem>>, vector<1x16xf32>,
        %swap3A_156 = vector.shape_cast %swap3A_155 : vector<1x16xf32> to vector<16xf32>
        %swap3A_157 = vector.shape_cast %mul3A_152 : vector<16xf32> to vector<1x16xf32>
        tpu.vector_store %arg10[%swap3A_153, %swap3A_154], %swap3A_157 {strides = array<i32>} : memref<128x128xf32, #tpu.memory_space<vmem>>, vector<1x16xf32>,
        %slice3A_158 = vector.extract_strided_slice %get3A_88 {offsets = [3], sizes = [1], strides = [1]} : vector<16xf32> to vector<1xf32>
        %squeeze3A_159 = vector.extract %slice3A_158[0] : f32 from vector<1xf32>
        %get3A_160 = arith.index_cast %scan3A_85 : i32 to index
        %get3A_161 = arith.constant 96 : index
        %get3A_162 = tpu.vector_load %arg10[%get3A_160, %get3A_161] {strides = array<i32>} : memref<128x128xf32, #tpu.memory_space<vmem>>, vector<1x16xf32>,
        %get3A_163 = vector.shape_cast %get3A_162 : vector<1x16xf32> to vector<16xf32>
        %mul3A_164 = vector.broadcast %squeeze3A_159 : f32 to vector<16xf32>
        %mul3A_165 = arith.mulf %get3A_163, %mul3A_164 : vector<16xf32>
        %swap3A_166 = arith.index_cast %scan3A_85 : i32 to index
        %swap3A_167 = arith.constant 96 : index
        %swap3A_168 = tpu.vector_load %arg10[%swap3A_166, %swap3A_167] {strides = array<i32>} : memref<128x128xf32, #tpu.memory_space<vmem>>, vector<1x16xf32>,
        %swap3A_169 = vector.shape_cast %swap3A_168 : vector<1x16xf32> to vector<16xf32>
        %swap3A_170 = vector.shape_cast %mul3A_165 : vector<16xf32> to vector<1x16xf32>
        tpu.vector_store %arg10[%swap3A_166, %swap3A_167], %swap3A_170 {strides = array<i32>} : memref<128x128xf32, #tpu.memory_space<vmem>>, vector<1x16xf32>,
        %get3A_171 = arith.index_cast %scan3A_85 : i32 to index
        %get3A_172 = arith.constant 112 : index
        %get3A_173 = tpu.vector_load %arg10[%get3A_171, %get3A_172] {strides = array<i32>} : memref<128x128xf32, #tpu.memory_space<vmem>>, vector<1x16xf32>,
        %get3A_174 = vector.shape_cast %get3A_173 : vector<1x16xf32> to vector<16xf32>
        %mul3A_175 = vector.broadcast %squeeze3A_159 : f32 to vector<16xf32>
        %mul3A_176 = arith.mulf %get3A_174, %mul3A_175 : vector<16xf32>
        %swap3A_177 = arith.index_cast %scan3A_85 : i32 to index
        %swap3A_178 = arith.constant 112 : index
        %swap3A_179 = tpu.vector_load %arg10[%swap3A_177, %swap3A_178] {strides = array<i32>} : memref<128x128xf32, #tpu.memory_space<vmem>>, vector<1x16xf32>,
        %swap3A_180 = vector.shape_cast %swap3A_179 : vector<1x16xf32> to vector<16xf32>
        %swap3A_181 = vector.shape_cast %mul3A_176 : vector<16xf32> to vector<1x16xf32>
        tpu.vector_store %arg10[%swap3A_177, %swap3A_178], %swap3A_181 {strides = array<i32>} : memref<128x128xf32, #tpu.memory_space<vmem>>, vector<1x16xf32>,
      }
      %scan3A_84 = arith.constant 128 : i32
      "tpu.region"() ({
        %run_scoped3A = tpu.sem_alloc : memref<!tpu.dma_semaphore, #tpu.memory_space<semaphore_mem>>
        %dma_start3A_85 = arith.constant 0 : i32
        %dma_start3A_86 = arith.constant 0 : i32
        %dma_start3A_87 = tpu.memref_slice %arg12[%dma_start3A_85, %dma_start3A_86] : memref<10000x128xf32, #tpu.memory_space<vmem_shared>> -> memref<10000x128xf32, #tpu.memory_space<vmem_shared>>
        tpu.enqueue_indirect_dma source(%arg10 : memref<128x128xf32, #tpu.memory_space<vmem>>) target(%dma_start3A_87 : memref<10000x128xf32, #tpu.memory_space<vmem_shared>>) offsets(%arg9 : memref<128xi32, #tpu.memory_space<vmem>>) semaphore(%run_scoped3A : memref<!tpu.dma_semaphore, #tpu.memory_space<semaphore_mem>>) {add = true}
        %dma_wait3A_88 = arith.constant 0 : i32
        %dma_wait3A_89 = arith.constant 0 : i32
        %dma_wait3A_90 = tpu.memref_slice %arg12[%dma_wait3A_88, %dma_wait3A_89] : memref<10000x128xf32, #tpu.memory_space<vmem_shared>> -> memref<10000x128xf32, #tpu.memory_space<vmem_shared>>
        tpu.wait_indirect_dma semaphore(%run_scoped3A : memref<!tpu.dma_semaphore, #tpu.memory_space<semaphore_mem>>) src(%arg10 : memref<128x128xf32, #tpu.memory_space<vmem>>) dst(%dma_wait3A_90 : memref<10000x128xf32, #tpu.memory_space<vmem_shared>>)
        tpu.yield
      }) : () -> ()
      "tpu.region"() ({
        %run_scoped3A = tpu.sem_alloc : memref<!tpu.dma_semaphore, #tpu.memory_space<semaphore_mem>>
        %dma_start3A_85 = arith.constant 0 : i32
        %dma_start3A_86 = arith.constant 0 : i32
        %dma_start3A_87 = tpu.memref_slice %arg13[%dma_start3A_85, %dma_start3A_86] : memref<10000x16xf32, #tpu.memory_space<vmem_shared>> -> memref<10000x16xf32, #tpu.memory_space<vmem_shared>>
        tpu.enqueue_indirect_dma source(%arg11 : memref<128x16xf32, #tpu.memory_space<vmem>>) target(%dma_start3A_87 : memref<10000x16xf32, #tpu.memory_space<vmem_shared>>) offsets(%arg9 : memref<128xi32, #tpu.memory_space<vmem>>) semaphore(%run_scoped3A : memref<!tpu.dma_semaphore, #tpu.memory_space<semaphore_mem>>) {add = true}
        %dma_wait3A_88 = arith.constant 0 : i32
        %dma_wait3A_89 = arith.constant 0 : i32
        %dma_wait3A_90 = tpu.memref_slice %arg13[%dma_wait3A_88, %dma_wait3A_89] : memref<10000x16xf32, #tpu.memory_space<vmem_shared>> -> memref<10000x16xf32, #tpu.memory_space<vmem_shared>>
        tpu.wait_indirect_dma semaphore(%run_scoped3A : memref<!tpu.dma_semaphore, #tpu.memory_space<semaphore_mem>>) src(%arg11 : memref<128x16xf32, #tpu.memory_space<vmem>>) dst(%dma_wait3A_90 : memref<10000x16xf32, #tpu.memory_space<vmem_shared>>)
        tpu.yield
      }) : () -> ()
    }
    %scan3A_56 = arith.constant 81 : i32
    %barrier3A_57 = arith.constant 0 : index
    tpu.barrier barrier_id(%barrier3A_57)
    %mul3A_58 = arith.constant 624 : i32
    %mul3A_59 = arith.muli %arg1, %mul3A_58 : i32
    %mul3A_60 = arith.constant 624 : i32
    %mul3A_61 = arith.muli %arg1, %mul3A_60 : i32
    "tpu.region"() ({
      %run_scoped3A = tpu.sem_alloc : memref<!tpu.dma_semaphore, #tpu.memory_space<semaphore_mem>>
      %dma_start3A = arith.constant 0 : i32
      %dma_start3A_71 = tpu.memref_slice %arg6[%arg0, %mul3A_61, %dma_start3A] : memref<2x10000x128xf32, #tpu.memory_space<hbm>> -> memref<1x624x128xf32, #tpu.memory_space<hbm>>
      %dma_start3A_72 = tpu.memref_squeeze %dma_start3A_71 : memref<1x624x128xf32, #tpu.memory_space<hbm>> -> memref<624x128xf32, #tpu.memory_space<hbm>>
      %dma_start3A_73 = arith.constant 0 : i32
      %dma_start3A_74 = tpu.memref_slice %arg12[%mul3A_59, %dma_start3A_73] : memref<10000x128xf32, #tpu.memory_space<vmem_shared>> -> memref<624x128xf32, #tpu.memory_space<vmem_shared>>
      tpu.enqueue_dma source(%dma_start3A_74 : memref<624x128xf32, #tpu.memory_space<vmem_shared>>) target(%dma_start3A_72 : memref<624x128xf32, #tpu.memory_space<hbm>>) target_semaphore(%run_scoped3A : memref<!tpu.dma_semaphore, #tpu.memory_space<semaphore_mem>>)
      %dma_wait3A = arith.constant 0 : i32
      %dma_wait3A_75 = tpu.memref_slice %arg6[%arg0, %mul3A_61, %dma_wait3A] : memref<2x10000x128xf32, #tpu.memory_space<hbm>> -> memref<1x624x128xf32, #tpu.memory_space<hbm>>
      %dma_wait3A_76 = tpu.memref_squeeze %dma_wait3A_75 : memref<1x624x128xf32, #tpu.memory_space<hbm>> -> memref<624x128xf32, #tpu.memory_space<hbm>>
      %dma_wait3A_77 = arith.constant 0 : i32
      %dma_wait3A_78 = tpu.memref_slice %arg12[%mul3A_59, %dma_wait3A_77] : memref<10000x128xf32, #tpu.memory_space<vmem_shared>> -> memref<624x128xf32, #tpu.memory_space<vmem_shared>>
      tpu.wait_dma2 semaphore(%run_scoped3A : memref<!tpu.dma_semaphore, #tpu.memory_space<semaphore_mem>>) src(%dma_wait3A_78 : memref<624x128xf32, #tpu.memory_space<vmem_shared>>) dst(%dma_wait3A_76 : memref<624x128xf32, #tpu.memory_space<hbm>>)
      tpu.yield
    }) : () -> ()
    %mul3A_62 = arith.constant 624 : i32
    %mul3A_63 = arith.muli %arg1, %mul3A_62 : i32
    %mul3A_64 = arith.constant 624 : i32
    %mul3A_65 = arith.muli %arg1, %mul3A_64 : i32
    "tpu.region"() ({
      %run_scoped3A = tpu.sem_alloc : memref<!tpu.dma_semaphore, #tpu.memory_space<semaphore_mem>>
      %dma_start3A = arith.constant 0 : i32
      %dma_start3A_71 = tpu.memref_slice %arg7[%arg0, %mul3A_65, %dma_start3A] : memref<2x10000x16xf32, #tpu.memory_space<hbm>> -> memref<1x624x16xf32, #tpu.memory_space<hbm>>
      %dma_start3A_72 = tpu.memref_squeeze %dma_start3A_71 : memref<1x624x16xf32, #tpu.memory_space<hbm>> -> memref<624x16xf32, #tpu.memory_space<hbm>>
      %dma_start3A_73 = arith.constant 0 : i32
      %dma_start3A_74 = tpu.memref_slice %arg13[%mul3A_63, %dma_start3A_73] : memref<10000x16xf32, #tpu.memory_space<vmem_shared>> -> memref<624x16xf32, #tpu.memory_space<vmem_shared>>
      tpu.enqueue_dma source(%dma_start3A_74 : memref<624x16xf32, #tpu.memory_space<vmem_shared>>) target(%dma_start3A_72 : memref<624x16xf32, #tpu.memory_space<hbm>>) target_semaphore(%run_scoped3A : memref<!tpu.dma_semaphore, #tpu.memory_space<semaphore_mem>>)
      %dma_wait3A = arith.constant 0 : i32
      %dma_wait3A_75 = tpu.memref_slice %arg7[%arg0, %mul3A_65, %dma_wait3A] : memref<2x10000x16xf32, #tpu.memory_space<hbm>> -> memref<1x624x16xf32, #tpu.memory_space<hbm>>
      %dma_wait3A_76 = tpu.memref_squeeze %dma_wait3A_75 : memref<1x624x16xf32, #tpu.memory_space<hbm>> -> memref<624x16xf32, #tpu.memory_space<hbm>>
      %dma_wait3A_77 = arith.constant 0 : i32
      %dma_wait3A_78 = tpu.memref_slice %arg13[%mul3A_63, %dma_wait3A_77] : memref<10000x16xf32, #tpu.memory_space<vmem_shared>> -> memref<624x16xf32, #tpu.memory_space<vmem_shared>>
      tpu.wait_dma2 semaphore(%run_scoped3A : memref<!tpu.dma_semaphore, #tpu.memory_space<semaphore_mem>>) src(%dma_wait3A_78 : memref<624x16xf32, #tpu.memory_space<vmem_shared>>) dst(%dma_wait3A_76 : memref<624x16xf32, #tpu.memory_space<hbm>>)
      tpu.yield
    }) : () -> ()
    %eq3A_66 = arith.constant 15 : i32
    %eq3A_67 = arith.cmpi eq, %arg1, %eq3A_66 : i32
    %convert_element_type3A_68 = arith.extui %eq3A_67 : i1 to i32
    %cond3A_69 = arith.constant 0 : i32
    %cond3A_70 = arith.cmpi ne, %convert_element_type3A_68, %cond3A_69 : i32
    scf.if %cond3A_70 {
      "tpu.region"() ({
        %run_scoped3A = tpu.sem_alloc : memref<!tpu.dma_semaphore, #tpu.memory_space<semaphore_mem>>
        %dma_start3A = arith.constant 9984 : i32
        %dma_start3A_71 = arith.constant 0 : i32
        %dma_start3A_72 = tpu.memref_slice %arg6[%arg0, %dma_start3A, %dma_start3A_71] : memref<2x10000x128xf32, #tpu.memory_space<hbm>> -> memref<1x16x128xf32, #tpu.memory_space<hbm>>
        %dma_start3A_73 = tpu.memref_squeeze %dma_start3A_72 : memref<1x16x128xf32, #tpu.memory_space<hbm>> -> memref<16x128xf32, #tpu.memory_space<hbm>>
        %dma_start3A_74 = arith.constant 9984 : i32
        %dma_start3A_75 = arith.constant 0 : i32
        %dma_start3A_76 = tpu.memref_slice %arg12[%dma_start3A_74, %dma_start3A_75] : memref<10000x128xf32, #tpu.memory_space<vmem_shared>> -> memref<16x128xf32, #tpu.memory_space<vmem_shared>>
        tpu.enqueue_dma source(%dma_start3A_76 : memref<16x128xf32, #tpu.memory_space<vmem_shared>>) target(%dma_start3A_73 : memref<16x128xf32, #tpu.memory_space<hbm>>) target_semaphore(%run_scoped3A : memref<!tpu.dma_semaphore, #tpu.memory_space<semaphore_mem>>)
        %dma_wait3A = arith.constant 9984 : i32
        %dma_wait3A_77 = arith.constant 0 : i32
        %dma_wait3A_78 = tpu.memref_slice %arg6[%arg0, %dma_wait3A, %dma_wait3A_77] : memref<2x10000x128xf32, #tpu.memory_space<hbm>> -> memref<1x16x128xf32, #tpu.memory_space<hbm>>
        %dma_wait3A_79 = tpu.memref_squeeze %dma_wait3A_78 : memref<1x16x128xf32, #tpu.memory_space<hbm>> -> memref<16x128xf32, #tpu.memory_space<hbm>>
        %dma_wait3A_80 = arith.constant 9984 : i32
        %dma_wait3A_81 = arith.constant 0 : i32
        %dma_wait3A_82 = tpu.memref_slice %arg12[%dma_wait3A_80, %dma_wait3A_81] : memref<10000x128xf32, #tpu.memory_space<vmem_shared>> -> memref<16x128xf32, #tpu.memory_space<vmem_shared>>
        tpu.wait_dma2 semaphore(%run_scoped3A : memref<!tpu.dma_semaphore, #tpu.memory_space<semaphore_mem>>) src(%dma_wait3A_82 : memref<16x128xf32, #tpu.memory_space<vmem_shared>>) dst(%dma_wait3A_79 : memref<16x128xf32, #tpu.memory_space<hbm>>)
        tpu.yield
      }) : () -> ()
      "tpu.region"() ({
        %run_scoped3A = tpu.sem_alloc : memref<!tpu.dma_semaphore, #tpu.memory_space<semaphore_mem>>
        %dma_start3A = arith.constant 9984 : i32
        %dma_start3A_71 = arith.constant 0 : i32
        %dma_start3A_72 = tpu.memref_slice %arg7[%arg0, %dma_start3A, %dma_start3A_71] : memref<2x10000x16xf32, #tpu.memory_space<hbm>> -> memref<1x16x16xf32, #tpu.memory_space<hbm>>
        %dma_start3A_73 = tpu.memref_squeeze %dma_start3A_72 : memref<1x16x16xf32, #tpu.memory_space<hbm>> -> memref<16x16xf32, #tpu.memory_space<hbm>>
        %dma_start3A_74 = arith.constant 9984 : i32
        %dma_start3A_75 = arith.constant 0 : i32
        %dma_start3A_76 = tpu.memref_slice %arg13[%dma_start3A_74, %dma_start3A_75] : memref<10000x16xf32, #tpu.memory_space<vmem_shared>> -> memref<16x16xf32, #tpu.memory_space<vmem_shared>>
        tpu.enqueue_dma source(%dma_start3A_76 : memref<16x16xf32, #tpu.memory_space<vmem_shared>>) target(%dma_start3A_73 : memref<16x16xf32, #tpu.memory_space<hbm>>) target_semaphore(%run_scoped3A : memref<!tpu.dma_semaphore, #tpu.memory_space<semaphore_mem>>)
        %dma_wait3A = arith.constant 9984 : i32
        %dma_wait3A_77 = arith.constant 0 : i32
        %dma_wait3A_78 = tpu.memref_slice %arg7[%arg0, %dma_wait3A, %dma_wait3A_77] : memref<2x10000x16xf32, #tpu.memory_space<hbm>> -> memref<1x16x16xf32, #tpu.memory_space<hbm>>
        %dma_wait3A_79 = tpu.memref_squeeze %dma_wait3A_78 : memref<1x16x16xf32, #tpu.memory_space<hbm>> -> memref<16x16xf32, #tpu.memory_space<hbm>>
        %dma_wait3A_80 = arith.constant 9984 : i32
        %dma_wait3A_81 = arith.constant 0 : i32
        %dma_wait3A_82 = tpu.memref_slice %arg13[%dma_wait3A_80, %dma_wait3A_81] : memref<10000x16xf32, #tpu.memory_space<vmem_shared>> -> memref<16x16xf32, #tpu.memory_space<vmem_shared>>
        tpu.wait_dma2 semaphore(%run_scoped3A : memref<!tpu.dma_semaphore, #tpu.memory_space<semaphore_mem>>) src(%dma_wait3A_82 : memref<16x16xf32, #tpu.memory_space<vmem_shared>>) dst(%dma_wait3A_79 : memref<16x16xf32, #tpu.memory_space<hbm>>)
        tpu.yield
      }) : () -> ()
    } else {
    }
    return
  }
}

module attributes {stable_mosaic.version = 14 : i64} {
  func.func @body(%arg0: i32, %arg1: memref<1000x128xf32, #tpu.memory_space<vmem>>, %arg2: memref<128x128xf32, #tpu.memory_space<vmem>>, %arg3: memref<128x128xf32, #tpu.memory_space<vmem>>, %arg4: memref<1000x128xf32, #tpu.memory_space<vmem>>, %arg5: memref<1000x128xf32, #tpu.memory_space<vmem>>) attributes {dimension_semantics = [#tpu.dimension_semantics<arbitrary>], iteration_bounds = array<i64: 10>, scalar_prefetch = 0 : i64, scratch_operands = 0 : i64, tpu.core_type = #tpu.core_type<tc>, window_params = [{transform_indices = @transform_0, window_bounds = array<i64: 1000, 128>}, {pipeline_mode = #tpu.pipeline_mode<synchronous>, transform_indices = @transform_1, window_bounds = array<i64: 128, 128>}, {pipeline_mode = #tpu.pipeline_mode<synchronous>, transform_indices = @transform_2, window_bounds = array<i64: 128, 128>}, {transform_indices = @transform_3, window_bounds = array<i64: 1000, 128>}, {transform_indices = @transform_4, window_bounds = array<i64: 1000, 128>}]} {
    %get3A = arith.constant 0 : index
    %get3A_0 = arith.constant 0 : index
    %get3A_1 = vector.load %arg1[%get3A, %get3A_0] : memref<1000x128xf32, #tpu.memory_space<vmem>>, vector<1000x128xf32>
    %get3A_2 = arith.constant 0 : index
    %get3A_3 = arith.constant 0 : index
    %get3A_4 = vector.load %arg2[%get3A_2, %get3A_3] : memref<128x128xf32, #tpu.memory_space<vmem>>, vector<128x128xf32>
    %dot_general3A = arith.constant dense<0.000000e+00> : vector<1000x128xf32>
    %dot_general3A_5 = tpu.matmul %get3A_1, %get3A_4, %dot_general3A {dimension_numbers = #tpu.dot_dimension_numbers<[1], [0], [0], [1], [0, 0, 1, 1], [], []>, transpose_lhs_hint = false} : vector<1000x128xf32>, vector<128x128xf32>, vector<1000x128xf32> -> vector<1000x128xf32>
    %swap3A = arith.constant 0 : index
    %swap3A_6 = arith.constant 0 : index
    %swap3A_7 = vector.load %arg4[%swap3A, %swap3A_6] : memref<1000x128xf32, #tpu.memory_space<vmem>>, vector<1000x128xf32>
    tpu.vector_store %arg4[%swap3A, %swap3A_6], %dot_general3A_5 {strides = array<i32>} : memref<1000x128xf32, #tpu.memory_space<vmem>>, vector<1000x128xf32>,
    %get3A_8 = arith.constant 0 : index
    %get3A_9 = arith.constant 0 : index
    %get3A_10 = vector.load %arg3[%get3A_8, %get3A_9] : memref<128x128xf32, #tpu.memory_space<vmem>>, vector<128x128xf32>
    %dot_general3A_11 = arith.constant dense<0.000000e+00> : vector<1000x128xf32>
    %dot_general3A_12 = tpu.matmul %get3A_1, %get3A_10, %dot_general3A_11 {dimension_numbers = #tpu.dot_dimension_numbers<[1], [0], [0], [1], [0, 0, 1, 1], [], []>, transpose_lhs_hint = false} : vector<1000x128xf32>, vector<128x128xf32>, vector<1000x128xf32> -> vector<1000x128xf32>
    %swap3A_13 = arith.constant 0 : index
    %swap3A_14 = arith.constant 0 : index
    %swap3A_15 = vector.load %arg5[%swap3A_13, %swap3A_14] : memref<1000x128xf32, #tpu.memory_space<vmem>>, vector<1000x128xf32>
    tpu.vector_store %arg5[%swap3A_13, %swap3A_14], %dot_general3A_12 {strides = array<i32>} : memref<1000x128xf32, #tpu.memory_space<vmem>>, vector<1000x128xf32>,
    return
  }
  func.func @transform_0(%arg0: i32) -> (i32, i32) {
    %c0_i32 = arith.constant 0 : i32
    %c0_i32_0 = arith.constant 0 : i32
    return %arg0, %c0_i32 : i32, i32
  }
  func.func @transform_1(%arg0: i32) -> (i32, i32) {
    %c0_i32 = arith.constant 0 : i32
    %c0_i32_0 = arith.constant 0 : i32
    %c0_i32_1 = arith.constant 0 : i32
    return %c0_i32, %c0_i32_0 : i32, i32
  }
  func.func @transform_2(%arg0: i32) -> (i32, i32) {
    %c0_i32 = arith.constant 0 : i32
    %c0_i32_0 = arith.constant 0 : i32
    %c0_i32_1 = arith.constant 0 : i32
    return %c0_i32, %c0_i32_0 : i32, i32
  }
  func.func @transform_3(%arg0: i32) -> (i32, i32) {
    %c0_i32 = arith.constant 0 : i32
    %c0_i32_0 = arith.constant 0 : i32
    return %arg0, %c0_i32 : i32, i32
  }
  func.func @transform_4(%arg0: i32) -> (i32, i32) {
    %c0_i32 = arith.constant 0 : i32
    %c0_i32_0 = arith.constant 0 : i32
    return %arg0, %c0_i32 : i32, i32
  }
}

module attributes {stable_mosaic.version = 14 : i64} {
  func.func @body(%arg0: i32, %arg1: memref<4096x128xf32, #tpu.memory_space<vmem>>, %arg2: memref<1x128xf32, #tpu.memory_space<vmem>>, %arg3: memref<128x4xf32, #tpu.memory_space<vmem>>, %arg4: memref<4096x16xf32, #tpu.memory_space<vmem>>) attributes {dimension_semantics = [#tpu.dimension_semantics<arbitrary>], iteration_bounds = array<i64: 81>, scalar_prefetch = 0 : i64, scratch_operands = 0 : i64, tpu.core_type = #tpu.core_type<tc>, window_params = [{transform_indices = @transform_0, window_bounds = array<i64: 4096, 128>}, {pipeline_mode = #tpu.pipeline_mode<synchronous>, transform_indices = @transform_1, window_bounds = array<i64: 1, 128>}, {pipeline_mode = #tpu.pipeline_mode<synchronous>, transform_indices = @transform_2, window_bounds = array<i64: 128, 4>}, {transform_indices = @transform_3, window_bounds = array<i64: 4096, 16>}]} {
    %get3A = arith.constant 0 : index
    %get3A_0 = arith.constant 0 : index
    %get3A_1 = vector.load %arg1[%get3A, %get3A_0] : memref<4096x128xf32, #tpu.memory_space<vmem>>, vector<4096x128xf32>
    %get3A_2 = arith.constant 0 : index
    %get3A_3 = arith.constant 0 : index
    %get3A_4 = vector.load %arg2[%get3A_2, %get3A_3] : memref<1x128xf32, #tpu.memory_space<vmem>>, vector<1x128xf32>
    %mul3A = vector.broadcast %get3A_4 : vector<1x128xf32> to vector<4096x128xf32>
    %mul3A_5 = arith.mulf %get3A_1, %mul3A : vector<4096x128xf32>
    %get3A_6 = arith.constant 0 : index
    %get3A_7 = arith.constant 0 : index
    %get3A_8 = vector.load %arg3[%get3A_6, %get3A_7] : memref<128x4xf32, #tpu.memory_space<vmem>>, vector<128x4xf32>
    %dot_general3A = arith.constant dense<0.000000e+00> : vector<4096x4xf32>
    %dot_general3A_9 = tpu.matmul %mul3A_5, %get3A_8, %dot_general3A {dimension_numbers = #tpu.dot_dimension_numbers<[1], [0], [0], [1], [0, 0, 1, 1], [], []>, transpose_lhs_hint = false} : vector<4096x128xf32>, vector<128x4xf32>, vector<4096x4xf32> -> vector<4096x4xf32>
    %mul3A_10 = arith.constant 4096 : i32
    %mul3A_11 = arith.muli %arg0, %mul3A_10 : i32
    %iota3A = tpu.iota {dimensions = array<i32: 0>} : vector<4096x4xi32>
    %add3A = vector.broadcast %mul3A_11 : i32 to vector<4096x4xi32>
    %add3A_12 = arith.addi %add3A, %iota3A : vector<4096x4xi32>
    %lt3A = arith.constant 330000 : i32
    %lt3A_13 = vector.broadcast %lt3A : i32 to vector<4096x4xi32>
    %lt3A_14 = arith.cmpi slt, %add3A_12, %lt3A_13 : vector<4096x4xi32>
    %exp3A = math.exp %dot_general3A_9 : vector<4096x4xf32>
    %jit3A = arith.constant 0.000000e+00 : f32
    %broadcast_in_dim3A = vector.broadcast %jit3A : f32 to vector<4096x4xf32>
    %select_n3A = arith.select %lt3A_14, %exp3A, %broadcast_in_dim3A : vector<4096x4xi1>, vector<4096x4xf32>
    %broadcast_in_dim3A_15 = arith.constant 0.000000e+00 : f32
    %broadcast_in_dim3A_16 = vector.broadcast %broadcast_in_dim3A_15 : f32 to vector<4096x12xf32>
    %concatenate3A = tpu.concatenate %select_n3A, %broadcast_in_dim3A_16 in 1 : vector<4096x4xf32>, vector<4096x12xf32> -> vector<4096x16xf32>
    %swap3A = arith.constant 0 : index
    %swap3A_17 = arith.constant 0 : index
    %swap3A_18 = vector.load %arg4[%swap3A, %swap3A_17] : memref<4096x16xf32, #tpu.memory_space<vmem>>, vector<4096x16xf32>
    tpu.vector_store %arg4[%swap3A, %swap3A_17], %concatenate3A {strides = array<i32>} : memref<4096x16xf32, #tpu.memory_space<vmem>>, vector<4096x16xf32>,
    return
  }
  func.func @transform_0(%arg0: i32) -> (i32, i32) {
    %c0_i32 = arith.constant 0 : i32
    %c0_i32_0 = arith.constant 0 : i32
    return %arg0, %c0_i32 : i32, i32
  }
  func.func @transform_1(%arg0: i32) -> (i32, i32) {
    %c0_i32 = arith.constant 0 : i32
    %c0_i32_0 = arith.constant 0 : i32
    %c0_i32_1 = arith.constant 0 : i32
    return %c0_i32, %c0_i32_0 : i32, i32
  }
  func.func @transform_2(%arg0: i32) -> (i32, i32) {
    %c0_i32 = arith.constant 0 : i32
    %c0_i32_0 = arith.constant 0 : i32
    %c0_i32_1 = arith.constant 0 : i32
    return %c0_i32, %c0_i32_0 : i32, i32
  }
  func.func @transform_3(%arg0: i32) -> (i32, i32) {
    %c0_i32 = arith.constant 0 : i32
    %c0_i32_0 = arith.constant 0 : i32
    return %arg0, %c0_i32 : i32, i32
  }
}

module attributes {stable_mosaic.version = 14 : i64} {
  func.func @body(%arg0: i32, %arg1: memref<2x1000x128xf32, #tpu.memory_space<vmem>>, %arg2: memref<2x1000x16xf32, #tpu.memory_space<vmem>>, %arg3: memref<1x128xf32, #tpu.memory_space<vmem>>, %arg4: memref<16x128xf32, #tpu.memory_space<vmem>>, %arg5: memref<128x128xf32, #tpu.memory_space<vmem>>, %arg6: memref<128x128xf32, #tpu.memory_space<vmem>>, %arg7: memref<1000x128xf32, #tpu.memory_space<vmem>>, %arg8: memref<1000x128xf32, #tpu.memory_space<vmem>>) attributes {dimension_semantics = [#tpu.dimension_semantics<arbitrary>], iteration_bounds = array<i64: 10>, scalar_prefetch = 0 : i64, scratch_operands = 0 : i64, tpu.core_type = #tpu.core_type<tc>, window_params = [{transform_indices = @transform_0, window_bounds = array<i64: 2, 1000, 128>}, {transform_indices = @transform_1, window_bounds = array<i64: 2, 1000, 16>}, {pipeline_mode = #tpu.pipeline_mode<synchronous>, transform_indices = @transform_2, window_bounds = array<i64: 1, 128>}, {pipeline_mode = #tpu.pipeline_mode<synchronous>, transform_indices = @transform_3, window_bounds = array<i64: 16, 128>}, {pipeline_mode = #tpu.pipeline_mode<synchronous>, transform_indices = @transform_4, window_bounds = array<i64: 128, 128>}, {pipeline_mode = #tpu.pipeline_mode<synchronous>, transform_indices = @transform_5, window_bounds = array<i64: 128, 128>}, {transform_indices = @transform_6, window_bounds = array<i64: 1000, 128>}, {transform_indices = @transform_7, window_bounds = array<i64: 1000, 128>}]} {
    %get3A = arith.constant 0 : index
    %get3A_0 = arith.constant 0 : index
    %get3A_1 = arith.constant 0 : index
    %get3A_2 = vector.load %arg1[%get3A, %get3A_0, %get3A_1] : memref<2x1000x128xf32, #tpu.memory_space<vmem>>, vector<1x1000x128xf32>
    %get3A_3 = vector.shape_cast %get3A_2 : vector<1x1000x128xf32> to vector<1000x128xf32>
    %get3A_4 = arith.constant 1 : index
    %get3A_5 = arith.constant 0 : index
    %get3A_6 = arith.constant 0 : index
    %get3A_7 = vector.load %arg1[%get3A_4, %get3A_5, %get3A_6] : memref<2x1000x128xf32, #tpu.memory_space<vmem>>, vector<1x1000x128xf32>
    %get3A_8 = vector.shape_cast %get3A_7 : vector<1x1000x128xf32> to vector<1000x128xf32>
    %add3A = arith.addf %get3A_3, %get3A_8 : vector<1000x128xf32>
    %get3A_9 = arith.constant 0 : index
    %get3A_10 = arith.constant 0 : index
    %get3A_11 = arith.constant 0 : index
    %get3A_12 = vector.load %arg2[%get3A_9, %get3A_10, %get3A_11] : memref<2x1000x16xf32, #tpu.memory_space<vmem>>, vector<1x1000x16xf32>
    %get3A_13 = vector.shape_cast %get3A_12 : vector<1x1000x16xf32> to vector<1000x16xf32>
    %get3A_14 = arith.constant 1 : index
    %get3A_15 = arith.constant 0 : index
    %get3A_16 = arith.constant 0 : index
    %get3A_17 = vector.load %arg2[%get3A_14, %get3A_15, %get3A_16] : memref<2x1000x16xf32, #tpu.memory_space<vmem>>, vector<1x1000x16xf32>
    %get3A_18 = vector.shape_cast %get3A_17 : vector<1x1000x16xf32> to vector<1000x16xf32>
    %add3A_19 = arith.addf %get3A_13, %get3A_18 : vector<1000x16xf32>
    %get3A_20 = arith.constant 0 : index
    %get3A_21 = arith.constant 0 : index
    %get3A_22 = vector.load %arg4[%get3A_20, %get3A_21] : memref<16x128xf32, #tpu.memory_space<vmem>>, vector<16x128xf32>
    %dot_general3A = arith.constant dense<0.000000e+00> : vector<1000x128xf32>
    %dot_general3A_23 = tpu.matmul %add3A_19, %get3A_22, %dot_general3A {dimension_numbers = #tpu.dot_dimension_numbers<[1], [0], [0], [1], [0, 0, 1, 1], [], []>, transpose_lhs_hint = false} : vector<1000x16xf32>, vector<16x128xf32>, vector<1000x128xf32> -> vector<1000x128xf32>
    %div3A = arith.divf %add3A, %dot_general3A_23 : vector<1000x128xf32>
    %get3A_24 = arith.constant 0 : index
    %get3A_25 = arith.constant 0 : index
    %get3A_26 = vector.load %arg3[%get3A_24, %get3A_25] : memref<1x128xf32, #tpu.memory_space<vmem>>, vector<1x128xf32>
    %add3A_27 = vector.broadcast %get3A_26 : vector<1x128xf32> to vector<1000x128xf32>
    %add3A_28 = arith.addf %div3A, %add3A_27 : vector<1000x128xf32>
    %gt3A = arith.constant 0.000000e+00 : f32
    %gt3A_29 = vector.broadcast %gt3A : f32 to vector<1000x128xf32>
    %gt3A_30 = arith.cmpf ogt, %add3A_28, %gt3A_29 : vector<1000x128xf32>
    %exp3A = math.exp %add3A_28 : vector<1000x128xf32>
    %sub3A = arith.constant 1.000000e+00 : f32
    %sub3A_31 = vector.broadcast %sub3A : f32 to vector<1000x128xf32>
    %sub3A_32 = arith.subf %exp3A, %sub3A_31 : vector<1000x128xf32>
    %select_n3A = arith.select %gt3A_30, %add3A_28, %sub3A_32 : vector<1000x128xi1>, vector<1000x128xf32>
    %get3A_33 = arith.constant 0 : index
    %get3A_34 = arith.constant 0 : index
    %get3A_35 = vector.load %arg5[%get3A_33, %get3A_34] : memref<128x128xf32, #tpu.memory_space<vmem>>, vector<128x128xf32>
    %dot_general3A_36 = arith.constant dense<0.000000e+00> : vector<1000x128xf32>
    %dot_general3A_37 = tpu.matmul %select_n3A, %get3A_35, %dot_general3A_36 {dimension_numbers = #tpu.dot_dimension_numbers<[1], [0], [0], [1], [0, 0, 1, 1], [], []>, transpose_lhs_hint = false} : vector<1000x128xf32>, vector<128x128xf32>, vector<1000x128xf32> -> vector<1000x128xf32>
    %swap3A = arith.constant 0 : index
    %swap3A_38 = arith.constant 0 : index
    %swap3A_39 = vector.load %arg7[%swap3A, %swap3A_38] : memref<1000x128xf32, #tpu.memory_space<vmem>>, vector<1000x128xf32>
    tpu.vector_store %arg7[%swap3A, %swap3A_38], %dot_general3A_37 {strides = array<i32>} : memref<1000x128xf32, #tpu.memory_space<vmem>>, vector<1000x128xf32>,
    %get3A_40 = arith.constant 0 : index
    %get3A_41 = arith.constant 0 : index
    %get3A_42 = vector.load %arg6[%get3A_40, %get3A_41] : memref<128x128xf32, #tpu.memory_space<vmem>>, vector<128x128xf32>
    %dot_general3A_43 = arith.constant dense<0.000000e+00> : vector<1000x128xf32>
    %dot_general3A_44 = tpu.matmul %select_n3A, %get3A_42, %dot_general3A_43 {dimension_numbers = #tpu.dot_dimension_numbers<[1], [0], [0], [1], [0, 0, 1, 1], [], []>, transpose_lhs_hint = false} : vector<1000x128xf32>, vector<128x128xf32>, vector<1000x128xf32> -> vector<1000x128xf32>
    %swap3A_45 = arith.constant 0 : index
    %swap3A_46 = arith.constant 0 : index
    %swap3A_47 = vector.load %arg8[%swap3A_45, %swap3A_46] : memref<1000x128xf32, #tpu.memory_space<vmem>>, vector<1000x128xf32>
    tpu.vector_store %arg8[%swap3A_45, %swap3A_46], %dot_general3A_44 {strides = array<i32>} : memref<1000x128xf32, #tpu.memory_space<vmem>>, vector<1000x128xf32>,
    return
  }
  func.func @transform_0(%arg0: i32) -> (i32, i32, i32) {
    %c0_i32 = arith.constant 0 : i32
    %c0_i32_0 = arith.constant 0 : i32
    %c0_i32_1 = arith.constant 0 : i32
    return %c0_i32, %arg0, %c0_i32_0 : i32, i32, i32
  }
  func.func @transform_1(%arg0: i32) -> (i32, i32, i32) {
    %c0_i32 = arith.constant 0 : i32
    %c0_i32_0 = arith.constant 0 : i32
    %c0_i32_1 = arith.constant 0 : i32
    return %c0_i32, %arg0, %c0_i32_0 : i32, i32, i32
  }
  func.func @transform_2(%arg0: i32) -> (i32, i32) {
    %c0_i32 = arith.constant 0 : i32
    %c0_i32_0 = arith.constant 0 : i32
    %c0_i32_1 = arith.constant 0 : i32
    return %c0_i32, %c0_i32_0 : i32, i32
  }
  func.func @transform_3(%arg0: i32) -> (i32, i32) {
    %c0_i32 = arith.constant 0 : i32
    %c0_i32_0 = arith.constant 0 : i32
    %c0_i32_1 = arith.constant 0 : i32
    return %c0_i32, %c0_i32_0 : i32, i32
  }
  func.func @transform_4(%arg0: i32) -> (i32, i32) {
    %c0_i32 = arith.constant 0 : i32
    %c0_i32_0 = arith.constant 0 : i32
    %c0_i32_1 = arith.constant 0 : i32
    return %c0_i32, %c0_i32_0 : i32, i32
  }
  func.func @transform_5(%arg0: i32) -> (i32, i32) {
    %c0_i32 = arith.constant 0 : i32
    %c0_i32_0 = arith.constant 0 : i32
    %c0_i32_1 = arith.constant 0 : i32
    return %c0_i32, %c0_i32_0 : i32, i32
  }
  func.func @transform_6(%arg0: i32) -> (i32, i32) {
    %c0_i32 = arith.constant 0 : i32
    %c0_i32_0 = arith.constant 0 : i32
    return %arg0, %c0_i32 : i32, i32
  }
  func.func @transform_7(%arg0: i32) -> (i32, i32) {
    %c0_i32 = arith.constant 0 : i32
    %c0_i32_0 = arith.constant 0 : i32
    return %arg0, %c0_i32 : i32, i32
  }
}

module attributes {stable_mosaic.version = 14 : i64} {
  func.func @body(%arg0: i32, %arg1: memref<2x1000x128xf32, #tpu.memory_space<vmem>>, %arg2: memref<2x1000x16xf32, #tpu.memory_space<vmem>>, %arg3: memref<1x128xf32, #tpu.memory_space<vmem>>, %arg4: memref<16x128xf32, #tpu.memory_space<vmem>>, %arg5: memref<1000x128xf32, #tpu.memory_space<vmem>>) attributes {dimension_semantics = [#tpu.dimension_semantics<arbitrary>], iteration_bounds = array<i64: 10>, scalar_prefetch = 0 : i64, scratch_operands = 0 : i64, tpu.core_type = #tpu.core_type<tc>, window_params = [{transform_indices = @transform_0, window_bounds = array<i64: 2, 1000, 128>}, {transform_indices = @transform_1, window_bounds = array<i64: 2, 1000, 16>}, {pipeline_mode = #tpu.pipeline_mode<synchronous>, transform_indices = @transform_2, window_bounds = array<i64: 1, 128>}, {pipeline_mode = #tpu.pipeline_mode<synchronous>, transform_indices = @transform_3, window_bounds = array<i64: 16, 128>}, {transform_indices = @transform_4, window_bounds = array<i64: 1000, 128>}]} {
    %get3A = arith.constant 0 : index
    %get3A_0 = arith.constant 0 : index
    %get3A_1 = arith.constant 0 : index
    %get3A_2 = vector.load %arg1[%get3A, %get3A_0, %get3A_1] : memref<2x1000x128xf32, #tpu.memory_space<vmem>>, vector<1x1000x128xf32>
    %get3A_3 = vector.shape_cast %get3A_2 : vector<1x1000x128xf32> to vector<1000x128xf32>
    %get3A_4 = arith.constant 1 : index
    %get3A_5 = arith.constant 0 : index
    %get3A_6 = arith.constant 0 : index
    %get3A_7 = vector.load %arg1[%get3A_4, %get3A_5, %get3A_6] : memref<2x1000x128xf32, #tpu.memory_space<vmem>>, vector<1x1000x128xf32>
    %get3A_8 = vector.shape_cast %get3A_7 : vector<1x1000x128xf32> to vector<1000x128xf32>
    %add3A = arith.addf %get3A_3, %get3A_8 : vector<1000x128xf32>
    %get3A_9 = arith.constant 0 : index
    %get3A_10 = arith.constant 0 : index
    %get3A_11 = arith.constant 0 : index
    %get3A_12 = vector.load %arg2[%get3A_9, %get3A_10, %get3A_11] : memref<2x1000x16xf32, #tpu.memory_space<vmem>>, vector<1x1000x16xf32>
    %get3A_13 = vector.shape_cast %get3A_12 : vector<1x1000x16xf32> to vector<1000x16xf32>
    %get3A_14 = arith.constant 1 : index
    %get3A_15 = arith.constant 0 : index
    %get3A_16 = arith.constant 0 : index
    %get3A_17 = vector.load %arg2[%get3A_14, %get3A_15, %get3A_16] : memref<2x1000x16xf32, #tpu.memory_space<vmem>>, vector<1x1000x16xf32>
    %get3A_18 = vector.shape_cast %get3A_17 : vector<1x1000x16xf32> to vector<1000x16xf32>
    %add3A_19 = arith.addf %get3A_13, %get3A_18 : vector<1000x16xf32>
    %get3A_20 = arith.constant 0 : index
    %get3A_21 = arith.constant 0 : index
    %get3A_22 = vector.load %arg4[%get3A_20, %get3A_21] : memref<16x128xf32, #tpu.memory_space<vmem>>, vector<16x128xf32>
    %dot_general3A = arith.constant dense<0.000000e+00> : vector<1000x128xf32>
    %dot_general3A_23 = tpu.matmul %add3A_19, %get3A_22, %dot_general3A {dimension_numbers = #tpu.dot_dimension_numbers<[1], [0], [0], [1], [0, 0, 1, 1], [], []>, transpose_lhs_hint = false} : vector<1000x16xf32>, vector<16x128xf32>, vector<1000x128xf32> -> vector<1000x128xf32>
    %div3A = arith.divf %add3A, %dot_general3A_23 : vector<1000x128xf32>
    %get3A_24 = arith.constant 0 : index
    %get3A_25 = arith.constant 0 : index
    %get3A_26 = vector.load %arg3[%get3A_24, %get3A_25] : memref<1x128xf32, #tpu.memory_space<vmem>>, vector<1x128xf32>
    %add3A_27 = vector.broadcast %get3A_26 : vector<1x128xf32> to vector<1000x128xf32>
    %add3A_28 = arith.addf %div3A, %add3A_27 : vector<1000x128xf32>
    %swap3A = arith.constant 0 : index
    %swap3A_29 = arith.constant 0 : index
    %swap3A_30 = vector.load %arg5[%swap3A, %swap3A_29] : memref<1000x128xf32, #tpu.memory_space<vmem>>, vector<1000x128xf32>
    tpu.vector_store %arg5[%swap3A, %swap3A_29], %add3A_28 {strides = array<i32>} : memref<1000x128xf32, #tpu.memory_space<vmem>>, vector<1000x128xf32>,
    return
  }
  func.func @transform_0(%arg0: i32) -> (i32, i32, i32) {
    %c0_i32 = arith.constant 0 : i32
    %c0_i32_0 = arith.constant 0 : i32
    %c0_i32_1 = arith.constant 0 : i32
    return %c0_i32, %arg0, %c0_i32_0 : i32, i32, i32
  }
  func.func @transform_1(%arg0: i32) -> (i32, i32, i32) {
    %c0_i32 = arith.constant 0 : i32
    %c0_i32_0 = arith.constant 0 : i32
    %c0_i32_1 = arith.constant 0 : i32
    return %c0_i32, %arg0, %c0_i32_0 : i32, i32, i32
  }
  func.func @transform_2(%arg0: i32) -> (i32, i32) {
    %c0_i32 = arith.constant 0 : i32
    %c0_i32_0 = arith.constant 0 : i32
    %c0_i32_1 = arith.constant 0 : i32
    return %c0_i32, %c0_i32_0 : i32, i32
  }
  func.func @transform_3(%arg0: i32) -> (i32, i32) {
    %c0_i32 = arith.constant 0 : i32
    %c0_i32_0 = arith.constant 0 : i32
    %c0_i32_1 = arith.constant 0 : i32
    return %c0_i32, %c0_i32_0 : i32, i32
  }
  func.func @transform_4(%arg0: i32) -> (i32, i32) {
    %c0_i32 = arith.constant 0 : i32
    %c0_i32_0 = arith.constant 0 : i32
    return %arg0, %c0_i32 : i32, i32
  }
}

</mosaic_0001>

<sc_bundles>
// kernel: kernel.11.cloned.1.call-start
scs
__scs_entry_jumppad:
0x0: {  	(pc) =	sbr.rel $0x88, $3  }
0x1: {  	(tag) =	ssettag $0x0;
	lr =	simm.s32 $0x1  }
0x2: {  	[smem:$0x3F97] =	sst lr;
	_ =	strace $0xD0000000  }
0x3: {  	_ = 	snop  }
0x4: {  	_ = 	snop  }
0x5: {  	_ = 	snop  }
0x6: {  	_ = 	snop  }
0x7: {  	_ = 	snop  }
__scs_overlays_trampoline_lowered:
0x8: {  	[smem:$0x3FA6] =	sst s0  }
0x9: {  	[smem:$0x3FA7] =	sst s1  }
0xa: {  	[smem:$0x3FA8] =	sst s2  }
0xb: {  	[smem:$0x3FA9] =	sst s3  }
0xc: {  	[smem:$0x3FAA] =	sst s4  }
0xd: {  	[smem:$0x3FAB] =	sst s5  }
0xe: {  	[smem:$0x3FAC] =	sst s6  }
0xf: {  	[smem:$0x3FAD] =	sst s7  }
0x10: {  	[smem:$0x3FAE] =	sst s8  }
0x11: {  	[smem:$0x3FAF] =	sst s9;
	s0 =	simm.s32 @!p0 $0x0  }
0x12: {  	s1 =	sld [smem:$0x3F95];
	s0 =	simm.s32 @p0 $0x1  }
0x13: {  	[smem:$0x3FB0] =	sst s0;
	s0 =	simm.s32 @!p1 $0x0  }
0x14: {  	s2 =	sld [smem:$0x3F94];
	s0 =	simm.s32 @p1 $0x1  }
0x15: {  	[smem:$0x3FB1] =	sst s0;
	s0 =	simm.s32 @!p2 $0x0  }
0x16: {  	s3 =	sld [smem:$0x3FDB];
	s0 =	simm.s32 @p2 $0x1  }
0x17: {  	s4 =	simm.s32 $0x1BF5;
	[smem:$0x3FB3] =	sst s0  }
0x18: {  	s0 =	sld [smem:$0x3F96];
	_ =	swait.ge [sflag:s4], $0x0  }
0x19: {  	s7 =	sld [smem:$0x3F97]  }
0x1a: {  	s8 =	sadd.s32 $0xFFFFE003, lr  }
0x1b: {  	s9 =	sadd.s32 $0xFFFFFEF7, lr;
	s5 =	simm.s32 $0xFFFFFFFF;
	p2 =	slt.u32 s8, $0xFFFFF086  }
0x1c: {  	p1 =	slt.u32 s9, $0xF7A;
	s5 =	simm.s32 @!p2 $0x0  }
0x1d: {  	s5 =	simm.s32 @p1 $0x1;
	p0 =	seq.s32 s7, s2  }
0x1e: {  	s7 =	smul.u32 @!p0 $0xF7A, s2;
	p2 =	seq.s32 @!p0 s5, $0x0  }
0x1f: {  	s9 =	smul.u32 $0xF7A, s1;
	s8 =	simm.s32 @!p0 $0x1BF5;
	p2 =	por !p2, p0  }
0x20: {  	[sflag:s8] =	ssyncset.s32 @!p0 $0xFFFFF086;
	s6 =	sadd.s32 @!p0 s3, s7;
	s7 =	simm.s32 @!p0 $0x108  }
0x21: {  	s3 =	sadd.s32 s3, s9;
	s6 =	sadd.s32 @!p0 $0x88, s6;
	s7 =	simm.s32 @p2 $0x1082  }
0x22: {  	[simem:s7], [sflag:s8] =	dma.local @!p0 [hbm:s6], $0xF7A  }
0x23: {  	s9 =	sor.u32 $0xD0000000, s2;
	s6 =	simm.s32 $0x108;
	_ =	swait.ge @!p0 [sflag:s8], $0x0  }
0x24: {  	s3 =	sadd.s32 $0x88, s3;
	s6 =	simm.s32 @!p1 $0x1082;
	[sflag:s4] =	ssyncset.s32 $0xFFFFF086  }
0x25: {  	[simem:s6], [sflag:s4] =	dma.local [hbm:s3], $0xF7A  }
0x26: {  	[smem:$0x3F97] =	sst s1;
	(tag) =	ssettag s2;
	_ =	strace s9  }
0x27: {  	s1 =	sld [smem:$0x3FA7]  }
0x28: {  	s2 =	sld [smem:$0x3FA8]  }
0x29: {  	s4 =	sld [smem:$0x3FAA]  }
0x2a: {  	p0 =	seq.s32 s5, $0x0;
	s5 =	sld [smem:$0x3FAB]  }
0x2b: {  	s6 =	sld [smem:$0x3FAC]  }
0x2c: {  	s7 =	sld [smem:$0x3FAD]  }
0x2d: {  	s3 =	simm.s32 $0x108;
	s8 =	sld [smem:$0x3FAE]  }
0x2e: {  	s3 =	simm.s32 @!p0 $0x1082;
	s9 =	sld [smem:$0x3FAF]  }
0x2f: {  	lr =	sadd.s32 s0, s3;
	s0 =	sld [smem:$0x3FA6]  }
0x30: {  	s3 =	sld [smem:$0x3FA9]  }
0x31: {  	[smem:$0x3FB2] =	sst s10  }
0x32: {  	s10 =	sld [smem:$0x3FB0];
	_ =	sdelay $0x3  }
0x33: {  	p0 =	seq.s32 s10, $0x1;
	s10 =	sld [smem:$0x3FB2];
	_ =	sdelay $0x3  }
0x34: {  	[smem:$0x3FB2] =	sst s10  }
0x35: {  	s10 =	sld [smem:$0x3FB1];
	_ =	sdelay $0x3  }
0x36: {  	p1 =	seq.s32 s10, $0x1;
	s10 =	sld [smem:$0x3FB2];
	_ =	sdelay $0x3  }
0x37: {  	[smem:$0x3FB2] =	sst s10  }
0x38: {  	s10 =	sld [smem:$0x3FB3]  }
0x39: {  	_ = 	snop;
	(pc) =	sbr.ind lr, $3  }
0x3a: {  	_ = 	snop  }
0x3b: {  	_ = 	snop  }
0x3c: {  	p2 =	seq.s32 s10, $0x1;
	s10 =	sld [smem:$0x3FB2]  }
0x3d: {  	_ =	shalt  }
0x3e: {  	_ =	shalt  }
0x3f: {  	_ =	shalt  }
0x40: {  	_ =	shalt  }
0x41: {  	_ =	shalt  }
0x42: {  	_ =	shalt  }
0x43: {  	_ =	shalt  }
0x44: {  	_ =	shalt  }
0x45: {  	_ =	shalt  }
0x46: {  	_ =	shalt  }
0x47: {  	_ =	shalt  }
0x48: {  	_ =	shalt  }
0x49: {  	_ =	shalt  }
0x4a: {  	_ =	shalt  }
0x4b: {  	_ =	shalt  }
0x4c: {  	_ =	shalt  }
0x4d: {  	_ =	shalt  }
0x4e: {  	_ =	shalt  }
0x4f: {  	_ =	shalt  }
0x50: {  	_ =	shalt  }
0x51: {  	_ =	shalt  }
0x52: {  	_ =	shalt  }
0x53: {  	_ =	shalt  }
0x54: {  	_ =	shalt  }
0x55: {  	_ =	shalt  }
0x56: {  	_ =	shalt  }
0x57: {  	_ =	shalt  }
0x58: {  	_ =	shalt  }
0x59: {  	_ =	shalt  }
0x5a: {  	_ =	shalt  }
0x5b: {  	_ =	shalt  }
0x5c: {  	_ =	shalt  }
0x5d: {  	_ =	shalt  }
0x5e: {  	_ =	shalt  }
0x5f: {  	_ =	shalt  }
0x60: {  	_ =	shalt  }
0x61: {  	_ =	shalt  }
0x62: {  	_ =	shalt  }
0x63: {  	_ =	shalt  }
0x64: {  	_ =	shalt  }
0x65: {  	_ =	shalt  }
0x66: {  	_ =	shalt  }
0x67: {  	_ =	shalt  }
0x68: {  	_ =	shalt  }
0x69: {  	_ =	shalt  }
0x6a: {  	_ =	shalt  }
0x6b: {  	_ =	shalt  }
0x6c: {  	_ =	shalt  }
0x6d: {  	_ =	shalt  }
0x6e: {  	_ =	shalt  }
0x6f: {  	_ =	shalt  }
0x70: {  	_ =	shalt  }
0x71: {  	_ =	shalt  }
0x72: {  	_ =	shalt  }
0x73: {  	_ =	shalt  }
0x74: {  	_ =	shalt  }
0x75: {  	_ =	shalt  }
0x76: {  	_ =	shalt  }
0x77: {  	_ =	shalt  }
0x78: {  	_ =	shalt  }
0x79: {  	_ =	shalt  }
0x7a: {  	_ =	shalt  }
0x7b: {  	_ =	shalt  }
0x7c: {  	_ =	shalt  }
0x7d: {  	_ =	shalt  }
0x7e: {  	_ =	shalt  }
0x7f: {  	_ =	shalt  }
0x80: {  	_ =	shalt  }
0x81: {  	_ =	shalt  }
0x82: {  	_ =	shalt  }
0x83: {  	_ =	shalt  }
0x84: {  	_ =	shalt  }
0x85: {  	_ =	shalt  }
0x86: {  	_ =	shalt  }
0x87: {  	_ =	shalt  }
.Lfunc_end0:
.L_simem_size_0:
called_computation_lowered:
.L_overlay_start_0:
0x88: {  	s2 =	sld [smem:$0x3FD9]  }
0x89: {  	s3 =	sld [smem:$0x3FFE];
	_ =	sdelay $0x1  }
0x8a: {  	s1 =	srdreg.scid  }
0x8b: {  	s0 =	sand.u32 $0x1, s1  }
0x8c: {  	s17 =	sshll.u32 s0, $0xA;
	s2 =	sadd.s32 s3, s2  }
0x8d: {  	s2 =	sadd.s32 s2, s17  }
0x8e: {  	[smem:$0x3FBE] =	sst s2  }
0x8f: {  	_ = 	snop  }
0x90: {  	s2 =	sld [smem:$0x3FD0];
	(tm) =	ssettm $0x1  }
0x91: {  	s18 =	sld [smem:$0x3FFB];
	_ =	sdelay $0x3  }
0x92: {  	_ =	strace s18  }
0x93: {  	s3 =	sld [smem:$0x3FFC];
	_ =	sdelay $0x3  }
0x94: {  	_ =	strace s3  }
0x95: {  	s3 =	sld [smem:$0x3FFD];
	_ =	sdelay $0x3  }
0x96: {  	_ =	strace s3  }
0x97: {  	_ =	strace $0x8FFFFFFF  }
0x98: {  	s19 =	sld [smem:$0x3FDB];
	_ =	sdelay $0x1  }
0x99: {  	s4 =	simm.s32 $_scs_section_size  }
0x9a: {  	s5 =	simm.s32 $_size__tile_overlayer_lowered;
	s6 =	simm.s32 $_tile_overlayer_lowered  }
0x9b: {  	s22 =	simm.s32 $0x1BFF;
	s21 =	sshll.u32 s6, $0x1;
	s3 =	sadd.s32 s4, s19  }
0x9c: {  	s7 =	simm.s32 $0x0;
	s20 =	sshll.u32 s5, $0x1;
	s5 =	sadd.s32 s21, s3  }
0x9d: {  	[timem:s7], [sflag:s22] =	dma.local [hbm:s5], s20  }
0x9e: {  	_ =	swait.ge [sflag:s22], s20  }
0x9f: {  	s4 =	ssub.s32 $0x0, s20;
	[sflag:s22] =	ssyncset.done $0x0  }
0xa0: {  	[sflag:s22] =	ssyncadd.s32 s4;
	_ =	sdelay $0x1  }
0xa1: {  	s23 =	simm.s32 $0x1B8B  }
0xa2: {  	_ =	swait.ge [sflag:s23], $0x1  }
0xa3: {  	[sflag:s23] =	ssyncset.done $0x0  }
0xa4: {  	s25 =	simm.s32 $0x1B8E;
	s24 =	sld [smem:$0x3FFE];
	[sflag:s23] =	ssyncadd.s32 $0xFFFFFFFF  }
0xa5: {  	s26 =	simm.s32 $execute0_lowered;
	[smem:$0x3FD2] =	sst s25  }
0xa6: {  	s5 =	sshll.u32 s26, $0x1;
	_ =	strace $0x80000046;
	[dreg:$0x1] =	wrdreg $0xFFFFFFFF  }
0xa7: {  	s28 =	simm.s32 $_size_execute0_lowered;
	s3 =	sadd.s32 s3, s5;
	[dreg:$0x0] =	wrdreg $0x0  }
0xa8: {  	s5 =	sshll.u32 s28, $0x1;
	[dreg:$0x2] =	wrdreg s3  }
0xa9: {  	[dreg:$0x3] =	wrdreg s5  }
0xaa: {  	[dreg:$0x4] =	wrdreg $0xC0  }
0xab: {  	_ =	task [dreg:s7], $0x5FFFF  }
0xac: {  	[dreg:$0x1] =	wrdreg $0xFFFFFFFF  }
0xad: {  	[dreg:$0x0] =	wrdreg $0x60  }
0xae: {  	[dreg:$0x2] =	wrdreg s24  }
0xaf: {  	[dreg:$0x3] =	wrdreg s2  }
0xb0: {  	[dreg:$0x4] =	wrdreg $0x9  }
0xb1: {  	_ =	task.clear_ibuf [dreg:s7], $0x5FFFF;
	_ =	strace $0x90000046  }
0xb2: {  	s29 =	simm.s32 $0x9;
	_ =	strace $0x80000048  }
0xb3: {  	_ =	swait.ge [sflag:s29], $0x1  }
0xb4: {  	[sflag:s29] =	ssyncadd.s32 $0xFFFFFFFF  }
0xb5: {  	_ =	strace $0x90000048  }
0xb6: {  	_ =	sfence  }
0xb7: {  	s30 =	sld [smem:$0x0];
	_ =	sdelay $0x2  }
0xb8: {  	s31 =	sshll.u32 s1, $0xD;
	s1 =	sshrl.u32 s1, $0x2  }
0xb9: {  	s3 =	sand.u32 $0x4000, s31;
	s1 =	sadd.s32 s1, s30  }
0xba: {  	s0 =	sor.u32 s3, s0;
	s1 =	sshll.u32 s1, $0x11  }
0xbb: {  	s0 =	sor.u32 s1, s0  }
0xbc: {  	s0 =	sadd.s32 $0x8F2B, s0  }
0xbd: {  	[sflag:s0] =	ssyncadd.remote.s32 $0x1  }
0xbe: {  	_ =	sfence.sel $0xFFFF  }
0xbf: {  	[dreg:$0x0] =	wrdreg $0xFFFFFFFF;
	(pc) =	sbr.abs _section_cstart, $3  }
0xc0: {  	[dreg:$0x1] =	wrdreg $0xFFFFFFFF  }
0xc1: {  	_ =	task.clear_ibuf [dreg:s7], $0x2FFFF;
	_ =	strace $0x9FFFFFFF  }
0xc2: {  	(tm) =	ssettm $0x7FFFFFFF  }
0xc3: {  	_ =	shalt  }
tec
execute0_lowered:
.L_overlay_start_1:
0x0: {  	(tag) =	ssettag $0x1  }
0x1: {  	s0 =	rddreg [dreg:$0x0]  }
0x2: {  	s1 =	rddreg [dreg:$0x1];
	s2 =	srdreg.scid  }
0x3: {  	s3 =	simm.s32 $0x0;
	s5 =	stileid.u32;
	s15 =	simm.s32 $0x5  }
0x4: {  	s16 =	simm.s32 $0x100;
	s17 =	simm.s32 $0x80;
	s18 =	simm.s32 $0x200  }
0x5: {  	s19 =	simm.s32 $0x8200;
	s20 =	simm.s32 $0x180;
	s21 =	simm.s32 $0x4200  }
0x6: {  	s22 =	simm.s32 $0xC200;
	s23 =	simm.s32 $0x1;
	s24 =	simm.s32 $0x2  }
0x7: {  	s25 =	simm.s32 $0x3;
	s26 =	simm.s32 $0x4;
	s2 =	sand.u32 $0x1, s2  }
0x8: {  	s28 =	simm.s32 $0x0;
	[smem:$0x7FF] =	sst s3;
	s4 =	sshll.u32 s2, $0x4  }
0x9: {  	s7 =	sadd.s32 $0x18200, s0;
	s9 =	sadd.s32 $0x3F400, s0;
	s8 =	sor.u32 s5, s4  }
0xa: {  	_ =	strace $0x80000047;
	s2 =	ssub.s32 $0x2, s2;
	s6 =	smul.u32 $0x2880, s8  }
0xb: {  	s4 =	sadd.s32 $0x3E00, s0;
	s29 =	sshrl.u32 s2, $0x1;
	s8 =	smul.u32 $0x144000, s8  }
0xc: {  	s5 =	sadd.s32 $0xE000, s0;
	s0 =	ssub.s32 s2, s29;
	s10 =	sshrl.u32 s6, $0x3  }
0xd: {  	s14 =	smax.u32 s0, $0x1;
	s31 =	sshrl.u32 s8, $0x3;
	s30 =	sadd.s32 s4, s10  }
0xe: {  	s10 =	sadd.s32 s5, s10;
	s2 =	sadd.s32 s9, s31;
	[dreg:$0x3] =	wrdreg s30  }
0xf: {  	s12 =	sadd.s32 $0x100, s6;
	[dreg:$0x4] =	wrdreg s10;
	s13 =	sadd.s32 $0x28000, s2  }
.LBB2_1:
0x10: {  	s0 =	rddreg [dreg:$0x3]  }
0x11: {  	[tilespmem:s3], [sflag:$0x5] =	stream.linear.gather [hbm4b:s0+s3], $0x80, $0x38;
	[tilespmem:$0x10200] =	vst v63  }
0x12: {  	_ =	swait.ge [sflag:s15], $0x80  }
0x13: {  	[sflag:s15] =	ssyncset.done $0x0  }
0x14: {  	s31 =	rddreg [dreg:$0x4];
	[sflag:s15] =	ssyncadd.s32 $0xFFFFFF80  }
0x15: {  	[tilespmem:s16], [sflag:$0x5] =	stream.linear.gather [hbm4b:s31+s3], $0x80, $0x38;
	[tilespmem:$0x10200] =	vst v63  }
0x16: {  	_ =	swait.ge [sflag:s15], $0x80  }
0x17: {  	[sflag:s15] =	ssyncset.done $0x0  }
0x18: {  	[sflag:s15] =	ssyncadd.s32 $0xFFFFFF80  }
0x19: {  	[tilespmem:s18], [sflag:$0x1] =	stream.indirect.gather [hbm4b:s1+s17], $0x80, s3, s17, $0xb8;
	[tilespmem:$0x10200] =	vst v63  }
0x1a: {  	s29 =	simm.s32 $0x0  }
0x1b: {  	[tilespmem:s19], [sflag:$0x2] =	stream.indirect.gather [hbm4b:s7+s17], $0x80, s16, s17, $0xb8;
	[tilespmem:$0x10200] =	vst v63  }
.LBB2_2:
0x1c: {  	s31 =	sshll.u32 s29, $0x8  }
0x1d: {  	s0 =	sadd.s32 s31, s6  }
0x1e: {  	s30 =	sadd.s32 $0x80, s0  }
0x1f: {  	s0 =	sshrl.u32 s30, $0x3  }
0x20: {  	s10 =	simm.s32 $0x0;
	s2 =	sadd.s32 s4, s0  }
0x21: {  	[tilespmem:s17], [sflag:$0x5] =	stream.linear.gather [hbm4b:s2+s10], $0x80, $0x38;
	[tilespmem:$0x10200] =	vst v63  }
0x22: {  	_ =	swait.ge [sflag:s15], $0x80  }
0x23: {  	[sflag:s15] =	ssyncset.done $0x0  }
0x24: {  	s0 =	sadd.s32 s5, s0;
	[sflag:s15] =	ssyncadd.s32 $0xFFFFFF80  }
0x25: {  	[tilespmem:s20], [sflag:$0x5] =	stream.linear.gather [hbm4b:s0+s10], $0x80, $0x38;
	[tilespmem:$0x10200] =	vst v63  }
0x26: {  	_ =	swait.ge [sflag:s15], $0x80  }
0x27: {  	[sflag:s15] =	ssyncset.done $0x0  }
0x28: {  	[sflag:s15] =	ssyncadd.s32 $0xFFFFFF80  }
0x29: {  	[tilespmem:s21], [sflag:$0x3] =	stream.indirect.gather [hbm4b:s1+s17], $0x80, s17, s17, $0xb8;
	[tilespmem:$0x10200] =	vst v63  }
0x2a: {  	_ = 	snop  }
0x2b: {  	[tilespmem:s22], [sflag:$0x4] =	stream.indirect.gather [hbm4b:s7+s17], $0x80, s20, s17, $0xb8;
	[tilespmem:$0x10200] =	vst v63  }
0x2c: {  	_ =	swait.ge [sflag:s23], $0x4000  }
0x2d: {  	[sflag:s23] =	ssyncset.done $0x0  }
0x2e: {  	[sflag:s23] =	ssyncadd.s32 $0xFFFFC000  }
0x2f: {  	_ =	swait.ge [sflag:s24], $0x4000  }
0x30: {  	[sflag:s24] =	ssyncset.done $0x0  }
0x31: {  	s2 =	simm.s32 $0x0;
	[sflag:s24] =	ssyncadd.s32 $0xFFFFC000  }
0x32: {  	v0 =	vld [tilespmem:s2+$0x8270]  }
0x33: {  	v1 =	vld [tilespmem:s2+$0x8260]  }
0x34: {  	v2 =	vld [tilespmem:s2+$0x270]  }
0x35: {  	v3 =	vld [tilespmem:s2+$0x260]  }
0x36: {  	v4 =	vld [tilespmem:s2+$0x8210]  }
0x37: {  	v5 =	vld [tilespmem:s2+$0x8250]  }
0x38: {  	v6 =	vld [tilespmem:s2+$0x8200]  }
0x39: {  	v7 =	vld [tilespmem:s2+$0x250]  }
0x3a: {  	v8 =	vld [tilespmem:s2+$0x8220];
	v0 =	vadd.f32 v0, v2  }
0x3b: {  	v9 =	vld [tilespmem:s2+$0x8240]  }
0x3c: {  	v11 =	vld [tilespmem:s2+$0x8230];
	v10 =	vmin.f32 v0, $0.0e+00  }
0x3d: {  	v12 =	vld [tilespmem:s2+$0x220];
	v1 =	vadd.f32 v1, v3;
	v10 =	vmul.f32 $2.000000030e-01, v10  }
0x3e: {  	v3 =	vld [tilespmem:s2+$0x210];
	v0 =	vmax.f32 v0, $0.0e+00  }
0x3f: {  	s0 =	simm.s32 $0x80;
	v2 =	vld [tilespmem:s2+$0x200];
	v0 =	vadd.f32 v10, v0;
	v10 =	vmin.f32 v1, $0.0e+00  }
0x40: {  	v13 =	vld [tilespmem:s0+$0x8270];
	v10 =	vmul.f32 $2.000000030e-01, v10  }
0x41: {  	v14 =	vld [tilespmem:s0+$0x8260];
	[tilespmem:s2+$0x270] =	vst v0;
	v0 =	vmax.f32 v1, $0.0e+00;
	v1 =	vadd.f32 v5, v7  }
0x42: {  	v7 =	vld [tilespmem:s2+$0x230];
	v0 =	vadd.f32 v10, v0  }
0x43: {  	v4 =	vadd.f32 v4, v3;
	v15 =	vld [tilespmem:s0+$0x270];
	v5 =	vmin.f32 v1, $0.0e+00  }
0x44: {  	v6 =	vadd.f32 v6, v2;
	v10 =	vld [tilespmem:s2+$0x240];
	[tilespmem:s2+$0x260] =	vst v0;
	v5 =	vmul.f32 $2.000000030e-01, v5  }
0x45: {  	v17 =	vmin.f32 v4, $0.0e+00;
	v1 =	vmax.f32 v1, $0.0e+00;
	v16 =	vld [tilespmem:s0+$0x260]  }
0x46: {  	v0 =	vld [tilespmem:s0+$0x8210];
	v1 =	vadd.f32 v5, v1;
	v5 =	vadd.f32 v8, v12;
	v8 =	vmin.f32 v6, $0.0e+00  }
0x47: {  	v18 =	vmax.f32 v4, $0.0e+00;
	v2 =	vld [tilespmem:s0+$0x8250];
	v12 =	vmax.f32 v6, $0.0e+00;
	v8 =	vmul.f32 $2.000000030e-01, v8  }
0x48: {  	v3 =	vld [tilespmem:s0+$0x8200];
	v7 =	vadd.f32 v11, v7;
	v15 =	vadd.f32 v13, v15;
	[tilespmem:s2+$0x250] =	vst v1;
	v1 =	vmin.f32 v5, $0.0e+00  }
0x49: {  	v4 =	vmax.f32 v5, $0.0e+00;
	v6 =	vld [tilespmem:s0+$0x250];
	v12 =	vadd.f32 v8, v12;
	v11 =	vmul.f32 $2.000000030e-01, v1  }
0x4a: {  	v13 =	vmin.f32 v7, $0.0e+00;
	v5 =	vld [tilespmem:s0+$0x8220];
	v8 =	vadd.f32 v9, v10;
	v10 =	vadd.f32 v14, v16  }
0x4b: {  	v1 =	vld [tilespmem:s0+$0x8240];
	v16 =	vmul.f32 $2.000000030e-01, v17;
	v14 =	vmax.f32 v15, $0.0e+00;
	[tilespmem:s2+$0x200] =	vst v12;
	v17 =	vadd.f32 v11, v4  }
0x4c: {  	v15 =	vmin.f32 v15, $0.0e+00;
	v12 =	vmin.f32 v8, $0.0e+00;
	v9 =	vld [tilespmem:s0+$0x200];
	v11 =	vmin.f32 v10, $0.0e+00  }
0x4d: {  	s10 =	simm.s32 $0x400;
	v15 =	vmul.f32 $2.000000030e-01, v15;
	v4 =	vld [tilespmem:s0+$0x8230];
	v16 =	vadd.f32 v16, v18;
	v11 =	vmul.f32 $2.000000030e-01, v11;
	[tilespmem:s2+$0x220] =	vst v17  }
.LBB2_3:
0x4e: {  	s11 =	sshra.s32 s10, $0x2;
	p0 =	sne.s32 s10, $0xFE00;
	s10 =	sadd.s32 $0x200, s10;
	v17 =	vld [tilespmem:s0+$0x220];
	v10 =	vmax.f32 v10, $0.0e+00;
	v13 =	vmul.f32 $2.000000030e-01, v13;
	v12 =	vmul.f32 $2.000000030e-01, v12  }
0x4f: {  	v7 =	vmax.f32 v7, $0.0e+00;
	v8 =	vmax.f32 v8, $0.0e+00;
	v18 =	vld [tilespmem:s11+$0x8270];
	v14 =	vadd.f32 v15, v14;
	[tilespmem:s2+$0x210] =	vst v16  }
0x50: {  	v10 =	vadd.f32 v11, v10;
	v15 =	vld [tilespmem:s0+$0x210];
	v7 =	vadd.f32 v13, v7  }
0x51: {  	v2 =	vadd.f32 v2, v6;
	v6 =	vadd.f32 v12, v8;
	v11 =	vld [tilespmem:s11+$0x8260];
	[tilespmem:s0+$0x270] =	vst v14  }
0x52: {  	v3 =	vadd.f32 v3, v9;
	v12 =	vld [tilespmem:s11+$0x270];
	[tilespmem:s2+$0x230] =	vst v7  }
0x53: {  	v8 =	vmin.f32 v2, $0.0e+00;
	v5 =	vadd.f32 v5, v17;
	v7 =	vld [tilespmem:s0+$0x230];
	[tilespmem:s2+$0x240] =	vst v6;
	s2 =	smov.u32 s0;
	s0 =	smov.u32 s11  }
0x54: {  	v8 =	vmul.f32 $2.000000030e-01, v8;
	v6 =	vmin.f32 v3, $0.0e+00;
	v9 =	vld [tilespmem:s2+$0x240];
	[tilespmem:s2+$0x260] =	vst v10  }
0x55: {  	v2 =	vmax.f32 v2, $0.0e+00;
	v13 =	vmul.f32 $2.000000030e-01, v6;
	v10 =	vld [tilespmem:s0+$0x260];
	v6 =	vadd.f32 v0, v15  }
0x56: {  	v8 =	vadd.f32 v8, v2;
	v14 =	vmin.f32 v5, $0.0e+00;
	v0 =	vld [tilespmem:s0+$0x8210]  }
0x57: {  	v15 =	vmax.f32 v3, $0.0e+00;
	v2 =	vld [tilespmem:s0+$0x8250];
	v16 =	vmin.f32 v6, $0.0e+00  }
0x58: {  	v19 =	vmax.f32 v5, $0.0e+00;
	v17 =	vmax.f32 v6, $0.0e+00;
	v3 =	vld [tilespmem:s0+$0x8200];
	v7 =	vadd.f32 v4, v7;
	[tilespmem:s2+$0x250] =	vst v8  }
.Ltmp0:
0x59: {  	v4 =	vadd.f32 v13, v15;
	v13 =	vmul.f32 $2.000000030e-01, v14;
	v6 =	vld [tilespmem:s0+$0x250];
	v8 =	vadd.f32 v1, v9;
	(pc) =	sbr.rel @p0 .LBB2_3-.Ltmp0, $4  }
0x5a: {  	v16 =	vmul.f32 $2.000000030e-01, v16;
	v5 =	vld [tilespmem:s0+$0x8220];
	v10 =	vadd.f32 v11, v10;
	v11 =	vadd.f32 v18, v12  }
0x5b: {  	v18 =	vadd.f32 v13, v19;
	v13 =	vmin.f32 v7, $0.0e+00;
	v1 =	vld [tilespmem:s0+$0x8240];
	[tilespmem:s2+$0x200] =	vst v4;
	v12 =	vmin.f32 v8, $0.0e+00  }
0x5c: {  	v9 =	vld [tilespmem:s0+$0x200];
	v15 =	vmin.f32 v10, $0.0e+00;
	v14 =	vmax.f32 v11, $0.0e+00;
	v19 =	vmin.f32 v11, $0.0e+00  }
0x5d: {  	v16 =	vadd.f32 v16, v17;
	v4 =	vld [tilespmem:s0+$0x8230];
	v11 =	vmul.f32 $2.000000030e-01, v15;
	v15 =	vmul.f32 $2.000000030e-01, v19;
	[tilespmem:s2+$0x220] =	vst v18  }
0x5e: {  	v13 =	vmul.f32 $2.000000030e-01, v13  }
0x5f: {  	v7 =	vmax.f32 v7, $0.0e+00;
	v12 =	vmul.f32 $2.000000030e-01, v12;
	v14 =	vadd.f32 v15, v14  }
0x60: {  	v17 =	vld [tilespmem:s0+$0x220];
	v8 =	vmax.f32 v8, $0.0e+00;
	[tilespmem:s2+$0x210] =	vst v16;
	v7 =	vadd.f32 v13, v7  }
0x61: {  	v8 =	vadd.f32 v12, v8;
	[tilespmem:s0+$0x270] =	vst v14  }
0x62: {  	v2 =	vadd.f32 v2, v6;
	v15 =	vld [tilespmem:s0+$0x210];
	[tilespmem:s2+$0x230] =	vst v7  }
0x63: {  	v3 =	vadd.f32 v3, v9;
	v7 =	vmax.f32 v10, $0.0e+00;
	v6 =	vld [tilespmem:s0+$0x230];
	[tilespmem:s2+$0x240] =	vst v8  }
0x64: {  	v7 =	vadd.f32 v11, v7;
	v8 =	vmin.f32 v2, $0.0e+00;
	v9 =	vld [tilespmem:s0+$0x240]  }
0x65: {  	v5 =	vadd.f32 v5, v17;
	v10 =	vmin.f32 v3, $0.0e+00;
	v8 =	vmul.f32 $2.000000030e-01, v8  }
0x66: {  	v2 =	vmax.f32 v2, $0.0e+00;
	v3 =	vmax.f32 v3, $0.0e+00;
	v10 =	vmul.f32 $2.000000030e-01, v10  }
0x67: {  	v0 =	vadd.f32 v0, v15;
	v11 =	vmin.f32 v5, $0.0e+00;
	v2 =	vadd.f32 v8, v2  }
0x68: {  	v5 =	vmax.f32 v5, $0.0e+00;
	v3 =	vadd.f32 v10, v3;
	v4 =	vadd.f32 v4, v6  }
0x69: {  	v8 =	vmin.f32 v0, $0.0e+00;
	v6 =	vmul.f32 $2.000000030e-01, v11;
	v1 =	vadd.f32 v1, v9  }
0x6a: {  	[tilespmem:s0+$0x260] =	vst v7;
	v0 =	vmax.f32 v0, $0.0e+00;
	v7 =	vmul.f32 $2.000000030e-01, v8;
	v8 =	vmin.f32 v4, $0.0e+00  }
0x6b: {  	[tilespmem:s0+$0x250] =	vst v2;
	v2 =	vadd.f32 v6, v5;
	v5 =	vmin.f32 v1, $0.0e+00;
	v6 =	vmul.f32 $2.000000030e-01, v8  }
0x6c: {  	[tilespmem:s0+$0x200] =	vst v3;
	v0 =	vadd.f32 v7, v0;
	v4 =	vmax.f32 v4, $0.0e+00;
	v3 =	vmul.f32 $2.000000030e-01, v5  }
0x6d: {  	s11 =	sshll.u32 s29, $0xF;
	v1 =	vmax.f32 v1, $0.0e+00;
	[tilespmem:s0+$0x220] =	vst v2;
	v2 =	vadd.f32 v6, v4  }
0x6e: {  	s2 =	sadd.s32 s8, s11;
	[tilespmem:s0+$0x210] =	vst v0;
	v0 =	vadd.f32 v3, v1  }
0x6f: {  	s2 =	sshrl.u32 s2, $0x3;
	[tilespmem:s0+$0x230] =	vst v2  }
0x70: {  	s11 =	simm.s32 $0x0;
	s10 =	sadd.s32 s9, s2;
	[tilespmem:s0+$0x240] =	vst v0  }
0x71: {  	[hbm4b:s10+s11] =	stream.linear.scatter [tilespmem:s18], [sflag:$0x5], $0x4000, $0x38;
	[tilespmem:$0x10200] =	vst v63  }
0x72: {  	s31 =	sadd.s32 s31, s12;
	_ =	swait.ge [sflag:s15], $0x4000  }
0x73: {  	s0 =	sshrl.u32 s31, $0x3;
	[sflag:s15] =	ssyncset.done $0x0  }
0x74: {  	s10 =	sadd.s32 s4, s0;
	[sflag:s15] =	ssyncadd.s32 $0xFFFFC000  }
0x75: {  	[tilespmem:s11], [sflag:$0x5] =	stream.linear.gather [hbm4b:s10+s11], $0x80, $0x38;
	[tilespmem:$0x10200] =	vst v63  }
0x76: {  	_ =	swait.ge [sflag:s15], $0x80  }
0x77: {  	[sflag:s15] =	ssyncset.done $0x0  }
0x78: {  	s0 =	sadd.s32 s5, s0;
	[sflag:s15] =	ssyncadd.s32 $0xFFFFFF80  }
0x79: {  	[tilespmem:s16], [sflag:$0x5] =	stream.linear.gather [hbm4b:s0+s11], $0x80, $0x38;
	[tilespmem:$0x10200] =	vst v63  }
0x7a: {  	_ =	swait.ge [sflag:s15], $0x80  }
0x7b: {  	[sflag:s15] =	ssyncset.done $0x0  }
0x7c: {  	[sflag:s15] =	ssyncadd.s32 $0xFFFFFF80  }
0x7d: {  	[tilespmem:s18], [sflag:$0x1] =	stream.indirect.gather [hbm4b:s1+s17], $0x80, s11, s17, $0xb8;
	[tilespmem:$0x10200] =	vst v63  }
0x7e: {  	_ = 	snop  }
0x7f: {  	[tilespmem:s19], [sflag:$0x2] =	stream.indirect.gather [hbm4b:s7+s17], $0x80, s16, s17, $0xb8;
	[tilespmem:$0x10200] =	vst v63  }
0x80: {  	_ =	swait.ge [sflag:s25], $0x4000  }
0x81: {  	[sflag:s25] =	ssyncset.done $0x0  }
0x82: {  	[sflag:s25] =	ssyncadd.s32 $0xFFFFC000  }
0x83: {  	_ =	swait.ge [sflag:s26], $0x4000  }
0x84: {  	[sflag:s26] =	ssyncset.done $0x0  }
0x85: {  	s2 =	simm.s32 $0x0;
	[sflag:s26] =	ssyncadd.s32 $0xFFFFC000  }
0x86: {  	v0 =	vld [tilespmem:s2+$0xC270]  }
0x87: {  	v1 =	vld [tilespmem:s2+$0xC260]  }
0x88: {  	v2 =	vld [tilespmem:s2+$0x4270]  }
0x89: {  	v3 =	vld [tilespmem:s2+$0x4260]  }
0x8a: {  	v4 =	vld [tilespmem:s2+$0xC210]  }
0x8b: {  	v5 =	vld [tilespmem:s2+$0xC250]  }
0x8c: {  	v6 =	vld [tilespmem:s2+$0xC200]  }
0x8d: {  	v7 =	vld [tilespmem:s2+$0x4250]  }
0x8e: {  	v8 =	vld [tilespmem:s2+$0xC220];
	v0 =	vadd.f32 v0, v2  }
0x8f: {  	v9 =	vld [tilespmem:s2+$0xC240]  }
0x90: {  	v11 =	vld [tilespmem:s2+$0xC230];
	v10 =	vmin.f32 v0, $0.0e+00  }
0x91: {  	v12 =	vld [tilespmem:s2+$0x4220];
	v1 =	vadd.f32 v1, v3;
	v10 =	vmul.f32 $2.000000030e-01, v10  }
0x92: {  	v3 =	vld [tilespmem:s2+$0x4210];
	v0 =	vmax.f32 v0, $0.0e+00  }
0x93: {  	s0 =	simm.s32 $0x80;
	v2 =	vld [tilespmem:s2+$0x4200];
	v0 =	vadd.f32 v10, v0;
	v10 =	vmin.f32 v1, $0.0e+00  }
0x94: {  	v13 =	vld [tilespmem:s0+$0xC270];
	v10 =	vmul.f32 $2.000000030e-01, v10  }
0x95: {  	v14 =	vld [tilespmem:s0+$0xC260];
	[tilespmem:s2+$0x4270] =	vst v0;
	v0 =	vmax.f32 v1, $0.0e+00;
	v1 =	vadd.f32 v5, v7  }
0x96: {  	v7 =	vld [tilespmem:s2+$0x4230];
	v0 =	vadd.f32 v10, v0  }
0x97: {  	v4 =	vadd.f32 v4, v3;
	v15 =	vld [tilespmem:s0+$0x4270];
	v5 =	vmin.f32 v1, $0.0e+00  }
0x98: {  	v6 =	vadd.f32 v6, v2;
	v10 =	vld [tilespmem:s2+$0x4240];
	[tilespmem:s2+$0x4260] =	vst v0;
	v5 =	vmul.f32 $2.000000030e-01, v5  }
0x99: {  	v17 =	vmin.f32 v4, $0.0e+00;
	v1 =	vmax.f32 v1, $0.0e+00;
	v16 =	vld [tilespmem:s0+$0x4260]  }
0x9a: {  	v0 =	vld [tilespmem:s0+$0xC210];
	v1 =	vadd.f32 v5, v1;
	v5 =	vadd.f32 v8, v12;
	v8 =	vmin.f32 v6, $0.0e+00  }
0x9b: {  	v18 =	vmax.f32 v4, $0.0e+00;
	v2 =	vld [tilespmem:s0+$0xC250];
	v12 =	vmax.f32 v6, $0.0e+00;
	v8 =	vmul.f32 $2.000000030e-01, v8  }
0x9c: {  	v3 =	vld [tilespmem:s0+$0xC200];
	v7 =	vadd.f32 v11, v7;
	v15 =	vadd.f32 v13, v15;
	[tilespmem:s2+$0x4250] =	vst v1;
	v1 =	vmin.f32 v5, $0.0e+00  }
0x9d: {  	v4 =	vmax.f32 v5, $0.0e+00;
	v6 =	vld [tilespmem:s0+$0x4250];
	v12 =	vadd.f32 v8, v12;
	v11 =	vmul.f32 $2.000000030e-01, v1  }
0x9e: {  	v13 =	vmin.f32 v7, $0.0e+00;
	v5 =	vld [tilespmem:s0+$0xC220];
	v8 =	vadd.f32 v9, v10;
	v10 =	vadd.f32 v14, v16  }
0x9f: {  	v1 =	vld [tilespmem:s0+$0xC240];
	v16 =	vmul.f32 $2.000000030e-01, v17;
	v14 =	vmax.f32 v15, $0.0e+00;
	[tilespmem:s2+$0x4200] =	vst v12;
	v17 =	vadd.f32 v11, v4  }
0xa0: {  	v15 =	vmin.f32 v15, $0.0e+00;
	v12 =	vmin.f32 v8, $0.0e+00;
	v9 =	vld [tilespmem:s0+$0x4200];
	v11 =	vmin.f32 v10, $0.0e+00  }
0xa1: {  	s10 =	simm.s32 $0x400;
	v15 =	vmul.f32 $2.000000030e-01, v15;
	v4 =	vld [tilespmem:s0+$0xC230];
	v16 =	vadd.f32 v16, v18;
	v11 =	vmul.f32 $2.000000030e-01, v11;
	[tilespmem:s2+$0x4220] =	vst v17  }
.LBB2_5:
0xa2: {  	s11 =	sshra.s32 s10, $0x2;
	p0 =	sne.s32 s10, $0xFE00;
	s10 =	sadd.s32 $0x200, s10;
	v17 =	vld [tilespmem:s0+$0x4220];
	v10 =	vmax.f32 v10, $0.0e+00;
	v13 =	vmul.f32 $2.000000030e-01, v13;
	v12 =	vmul.f32 $2.000000030e-01, v12  }
0xa3: {  	v7 =	vmax.f32 v7, $0.0e+00;
	v8 =	vmax.f32 v8, $0.0e+00;
	v18 =	vld [tilespmem:s11+$0xC270];
	v14 =	vadd.f32 v15, v14;
	[tilespmem:s2+$0x4210] =	vst v16  }
0xa4: {  	v10 =	vadd.f32 v11, v10;
	v15 =	vld [tilespmem:s0+$0x4210];
	v7 =	vadd.f32 v13, v7  }
0xa5: {  	v2 =	vadd.f32 v2, v6;
	v6 =	vadd.f32 v12, v8;
	v11 =	vld [tilespmem:s11+$0xC260];
	[tilespmem:s0+$0x4270] =	vst v14  }
0xa6: {  	v3 =	vadd.f32 v3, v9;
	v12 =	vld [tilespmem:s11+$0x4270];
	[tilespmem:s2+$0x4230] =	vst v7  }
0xa7: {  	v8 =	vmin.f32 v2, $0.0e+00;
	v5 =	vadd.f32 v5, v17;
	v7 =	vld [tilespmem:s0+$0x4230];
	[tilespmem:s2+$0x4240] =	vst v6;
	s2 =	smov.u32 s0;
	s0 =	smov.u32 s11  }
0xa8: {  	v8 =	vmul.f32 $2.000000030e-01, v8;
	v6 =	vmin.f32 v3, $0.0e+00;
	v9 =	vld [tilespmem:s2+$0x4240];
	[tilespmem:s2+$0x4260] =	vst v10  }
0xa9: {  	v2 =	vmax.f32 v2, $0.0e+00;
	v13 =	vmul.f32 $2.000000030e-01, v6;
	v10 =	vld [tilespmem:s0+$0x4260];
	v6 =	vadd.f32 v0, v15  }
0xaa: {  	v8 =	vadd.f32 v8, v2;
	v14 =	vmin.f32 v5, $0.0e+00;
	v0 =	vld [tilespmem:s0+$0xC210]  }
0xab: {  	v15 =	vmax.f32 v3, $0.0e+00;
	v2 =	vld [tilespmem:s0+$0xC250];
	v16 =	vmin.f32 v6, $0.0e+00  }
0xac: {  	v19 =	vmax.f32 v5, $0.0e+00;
	v17 =	vmax.f32 v6, $0.0e+00;
	v3 =	vld [tilespmem:s0+$0xC200];
	v7 =	vadd.f32 v4, v7;
	[tilespmem:s2+$0x4250] =	vst v8  }
.Ltmp1:
0xad: {  	v4 =	vadd.f32 v13, v15;
	v13 =	vmul.f32 $2.000000030e-01, v14;
	v6 =	vld [tilespmem:s0+$0x4250];
	v8 =	vadd.f32 v1, v9;
	(pc) =	sbr.rel @p0 .LBB2_5-.Ltmp1, $4  }
0xae: {  	v16 =	vmul.f32 $2.000000030e-01, v16;
	v5 =	vld [tilespmem:s0+$0xC220];
	v10 =	vadd.f32 v11, v10;
	v11 =	vadd.f32 v18, v12  }
0xaf: {  	v18 =	vadd.f32 v13, v19;
	v13 =	vmin.f32 v7, $0.0e+00;
	v1 =	vld [tilespmem:s0+$0xC240];
	[tilespmem:s2+$0x4200] =	vst v4;
	v12 =	vmin.f32 v8, $0.0e+00  }
0xb0: {  	v9 =	vld [tilespmem:s0+$0x4200];
	v15 =	vmin.f32 v10, $0.0e+00;
	v14 =	vmax.f32 v11, $0.0e+00;
	v19 =	vmin.f32 v11, $0.0e+00  }
0xb1: {  	v16 =	vadd.f32 v16, v17;
	v4 =	vld [tilespmem:s0+$0xC230];
	v11 =	vmul.f32 $2.000000030e-01, v15;
	v15 =	vmul.f32 $2.000000030e-01, v19;
	[tilespmem:s2+$0x4220] =	vst v18  }
0xb2: {  	v13 =	vmul.f32 $2.000000030e-01, v13  }
0xb3: {  	v7 =	vmax.f32 v7, $0.0e+00;
	v12 =	vmul.f32 $2.000000030e-01, v12;
	v14 =	vadd.f32 v15, v14  }
0xb4: {  	v17 =	vld [tilespmem:s0+$0x4220];
	v8 =	vmax.f32 v8, $0.0e+00;
	[tilespmem:s2+$0x4210] =	vst v16;
	v7 =	vadd.f32 v13, v7  }
0xb5: {  	v8 =	vadd.f32 v12, v8;
	[tilespmem:s0+$0x4270] =	vst v14  }
0xb6: {  	v2 =	vadd.f32 v2, v6;
	v47 =	vld [tilespmem:s0+$0x4210];
	[tilespmem:s2+$0x4230] =	vst v7  }
0xb7: {  	v3 =	vadd.f32 v3, v9;
	v48 =	vld [tilespmem:s0+$0x4230];
	[tilespmem:s2+$0x4240] =	vst v8  }
0xb8: {  	v49 =	vmax.f32 v10, $0.0e+00;
	v50 =	vmin.f32 v2, $0.0e+00;
	v2 =	vmax.f32 v2, $0.0e+00;
	v51 =	vld [tilespmem:s0+$0x4240]  }
0xb9: {  	v5 =	vadd.f32 v5, v17;
	v52 =	vmin.f32 v3, $0.0e+00;
	v8 =	vmul.f32 $2.000000030e-01, v50  }
0xba: {  	v7 =	vadd.f32 v11, v49;
	v3 =	vmax.f32 v3, $0.0e+00;
	v10 =	vmul.f32 $2.000000030e-01, v52  }
0xbb: {  	v0 =	vadd.f32 v0, v47;
	v53 =	vmin.f32 v5, $0.0e+00;
	v2 =	vadd.f32 v8, v2  }
0xbc: {  	v5 =	vmax.f32 v5, $0.0e+00;
	v55 =	vmul.f32 $2.000000030e-01, v53;
	v4 =	vadd.f32 v4, v48  }
0xbd: {  	v3 =	vadd.f32 v10, v3;
	v54 =	vmin.f32 v0, $0.0e+00;
	v1 =	vadd.f32 v1, v51  }
0xbe: {  	[tilespmem:s0+$0x4260] =	vst v7;
	v0 =	vmax.f32 v0, $0.0e+00;
	v56 =	vmul.f32 $2.000000030e-01, v54;
	v57 =	vmin.f32 v4, $0.0e+00  }
0xbf: {  	[tilespmem:s0+$0x4250] =	vst v2;
	v58 =	vadd.f32 v55, v5;
	v59 =	vmin.f32 v1, $0.0e+00;
	v60 =	vmul.f32 $2.000000030e-01, v57  }
0xc0: {  	[tilespmem:s0+$0x4200] =	vst v3;
	v0 =	vadd.f32 v56, v0;
	v4 =	vmax.f32 v4, $0.0e+00;
	v61 =	vmul.f32 $2.000000030e-01, v59  }
0xc1: {  	[tilespmem:s0+$0x4220] =	vst v58;
	v1 =	vmax.f32 v1, $0.0e+00;
	v62 =	vadd.f32 v60, v4  }
0xc2: {  	s29 =	sadd.s32 $0x1, s29;
	[tilespmem:s0+$0x4210] =	vst v0;
	v63 =	vadd.f32 v61, v1  }
0xc3: {  	s30 =	sshll.u32 s30, $0x4;
	p0 =	sne.s32 s29, $0x28;
	[tilespmem:s0+$0x4230] =	vst v62  }
.Ltmp2:
0xc4: {  	s31 =	sadd.s32 s9, s30;
	[tilespmem:s0+$0x4240] =	vst v63;
	(pc) =	sbr.rel @p0 .LBB2_2-.Ltmp2, $4  }
0xc5: {  	[hbm4b:s31+s3] =	stream.linear.scatter [tilespmem:s21], [sflag:$0x5], $0x4000, $0x38;
	[tilespmem:$0x10200] =	vst v63  }
0xc6: {  	_ =	swait.ge [sflag:s15], $0x4000  }
0xc7: {  	[sflag:s15] =	ssyncset.done $0x0  }
0xc8: {  	[sflag:s15] =	ssyncadd.s32 $0xFFFFC000  }
0xc9: {  	_ =	swait.ge [sflag:s23], $0x4000  }
0xca: {  	[sflag:s23] =	ssyncset.done $0x0  }
0xcb: {  	[sflag:s23] =	ssyncadd.s32 $0xFFFFC000  }
0xcc: {  	_ =	swait.ge [sflag:s24], $0x4000  }
0xcd: {  	[sflag:s24] =	ssyncset.done $0x0  }
0xce: {  	s2 =	simm.s32 $0x0;
	[sflag:s24] =	ssyncadd.s32 $0xFFFFC000  }
0xcf: {  	v0 =	vld [tilespmem:s2+$0x8270]  }
0xd0: {  	v1 =	vld [tilespmem:s2+$0x8260]  }
0xd1: {  	v2 =	vld [tilespmem:s2+$0x270]  }
0xd2: {  	v3 =	vld [tilespmem:s2+$0x260]  }
0xd3: {  	v4 =	vld [tilespmem:s2+$0x8210]  }
0xd4: {  	v5 =	vld [tilespmem:s2+$0x8250]  }
0xd5: {  	v6 =	vld [tilespmem:s2+$0x8200]  }
0xd6: {  	v7 =	vld [tilespmem:s2+$0x250]  }
0xd7: {  	v8 =	vld [tilespmem:s2+$0x8220];
	v0 =	vadd.f32 v0, v2  }
0xd8: {  	v9 =	vld [tilespmem:s2+$0x8240]  }
0xd9: {  	v11 =	vld [tilespmem:s2+$0x8230];
	v10 =	vmin.f32 v0, $0.0e+00  }
0xda: {  	v12 =	vld [tilespmem:s2+$0x220];
	v1 =	vadd.f32 v1, v3;
	v10 =	vmul.f32 $2.000000030e-01, v10  }
0xdb: {  	v3 =	vld [tilespmem:s2+$0x210];
	v0 =	vmax.f32 v0, $0.0e+00  }
0xdc: {  	s0 =	simm.s32 $0x80;
	v2 =	vld [tilespmem:s2+$0x200];
	v0 =	vadd.f32 v10, v0;
	v10 =	vmin.f32 v1, $0.0e+00  }
0xdd: {  	v13 =	vld [tilespmem:s0+$0x8270];
	v10 =	vmul.f32 $2.000000030e-01, v10  }
0xde: {  	v14 =	vld [tilespmem:s0+$0x8260];
	[tilespmem:s2+$0x270] =	vst v0;
	v0 =	vmax.f32 v1, $0.0e+00;
	v1 =	vadd.f32 v5, v7  }
0xdf: {  	v7 =	vld [tilespmem:s2+$0x230];
	v0 =	vadd.f32 v10, v0  }
0xe0: {  	v4 =	vadd.f32 v4, v3;
	v15 =	vld [tilespmem:s0+$0x270];
	v5 =	vmin.f32 v1, $0.0e+00  }
0xe1: {  	v6 =	vadd.f32 v6, v2;
	v10 =	vld [tilespmem:s2+$0x240];
	[tilespmem:s2+$0x260] =	vst v0;
	v5 =	vmul.f32 $2.000000030e-01, v5  }
0xe2: {  	v17 =	vmin.f32 v4, $0.0e+00;
	v1 =	vmax.f32 v1, $0.0e+00;
	v16 =	vld [tilespmem:s0+$0x260]  }
0xe3: {  	v0 =	vld [tilespmem:s0+$0x8210];
	v1 =	vadd.f32 v5, v1;
	v5 =	vadd.f32 v8, v12;
	v8 =	vmin.f32 v6, $0.0e+00  }
0xe4: {  	v18 =	vmax.f32 v4, $0.0e+00;
	v2 =	vld [tilespmem:s0+$0x8250];
	v12 =	vmax.f32 v6, $0.0e+00;
	v8 =	vmul.f32 $2.000000030e-01, v8  }
0xe5: {  	v3 =	vld [tilespmem:s0+$0x8200];
	v7 =	vadd.f32 v11, v7;
	v15 =	vadd.f32 v13, v15;
	[tilespmem:s2+$0x250] =	vst v1;
	v1 =	vmin.f32 v5, $0.0e+00  }
0xe6: {  	v4 =	vmax.f32 v5, $0.0e+00;
	v6 =	vld [tilespmem:s0+$0x250];
	v12 =	vadd.f32 v8, v12;
	v11 =	vmul.f32 $2.000000030e-01, v1  }
0xe7: {  	v13 =	vmin.f32 v7, $0.0e+00;
	v5 =	vld [tilespmem:s0+$0x8220];
	v8 =	vadd.f32 v9, v10;
	v10 =	vadd.f32 v14, v16  }
0xe8: {  	v1 =	vld [tilespmem:s0+$0x8240];
	v16 =	vmul.f32 $2.000000030e-01, v17;
	v14 =	vmax.f32 v15, $0.0e+00;
	[tilespmem:s2+$0x200] =	vst v12;
	v17 =	vadd.f32 v11, v4  }
0xe9: {  	v15 =	vmin.f32 v15, $0.0e+00;
	v12 =	vmin.f32 v8, $0.0e+00;
	v9 =	vld [tilespmem:s0+$0x200];
	v11 =	vmin.f32 v10, $0.0e+00  }
0xea: {  	s10 =	simm.s32 $0x400;
	v15 =	vmul.f32 $2.000000030e-01, v15;
	v4 =	vld [tilespmem:s0+$0x8230];
	v16 =	vadd.f32 v16, v18;
	v11 =	vmul.f32 $2.000000030e-01, v11;
	[tilespmem:s2+$0x220] =	vst v17  }
.LBB2_8:
0xeb: {  	s11 =	sshra.s32 s10, $0x2;
	p0 =	sne.s32 s10, $0xFE00;
	s10 =	sadd.s32 $0x200, s10;
	v17 =	vld [tilespmem:s0+$0x220];
	v10 =	vmax.f32 v10, $0.0e+00;
	v13 =	vmul.f32 $2.000000030e-01, v13;
	v12 =	vmul.f32 $2.000000030e-01, v12  }
0xec: {  	v7 =	vmax.f32 v7, $0.0e+00;
	v8 =	vmax.f32 v8, $0.0e+00;
	v18 =	vld [tilespmem:s11+$0x8270];
	v14 =	vadd.f32 v15, v14;
	[tilespmem:s2+$0x210] =	vst v16  }
0xed: {  	v10 =	vadd.f32 v11, v10;
	v15 =	vld [tilespmem:s0+$0x210];
	v7 =	vadd.f32 v13, v7  }
0xee: {  	v2 =	vadd.f32 v2, v6;
	v6 =	vadd.f32 v12, v8;
	v11 =	vld [tilespmem:s11+$0x8260];
	[tilespmem:s0+$0x270] =	vst v14  }
0xef: {  	v3 =	vadd.f32 v3, v9;
	v12 =	vld [tilespmem:s11+$0x270];
	[tilespmem:s2+$0x230] =	vst v7  }
0xf0: {  	v8 =	vmin.f32 v2, $0.0e+00;
	v5 =	vadd.f32 v5, v17;
	v7 =	vld [tilespmem:s0+$0x230];
	[tilespmem:s2+$0x240] =	vst v6;
	s2 =	smov.u32 s0;
	s0 =	smov.u32 s11  }
0xf1: {  	v8 =	vmul.f32 $2.000000030e-01, v8;
	v6 =	vmin.f32 v3, $0.0e+00;
	v9 =	vld [tilespmem:s2+$0x240];
	[tilespmem:s2+$0x260] =	vst v10  }
0xf2: {  	v2 =	vmax.f32 v2, $0.0e+00;
	v13 =	vmul.f32 $2.000000030e-01, v6;
	v10 =	vld [tilespmem:s0+$0x260];
	v6 =	vadd.f32 v0, v15  }
0xf3: {  	v8 =	vadd.f32 v8, v2;
	v14 =	vmin.f32 v5, $0.0e+00;
	v0 =	vld [tilespmem:s0+$0x8210]  }
0xf4: {  	v15 =	vmax.f32 v3, $0.0e+00;
	v2 =	vld [tilespmem:s0+$0x8250];
	v16 =	vmin.f32 v6, $0.0e+00  }
0xf5: {  	v19 =	vmax.f32 v5, $0.0e+00;
	v17 =	vmax.f32 v6, $0.0e+00;
	v3 =	vld [tilespmem:s0+$0x8200];
	v7 =	vadd.f32 v4, v7;
	[tilespmem:s2+$0x250] =	vst v8  }
.Ltmp3:
0xf6: {  	v4 =	vadd.f32 v13, v15;
	v13 =	vmul.f32 $2.000000030e-01, v14;
	v6 =	vld [tilespmem:s0+$0x250];
	v8 =	vadd.f32 v1, v9;
	(pc) =	sbr.rel @p0 .LBB2_8-.Ltmp3, $4  }
0xf7: {  	v16 =	vmul.f32 $2.000000030e-01, v16;
	v5 =	vld [tilespmem:s0+$0x8220];
	v10 =	vadd.f32 v11, v10;
	v11 =	vadd.f32 v18, v12  }
0xf8: {  	v18 =	vadd.f32 v13, v19;
	v13 =	vmin.f32 v7, $0.0e+00;
	v1 =	vld [tilespmem:s0+$0x8240];
	[tilespmem:s2+$0x200] =	vst v4;
	v12 =	vmin.f32 v8, $0.0e+00  }
0xf9: {  	v9 =	vld [tilespmem:s0+$0x200];
	v15 =	vmin.f32 v10, $0.0e+00;
	v14 =	vmax.f32 v11, $0.0e+00;
	v19 =	vmin.f32 v11, $0.0e+00  }
0xfa: {  	v16 =	vadd.f32 v16, v17;
	v4 =	vld [tilespmem:s0+$0x8230];
	v11 =	vmul.f32 $2.000000030e-01, v15;
	v15 =	vmul.f32 $2.000000030e-01, v19;
	[tilespmem:s2+$0x220] =	vst v18  }
0xfb: {  	v13 =	vmul.f32 $2.000000030e-01, v13  }
0xfc: {  	v7 =	vmax.f32 v7, $0.0e+00;
	v12 =	vmul.f32 $2.000000030e-01, v12;
	v14 =	vadd.f32 v15, v14  }
0xfd: {  	v17 =	vld [tilespmem:s0+$0x220];
	v8 =	vmax.f32 v8, $0.0e+00;
	[tilespmem:s2+$0x210] =	vst v16;
	v7 =	vadd.f32 v13, v7  }
0xfe: {  	v8 =	vadd.f32 v12, v8;
	[tilespmem:s0+$0x270] =	vst v14  }
0xff: {  	v2 =	vadd.f32 v2, v6;
	v47 =	vld [tilespmem:s0+$0x210];
	[tilespmem:s2+$0x230] =	vst v7  }
0x100: {  	v3 =	vadd.f32 v3, v9;
	v48 =	vld [tilespmem:s0+$0x230];
	[tilespmem:s2+$0x240] =	vst v8  }
0x101: {  	v49 =	vmax.f32 v10, $0.0e+00;
	v50 =	vmin.f32 v2, $0.0e+00;
	v2 =	vmax.f32 v2, $0.0e+00;
	v51 =	vld [tilespmem:s0+$0x240]  }
0x102: {  	v5 =	vadd.f32 v5, v17;
	v52 =	vmin.f32 v3, $0.0e+00;
	v8 =	vmul.f32 $2.000000030e-01, v50  }
0x103: {  	v7 =	vadd.f32 v11, v49;
	v3 =	vmax.f32 v3, $0.0e+00;
	v10 =	vmul.f32 $2.000000030e-01, v52  }
0x104: {  	v0 =	vadd.f32 v0, v47;
	v53 =	vmin.f32 v5, $0.0e+00;
	v2 =	vadd.f32 v8, v2  }
0x105: {  	v5 =	vmax.f32 v5, $0.0e+00;
	v55 =	vmul.f32 $2.000000030e-01, v53;
	v4 =	vadd.f32 v4, v48  }
0x106: {  	v3 =	vadd.f32 v10, v3;
	v54 =	vmin.f32 v0, $0.0e+00;
	v1 =	vadd.f32 v1, v51  }
0x107: {  	[tilespmem:s0+$0x260] =	vst v7;
	v0 =	vmax.f32 v0, $0.0e+00;
	v56 =	vmul.f32 $2.000000030e-01, v54;
	v57 =	vmin.f32 v4, $0.0e+00  }
0x108: {  	[tilespmem:s0+$0x250] =	vst v2;
	v58 =	vadd.f32 v55, v5;
	v59 =	vmin.f32 v1, $0.0e+00;
	v60 =	vmul.f32 $2.000000030e-01, v57  }
0x109: {  	[tilespmem:s0+$0x200] =	vst v3;
	v0 =	vadd.f32 v56, v0;
	v4 =	vmax.f32 v4, $0.0e+00;
	v61 =	vmul.f32 $2.000000030e-01, v59  }
0x10a: {  	[tilespmem:s0+$0x220] =	vst v58;
	v1 =	vmax.f32 v1, $0.0e+00;
	v62 =	vadd.f32 v60, v4  }
0x10b: {  	s28 =	sadd.s32 $0x1, s28;
	[tilespmem:s0+$0x210] =	vst v0;
	v63 =	vadd.f32 v61, v1  }
0x10c: {  	p0 =	sne.s32 s28, s14;
	[tilespmem:s0+$0x230] =	vst v62  }
.Ltmp4:
0x10d: {  	[tilespmem:s0+$0x240] =	vst v63;
	(pc) =	sbr.rel @p0 .LBB2_1-.Ltmp4, $4  }
0x10e: {  	[hbm4b:s13+s3] =	stream.linear.scatter [tilespmem:s18], [sflag:$0x5], $0x4000, $0x38;
	[tilespmem:$0x10200] =	vst v63  }
0x10f: {  	_ =	swait.ge [sflag:s15], $0x4000  }
0x110: {  	[sflag:s15] =	ssyncset.done $0x0  }
0x111: {  	[sflag:s15] =	ssyncadd.s32 $0xFFFFC000  }
0x112: {  	_ =	sfence.sel $0x180000  }
0x113: {  	[bflag:$0x0] =	sbarrier.arrive $0xFFFF  }
0x114: {  	_ =	strace $0x90000047  }
0x115: {  	s0 =	stileid.u32;
	[bflag:$0x2] =	sbarrier.arrive $0xFFFF  }
0x116: {  	p0 =	sne.s32 s0, $0x0;
	s0 =	rddreg [dreg:$0x2]  }
0x117: {  	s0 =	sadd.s32 @!p0 $0x100000, s0  }
0x118: {  	[sflag:s0] =	ssyncadd.tile.s32 @!p0 $0x1;
	_ =	shalt  }
.Lfunc_end2:
_tile_overlayer_lowered:
.L_overlay_start_2:
0x119: {  	(tag) =	ssettag $0x2  }
0x11a: {  	s0 =	rddreg [dreg:$0x0];
	s2 =	stileid.u32  }
0x11b: {  	s1 =	rddreg [dreg:$0x1];
	p0 =	sne.s32 s2, $0x0  }
0x11c: {  	s3 =	rddreg [dreg:$0x2];
	[bflag:$0x3] =	sbarrier.arrive $0xFFFF;
	s2 =	simm.s32 @!p0 $0x1C05  }
0x11d: {  	[timem:s3], [sflag:s2] =	dma.local @!p0 [hbm:s0], s1  }
0x11e: {  	s0 =	simm.s32 @!p0 $0x5  }
0x11f: {  	_ =	swait.ge @!p0 [sflag:s0], s1  }
0x120: {  	s1 =	ssub.s32 @!p0 $0x0, s1;
	[sflag:s0] =	ssyncset.done @!p0 $0x0  }
0x121: {  	[sflag:s0] =	ssyncadd.s32 @!p0 s1  }
0x122: {  	[bflag:$0x3] =	sbarrier.arrive $0xFFFF  }
0x123: {  	_ =	shalt  }

// kernel: kernel.14.cloned.1.call-start
scs
__scs_entry_jumppad:
0x0: {  	(pc) =	sbr.rel $0x88, $3  }
0x1: {  	(tag) =	ssettag $0x0;
	lr =	simm.s32 $0x1  }
0x2: {  	[smem:$0x3F97] =	sst lr;
	_ =	strace $0xD0000000  }
0x3: {  	_ = 	snop  }
0x4: {  	_ = 	snop  }
0x5: {  	_ = 	snop  }
0x6: {  	_ = 	snop  }
0x7: {  	_ = 	snop  }
__scs_overlays_trampoline_lowered:
0x8: {  	[smem:$0x3FA6] =	sst s0  }
0x9: {  	[smem:$0x3FA7] =	sst s1  }
0xa: {  	[smem:$0x3FA8] =	sst s2  }
0xb: {  	[smem:$0x3FA9] =	sst s3  }
0xc: {  	[smem:$0x3FAA] =	sst s4  }
0xd: {  	[smem:$0x3FAB] =	sst s5  }
0xe: {  	[smem:$0x3FAC] =	sst s6  }
0xf: {  	[smem:$0x3FAD] =	sst s7  }
0x10: {  	[smem:$0x3FAE] =	sst s8  }
0x11: {  	[smem:$0x3FAF] =	sst s9;
	s0 =	simm.s32 @!p0 $0x0  }
0x12: {  	s1 =	sld [smem:$0x3F95];
	s0 =	simm.s32 @p0 $0x1  }
0x13: {  	[smem:$0x3FB0] =	sst s0;
	s0 =	simm.s32 @!p1 $0x0  }
0x14: {  	s2 =	sld [smem:$0x3F94];
	s0 =	simm.s32 @p1 $0x1  }
0x15: {  	[smem:$0x3FB1] =	sst s0;
	s0 =	simm.s32 @!p2 $0x0  }
0x16: {  	s3 =	sld [smem:$0x3FDB];
	s0 =	simm.s32 @p2 $0x1  }
0x17: {  	s4 =	simm.s32 $0x1BF5;
	[smem:$0x3FB3] =	sst s0  }
0x18: {  	s0 =	sld [smem:$0x3F96];
	_ =	swait.ge [sflag:s4], $0x0  }
0x19: {  	s7 =	sld [smem:$0x3F97]  }
0x1a: {  	s8 =	sadd.s32 $0xFFFFE003, lr  }
0x1b: {  	s9 =	sadd.s32 $0xFFFFFEF7, lr;
	s5 =	simm.s32 $0xFFFFFFFF;
	p2 =	slt.u32 s8, $0xFFFFF086  }
0x1c: {  	p1 =	slt.u32 s9, $0xF7A;
	s5 =	simm.s32 @!p2 $0x0  }
0x1d: {  	s5 =	simm.s32 @p1 $0x1;
	p0 =	seq.s32 s7, s2  }
0x1e: {  	s7 =	smul.u32 @!p0 $0xF7A, s2;
	p2 =	seq.s32 @!p0 s5, $0x0  }
0x1f: {  	s9 =	smul.u32 $0xF7A, s1;
	s8 =	simm.s32 @!p0 $0x1BF5;
	p2 =	por !p2, p0  }
0x20: {  	[sflag:s8] =	ssyncset.s32 @!p0 $0xFFFFF086;
	s6 =	sadd.s32 @!p0 s3, s7;
	s7 =	simm.s32 @!p0 $0x108  }
0x21: {  	s3 =	sadd.s32 s3, s9;
	s6 =	sadd.s32 @!p0 $0x88, s6;
	s7 =	simm.s32 @p2 $0x1082  }
0x22: {  	[simem:s7], [sflag:s8] =	dma.local @!p0 [hbm:s6], $0xF7A  }
0x23: {  	s9 =	sor.u32 $0xD0000000, s2;
	s6 =	simm.s32 $0x108;
	_ =	swait.ge @!p0 [sflag:s8], $0x0  }
0x24: {  	s3 =	sadd.s32 $0x88, s3;
	s6 =	simm.s32 @!p1 $0x1082;
	[sflag:s4] =	ssyncset.s32 $0xFFFFF086  }
0x25: {  	[simem:s6], [sflag:s4] =	dma.local [hbm:s3], $0xF7A  }
0x26: {  	[smem:$0x3F97] =	sst s1;
	(tag) =	ssettag s2;
	_ =	strace s9  }
0x27: {  	s1 =	sld [smem:$0x3FA7]  }
0x28: {  	s2 =	sld [smem:$0x3FA8]  }
0x29: {  	s4 =	sld [smem:$0x3FAA]  }
0x2a: {  	p0 =	seq.s32 s5, $0x0;
	s5 =	sld [smem:$0x3FAB]  }
0x2b: {  	s6 =	sld [smem:$0x3FAC]  }
0x2c: {  	s7 =	sld [smem:$0x3FAD]  }
0x2d: {  	s3 =	simm.s32 $0x108;
	s8 =	sld [smem:$0x3FAE]  }
0x2e: {  	s3 =	simm.s32 @!p0 $0x1082;
	s9 =	sld [smem:$0x3FAF]  }
0x2f: {  	lr =	sadd.s32 s0, s3;
	s0 =	sld [smem:$0x3FA6]  }
0x30: {  	s3 =	sld [smem:$0x3FA9]  }
0x31: {  	[smem:$0x3FB2] =	sst s10  }
0x32: {  	s10 =	sld [smem:$0x3FB0];
	_ =	sdelay $0x3  }
0x33: {  	p0 =	seq.s32 s10, $0x1;
	s10 =	sld [smem:$0x3FB2];
	_ =	sdelay $0x3  }
0x34: {  	[smem:$0x3FB2] =	sst s10  }
0x35: {  	s10 =	sld [smem:$0x3FB1];
	_ =	sdelay $0x3  }
0x36: {  	p1 =	seq.s32 s10, $0x1;
	s10 =	sld [smem:$0x3FB2];
	_ =	sdelay $0x3  }
0x37: {  	[smem:$0x3FB2] =	sst s10  }
0x38: {  	s10 =	sld [smem:$0x3FB3]  }
0x39: {  	_ = 	snop;
	(pc) =	sbr.ind lr, $3  }
0x3a: {  	_ = 	snop  }
0x3b: {  	_ = 	snop  }
0x3c: {  	p2 =	seq.s32 s10, $0x1;
	s10 =	sld [smem:$0x3FB2]  }
0x3d: {  	_ =	shalt  }
0x3e: {  	_ =	shalt  }
0x3f: {  	_ =	shalt  }
0x40: {  	_ =	shalt  }
0x41: {  	_ =	shalt  }
0x42: {  	_ =	shalt  }
0x43: {  	_ =	shalt  }
0x44: {  	_ =	shalt  }
0x45: {  	_ =	shalt  }
0x46: {  	_ =	shalt  }
0x47: {  	_ =	shalt  }
0x48: {  	_ =	shalt  }
0x49: {  	_ =	shalt  }
0x4a: {  	_ =	shalt  }
0x4b: {  	_ =	shalt  }
0x4c: {  	_ =	shalt  }
0x4d: {  	_ =	shalt  }
0x4e: {  	_ =	shalt  }
0x4f: {  	_ =	shalt  }
0x50: {  	_ =	shalt  }
0x51: {  	_ =	shalt  }
0x52: {  	_ =	shalt  }
0x53: {  	_ =	shalt  }
0x54: {  	_ =	shalt  }
0x55: {  	_ =	shalt  }
0x56: {  	_ =	shalt  }
0x57: {  	_ =	shalt  }
0x58: {  	_ =	shalt  }
0x59: {  	_ =	shalt  }
0x5a: {  	_ =	shalt  }
0x5b: {  	_ =	shalt  }
0x5c: {  	_ =	shalt  }
0x5d: {  	_ =	shalt  }
0x5e: {  	_ =	shalt  }
0x5f: {  	_ =	shalt  }
0x60: {  	_ =	shalt  }
0x61: {  	_ =	shalt  }
0x62: {  	_ =	shalt  }
0x63: {  	_ =	shalt  }
0x64: {  	_ =	shalt  }
0x65: {  	_ =	shalt  }
0x66: {  	_ =	shalt  }
0x67: {  	_ =	shalt  }
0x68: {  	_ =	shalt  }
0x69: {  	_ =	shalt  }
0x6a: {  	_ =	shalt  }
0x6b: {  	_ =	shalt  }
0x6c: {  	_ =	shalt  }
0x6d: {  	_ =	shalt  }
0x6e: {  	_ =	shalt  }
0x6f: {  	_ =	shalt  }
0x70: {  	_ =	shalt  }
0x71: {  	_ =	shalt  }
0x72: {  	_ =	shalt  }
0x73: {  	_ =	shalt  }
0x74: {  	_ =	shalt  }
0x75: {  	_ =	shalt  }
0x76: {  	_ =	shalt  }
0x77: {  	_ =	shalt  }
0x78: {  	_ =	shalt  }
0x79: {  	_ =	shalt  }
0x7a: {  	_ =	shalt  }
0x7b: {  	_ =	shalt  }
0x7c: {  	_ =	shalt  }
0x7d: {  	_ =	shalt  }
0x7e: {  	_ =	shalt  }
0x7f: {  	_ =	shalt  }
0x80: {  	_ =	shalt  }
0x81: {  	_ =	shalt  }
0x82: {  	_ =	shalt  }
0x83: {  	_ =	shalt  }
0x84: {  	_ =	shalt  }
0x85: {  	_ =	shalt  }
0x86: {  	_ =	shalt  }
0x87: {  	_ =	shalt  }
.Lfunc_end0:
.L_simem_size_0:
called_computation.1_lowered:
.L_overlay_start_0:
0x88: {  	s2 =	sld [smem:$0x3FD9]  }
0x89: {  	s3 =	sld [smem:$0x3FFE];
	_ =	sdelay $0x1  }
0x8a: {  	s1 =	srdreg.scid  }
0x8b: {  	s0 =	sand.u32 $0x1, s1  }
0x8c: {  	s17 =	sshll.u32 s0, $0xA;
	s2 =	sadd.s32 s3, s2  }
0x8d: {  	s2 =	sadd.s32 s2, s17  }
0x8e: {  	[smem:$0x3FBE] =	sst s2  }
0x8f: {  	_ = 	snop  }
0x90: {  	s2 =	sld [smem:$0x3FD0];
	(tm) =	ssettm $0x1  }
0x91: {  	s18 =	sld [smem:$0x3FFB];
	_ =	sdelay $0x3  }
0x92: {  	_ =	strace s18  }
0x93: {  	s3 =	sld [smem:$0x3FFC];
	_ =	sdelay $0x3  }
0x94: {  	_ =	strace s3  }
0x95: {  	s3 =	sld [smem:$0x3FFD];
	_ =	sdelay $0x3  }
0x96: {  	_ =	strace s3  }
0x97: {  	_ =	strace $0x8FFFFFFF  }
0x98: {  	s19 =	sld [smem:$0x3FDB];
	_ =	sdelay $0x1  }
0x99: {  	s4 =	simm.s32 $_scs_section_size  }
0x9a: {  	s5 =	simm.s32 $_size__tile_overlayer_lowered;
	s6 =	simm.s32 $_tile_overlayer_lowered  }
0x9b: {  	s22 =	simm.s32 $0x1BFF;
	s21 =	sshll.u32 s6, $0x1;
	s3 =	sadd.s32 s4, s19  }
0x9c: {  	s7 =	simm.s32 $0x0;
	s20 =	sshll.u32 s5, $0x1;
	s5 =	sadd.s32 s21, s3  }
0x9d: {  	[timem:s7], [sflag:s22] =	dma.local [hbm:s5], s20  }
0x9e: {  	_ =	swait.ge [sflag:s22], s20  }
0x9f: {  	s4 =	ssub.s32 $0x0, s20;
	[sflag:s22] =	ssyncset.done $0x0  }
0xa0: {  	[sflag:s22] =	ssyncadd.s32 s4;
	_ =	sdelay $0x1  }
0xa1: {  	s23 =	simm.s32 $0x1B8B  }
0xa2: {  	_ =	swait.ge [sflag:s23], $0x1  }
0xa3: {  	[sflag:s23] =	ssyncset.done $0x0  }
0xa4: {  	s25 =	simm.s32 $0x1B8E;
	s24 =	sld [smem:$0x3FFE];
	[sflag:s23] =	ssyncadd.s32 $0xFFFFFFFF  }
0xa5: {  	s26 =	simm.s32 $execute0_lowered;
	[smem:$0x3FD2] =	sst s25  }
0xa6: {  	s5 =	sshll.u32 s26, $0x1;
	_ =	strace $0x80000049;
	[dreg:$0x1] =	wrdreg $0xFFFFFFFF  }
0xa7: {  	s28 =	simm.s32 $_size_execute0_lowered;
	s3 =	sadd.s32 s3, s5;
	[dreg:$0x0] =	wrdreg $0x0  }
0xa8: {  	s5 =	sshll.u32 s28, $0x1;
	[dreg:$0x2] =	wrdreg s3  }
0xa9: {  	[dreg:$0x3] =	wrdreg s5  }
0xaa: {  	[dreg:$0x4] =	wrdreg $0xC0  }
0xab: {  	_ =	task [dreg:s7], $0x5FFFF  }
0xac: {  	[dreg:$0x1] =	wrdreg $0xFFFFFFFF  }
0xad: {  	[dreg:$0x0] =	wrdreg $0x60  }
0xae: {  	[dreg:$0x2] =	wrdreg s24  }
0xaf: {  	[dreg:$0x3] =	wrdreg s2  }
0xb0: {  	[dreg:$0x4] =	wrdreg $0x49000  }
0xb1: {  	[dreg:$0x5] =	wrdreg $0x181800  }
0xb2: {  	[dreg:$0x6] =	wrdreg $0x9  }
0xb3: {  	_ =	task.clear_ibuf [dreg:s7], $0x7FFFF;
	_ =	strace $0x90000049  }
0xb4: {  	s29 =	simm.s32 $0x9;
	_ =	strace $0x8000004B  }
0xb5: {  	_ =	swait.ge [sflag:s29], $0x1  }
0xb6: {  	[sflag:s29] =	ssyncadd.s32 $0xFFFFFFFF  }
0xb7: {  	_ =	strace $0x9000004B  }
0xb8: {  	_ =	sfence  }
0xb9: {  	s30 =	sld [smem:$0x0];
	_ =	sdelay $0x2  }
0xba: {  	s31 =	sshll.u32 s1, $0xD;
	s1 =	sshrl.u32 s1, $0x2  }
0xbb: {  	s3 =	sand.u32 $0x4000, s31;
	s1 =	sadd.s32 s1, s30  }
0xbc: {  	s0 =	sor.u32 s3, s0;
	s1 =	sshll.u32 s1, $0x11  }
0xbd: {  	s0 =	sor.u32 s1, s0  }
0xbe: {  	s0 =	sadd.s32 $0x8F2B, s0  }
0xbf: {  	[sflag:s0] =	ssyncadd.remote.s32 $0x1  }
0xc0: {  	_ =	sfence.sel $0xFFFF  }
0xc1: {  	[dreg:$0x0] =	wrdreg $0xFFFFFFFF;
	(pc) =	sbr.abs _section_cstart, $3  }
0xc2: {  	[dreg:$0x1] =	wrdreg $0xFFFFFFFF  }
0xc3: {  	_ =	task.clear_ibuf [dreg:s7], $0x2FFFF;
	_ =	strace $0x9FFFFFFF  }
0xc4: {  	(tm) =	ssettm $0x7FFFFFFF  }
0xc5: {  	_ =	shalt  }
tec
execute0_lowered:
.L_overlay_start_1:
0x0: {  	(tag) =	ssettag $0x1  }
0x1: {  	s0 =	rddreg [dreg:$0x0]  }
0x2: {  	s1 =	rddreg [dreg:$0x1]  }
0x3: {  	s2 =	rddreg [dreg:$0x2]  }
0x4: {  	s3 =	rddreg [dreg:$0x3];
	s4 =	simm.s32 $0x0  }
0x5: {  	s9 =	srdreg.scid;
	s26 =	stileid.u32;
	s28 =	simm.s32 $0x100  }
0x6: {  	s29 =	simm.s32 $0x2;
	s30 =	simm.s32 $0x4100;
	s31 =	simm.s32 $0x80  }
0x7: {  	[smem:$0x7FF] =	sst s4;
	s5 =	sadd.s32 $0x3E00, s0;
	s6 =	sadd.s32 $0xE000, s0  }
0x8: {  	s8 =	sadd.s32 $0x18A00, s0;
	s7 =	sadd.s32 $0xC4800, s0;
	s12 =	smul.u32 $0x270, s26  }
0x9: {  	s0 =	sadd.s32 $0xBAA00, s0;
	s11 =	sand.u32 $0x1, s9;
	s14 =	smul.u32 $0x13800, s26  }
0xa: {  	s21 =	smul.u32 $0x2700, s26;
	p0 =	sne.s32 s26, $0xF;
	_ =	strace $0x8000004A  }
0xb: {  	s9 =	ssub.s32 $0x2, s11;
	s10 =	sshll.u32 s11, $0x4;
	s20 =	smul.u32 $0x138800, s11  }
0xc: {  	s11 =	smul.u32 $0x27100, s11;
	s13 =	sshrl.u32 s9, $0x1;
	s10 =	sor.u32 s26, s10  }
0xd: {  	s15 =	sadd.s32 $0x80, s12;
	s18 =	sadd.s32 $0x100, s12;
	s19 =	sadd.s32 $0x180, s12  }
0xe: {  	s12 =	sadd.s32 $0x200, s12;
	s26 =	sadd.s32 $0x27000, s3;
	s13 =	ssub.s32 s9, s13  }
0xf: {  	s9 =	smul.u32 $0x2880, s10;
	s10 =	sadd.s32 s14, s2;
	s16 =	sshll.u32 s15, $0x7  }
0x10: {  	s23 =	sshll.u32 s18, $0x7;
	s17 =	sshll.u32 s19, $0x7;
	s25 =	sshll.u32 s12, $0x7  }
0x11: {  	s14 =	sadd.s32 s14, s20;
	s15 =	sshll.u32 s15, $0x4;
	s20 =	sshrl.u32 s20, $0x3  }
0x12: {  	s22 =	sshll.u32 s18, $0x4;
	s12 =	sshll.u32 s12, $0x4;
	s16 =	sadd.s32 s16, s2  }
0x13: {  	s24 =	sadd.s32 s17, s2;
	s14 =	sshrl.u32 s14, $0x3;
	s17 =	sadd.s32 s15, s3  }
0x14: {  	s18 =	sadd.s32 s22, s3;
	s22 =	sadd.s32 $0x138000, s2;
	[dreg:$0x5] =	wrdreg s16  }
0x15: {  	s16 =	sadd.s32 s23, s2;
	[dreg:$0x7] =	wrdreg s24;
	s14 =	sadd.s32 s7, s14  }
0x16: {  	s7 =	sadd.s32 s7, s20;
	s23 =	sshll.u32 s19, $0x4;
	s24 =	sadd.s32 s21, s11  }
0x17: {  	s20 =	sadd.s32 s12, s3;
	s11 =	sshrl.u32 s11, $0x3;
	[dreg:$0x6] =	wrdreg s16  }
0x18: {  	s16 =	sadd.s32 s25, s2;
	[dreg:$0x9] =	wrdreg s14;
	s19 =	sadd.s32 s23, s3  }
0x19: {  	s25 =	sshrl.u32 s24, $0x3;
	s23 =	sadd.s32 $0x27000, s7;
	[dreg:$0x8] =	wrdreg s16  }
0x1a: {  	s16 =	sadd.s32 s21, s3;
	s21 =	sadd.s32 s0, s25;
	s0 =	sadd.s32 s0, s11  }
0x1b: {  	v0 =	vimm.f32 $0.0e+00;
	s25 =	smax.u32 s13, $0x1;
	s24 =	sadd.s32 $0x4E00, s0;
	s0 =	simm.s32 $0x1  }
.LBB2_1:
0x1c: {  	s7 =	simm.s32 $0x140  }
0x1d: {  	[tilespmem:s7+$0xFFFFFFD0] =	vst v0  }
0x1e: {  	[tilespmem:s7+$0xFFFFFFE0] =	vst v0  }
0x1f: {  	[tilespmem:s7+$0xFFFFFFF0] =	vst v0  }
0x20: {  	[tilespmem:s7+$0x0] =	vst v0  }
0x21: {  	[tilespmem:s7+$0x10] =	vst v0  }
0x22: {  	[tilespmem:s7+$0x20] =	vst v0  }
0x23: {  	[tilespmem:s7+$0x30] =	vst v0  }
0x24: {  	s12 =	simm.s32 $0x0;
	s11 =	simm.s32 $0x40;
	[tilespmem:s7+$0xFFFFFFC0] =	vst v0  }
.LBB2_2:
0x25: {  	p1 =	sne.s32 s11, $0x1FC0;
	[tilespmem:s12+$0x4100] =	vst v0;
	s7 =	sadd.s32 $0x80, s7  }
0x26: {  	[tilespmem:s7+$0xFFFFFFD0] =	vst v0  }
0x27: {  	[tilespmem:s7+$0xFFFFFFE0] =	vst v0  }
0x28: {  	[tilespmem:s7+$0xFFFFFFF0] =	vst v0  }
.Ltmp0:
0x29: {  	[tilespmem:s7+$0x0] =	vst v0;
	(pc) =	sbr.rel @p1 .LBB2_2-.Ltmp0, $4  }
0x2a: {  	[tilespmem:s7+$0x10] =	vst v0  }
0x2b: {  	[tilespmem:s7+$0x20] =	vst v0  }
0x2c: {  	[tilespmem:s7+$0x30] =	vst v0  }
0x2d: {  	s12 =	sshra.s32 s11, $0x2;
	s11 =	sadd.s32 $0x40, s11;
	[tilespmem:s7+$0xFFFFFFC0] =	vst v0  }
0x2e: {  	[tilespmem:s12+$0x4100] =	vst v0  }
0x2f: {  	[spmem:s10] =	stream.linear.scatter [tilespmem:s28], [sflag:$0x2], $0x4000, $0x38;
	[tilespmem:$0x1A890] =	vst v63  }
0x30: {  	_ =	swait.ge [sflag:s29], $0x4000  }
0x31: {  	[sflag:s29] =	ssyncset.done $0x0  }
0x32: {  	s7 =	rddreg [dreg:$0x5];
	[sflag:s29] =	ssyncadd.s32 $0xFFFFC000  }
0x33: {  	[spmem:s7] =	stream.linear.scatter [tilespmem:s28], [sflag:$0x2], $0x4000, $0x38;
	[tilespmem:$0x1A890] =	vst v63  }
0x34: {  	_ =	swait.ge [sflag:s29], $0x4000  }
0x35: {  	[sflag:s29] =	ssyncset.done $0x0  }
0x36: {  	s13 =	rddreg [dreg:$0x6];
	[sflag:s29] =	ssyncadd.s32 $0xFFFFC000  }
0x37: {  	[spmem:s13] =	stream.linear.scatter [tilespmem:s28], [sflag:$0x2], $0x4000, $0x38;
	[tilespmem:$0x1A890] =	vst v63  }
0x38: {  	_ =	swait.ge [sflag:s29], $0x4000  }
0x39: {  	[sflag:s29] =	ssyncset.done $0x0  }
0x3a: {  	s14 =	rddreg [dreg:$0x7];
	[sflag:s29] =	ssyncadd.s32 $0xFFFFC000  }
0x3b: {  	[spmem:s14] =	stream.linear.scatter [tilespmem:s28], [sflag:$0x2], $0x4000, $0x38;
	[tilespmem:$0x1A890] =	vst v63  }
0x3c: {  	_ =	swait.ge [sflag:s29], $0x4000  }
0x3d: {  	[sflag:s29] =	ssyncset.done $0x0  }
0x3e: {  	s15 =	rddreg [dreg:$0x8];
	[sflag:s29] =	ssyncadd.s32 $0xFFFFC000  }
0x3f: {  	[spmem:s15] =	stream.linear.scatter [tilespmem:s28], [sflag:$0x2], $0x3800, $0x38;
	[tilespmem:$0x1A890] =	vst v63  }
0x40: {  	_ =	swait.ge [sflag:s29], $0x3800  }
0x41: {  	[sflag:s29] =	ssyncset.done $0x0  }
0x42: {  	[sflag:s29] =	ssyncadd.s32 $0xFFFFC800  }
0x43: {  	[spmem:s16] =	stream.linear.scatter [tilespmem:s30], [sflag:$0x2], $0x800, $0x38;
	[tilespmem:$0x1A890] =	vst v63  }
0x44: {  	_ =	swait.ge [sflag:s29], $0x800  }
0x45: {  	[sflag:s29] =	ssyncset.done $0x0  }
0x46: {  	[sflag:s29] =	ssyncadd.s32 $0xFFFFF800  }
0x47: {  	[spmem:s17] =	stream.linear.scatter [tilespmem:s30], [sflag:$0x2], $0x800, $0x38;
	[tilespmem:$0x1A890] =	vst v63  }
0x48: {  	_ =	swait.ge [sflag:s29], $0x800  }
0x49: {  	[sflag:s29] =	ssyncset.done $0x0  }
0x4a: {  	[sflag:s29] =	ssyncadd.s32 $0xFFFFF800  }
0x4b: {  	[spmem:s18] =	stream.linear.scatter [tilespmem:s30], [sflag:$0x2], $0x800, $0x38;
	[tilespmem:$0x1A890] =	vst v63  }
0x4c: {  	_ =	swait.ge [sflag:s29], $0x800  }
0x4d: {  	[sflag:s29] =	ssyncset.done $0x0  }
0x4e: {  	[sflag:s29] =	ssyncadd.s32 $0xFFFFF800  }
0x4f: {  	[spmem:s19] =	stream.linear.scatter [tilespmem:s30], [sflag:$0x2], $0x800, $0x38;
	[tilespmem:$0x1A890] =	vst v63  }
0x50: {  	_ =	swait.ge [sflag:s29], $0x800  }
0x51: {  	[sflag:s29] =	ssyncset.done $0x0  }
0x52: {  	[sflag:s29] =	ssyncadd.s32 $0xFFFFF800  }
0x53: {  	[spmem:s20] =	stream.linear.scatter [tilespmem:s30], [sflag:$0x2], $0x700, $0x38;
	[tilespmem:$0x1A890] =	vst v63  }
0x54: {  	_ =	swait.ge [sflag:s29], $0x700  }
0x55: {  	[sflag:s29] =	ssyncset.done $0x0  }
0x56: {  	s7 =	simm.s32 @!p0 $0x100;
	[sflag:s29] =	ssyncadd.s32 $0xFFFFF900  }
0x57: {  	[spmem:s22] =	stream.linear.scatter @!p0 [tilespmem:s7], [sflag:$0x2], $0x800, $0x38;
	[tilespmem:$0x1A890] =	vst v63  }
0x58: {  	s7 =	simm.s32 @!p0 $0x2  }
0x59: {  	_ =	swait.ge @!p0 [sflag:s7], $0x800  }
0x5a: {  	[sflag:s7] =	ssyncset.done @!p0 $0x0  }
0x5b: {  	s11 =	simm.s32 @!p0 $0x4100;
	[sflag:s7] =	ssyncadd.s32 @!p0 $0xFFFFF800  }
0x5c: {  	[spmem:s26] =	stream.linear.scatter @!p0 [tilespmem:s11], [sflag:$0x2], $0x100, $0x38;
	[tilespmem:$0x1A890] =	vst v63  }
0x5d: {  	_ =	swait.ge @!p0 [sflag:s7], $0x100  }
0x5e: {  	[sflag:s7] =	ssyncset.done @!p0 $0x0  }
0x5f: {  	[sflag:s7] =	ssyncadd.s32 @!p0 $0xFFFFFF00  }
0x60: {  	s11 =	simm.s32 $0x0;
	s7 =	simm.s32 $0x0;
	[bflag:$0x0] =	sbarrier.arrive $0xFFFF  }
.LBB2_4:
0x61: {  	s12 =	sshll.u32 s11, $0x7  }
0x62: {  	s12 =	sadd.s32 s9, s12  }
0x63: {  	s13 =	sshrl.u32 s12, $0x3  }
0x64: {  	s14 =	sadd.s32 s5, s13  }
0x65: {  	[tilespmem:s7], [sflag:$0x2] =	stream.linear.gather [hbm4b:s14+s7], $0x80, $0x38;
	[tilespmem:$0x1A890] =	vst v63  }
0x66: {  	_ =	swait.ge [sflag:s29], $0x80  }
0x67: {  	[sflag:s29] =	ssyncset.done $0x0  }
0x68: {  	s13 =	sadd.s32 s6, s13;
	[sflag:s29] =	ssyncadd.s32 $0xFFFFFF80  }
0x69: {  	[tilespmem:s31], [sflag:$0x2] =	stream.linear.gather [hbm4b:s13+s7], $0x80, $0x38;
	[tilespmem:$0x1A890] =	vst v63  }
0x6a: {  	_ =	swait.ge [sflag:s29], $0x80  }
0x6b: {  	[sflag:s29] =	ssyncset.done $0x0  }
0x6c: {  	s12 =	sshll.u32 s12, $0x1;
	[sflag:s29] =	ssyncadd.s32 $0xFFFFFF80  }
0x6d: {  	[tilespmem:s28], [sflag:$0x1] =	stream.indirect.gather [hbm4b:s1+s31], $0x80, s7, s31, $0xb8;
	[tilespmem:$0x1A890] =	vst v63  }
0x6e: {  	s12 =	sadd.s32 s8, s12  }
0x6f: {  	[tilespmem:s30], [sflag:$0x2] =	stream.linear.gather [hbm4b:s12+s7], $0x800, $0x38;
	[tilespmem:$0x1A890] =	vst v63  }
0x70: {  	_ =	swait.ge [sflag:s29], $0x800  }
0x71: {  	[sflag:s29] =	ssyncset.done $0x0  }
0x72: {  	[sflag:s29] =	ssyncadd.s32 $0xFFFFF800  }
0x73: {  	_ =	swait.ge [sflag:s0], $0x4000  }
0x74: {  	[sflag:s0] =	ssyncset.done $0x0  }
0x75: {  	s12 =	simm.s32 $0x140;
	[sflag:s0] =	ssyncadd.s32 $0xFFFFC000  }
0x76: {  	s15 =	simm.s32 $0x0;
	v8 =	vld [tilespmem:s12+$0xFFFFFFD0]  }
0x77: {  	v3 =	vld [tilespmem:s15+$0x4100]  }
0x78: {  	v6 =	vld [tilespmem:s12+$0x20]  }
0x79: {  	v9 =	vld [tilespmem:s12+$0xFFFFFFC0]  }
0x7a: {  	v12 =	vld [tilespmem:s12+$0xFFFFFFE0]  }
0x7b: {  	v1 =	vld [tilespmem:s12+$0xFFFFFFF0]  }
0x7c: {  	v2 =	vld [tilespmem:s12+$0x30];
	v10 =	vbroadcast v3, $0x0;
	v7 =	vbroadcast v3, $0x3  }
0x7d: {  	v4 =	vld [tilespmem:s12+$0x0];
	v5 =	vbroadcast v3, $0x1  }
0x7e: {  	v11 =	vmul.f32 v10, v9;
	v9 =	vmul.f32 v6, v7;
	v6 =	vld [tilespmem:s12+$0x10]  }
0x7f: {  	v3 =	vbroadcast v3, $0x2  }
0x80: {  	s14 =	simm.s32 $0x140;
	s13 =	simm.s32 $0x40;
	v10 =	vmul.f32 v8, v10;
	v8 =	vmul.f32 v12, v5  }
.LBB2_5:
0x81: {  	p1 =	sne.s32 s13, $0x1FC0  }
0x82: {  	[tilespmem:s12+$0xFFFFFFC0] =	vst v11;
	v4 =	vmul.f32 v4, v3;
	v2 =	vmul.f32 v2, v7;
	s14 =	sadd.s32 $0x80, s14;
	s15 =	smov.u32 s13;
	s13 =	sadd.s32 $0x40, s13  }
0x83: {  	v5 =	vmul.f32 v1, v5;
	v3 =	vmul.f32 v6, v3;
	[tilespmem:s12+$0x20] =	vst v9  }
0x84: {  	[tilespmem:s12+$0xFFFFFFD0] =	vst v10  }
0x85: {  	[tilespmem:s12+$0xFFFFFFE0] =	vst v8  }
0x86: {  	[tilespmem:s12+$0x30] =	vst v2  }
0x87: {  	v1 =	vld [tilespmem:s14+$0xFFFFFFF0];
	[tilespmem:s12+$0x10] =	vst v3  }
0x88: {  	v8 =	vld [tilespmem:s14+$0xFFFFFFD0];
	[tilespmem:s12+$0xFFFFFFF0] =	vst v5  }
0x89: {  	s15 =	sshra.s32 s15, $0x2;
	v9 =	vld [tilespmem:s14+$0x20];
	[tilespmem:s12+$0x0] =	vst v4;
	s12 =	smov.u32 s14  }
0x8a: {  	v3 =	vld [tilespmem:s15+$0x4100]  }
0x8b: {  	v2 =	vld [tilespmem:s14+$0x30]  }
0x8c: {  	v10 =	vld [tilespmem:s14+$0xFFFFFFC0]  }
0x8d: {  	v12 =	vld [tilespmem:s14+$0xFFFFFFE0]  }
.Ltmp1:
0x8e: {  	v4 =	vld [tilespmem:s14+$0x0];
	(pc) =	sbr.rel @p1 .LBB2_5-.Ltmp1, $4  }
0x8f: {  	v13 =	vbroadcast v3, $0x0;
	v6 =	vld [tilespmem:s14+$0x10];
	v7 =	vbroadcast v3, $0x3  }
0x90: {  	v5 =	vbroadcast v3, $0x1;
	v3 =	vbroadcast v3, $0x2  }
0x91: {  	v11 =	vmul.f32 v13, v10;
	v9 =	vmul.f32 v9, v7  }
0x92: {  	v10 =	vmul.f32 v8, v13;
	v8 =	vmul.f32 v12, v5  }
0x93: {  	[tilespmem:s12+$0xFFFFFFC0] =	vst v11  }
0x94: {  	[tilespmem:s12+$0x20] =	vst v9  }
0x95: {  	v2 =	vmul.f32 v2, v7;
	[tilespmem:s12+$0xFFFFFFD0] =	vst v10  }
0x96: {  	v1 =	vmul.f32 v1, v5;
	[tilespmem:s12+$0xFFFFFFE0] =	vst v8  }
0x97: {  	v6 =	vmul.f32 v6, v3;
	[tilespmem:s12+$0x30] =	vst v2  }
0x98: {  	v2 =	vmul.f32 v4, v3;
	[tilespmem:s12+$0xFFFFFFF0] =	vst v1  }
0x99: {  	[tilespmem:s12+$0x10] =	vst v6  }
0x9a: {  	[tilespmem:s12+$0x0] =	vst v2  }
0x9b: {  	[spmem:s2] =	stream.indirect.scatter.add.f32 [tilespmem:s28], [sflag:$0x2], $0x80, s31, s31, $0xb8;
	[tilespmem:$0x1A890] =	vst v63  }
0x9c: {  	s11 =	sadd.s32 $0x1, s11;
	_ =	swait.ge [sflag:s29], $0x4000  }
0x9d: {  	p1 =	sne.s32 s11, $0x51;
	[sflag:s29] =	ssyncset.done $0x0  }
.Ltmp2:
0x9e: {  	[sflag:s29] =	ssyncadd.s32 $0xFFFFC000;
	(pc) =	sbr.rel @p1 .LBB2_4-.Ltmp2, $4  }
0x9f: {  	[spmem:s3] =	stream.indirect.scatter.add.f32 [tilespmem:s30], [sflag:$0x2], $0x10, s31, s31, $0xb8;
	[tilespmem:$0x1A890] =	vst v63  }
0xa0: {  	_ =	swait.ge [sflag:s29], $0x800  }
0xa1: {  	[sflag:s29] =	ssyncset.done $0x0  }
0xa2: {  	[sflag:s29] =	ssyncadd.s32 $0xFFFFF800  }
0xa3: {  	s7 =	stileid.u32  }
0xa4: {  	[bflag:$0x0] =	sbarrier.arrive $0xFFFF;
	s7 =	sshll.u32 s7, $0x6  }
0xa5: {  	s11 =	sshrl.u32 s10, $0x3;
	s12 =	rddreg [dreg:$0x9];
	s7 =	sor.u32 $0x1C02, s7  }
0xa6: {  	[hbm:s12], [sflag:s7] =	dma.local [spmem:s11], $0x2700  }
0xa7: {  	_ =	swait.ge [sflag:s29], $0x2700  }
0xa8: {  	[sflag:s29] =	ssyncset.done $0x0  }
0xa9: {  	s15 =	sshrl.u32 s16, $0x3;
	[sflag:s29] =	ssyncadd.s32 $0xFFFFD900  }
0xaa: {  	[hbm:s21], [sflag:s7] =	dma.local [spmem:s15], $0x4E0  }
0xab: {  	_ =	swait.ge [sflag:s29], $0x4E0  }
0xac: {  	[sflag:s29] =	ssyncset.done $0x0  }
0xad: {  	s11 =	sshrl.u32 @!p0 s22, $0x3;
	[sflag:s29] =	ssyncadd.s32 $0xFFFFFB20  }
0xae: {  	[hbm:s23], [sflag:s7] =	dma.local @!p0 [spmem:s11], $0x100  }
0xaf: {  	s11 =	simm.s32 @!p0 $0x2  }
0xb0: {  	s4 =	sadd.s32 $0x1, s4;
	_ =	swait.ge @!p0 [sflag:s11], $0x100  }
0xb1: {  	p1 =	sne.s32 s4, s25;
	[sflag:s11] =	ssyncset.done @!p0 $0x0  }
.Ltmp3:
0xb2: {  	s12 =	sshrl.u32 @!p0 s26, $0x3;
	[sflag:s11] =	ssyncadd.s32 @!p0 $0xFFFFFF00;
	(pc) =	sbr.rel @p1 .LBB2_1-.Ltmp3, $4  }
0xb3: {  	[hbm:s24], [sflag:s7] =	dma.local @!p0 [spmem:s12], $0x20  }
0xb4: {  	_ =	swait.ge @!p0 [sflag:s11], $0x20  }
0xb5: {  	[sflag:s11] =	ssyncset.done @!p0 $0x0  }
0xb6: {  	[sflag:s11] =	ssyncadd.s32 @!p0 $0xFFFFFFE0  }
0xb7: {  	_ =	sfence.sel $0x180000  }
0xb8: {  	[bflag:$0x0] =	sbarrier.arrive $0xFFFF  }
0xb9: {  	_ =	strace $0x9000004A  }
0xba: {  	s0 =	stileid.u32;
	[bflag:$0x2] =	sbarrier.arrive $0xFFFF  }
0xbb: {  	p0 =	sne.s32 s0, $0x0;
	s0 =	rddreg [dreg:$0x4]  }
0xbc: {  	s0 =	sadd.s32 @!p0 $0x100000, s0  }
0xbd: {  	[sflag:s0] =	ssyncadd.tile.s32 @!p0 $0x1;
	_ =	shalt  }
.Lfunc_end2:
_tile_overlayer_lowered:
.L_overlay_start_2:
0xbe: {  	(tag) =	ssettag $0x2  }
0xbf: {  	s0 =	rddreg [dreg:$0x0];
	s2 =	stileid.u32  }
0xc0: {  	s1 =	rddreg [dreg:$0x1];
	p0 =	sne.s32 s2, $0x0  }
0xc1: {  	s3 =	rddreg [dreg:$0x2];
	[bflag:$0x3] =	sbarrier.arrive $0xFFFF;
	s2 =	simm.s32 @!p0 $0x1C02  }
0xc2: {  	[timem:s3], [sflag:s2] =	dma.local @!p0 [hbm:s0], s1  }
0xc3: {  	s0 =	simm.s32 @!p0 $0x2  }
0xc4: {  	_ =	swait.ge @!p0 [sflag:s0], s1  }
0xc5: {  	s1 =	ssub.s32 @!p0 $0x0, s1;
	[sflag:s0] =	ssyncset.done @!p0 $0x0  }
0xc6: {  	[sflag:s0] =	ssyncadd.s32 @!p0 s1  }
0xc7: {  	[bflag:$0x3] =	sbarrier.arrive $0xFFFF  }
0xc8: {  	_ =	shalt  }

// kernel: kernel.17.cloned.1.call-start
scs
__scs_entry_jumppad:
0x0: {  	(pc) =	sbr.rel $0x88, $3  }
0x1: {  	(tag) =	ssettag $0x0;
	lr =	simm.s32 $0x1  }
0x2: {  	[smem:$0x3F97] =	sst lr;
	_ =	strace $0xD0000000  }
0x3: {  	_ = 	snop  }
0x4: {  	_ = 	snop  }
0x5: {  	_ = 	snop  }
0x6: {  	_ = 	snop  }
0x7: {  	_ = 	snop  }
__scs_overlays_trampoline_lowered:
0x8: {  	[smem:$0x3FA6] =	sst s0  }
0x9: {  	[smem:$0x3FA7] =	sst s1  }
0xa: {  	[smem:$0x3FA8] =	sst s2  }
0xb: {  	[smem:$0x3FA9] =	sst s3  }
0xc: {  	[smem:$0x3FAA] =	sst s4  }
0xd: {  	[smem:$0x3FAB] =	sst s5  }
0xe: {  	[smem:$0x3FAC] =	sst s6  }
0xf: {  	[smem:$0x3FAD] =	sst s7  }
0x10: {  	[smem:$0x3FAE] =	sst s8  }
0x11: {  	[smem:$0x3FAF] =	sst s9;
	s0 =	simm.s32 @!p0 $0x0  }
0x12: {  	s1 =	sld [smem:$0x3F95];
	s0 =	simm.s32 @p0 $0x1  }
0x13: {  	[smem:$0x3FB0] =	sst s0;
	s0 =	simm.s32 @!p1 $0x0  }
0x14: {  	s2 =	sld [smem:$0x3F94];
	s0 =	simm.s32 @p1 $0x1  }
0x15: {  	[smem:$0x3FB1] =	sst s0;
	s0 =	simm.s32 @!p2 $0x0  }
0x16: {  	s3 =	sld [smem:$0x3FDB];
	s0 =	simm.s32 @p2 $0x1  }
0x17: {  	s4 =	simm.s32 $0x1BF5;
	[smem:$0x3FB3] =	sst s0  }
0x18: {  	s0 =	sld [smem:$0x3F96];
	_ =	swait.ge [sflag:s4], $0x0  }
0x19: {  	s7 =	sld [smem:$0x3F97]  }
0x1a: {  	s8 =	sadd.s32 $0xFFFFE003, lr  }
0x1b: {  	s9 =	sadd.s32 $0xFFFFFEF7, lr;
	s5 =	simm.s32 $0xFFFFFFFF;
	p2 =	slt.u32 s8, $0xFFFFF086  }
0x1c: {  	p1 =	slt.u32 s9, $0xF7A;
	s5 =	simm.s32 @!p2 $0x0  }
0x1d: {  	s5 =	simm.s32 @p1 $0x1;
	p0 =	seq.s32 s7, s2  }
0x1e: {  	s7 =	smul.u32 @!p0 $0xF7A, s2;
	p2 =	seq.s32 @!p0 s5, $0x0  }
0x1f: {  	s9 =	smul.u32 $0xF7A, s1;
	s8 =	simm.s32 @!p0 $0x1BF5;
	p2 =	por !p2, p0  }
0x20: {  	[sflag:s8] =	ssyncset.s32 @!p0 $0xFFFFF086;
	s6 =	sadd.s32 @!p0 s3, s7;
	s7 =	simm.s32 @!p0 $0x108  }
0x21: {  	s3 =	sadd.s32 s3, s9;
	s6 =	sadd.s32 @!p0 $0x88, s6;
	s7 =	simm.s32 @p2 $0x1082  }
0x22: {  	[simem:s7], [sflag:s8] =	dma.local @!p0 [hbm:s6], $0xF7A  }
0x23: {  	s9 =	sor.u32 $0xD0000000, s2;
	s6 =	simm.s32 $0x108;
	_ =	swait.ge @!p0 [sflag:s8], $0x0  }
0x24: {  	s3 =	sadd.s32 $0x88, s3;
	s6 =	simm.s32 @!p1 $0x1082;
	[sflag:s4] =	ssyncset.s32 $0xFFFFF086  }
0x25: {  	[simem:s6], [sflag:s4] =	dma.local [hbm:s3], $0xF7A  }
0x26: {  	[smem:$0x3F97] =	sst s1;
	(tag) =	ssettag s2;
	_ =	strace s9  }
0x27: {  	s1 =	sld [smem:$0x3FA7]  }
0x28: {  	s2 =	sld [smem:$0x3FA8]  }
0x29: {  	s4 =	sld [smem:$0x3FAA]  }
0x2a: {  	p0 =	seq.s32 s5, $0x0;
	s5 =	sld [smem:$0x3FAB]  }
0x2b: {  	s6 =	sld [smem:$0x3FAC]  }
0x2c: {  	s7 =	sld [smem:$0x3FAD]  }
0x2d: {  	s3 =	simm.s32 $0x108;
	s8 =	sld [smem:$0x3FAE]  }
0x2e: {  	s3 =	simm.s32 @!p0 $0x1082;
	s9 =	sld [smem:$0x3FAF]  }
0x2f: {  	lr =	sadd.s32 s0, s3;
	s0 =	sld [smem:$0x3FA6]  }
0x30: {  	s3 =	sld [smem:$0x3FA9]  }
0x31: {  	[smem:$0x3FB2] =	sst s10  }
0x32: {  	s10 =	sld [smem:$0x3FB0];
	_ =	sdelay $0x3  }
0x33: {  	p0 =	seq.s32 s10, $0x1;
	s10 =	sld [smem:$0x3FB2];
	_ =	sdelay $0x3  }
0x34: {  	[smem:$0x3FB2] =	sst s10  }
0x35: {  	s10 =	sld [smem:$0x3FB1];
	_ =	sdelay $0x3  }
0x36: {  	p1 =	seq.s32 s10, $0x1;
	s10 =	sld [smem:$0x3FB2];
	_ =	sdelay $0x3  }
0x37: {  	[smem:$0x3FB2] =	sst s10  }
0x38: {  	s10 =	sld [smem:$0x3FB3]  }
0x39: {  	_ = 	snop;
	(pc) =	sbr.ind lr, $3  }
0x3a: {  	_ = 	snop  }
0x3b: {  	_ = 	snop  }
0x3c: {  	p2 =	seq.s32 s10, $0x1;
	s10 =	sld [smem:$0x3FB2]  }
0x3d: {  	_ =	shalt  }
0x3e: {  	_ =	shalt  }
0x3f: {  	_ =	shalt  }
0x40: {  	_ =	shalt  }
0x41: {  	_ =	shalt  }
0x42: {  	_ =	shalt  }
0x43: {  	_ =	shalt  }
0x44: {  	_ =	shalt  }
0x45: {  	_ =	shalt  }
0x46: {  	_ =	shalt  }
0x47: {  	_ =	shalt  }
0x48: {  	_ =	shalt  }
0x49: {  	_ =	shalt  }
0x4a: {  	_ =	shalt  }
0x4b: {  	_ =	shalt  }
0x4c: {  	_ =	shalt  }
0x4d: {  	_ =	shalt  }
0x4e: {  	_ =	shalt  }
0x4f: {  	_ =	shalt  }
0x50: {  	_ =	shalt  }
0x51: {  	_ =	shalt  }
0x52: {  	_ =	shalt  }
0x53: {  	_ =	shalt  }
0x54: {  	_ =	shalt  }
0x55: {  	_ =	shalt  }
0x56: {  	_ =	shalt  }
0x57: {  	_ =	shalt  }
0x58: {  	_ =	shalt  }
0x59: {  	_ =	shalt  }
0x5a: {  	_ =	shalt  }
0x5b: {  	_ =	shalt  }
0x5c: {  	_ =	shalt  }
0x5d: {  	_ =	shalt  }
0x5e: {  	_ =	shalt  }
0x5f: {  	_ =	shalt  }
0x60: {  	_ =	shalt  }
0x61: {  	_ =	shalt  }
0x62: {  	_ =	shalt  }
0x63: {  	_ =	shalt  }
0x64: {  	_ =	shalt  }
0x65: {  	_ =	shalt  }
0x66: {  	_ =	shalt  }
0x67: {  	_ =	shalt  }
0x68: {  	_ =	shalt  }
0x69: {  	_ =	shalt  }
0x6a: {  	_ =	shalt  }
0x6b: {  	_ =	shalt  }
0x6c: {  	_ =	shalt  }
0x6d: {  	_ =	shalt  }
0x6e: {  	_ =	shalt  }
0x6f: {  	_ =	shalt  }
0x70: {  	_ =	shalt  }
0x71: {  	_ =	shalt  }
0x72: {  	_ =	shalt  }
0x73: {  	_ =	shalt  }
0x74: {  	_ =	shalt  }
0x75: {  	_ =	shalt  }
0x76: {  	_ =	shalt  }
0x77: {  	_ =	shalt  }
0x78: {  	_ =	shalt  }
0x79: {  	_ =	shalt  }
0x7a: {  	_ =	shalt  }
0x7b: {  	_ =	shalt  }
0x7c: {  	_ =	shalt  }
0x7d: {  	_ =	shalt  }
0x7e: {  	_ =	shalt  }
0x7f: {  	_ =	shalt  }
0x80: {  	_ =	shalt  }
0x81: {  	_ =	shalt  }
0x82: {  	_ =	shalt  }
0x83: {  	_ =	shalt  }
0x84: {  	_ =	shalt  }
0x85: {  	_ =	shalt  }
0x86: {  	_ =	shalt  }
0x87: {  	_ =	shalt  }
.Lfunc_end0:
.L_simem_size_0:
called_computation.2_lowered:
.L_overlay_start_0:
0x88: {  	s2 =	sld [smem:$0x3FD9]  }
0x89: {  	s3 =	sld [smem:$0x3FFE];
	_ =	sdelay $0x1  }
0x8a: {  	s1 =	srdreg.scid  }
0x8b: {  	s0 =	sand.u32 $0x1, s1  }
0x8c: {  	s17 =	sshll.u32 s0, $0xA;
	s2 =	sadd.s32 s3, s2  }
0x8d: {  	s2 =	sadd.s32 s2, s17  }
0x8e: {  	[smem:$0x3FBE] =	sst s2  }
0x8f: {  	_ = 	snop  }
0x90: {  	s2 =	sld [smem:$0x3FD0];
	(tm) =	ssettm $0x1  }
0x91: {  	s18 =	sld [smem:$0x3FFB];
	_ =	sdelay $0x3  }
0x92: {  	_ =	strace s18  }
0x93: {  	s3 =	sld [smem:$0x3FFC];
	_ =	sdelay $0x3  }
0x94: {  	_ =	strace s3  }
0x95: {  	s3 =	sld [smem:$0x3FFD];
	_ =	sdelay $0x3  }
0x96: {  	_ =	strace s3  }
0x97: {  	_ =	strace $0x8FFFFFFF  }
0x98: {  	s19 =	sld [smem:$0x3FDB];
	_ =	sdelay $0x1  }
0x99: {  	s4 =	simm.s32 $_scs_section_size  }
0x9a: {  	s5 =	simm.s32 $_size__tile_overlayer_lowered;
	s6 =	simm.s32 $_tile_overlayer_lowered  }
0x9b: {  	s22 =	simm.s32 $0x1BFF;
	s21 =	sshll.u32 s6, $0x1;
	s3 =	sadd.s32 s4, s19  }
0x9c: {  	s7 =	simm.s32 $0x0;
	s20 =	sshll.u32 s5, $0x1;
	s5 =	sadd.s32 s21, s3  }
0x9d: {  	[timem:s7], [sflag:s22] =	dma.local [hbm:s5], s20  }
0x9e: {  	_ =	swait.ge [sflag:s22], s20  }
0x9f: {  	s4 =	ssub.s32 $0x0, s20;
	[sflag:s22] =	ssyncset.done $0x0  }
0xa0: {  	[sflag:s22] =	ssyncadd.s32 s4;
	_ =	sdelay $0x1  }
0xa1: {  	s23 =	simm.s32 $0x1B8B  }
0xa2: {  	_ =	swait.ge [sflag:s23], $0x1  }
0xa3: {  	[sflag:s23] =	ssyncset.done $0x0  }
0xa4: {  	s25 =	simm.s32 $0x1B8E;
	s24 =	sld [smem:$0x3FFE];
	[sflag:s23] =	ssyncadd.s32 $0xFFFFFFFF  }
0xa5: {  	s26 =	simm.s32 $execute0_lowered;
	[smem:$0x3FD2] =	sst s25  }
0xa6: {  	s5 =	sshll.u32 s26, $0x1;
	_ =	strace $0x8000004C;
	[dreg:$0x1] =	wrdreg $0xFFFFFFFF  }
0xa7: {  	s28 =	simm.s32 $_size_execute0_lowered;
	s3 =	sadd.s32 s3, s5;
	[dreg:$0x0] =	wrdreg $0x0  }
0xa8: {  	s5 =	sshll.u32 s28, $0x1;
	[dreg:$0x2] =	wrdreg s3  }
0xa9: {  	[dreg:$0x3] =	wrdreg s5  }
0xaa: {  	[dreg:$0x4] =	wrdreg $0xC0  }
0xab: {  	_ =	task [dreg:s7], $0x5FFFF  }
0xac: {  	[dreg:$0x1] =	wrdreg $0xFFFFFFFF  }
0xad: {  	[dreg:$0x0] =	wrdreg $0x60  }
0xae: {  	[dreg:$0x2] =	wrdreg s24  }
0xaf: {  	[dreg:$0x3] =	wrdreg s2  }
0xb0: {  	[dreg:$0x4] =	wrdreg $0x9  }
0xb1: {  	_ =	task.clear_ibuf [dreg:s7], $0x5FFFF;
	_ =	strace $0x9000004C  }
0xb2: {  	s29 =	simm.s32 $0x9;
	_ =	strace $0x8000004E  }
0xb3: {  	_ =	swait.ge [sflag:s29], $0x1  }
0xb4: {  	[sflag:s29] =	ssyncadd.s32 $0xFFFFFFFF  }
0xb5: {  	_ =	strace $0x9000004E  }
0xb6: {  	_ =	sfence  }
0xb7: {  	s30 =	sld [smem:$0x0];
	_ =	sdelay $0x2  }
0xb8: {  	s31 =	sshll.u32 s1, $0xD;
	s1 =	sshrl.u32 s1, $0x2  }
0xb9: {  	s3 =	sand.u32 $0x4000, s31;
	s1 =	sadd.s32 s1, s30  }
0xba: {  	s0 =	sor.u32 s3, s0;
	s1 =	sshll.u32 s1, $0x11  }
0xbb: {  	s0 =	sor.u32 s1, s0  }
0xbc: {  	s0 =	sadd.s32 $0x8F2B, s0  }
0xbd: {  	[sflag:s0] =	ssyncadd.remote.s32 $0x1  }
0xbe: {  	_ =	sfence.sel $0xFFFF  }
0xbf: {  	[dreg:$0x0] =	wrdreg $0xFFFFFFFF;
	(pc) =	sbr.abs _section_cstart, $3  }
0xc0: {  	[dreg:$0x1] =	wrdreg $0xFFFFFFFF  }
0xc1: {  	_ =	task.clear_ibuf [dreg:s7], $0x2FFFF;
	_ =	strace $0x9FFFFFFF  }
0xc2: {  	(tm) =	ssettm $0x7FFFFFFF  }
0xc3: {  	_ =	shalt  }
tec
execute0_lowered:
.L_overlay_start_1:
0x0: {  	(tag) =	ssettag $0x1  }
0x1: {  	s0 =	rddreg [dreg:$0x0]  }
0x2: {  	s1 =	rddreg [dreg:$0x1];
	s2 =	srdreg.scid  }
0x3: {  	s3 =	simm.s32 $0x0;
	s5 =	stileid.u32;
	s15 =	simm.s32 $0x5  }
0x4: {  	s16 =	simm.s32 $0x100;
	s17 =	simm.s32 $0x80;
	s18 =	simm.s32 $0x200  }
0x5: {  	s19 =	simm.s32 $0x8200;
	s20 =	simm.s32 $0x180;
	s21 =	simm.s32 $0x4200  }
0x6: {  	s22 =	simm.s32 $0xC200;
	s23 =	simm.s32 $0x1;
	s24 =	simm.s32 $0x2  }
0x7: {  	s25 =	simm.s32 $0x3;
	s26 =	simm.s32 $0x4;
	s2 =	sand.u32 $0x1, s2  }
0x8: {  	s28 =	simm.s32 $0x0;
	[smem:$0x7FF] =	sst s3;
	s4 =	sshll.u32 s2, $0x4  }
0x9: {  	s7 =	sadd.s32 $0x18A00, s0;
	s9 =	sadd.s32 $0x112C00, s0;
	s8 =	sor.u32 s5, s4  }
0xa: {  	_ =	strace $0x8000004D;
	s2 =	ssub.s32 $0x2, s2;
	s6 =	smul.u32 $0x2880, s8  }
0xb: {  	s4 =	sadd.s32 $0x3E00, s0;
	s29 =	sshrl.u32 s2, $0x1;
	s8 =	smul.u32 $0x144000, s8  }
0xc: {  	s5 =	sadd.s32 $0xE000, s0;
	s0 =	ssub.s32 s2, s29;
	s10 =	sshrl.u32 s6, $0x3  }
0xd: {  	s14 =	smax.u32 s0, $0x1;
	s31 =	sshrl.u32 s8, $0x3;
	s30 =	sadd.s32 s4, s10  }
0xe: {  	s10 =	sadd.s32 s5, s10;
	s2 =	sadd.s32 s9, s31;
	[dreg:$0x3] =	wrdreg s30  }
0xf: {  	s12 =	sadd.s32 $0x100, s6;
	[dreg:$0x4] =	wrdreg s10;
	s13 =	sadd.s32 $0x28000, s2  }
.LBB2_1:
0x10: {  	s0 =	rddreg [dreg:$0x3]  }
0x11: {  	[tilespmem:s3], [sflag:$0x5] =	stream.linear.gather [hbm4b:s0+s3], $0x80, $0x38;
	[tilespmem:$0x10200] =	vst v63  }
0x12: {  	_ =	swait.ge [sflag:s15], $0x80  }
0x13: {  	[sflag:s15] =	ssyncset.done $0x0  }
0x14: {  	s31 =	rddreg [dreg:$0x4];
	[sflag:s15] =	ssyncadd.s32 $0xFFFFFF80  }
0x15: {  	[tilespmem:s16], [sflag:$0x5] =	stream.linear.gather [hbm4b:s31+s3], $0x80, $0x38;
	[tilespmem:$0x10200] =	vst v63  }
0x16: {  	_ =	swait.ge [sflag:s15], $0x80  }
0x17: {  	[sflag:s15] =	ssyncset.done $0x0  }
0x18: {  	[sflag:s15] =	ssyncadd.s32 $0xFFFFFF80  }
0x19: {  	[tilespmem:s18], [sflag:$0x1] =	stream.indirect.gather [hbm4b:s1+s17], $0x80, s3, s17, $0xb8;
	[tilespmem:$0x10200] =	vst v63  }
0x1a: {  	s29 =	simm.s32 $0x0  }
0x1b: {  	[tilespmem:s19], [sflag:$0x2] =	stream.indirect.gather [hbm4b:s7+s17], $0x80, s16, s17, $0xb8;
	[tilespmem:$0x10200] =	vst v63  }
.LBB2_2:
0x1c: {  	s31 =	sshll.u32 s29, $0x8  }
0x1d: {  	s0 =	sadd.s32 s31, s6  }
0x1e: {  	s30 =	sadd.s32 $0x80, s0  }
0x1f: {  	s0 =	sshrl.u32 s30, $0x3  }
0x20: {  	s10 =	simm.s32 $0x0;
	s2 =	sadd.s32 s4, s0  }
0x21: {  	[tilespmem:s17], [sflag:$0x5] =	stream.linear.gather [hbm4b:s2+s10], $0x80, $0x38;
	[tilespmem:$0x10200] =	vst v63  }
0x22: {  	_ =	swait.ge [sflag:s15], $0x80  }
0x23: {  	[sflag:s15] =	ssyncset.done $0x0  }
0x24: {  	s0 =	sadd.s32 s5, s0;
	[sflag:s15] =	ssyncadd.s32 $0xFFFFFF80  }
0x25: {  	[tilespmem:s20], [sflag:$0x5] =	stream.linear.gather [hbm4b:s0+s10], $0x80, $0x38;
	[tilespmem:$0x10200] =	vst v63  }
0x26: {  	_ =	swait.ge [sflag:s15], $0x80  }
0x27: {  	[sflag:s15] =	ssyncset.done $0x0  }
0x28: {  	[sflag:s15] =	ssyncadd.s32 $0xFFFFFF80  }
0x29: {  	[tilespmem:s21], [sflag:$0x3] =	stream.indirect.gather [hbm4b:s1+s17], $0x80, s17, s17, $0xb8;
	[tilespmem:$0x10200] =	vst v63  }
0x2a: {  	_ = 	snop  }
0x2b: {  	[tilespmem:s22], [sflag:$0x4] =	stream.indirect.gather [hbm4b:s7+s17], $0x80, s20, s17, $0xb8;
	[tilespmem:$0x10200] =	vst v63  }
0x2c: {  	_ =	swait.ge [sflag:s23], $0x4000  }
0x2d: {  	[sflag:s23] =	ssyncset.done $0x0  }
0x2e: {  	[sflag:s23] =	ssyncadd.s32 $0xFFFFC000  }
0x2f: {  	_ =	swait.ge [sflag:s24], $0x4000  }
0x30: {  	[sflag:s24] =	ssyncset.done $0x0  }
0x31: {  	s2 =	simm.s32 $0x0;
	[sflag:s24] =	ssyncadd.s32 $0xFFFFC000  }
0x32: {  	v0 =	vld [tilespmem:s2+$0x8270]  }
0x33: {  	v1 =	vld [tilespmem:s2+$0x8260]  }
0x34: {  	v2 =	vld [tilespmem:s2+$0x270]  }
0x35: {  	v3 =	vld [tilespmem:s2+$0x260]  }
0x36: {  	v4 =	vld [tilespmem:s2+$0x8210]  }
0x37: {  	v5 =	vld [tilespmem:s2+$0x8250]  }
0x38: {  	v6 =	vld [tilespmem:s2+$0x8200]  }
0x39: {  	v7 =	vld [tilespmem:s2+$0x250]  }
0x3a: {  	v8 =	vld [tilespmem:s2+$0x8220];
	v0 =	vadd.f32 v0, v2  }
0x3b: {  	v9 =	vld [tilespmem:s2+$0x8240]  }
0x3c: {  	v11 =	vld [tilespmem:s2+$0x8230];
	v10 =	vmin.f32 v0, $0.0e+00  }
0x3d: {  	v12 =	vld [tilespmem:s2+$0x220];
	v1 =	vadd.f32 v1, v3;
	v10 =	vmul.f32 $2.000000030e-01, v10  }
0x3e: {  	v3 =	vld [tilespmem:s2+$0x210];
	v0 =	vmax.f32 v0, $0.0e+00  }
0x3f: {  	s0 =	simm.s32 $0x80;
	v2 =	vld [tilespmem:s2+$0x200];
	v0 =	vadd.f32 v10, v0;
	v10 =	vmin.f32 v1, $0.0e+00  }
0x40: {  	v13 =	vld [tilespmem:s0+$0x8270];
	v10 =	vmul.f32 $2.000000030e-01, v10  }
0x41: {  	v14 =	vld [tilespmem:s0+$0x8260];
	[tilespmem:s2+$0x270] =	vst v0;
	v0 =	vmax.f32 v1, $0.0e+00;
	v1 =	vadd.f32 v5, v7  }
0x42: {  	v7 =	vld [tilespmem:s2+$0x230];
	v0 =	vadd.f32 v10, v0  }
0x43: {  	v4 =	vadd.f32 v4, v3;
	v15 =	vld [tilespmem:s0+$0x270];
	v5 =	vmin.f32 v1, $0.0e+00  }
0x44: {  	v6 =	vadd.f32 v6, v2;
	v10 =	vld [tilespmem:s2+$0x240];
	[tilespmem:s2+$0x260] =	vst v0;
	v5 =	vmul.f32 $2.000000030e-01, v5  }
0x45: {  	v17 =	vmin.f32 v4, $0.0e+00;
	v1 =	vmax.f32 v1, $0.0e+00;
	v16 =	vld [tilespmem:s0+$0x260]  }
0x46: {  	v0 =	vld [tilespmem:s0+$0x8210];
	v1 =	vadd.f32 v5, v1;
	v5 =	vadd.f32 v8, v12;
	v8 =	vmin.f32 v6, $0.0e+00  }
0x47: {  	v18 =	vmax.f32 v4, $0.0e+00;
	v2 =	vld [tilespmem:s0+$0x8250];
	v12 =	vmax.f32 v6, $0.0e+00;
	v8 =	vmul.f32 $2.000000030e-01, v8  }
0x48: {  	v3 =	vld [tilespmem:s0+$0x8200];
	v7 =	vadd.f32 v11, v7;
	v15 =	vadd.f32 v13, v15;
	[tilespmem:s2+$0x250] =	vst v1;
	v1 =	vmin.f32 v5, $0.0e+00  }
0x49: {  	v4 =	vmax.f32 v5, $0.0e+00;
	v6 =	vld [tilespmem:s0+$0x250];
	v12 =	vadd.f32 v8, v12;
	v11 =	vmul.f32 $2.000000030e-01, v1  }
0x4a: {  	v13 =	vmin.f32 v7, $0.0e+00;
	v5 =	vld [tilespmem:s0+$0x8220];
	v8 =	vadd.f32 v9, v10;
	v10 =	vadd.f32 v14, v16  }
0x4b: {  	v1 =	vld [tilespmem:s0+$0x8240];
	v16 =	vmul.f32 $2.000000030e-01, v17;
	v14 =	vmax.f32 v15, $0.0e+00;
	[tilespmem:s2+$0x200] =	vst v12;
	v17 =	vadd.f32 v11, v4  }
0x4c: {  	v15 =	vmin.f32 v15, $0.0e+00;
	v12 =	vmin.f32 v8, $0.0e+00;
	v9 =	vld [tilespmem:s0+$0x200];
	v11 =	vmin.f32 v10, $0.0e+00  }
0x4d: {  	s10 =	simm.s32 $0x400;
	v15 =	vmul.f32 $2.000000030e-01, v15;
	v4 =	vld [tilespmem:s0+$0x8230];
	v16 =	vadd.f32 v16, v18;
	v11 =	vmul.f32 $2.000000030e-01, v11;
	[tilespmem:s2+$0x220] =	vst v17  }
.LBB2_3:
0x4e: {  	s11 =	sshra.s32 s10, $0x2;
	p0 =	sne.s32 s10, $0xFE00;
	s10 =	sadd.s32 $0x200, s10;
	v17 =	vld [tilespmem:s0+$0x220];
	v10 =	vmax.f32 v10, $0.0e+00;
	v13 =	vmul.f32 $2.000000030e-01, v13;
	v12 =	vmul.f32 $2.000000030e-01, v12  }
0x4f: {  	v7 =	vmax.f32 v7, $0.0e+00;
	v8 =	vmax.f32 v8, $0.0e+00;
	v18 =	vld [tilespmem:s11+$0x8270];
	v14 =	vadd.f32 v15, v14;
	[tilespmem:s2+$0x210] =	vst v16  }
0x50: {  	v10 =	vadd.f32 v11, v10;
	v15 =	vld [tilespmem:s0+$0x210];
	v7 =	vadd.f32 v13, v7  }
0x51: {  	v2 =	vadd.f32 v2, v6;
	v6 =	vadd.f32 v12, v8;
	v11 =	vld [tilespmem:s11+$0x8260];
	[tilespmem:s0+$0x270] =	vst v14  }
0x52: {  	v3 =	vadd.f32 v3, v9;
	v12 =	vld [tilespmem:s11+$0x270];
	[tilespmem:s2+$0x230] =	vst v7  }
0x53: {  	v8 =	vmin.f32 v2, $0.0e+00;
	v5 =	vadd.f32 v5, v17;
	v7 =	vld [tilespmem:s0+$0x230];
	[tilespmem:s2+$0x240] =	vst v6;
	s2 =	smov.u32 s0;
	s0 =	smov.u32 s11  }
0x54: {  	v8 =	vmul.f32 $2.000000030e-01, v8;
	v6 =	vmin.f32 v3, $0.0e+00;
	v9 =	vld [tilespmem:s2+$0x240];
	[tilespmem:s2+$0x260] =	vst v10  }
0x55: {  	v2 =	vmax.f32 v2, $0.0e+00;
	v13 =	vmul.f32 $2.000000030e-01, v6;
	v10 =	vld [tilespmem:s0+$0x260];
	v6 =	vadd.f32 v0, v15  }
0x56: {  	v8 =	vadd.f32 v8, v2;
	v14 =	vmin.f32 v5, $0.0e+00;
	v0 =	vld [tilespmem:s0+$0x8210]  }
0x57: {  	v15 =	vmax.f32 v3, $0.0e+00;
	v2 =	vld [tilespmem:s0+$0x8250];
	v16 =	vmin.f32 v6, $0.0e+00  }
0x58: {  	v19 =	vmax.f32 v5, $0.0e+00;
	v17 =	vmax.f32 v6, $0.0e+00;
	v3 =	vld [tilespmem:s0+$0x8200];
	v7 =	vadd.f32 v4, v7;
	[tilespmem:s2+$0x250] =	vst v8  }
.Ltmp0:
0x59: {  	v4 =	vadd.f32 v13, v15;
	v13 =	vmul.f32 $2.000000030e-01, v14;
	v6 =	vld [tilespmem:s0+$0x250];
	v8 =	vadd.f32 v1, v9;
	(pc) =	sbr.rel @p0 .LBB2_3-.Ltmp0, $4  }
0x5a: {  	v16 =	vmul.f32 $2.000000030e-01, v16;
	v5 =	vld [tilespmem:s0+$0x8220];
	v10 =	vadd.f32 v11, v10;
	v11 =	vadd.f32 v18, v12  }
0x5b: {  	v18 =	vadd.f32 v13, v19;
	v13 =	vmin.f32 v7, $0.0e+00;
	v1 =	vld [tilespmem:s0+$0x8240];
	[tilespmem:s2+$0x200] =	vst v4;
	v12 =	vmin.f32 v8, $0.0e+00  }
0x5c: {  	v9 =	vld [tilespmem:s0+$0x200];
	v15 =	vmin.f32 v10, $0.0e+00;
	v14 =	vmax.f32 v11, $0.0e+00;
	v19 =	vmin.f32 v11, $0.0e+00  }
0x5d: {  	v16 =	vadd.f32 v16, v17;
	v4 =	vld [tilespmem:s0+$0x8230];
	v11 =	vmul.f32 $2.000000030e-01, v15;
	v15 =	vmul.f32 $2.000000030e-01, v19;
	[tilespmem:s2+$0x220] =	vst v18  }
0x5e: {  	v13 =	vmul.f32 $2.000000030e-01, v13  }
0x5f: {  	v7 =	vmax.f32 v7, $0.0e+00;
	v12 =	vmul.f32 $2.000000030e-01, v12;
	v14 =	vadd.f32 v15, v14  }
0x60: {  	v17 =	vld [tilespmem:s0+$0x220];
	v8 =	vmax.f32 v8, $0.0e+00;
	[tilespmem:s2+$0x210] =	vst v16;
	v7 =	vadd.f32 v13, v7  }
0x61: {  	v8 =	vadd.f32 v12, v8;
	[tilespmem:s0+$0x270] =	vst v14  }
0x62: {  	v2 =	vadd.f32 v2, v6;
	v15 =	vld [tilespmem:s0+$0x210];
	[tilespmem:s2+$0x230] =	vst v7  }
0x63: {  	v3 =	vadd.f32 v3, v9;
	v7 =	vmax.f32 v10, $0.0e+00;
	v6 =	vld [tilespmem:s0+$0x230];
	[tilespmem:s2+$0x240] =	vst v8  }
0x64: {  	v7 =	vadd.f32 v11, v7;
	v8 =	vmin.f32 v2, $0.0e+00;
	v9 =	vld [tilespmem:s0+$0x240]  }
0x65: {  	v5 =	vadd.f32 v5, v17;
	v10 =	vmin.f32 v3, $0.0e+00;
	v8 =	vmul.f32 $2.000000030e-01, v8  }
0x66: {  	v2 =	vmax.f32 v2, $0.0e+00;
	v3 =	vmax.f32 v3, $0.0e+00;
	v10 =	vmul.f32 $2.000000030e-01, v10  }
0x67: {  	v0 =	vadd.f32 v0, v15;
	v11 =	vmin.f32 v5, $0.0e+00;
	v2 =	vadd.f32 v8, v2  }
0x68: {  	v5 =	vmax.f32 v5, $0.0e+00;
	v3 =	vadd.f32 v10, v3;
	v4 =	vadd.f32 v4, v6  }
0x69: {  	v8 =	vmin.f32 v0, $0.0e+00;
	v6 =	vmul.f32 $2.000000030e-01, v11;
	v1 =	vadd.f32 v1, v9  }
0x6a: {  	[tilespmem:s0+$0x260] =	vst v7;
	v0 =	vmax.f32 v0, $0.0e+00;
	v7 =	vmul.f32 $2.000000030e-01, v8;
	v8 =	vmin.f32 v4, $0.0e+00  }
0x6b: {  	[tilespmem:s0+$0x250] =	vst v2;
	v2 =	vadd.f32 v6, v5;
	v5 =	vmin.f32 v1, $0.0e+00;
	v6 =	vmul.f32 $2.000000030e-01, v8  }
0x6c: {  	[tilespmem:s0+$0x200] =	vst v3;
	v0 =	vadd.f32 v7, v0;
	v4 =	vmax.f32 v4, $0.0e+00;
	v3 =	vmul.f32 $2.000000030e-01, v5  }
0x6d: {  	s11 =	sshll.u32 s29, $0xF;
	v1 =	vmax.f32 v1, $0.0e+00;
	[tilespmem:s0+$0x220] =	vst v2;
	v2 =	vadd.f32 v6, v4  }
0x6e: {  	s2 =	sadd.s32 s8, s11;
	[tilespmem:s0+$0x210] =	vst v0;
	v0 =	vadd.f32 v3, v1  }
0x6f: {  	s2 =	sshrl.u32 s2, $0x3;
	[tilespmem:s0+$0x230] =	vst v2  }
0x70: {  	s11 =	simm.s32 $0x0;
	s10 =	sadd.s32 s9, s2;
	[tilespmem:s0+$0x240] =	vst v0  }
0x71: {  	[hbm4b:s10+s11] =	stream.linear.scatter [tilespmem:s18], [sflag:$0x5], $0x4000, $0x38;
	[tilespmem:$0x10200] =	vst v63  }
0x72: {  	s31 =	sadd.s32 s31, s12;
	_ =	swait.ge [sflag:s15], $0x4000  }
0x73: {  	s0 =	sshrl.u32 s31, $0x3;
	[sflag:s15] =	ssyncset.done $0x0  }
0x74: {  	s10 =	sadd.s32 s4, s0;
	[sflag:s15] =	ssyncadd.s32 $0xFFFFC000  }
0x75: {  	[tilespmem:s11], [sflag:$0x5] =	stream.linear.gather [hbm4b:s10+s11], $0x80, $0x38;
	[tilespmem:$0x10200] =	vst v63  }
0x76: {  	_ =	swait.ge [sflag:s15], $0x80  }
0x77: {  	[sflag:s15] =	ssyncset.done $0x0  }
0x78: {  	s0 =	sadd.s32 s5, s0;
	[sflag:s15] =	ssyncadd.s32 $0xFFFFFF80  }
0x79: {  	[tilespmem:s16], [sflag:$0x5] =	stream.linear.gather [hbm4b:s0+s11], $0x80, $0x38;
	[tilespmem:$0x10200] =	vst v63  }
0x7a: {  	_ =	swait.ge [sflag:s15], $0x80  }
0x7b: {  	[sflag:s15] =	ssyncset.done $0x0  }
0x7c: {  	[sflag:s15] =	ssyncadd.s32 $0xFFFFFF80  }
0x7d: {  	[tilespmem:s18], [sflag:$0x1] =	stream.indirect.gather [hbm4b:s1+s17], $0x80, s11, s17, $0xb8;
	[tilespmem:$0x10200] =	vst v63  }
0x7e: {  	_ = 	snop  }
0x7f: {  	[tilespmem:s19], [sflag:$0x2] =	stream.indirect.gather [hbm4b:s7+s17], $0x80, s16, s17, $0xb8;
	[tilespmem:$0x10200] =	vst v63  }
0x80: {  	_ =	swait.ge [sflag:s25], $0x4000  }
0x81: {  	[sflag:s25] =	ssyncset.done $0x0  }
0x82: {  	[sflag:s25] =	ssyncadd.s32 $0xFFFFC000  }
0x83: {  	_ =	swait.ge [sflag:s26], $0x4000  }
0x84: {  	[sflag:s26] =	ssyncset.done $0x0  }
0x85: {  	s2 =	simm.s32 $0x0;
	[sflag:s26] =	ssyncadd.s32 $0xFFFFC000  }
0x86: {  	v0 =	vld [tilespmem:s2+$0xC270]  }
0x87: {  	v1 =	vld [tilespmem:s2+$0xC260]  }
0x88: {  	v2 =	vld [tilespmem:s2+$0x4270]  }
0x89: {  	v3 =	vld [tilespmem:s2+$0x4260]  }
0x8a: {  	v4 =	vld [tilespmem:s2+$0xC210]  }
0x8b: {  	v5 =	vld [tilespmem:s2+$0xC250]  }
0x8c: {  	v6 =	vld [tilespmem:s2+$0xC200]  }
0x8d: {  	v7 =	vld [tilespmem:s2+$0x4250]  }
0x8e: {  	v8 =	vld [tilespmem:s2+$0xC220];
	v0 =	vadd.f32 v0, v2  }
0x8f: {  	v9 =	vld [tilespmem:s2+$0xC240]  }
0x90: {  	v11 =	vld [tilespmem:s2+$0xC230];
	v10 =	vmin.f32 v0, $0.0e+00  }
0x91: {  	v12 =	vld [tilespmem:s2+$0x4220];
	v1 =	vadd.f32 v1, v3;
	v10 =	vmul.f32 $2.000000030e-01, v10  }
0x92: {  	v3 =	vld [tilespmem:s2+$0x4210];
	v0 =	vmax.f32 v0, $0.0e+00  }
0x93: {  	s0 =	simm.s32 $0x80;
	v2 =	vld [tilespmem:s2+$0x4200];
	v0 =	vadd.f32 v10, v0;
	v10 =	vmin.f32 v1, $0.0e+00  }
0x94: {  	v13 =	vld [tilespmem:s0+$0xC270];
	v10 =	vmul.f32 $2.000000030e-01, v10  }
0x95: {  	v14 =	vld [tilespmem:s0+$0xC260];
	[tilespmem:s2+$0x4270] =	vst v0;
	v0 =	vmax.f32 v1, $0.0e+00;
	v1 =	vadd.f32 v5, v7  }
0x96: {  	v7 =	vld [tilespmem:s2+$0x4230];
	v0 =	vadd.f32 v10, v0  }
0x97: {  	v4 =	vadd.f32 v4, v3;
	v15 =	vld [tilespmem:s0+$0x4270];
	v5 =	vmin.f32 v1, $0.0e+00  }
0x98: {  	v6 =	vadd.f32 v6, v2;
	v10 =	vld [tilespmem:s2+$0x4240];
	[tilespmem:s2+$0x4260] =	vst v0;
	v5 =	vmul.f32 $2.000000030e-01, v5  }
0x99: {  	v17 =	vmin.f32 v4, $0.0e+00;
	v1 =	vmax.f32 v1, $0.0e+00;
	v16 =	vld [tilespmem:s0+$0x4260]  }
0x9a: {  	v0 =	vld [tilespmem:s0+$0xC210];
	v1 =	vadd.f32 v5, v1;
	v5 =	vadd.f32 v8, v12;
	v8 =	vmin.f32 v6, $0.0e+00  }
0x9b: {  	v18 =	vmax.f32 v4, $0.0e+00;
	v2 =	vld [tilespmem:s0+$0xC250];
	v12 =	vmax.f32 v6, $0.0e+00;
	v8 =	vmul.f32 $2.000000030e-01, v8  }
0x9c: {  	v3 =	vld [tilespmem:s0+$0xC200];
	v7 =	vadd.f32 v11, v7;
	v15 =	vadd.f32 v13, v15;
	[tilespmem:s2+$0x4250] =	vst v1;
	v1 =	vmin.f32 v5, $0.0e+00  }
0x9d: {  	v4 =	vmax.f32 v5, $0.0e+00;
	v6 =	vld [tilespmem:s0+$0x4250];
	v12 =	vadd.f32 v8, v12;
	v11 =	vmul.f32 $2.000000030e-01, v1  }
0x9e: {  	v13 =	vmin.f32 v7, $0.0e+00;
	v5 =	vld [tilespmem:s0+$0xC220];
	v8 =	vadd.f32 v9, v10;
	v10 =	vadd.f32 v14, v16  }
0x9f: {  	v1 =	vld [tilespmem:s0+$0xC240];
	v16 =	vmul.f32 $2.000000030e-01, v17;
	v14 =	vmax.f32 v15, $0.0e+00;
	[tilespmem:s2+$0x4200] =	vst v12;
	v17 =	vadd.f32 v11, v4  }
0xa0: {  	v15 =	vmin.f32 v15, $0.0e+00;
	v12 =	vmin.f32 v8, $0.0e+00;
	v9 =	vld [tilespmem:s0+$0x4200];
	v11 =	vmin.f32 v10, $0.0e+00  }
0xa1: {  	s10 =	simm.s32 $0x400;
	v15 =	vmul.f32 $2.000000030e-01, v15;
	v4 =	vld [tilespmem:s0+$0xC230];
	v16 =	vadd.f32 v16, v18;
	v11 =	vmul.f32 $2.000000030e-01, v11;
	[tilespmem:s2+$0x4220] =	vst v17  }
.LBB2_5:
0xa2: {  	s11 =	sshra.s32 s10, $0x2;
	p0 =	sne.s32 s10, $0xFE00;
	s10 =	sadd.s32 $0x200, s10;
	v17 =	vld [tilespmem:s0+$0x4220];
	v10 =	vmax.f32 v10, $0.0e+00;
	v13 =	vmul.f32 $2.000000030e-01, v13;
	v12 =	vmul.f32 $2.000000030e-01, v12  }
0xa3: {  	v7 =	vmax.f32 v7, $0.0e+00;
	v8 =	vmax.f32 v8, $0.0e+00;
	v18 =	vld [tilespmem:s11+$0xC270];
	v14 =	vadd.f32 v15, v14;
	[tilespmem:s2+$0x4210] =	vst v16  }
0xa4: {  	v10 =	vadd.f32 v11, v10;
	v15 =	vld [tilespmem:s0+$0x4210];
	v7 =	vadd.f32 v13, v7  }
0xa5: {  	v2 =	vadd.f32 v2, v6;
	v6 =	vadd.f32 v12, v8;
	v11 =	vld [tilespmem:s11+$0xC260];
	[tilespmem:s0+$0x4270] =	vst v14  }
0xa6: {  	v3 =	vadd.f32 v3, v9;
	v12 =	vld [tilespmem:s11+$0x4270];
	[tilespmem:s2+$0x4230] =	vst v7  }
0xa7: {  	v8 =	vmin.f32 v2, $0.0e+00;
	v5 =	vadd.f32 v5, v17;
	v7 =	vld [tilespmem:s0+$0x4230];
	[tilespmem:s2+$0x4240] =	vst v6;
	s2 =	smov.u32 s0;
	s0 =	smov.u32 s11  }
0xa8: {  	v8 =	vmul.f32 $2.000000030e-01, v8;
	v6 =	vmin.f32 v3, $0.0e+00;
	v9 =	vld [tilespmem:s2+$0x4240];
	[tilespmem:s2+$0x4260] =	vst v10  }
0xa9: {  	v2 =	vmax.f32 v2, $0.0e+00;
	v13 =	vmul.f32 $2.000000030e-01, v6;
	v10 =	vld [tilespmem:s0+$0x4260];
	v6 =	vadd.f32 v0, v15  }
0xaa: {  	v8 =	vadd.f32 v8, v2;
	v14 =	vmin.f32 v5, $0.0e+00;
	v0 =	vld [tilespmem:s0+$0xC210]  }
0xab: {  	v15 =	vmax.f32 v3, $0.0e+00;
	v2 =	vld [tilespmem:s0+$0xC250];
	v16 =	vmin.f32 v6, $0.0e+00  }
0xac: {  	v19 =	vmax.f32 v5, $0.0e+00;
	v17 =	vmax.f32 v6, $0.0e+00;
	v3 =	vld [tilespmem:s0+$0xC200];
	v7 =	vadd.f32 v4, v7;
	[tilespmem:s2+$0x4250] =	vst v8  }
.Ltmp1:
0xad: {  	v4 =	vadd.f32 v13, v15;
	v13 =	vmul.f32 $2.000000030e-01, v14;
	v6 =	vld [tilespmem:s0+$0x4250];
	v8 =	vadd.f32 v1, v9;
	(pc) =	sbr.rel @p0 .LBB2_5-.Ltmp1, $4  }
0xae: {  	v16 =	vmul.f32 $2.000000030e-01, v16;
	v5 =	vld [tilespmem:s0+$0xC220];
	v10 =	vadd.f32 v11, v10;
	v11 =	vadd.f32 v18, v12  }
0xaf: {  	v18 =	vadd.f32 v13, v19;
	v13 =	vmin.f32 v7, $0.0e+00;
	v1 =	vld [tilespmem:s0+$0xC240];
	[tilespmem:s2+$0x4200] =	vst v4;
	v12 =	vmin.f32 v8, $0.0e+00  }
0xb0: {  	v9 =	vld [tilespmem:s0+$0x4200];
	v15 =	vmin.f32 v10, $0.0e+00;
	v14 =	vmax.f32 v11, $0.0e+00;
	v19 =	vmin.f32 v11, $0.0e+00  }
0xb1: {  	v16 =	vadd.f32 v16, v17;
	v4 =	vld [tilespmem:s0+$0xC230];
	v11 =	vmul.f32 $2.000000030e-01, v15;
	v15 =	vmul.f32 $2.000000030e-01, v19;
	[tilespmem:s2+$0x4220] =	vst v18  }
0xb2: {  	v13 =	vmul.f32 $2.000000030e-01, v13  }
0xb3: {  	v7 =	vmax.f32 v7, $0.0e+00;
	v12 =	vmul.f32 $2.000000030e-01, v12;
	v14 =	vadd.f32 v15, v14  }
0xb4: {  	v17 =	vld [tilespmem:s0+$0x4220];
	v8 =	vmax.f32 v8, $0.0e+00;
	[tilespmem:s2+$0x4210] =	vst v16;
	v7 =	vadd.f32 v13, v7  }
0xb5: {  	v8 =	vadd.f32 v12, v8;
	[tilespmem:s0+$0x4270] =	vst v14  }
0xb6: {  	v2 =	vadd.f32 v2, v6;
	v47 =	vld [tilespmem:s0+$0x4210];
	[tilespmem:s2+$0x4230] =	vst v7  }
0xb7: {  	v3 =	vadd.f32 v3, v9;
	v48 =	vld [tilespmem:s0+$0x4230];
	[tilespmem:s2+$0x4240] =	vst v8  }
0xb8: {  	v49 =	vmax.f32 v10, $0.0e+00;
	v50 =	vmin.f32 v2, $0.0e+00;
	v2 =	vmax.f32 v2, $0.0e+00;
	v51 =	vld [tilespmem:s0+$0x4240]  }
0xb9: {  	v5 =	vadd.f32 v5, v17;
	v52 =	vmin.f32 v3, $0.0e+00;
	v8 =	vmul.f32 $2.000000030e-01, v50  }
0xba: {  	v7 =	vadd.f32 v11, v49;
	v3 =	vmax.f32 v3, $0.0e+00;
	v10 =	vmul.f32 $2.000000030e-01, v52  }
0xbb: {  	v0 =	vadd.f32 v0, v47;
	v53 =	vmin.f32 v5, $0.0e+00;
	v2 =	vadd.f32 v8, v2  }
0xbc: {  	v5 =	vmax.f32 v5, $0.0e+00;
	v55 =	vmul.f32 $2.000000030e-01, v53;
	v4 =	vadd.f32 v4, v48  }
0xbd: {  	v3 =	vadd.f32 v10, v3;
	v54 =	vmin.f32 v0, $0.0e+00;
	v1 =	vadd.f32 v1, v51  }
0xbe: {  	[tilespmem:s0+$0x4260] =	vst v7;
	v0 =	vmax.f32 v0, $0.0e+00;
	v56 =	vmul.f32 $2.000000030e-01, v54;
	v57 =	vmin.f32 v4, $0.0e+00  }
0xbf: {  	[tilespmem:s0+$0x4250] =	vst v2;
	v58 =	vadd.f32 v55, v5;
	v59 =	vmin.f32 v1, $0.0e+00;
	v60 =	vmul.f32 $2.000000030e-01, v57  }
0xc0: {  	[tilespmem:s0+$0x4200] =	vst v3;
	v0 =	vadd.f32 v56, v0;
	v4 =	vmax.f32 v4, $0.0e+00;
	v61 =	vmul.f32 $2.000000030e-01, v59  }
0xc1: {  	[tilespmem:s0+$0x4220] =	vst v58;
	v1 =	vmax.f32 v1, $0.0e+00;
	v62 =	vadd.f32 v60, v4  }
0xc2: {  	s29 =	sadd.s32 $0x1, s29;
	[tilespmem:s0+$0x4210] =	vst v0;
	v63 =	vadd.f32 v61, v1  }
0xc3: {  	s30 =	sshll.u32 s30, $0x4;
	p0 =	sne.s32 s29, $0x28;
	[tilespmem:s0+$0x4230] =	vst v62  }
.Ltmp2:
0xc4: {  	s31 =	sadd.s32 s9, s30;
	[tilespmem:s0+$0x4240] =	vst v63;
	(pc) =	sbr.rel @p0 .LBB2_2-.Ltmp2, $4  }
0xc5: {  	[hbm4b:s31+s3] =	stream.linear.scatter [tilespmem:s21], [sflag:$0x5], $0x4000, $0x38;
	[tilespmem:$0x10200] =	vst v63  }
0xc6: {  	_ =	swait.ge [sflag:s15], $0x4000  }
0xc7: {  	[sflag:s15] =	ssyncset.done $0x0  }
0xc8: {  	[sflag:s15] =	ssyncadd.s32 $0xFFFFC000  }
0xc9: {  	_ =	swait.ge [sflag:s23], $0x4000  }
0xca: {  	[sflag:s23] =	ssyncset.done $0x0  }
0xcb: {  	[sflag:s23] =	ssyncadd.s32 $0xFFFFC000  }
0xcc: {  	_ =	swait.ge [sflag:s24], $0x4000  }
0xcd: {  	[sflag:s24] =	ssyncset.done $0x0  }
0xce: {  	s2 =	simm.s32 $0x0;
	[sflag:s24] =	ssyncadd.s32 $0xFFFFC000  }
0xcf: {  	v0 =	vld [tilespmem:s2+$0x8270]  }
0xd0: {  	v1 =	vld [tilespmem:s2+$0x8260]  }
0xd1: {  	v2 =	vld [tilespmem:s2+$0x270]  }
0xd2: {  	v3 =	vld [tilespmem:s2+$0x260]  }
0xd3: {  	v4 =	vld [tilespmem:s2+$0x8210]  }
0xd4: {  	v5 =	vld [tilespmem:s2+$0x8250]  }
0xd5: {  	v6 =	vld [tilespmem:s2+$0x8200]  }
0xd6: {  	v7 =	vld [tilespmem:s2+$0x250]  }
0xd7: {  	v8 =	vld [tilespmem:s2+$0x8220];
	v0 =	vadd.f32 v0, v2  }
0xd8: {  	v9 =	vld [tilespmem:s2+$0x8240]  }
0xd9: {  	v11 =	vld [tilespmem:s2+$0x8230];
	v10 =	vmin.f32 v0, $0.0e+00  }
0xda: {  	v12 =	vld [tilespmem:s2+$0x220];
	v1 =	vadd.f32 v1, v3;
	v10 =	vmul.f32 $2.000000030e-01, v10  }
0xdb: {  	v3 =	vld [tilespmem:s2+$0x210];
	v0 =	vmax.f32 v0, $0.0e+00  }
0xdc: {  	s0 =	simm.s32 $0x80;
	v2 =	vld [tilespmem:s2+$0x200];
	v0 =	vadd.f32 v10, v0;
	v10 =	vmin.f32 v1, $0.0e+00  }
0xdd: {  	v13 =	vld [tilespmem:s0+$0x8270];
	v10 =	vmul.f32 $2.000000030e-01, v10  }
0xde: {  	v14 =	vld [tilespmem:s0+$0x8260];
	[tilespmem:s2+$0x270] =	vst v0;
	v0 =	vmax.f32 v1, $0.0e+00;
	v1 =	vadd.f32 v5, v7  }
0xdf: {  	v7 =	vld [tilespmem:s2+$0x230];
	v0 =	vadd.f32 v10, v0  }
0xe0: {  	v4 =	vadd.f32 v4, v3;
	v15 =	vld [tilespmem:s0+$0x270];
	v5 =	vmin.f32 v1, $0.0e+00  }
0xe1: {  	v6 =	vadd.f32 v6, v2;
	v10 =	vld [tilespmem:s2+$0x240];
	[tilespmem:s2+$0x260] =	vst v0;
	v5 =	vmul.f32 $2.000000030e-01, v5  }
0xe2: {  	v17 =	vmin.f32 v4, $0.0e+00;
	v1 =	vmax.f32 v1, $0.0e+00;
	v16 =	vld [tilespmem:s0+$0x260]  }
0xe3: {  	v0 =	vld [tilespmem:s0+$0x8210];
	v1 =	vadd.f32 v5, v1;
	v5 =	vadd.f32 v8, v12;
	v8 =	vmin.f32 v6, $0.0e+00  }
0xe4: {  	v18 =	vmax.f32 v4, $0.0e+00;
	v2 =	vld [tilespmem:s0+$0x8250];
	v12 =	vmax.f32 v6, $0.0e+00;
	v8 =	vmul.f32 $2.000000030e-01, v8  }
0xe5: {  	v3 =	vld [tilespmem:s0+$0x8200];
	v7 =	vadd.f32 v11, v7;
	v15 =	vadd.f32 v13, v15;
	[tilespmem:s2+$0x250] =	vst v1;
	v1 =	vmin.f32 v5, $0.0e+00  }
0xe6: {  	v4 =	vmax.f32 v5, $0.0e+00;
	v6 =	vld [tilespmem:s0+$0x250];
	v12 =	vadd.f32 v8, v12;
	v11 =	vmul.f32 $2.000000030e-01, v1  }
0xe7: {  	v13 =	vmin.f32 v7, $0.0e+00;
	v5 =	vld [tilespmem:s0+$0x8220];
	v8 =	vadd.f32 v9, v10;
	v10 =	vadd.f32 v14, v16  }
0xe8: {  	v1 =	vld [tilespmem:s0+$0x8240];
	v16 =	vmul.f32 $2.000000030e-01, v17;
	v14 =	vmax.f32 v15, $0.0e+00;
	[tilespmem:s2+$0x200] =	vst v12;
	v17 =	vadd.f32 v11, v4  }
0xe9: {  	v15 =	vmin.f32 v15, $0.0e+00;
	v12 =	vmin.f32 v8, $0.0e+00;
	v9 =	vld [tilespmem:s0+$0x200];
	v11 =	vmin.f32 v10, $0.0e+00  }
0xea: {  	s10 =	simm.s32 $0x400;
	v15 =	vmul.f32 $2.000000030e-01, v15;
	v4 =	vld [tilespmem:s0+$0x8230];
	v16 =	vadd.f32 v16, v18;
	v11 =	vmul.f32 $2.000000030e-01, v11;
	[tilespmem:s2+$0x220] =	vst v17  }
.LBB2_8:
0xeb: {  	s11 =	sshra.s32 s10, $0x2;
	p0 =	sne.s32 s10, $0xFE00;
	s10 =	sadd.s32 $0x200, s10;
	v17 =	vld [tilespmem:s0+$0x220];
	v10 =	vmax.f32 v10, $0.0e+00;
	v13 =	vmul.f32 $2.000000030e-01, v13;
	v12 =	vmul.f32 $2.000000030e-01, v12  }
0xec: {  	v7 =	vmax.f32 v7, $0.0e+00;
	v8 =	vmax.f32 v8, $0.0e+00;
	v18 =	vld [tilespmem:s11+$0x8270];
	v14 =	vadd.f32 v15, v14;
	[tilespmem:s2+$0x210] =	vst v16  }
0xed: {  	v10 =	vadd.f32 v11, v10;
	v15 =	vld [tilespmem:s0+$0x210];
	v7 =	vadd.f32 v13, v7  }
0xee: {  	v2 =	vadd.f32 v2, v6;
	v6 =	vadd.f32 v12, v8;
	v11 =	vld [tilespmem:s11+$0x8260];
	[tilespmem:s0+$0x270] =	vst v14  }
0xef: {  	v3 =	vadd.f32 v3, v9;
	v12 =	vld [tilespmem:s11+$0x270];
	[tilespmem:s2+$0x230] =	vst v7  }
0xf0: {  	v8 =	vmin.f32 v2, $0.0e+00;
	v5 =	vadd.f32 v5, v17;
	v7 =	vld [tilespmem:s0+$0x230];
	[tilespmem:s2+$0x240] =	vst v6;
	s2 =	smov.u32 s0;
	s0 =	smov.u32 s11  }
0xf1: {  	v8 =	vmul.f32 $2.000000030e-01, v8;
	v6 =	vmin.f32 v3, $0.0e+00;
	v9 =	vld [tilespmem:s2+$0x240];
	[tilespmem:s2+$0x260] =	vst v10  }
0xf2: {  	v2 =	vmax.f32 v2, $0.0e+00;
	v13 =	vmul.f32 $2.000000030e-01, v6;
	v10 =	vld [tilespmem:s0+$0x260];
	v6 =	vadd.f32 v0, v15  }
0xf3: {  	v8 =	vadd.f32 v8, v2;
	v14 =	vmin.f32 v5, $0.0e+00;
	v0 =	vld [tilespmem:s0+$0x8210]  }
0xf4: {  	v15 =	vmax.f32 v3, $0.0e+00;
	v2 =	vld [tilespmem:s0+$0x8250];
	v16 =	vmin.f32 v6, $0.0e+00  }
0xf5: {  	v19 =	vmax.f32 v5, $0.0e+00;
	v17 =	vmax.f32 v6, $0.0e+00;
	v3 =	vld [tilespmem:s0+$0x8200];
	v7 =	vadd.f32 v4, v7;
	[tilespmem:s2+$0x250] =	vst v8  }
.Ltmp3:
0xf6: {  	v4 =	vadd.f32 v13, v15;
	v13 =	vmul.f32 $2.000000030e-01, v14;
	v6 =	vld [tilespmem:s0+$0x250];
	v8 =	vadd.f32 v1, v9;
	(pc) =	sbr.rel @p0 .LBB2_8-.Ltmp3, $4  }
0xf7: {  	v16 =	vmul.f32 $2.000000030e-01, v16;
	v5 =	vld [tilespmem:s0+$0x8220];
	v10 =	vadd.f32 v11, v10;
	v11 =	vadd.f32 v18, v12  }
0xf8: {  	v18 =	vadd.f32 v13, v19;
	v13 =	vmin.f32 v7, $0.0e+00;
	v1 =	vld [tilespmem:s0+$0x8240];
	[tilespmem:s2+$0x200] =	vst v4;
	v12 =	vmin.f32 v8, $0.0e+00  }
0xf9: {  	v9 =	vld [tilespmem:s0+$0x200];
	v15 =	vmin.f32 v10, $0.0e+00;
	v14 =	vmax.f32 v11, $0.0e+00;
	v19 =	vmin.f32 v11, $0.0e+00  }
0xfa: {  	v16 =	vadd.f32 v16, v17;
	v4 =	vld [tilespmem:s0+$0x8230];
	v11 =	vmul.f32 $2.000000030e-01, v15;
	v15 =	vmul.f32 $2.000000030e-01, v19;
	[tilespmem:s2+$0x220] =	vst v18  }
0xfb: {  	v13 =	vmul.f32 $2.000000030e-01, v13  }
0xfc: {  	v7 =	vmax.f32 v7, $0.0e+00;
	v12 =	vmul.f32 $2.000000030e-01, v12;
	v14 =	vadd.f32 v15, v14  }
0xfd: {  	v17 =	vld [tilespmem:s0+$0x220];
	v8 =	vmax.f32 v8, $0.0e+00;
	[tilespmem:s2+$0x210] =	vst v16;
	v7 =	vadd.f32 v13, v7  }
0xfe: {  	v8 =	vadd.f32 v12, v8;
	[tilespmem:s0+$0x270] =	vst v14  }
0xff: {  	v2 =	vadd.f32 v2, v6;
	v47 =	vld [tilespmem:s0+$0x210];
	[tilespmem:s2+$0x230] =	vst v7  }
0x100: {  	v3 =	vadd.f32 v3, v9;
	v48 =	vld [tilespmem:s0+$0x230];
	[tilespmem:s2+$0x240] =	vst v8  }
0x101: {  	v49 =	vmax.f32 v10, $0.0e+00;
	v50 =	vmin.f32 v2, $0.0e+00;
	v2 =	vmax.f32 v2, $0.0e+00;
	v51 =	vld [tilespmem:s0+$0x240]  }
0x102: {  	v5 =	vadd.f32 v5, v17;
	v52 =	vmin.f32 v3, $0.0e+00;
	v8 =	vmul.f32 $2.000000030e-01, v50  }
0x103: {  	v7 =	vadd.f32 v11, v49;
	v3 =	vmax.f32 v3, $0.0e+00;
	v10 =	vmul.f32 $2.000000030e-01, v52  }
0x104: {  	v0 =	vadd.f32 v0, v47;
	v53 =	vmin.f32 v5, $0.0e+00;
	v2 =	vadd.f32 v8, v2  }
0x105: {  	v5 =	vmax.f32 v5, $0.0e+00;
	v55 =	vmul.f32 $2.000000030e-01, v53;
	v4 =	vadd.f32 v4, v48  }
0x106: {  	v3 =	vadd.f32 v10, v3;
	v54 =	vmin.f32 v0, $0.0e+00;
	v1 =	vadd.f32 v1, v51  }
0x107: {  	[tilespmem:s0+$0x260] =	vst v7;
	v0 =	vmax.f32 v0, $0.0e+00;
	v56 =	vmul.f32 $2.000000030e-01, v54;
	v57 =	vmin.f32 v4, $0.0e+00  }
0x108: {  	[tilespmem:s0+$0x250] =	vst v2;
	v58 =	vadd.f32 v55, v5;
	v59 =	vmin.f32 v1, $0.0e+00;
	v60 =	vmul.f32 $2.000000030e-01, v57  }
0x109: {  	[tilespmem:s0+$0x200] =	vst v3;
	v0 =	vadd.f32 v56, v0;
	v4 =	vmax.f32 v4, $0.0e+00;
	v61 =	vmul.f32 $2.000000030e-01, v59  }
0x10a: {  	[tilespmem:s0+$0x220] =	vst v58;
	v1 =	vmax.f32 v1, $0.0e+00;
	v62 =	vadd.f32 v60, v4  }
0x10b: {  	s28 =	sadd.s32 $0x1, s28;
	[tilespmem:s0+$0x210] =	vst v0;
	v63 =	vadd.f32 v61, v1  }
0x10c: {  	p0 =	sne.s32 s28, s14;
	[tilespmem:s0+$0x230] =	vst v62  }
.Ltmp4:
0x10d: {  	[tilespmem:s0+$0x240] =	vst v63;
	(pc) =	sbr.rel @p0 .LBB2_1-.Ltmp4, $4  }
0x10e: {  	[hbm4b:s13+s3] =	stream.linear.scatter [tilespmem:s18], [sflag:$0x5], $0x4000, $0x38;
	[tilespmem:$0x10200] =	vst v63  }
0x10f: {  	_ =	swait.ge [sflag:s15], $0x4000  }
0x110: {  	[sflag:s15] =	ssyncset.done $0x0  }
0x111: {  	[sflag:s15] =	ssyncadd.s32 $0xFFFFC000  }
0x112: {  	_ =	sfence.sel $0x180000  }
0x113: {  	[bflag:$0x0] =	sbarrier.arrive $0xFFFF  }
0x114: {  	_ =	strace $0x9000004D  }
0x115: {  	s0 =	stileid.u32;
	[bflag:$0x2] =	sbarrier.arrive $0xFFFF  }
0x116: {  	p0 =	sne.s32 s0, $0x0;
	s0 =	rddreg [dreg:$0x2]  }
0x117: {  	s0 =	sadd.s32 @!p0 $0x100000, s0  }
0x118: {  	[sflag:s0] =	ssyncadd.tile.s32 @!p0 $0x1;
	_ =	shalt  }
.Lfunc_end2:
_tile_overlayer_lowered:
.L_overlay_start_2:
0x119: {  	(tag) =	ssettag $0x2  }
0x11a: {  	s0 =	rddreg [dreg:$0x0];
	s2 =	stileid.u32  }
0x11b: {  	s1 =	rddreg [dreg:$0x1];
	p0 =	sne.s32 s2, $0x0  }
0x11c: {  	s3 =	rddreg [dreg:$0x2];
	[bflag:$0x3] =	sbarrier.arrive $0xFFFF;
	s2 =	simm.s32 @!p0 $0x1C05  }
0x11d: {  	[timem:s3], [sflag:s2] =	dma.local @!p0 [hbm:s0], s1  }
0x11e: {  	s0 =	simm.s32 @!p0 $0x5  }
0x11f: {  	_ =	swait.ge @!p0 [sflag:s0], s1  }
0x120: {  	s1 =	ssub.s32 @!p0 $0x0, s1;
	[sflag:s0] =	ssyncset.done @!p0 $0x0  }
0x121: {  	[sflag:s0] =	ssyncadd.s32 @!p0 s1  }
0x122: {  	[bflag:$0x3] =	sbarrier.arrive $0xFFFF  }
0x123: {  	_ =	shalt  }

// kernel: kernel.20.cloned.1.call-start
scs
__scs_entry_jumppad:
0x0: {  	(pc) =	sbr.rel $0x88, $3  }
0x1: {  	(tag) =	ssettag $0x0;
	lr =	simm.s32 $0x1  }
0x2: {  	[smem:$0x3F97] =	sst lr;
	_ =	strace $0xD0000000  }
0x3: {  	_ = 	snop  }
0x4: {  	_ = 	snop  }
0x5: {  	_ = 	snop  }
0x6: {  	_ = 	snop  }
0x7: {  	_ = 	snop  }
__scs_overlays_trampoline_lowered:
0x8: {  	[smem:$0x3FA6] =	sst s0  }
0x9: {  	[smem:$0x3FA7] =	sst s1  }
0xa: {  	[smem:$0x3FA8] =	sst s2  }
0xb: {  	[smem:$0x3FA9] =	sst s3  }
0xc: {  	[smem:$0x3FAA] =	sst s4  }
0xd: {  	[smem:$0x3FAB] =	sst s5  }
0xe: {  	[smem:$0x3FAC] =	sst s6  }
0xf: {  	[smem:$0x3FAD] =	sst s7  }
0x10: {  	[smem:$0x3FAE] =	sst s8  }
0x11: {  	[smem:$0x3FAF] =	sst s9;
	s0 =	simm.s32 @!p0 $0x0  }
0x12: {  	s1 =	sld [smem:$0x3F95];
	s0 =	simm.s32 @p0 $0x1  }
0x13: {  	[smem:$0x3FB0] =	sst s0;
	s0 =	simm.s32 @!p1 $0x0  }
0x14: {  	s2 =	sld [smem:$0x3F94];
	s0 =	simm.s32 @p1 $0x1  }
0x15: {  	[smem:$0x3FB1] =	sst s0;
	s0 =	simm.s32 @!p2 $0x0  }
0x16: {  	s3 =	sld [smem:$0x3FDB];
	s0 =	simm.s32 @p2 $0x1  }
0x17: {  	s4 =	simm.s32 $0x1BF5;
	[smem:$0x3FB3] =	sst s0  }
0x18: {  	s0 =	sld [smem:$0x3F96];
	_ =	swait.ge [sflag:s4], $0x0  }
0x19: {  	s7 =	sld [smem:$0x3F97]  }
0x1a: {  	s8 =	sadd.s32 $0xFFFFE003, lr  }
0x1b: {  	s9 =	sadd.s32 $0xFFFFFEF7, lr;
	s5 =	simm.s32 $0xFFFFFFFF;
	p2 =	slt.u32 s8, $0xFFFFF086  }
0x1c: {  	p1 =	slt.u32 s9, $0xF7A;
	s5 =	simm.s32 @!p2 $0x0  }
0x1d: {  	s5 =	simm.s32 @p1 $0x1;
	p0 =	seq.s32 s7, s2  }
0x1e: {  	s7 =	smul.u32 @!p0 $0xF7A, s2;
	p2 =	seq.s32 @!p0 s5, $0x0  }
0x1f: {  	s9 =	smul.u32 $0xF7A, s1;
	s8 =	simm.s32 @!p0 $0x1BF5;
	p2 =	por !p2, p0  }
0x20: {  	[sflag:s8] =	ssyncset.s32 @!p0 $0xFFFFF086;
	s6 =	sadd.s32 @!p0 s3, s7;
	s7 =	simm.s32 @!p0 $0x108  }
0x21: {  	s3 =	sadd.s32 s3, s9;
	s6 =	sadd.s32 @!p0 $0x88, s6;
	s7 =	simm.s32 @p2 $0x1082  }
0x22: {  	[simem:s7], [sflag:s8] =	dma.local @!p0 [hbm:s6], $0xF7A  }
0x23: {  	s9 =	sor.u32 $0xD0000000, s2;
	s6 =	simm.s32 $0x108;
	_ =	swait.ge @!p0 [sflag:s8], $0x0  }
0x24: {  	s3 =	sadd.s32 $0x88, s3;
	s6 =	simm.s32 @!p1 $0x1082;
	[sflag:s4] =	ssyncset.s32 $0xFFFFF086  }
0x25: {  	[simem:s6], [sflag:s4] =	dma.local [hbm:s3], $0xF7A  }
0x26: {  	[smem:$0x3F97] =	sst s1;
	(tag) =	ssettag s2;
	_ =	strace s9  }
0x27: {  	s1 =	sld [smem:$0x3FA7]  }
0x28: {  	s2 =	sld [smem:$0x3FA8]  }
0x29: {  	s4 =	sld [smem:$0x3FAA]  }
0x2a: {  	p0 =	seq.s32 s5, $0x0;
	s5 =	sld [smem:$0x3FAB]  }
0x2b: {  	s6 =	sld [smem:$0x3FAC]  }
0x2c: {  	s7 =	sld [smem:$0x3FAD]  }
0x2d: {  	s3 =	simm.s32 $0x108;
	s8 =	sld [smem:$0x3FAE]  }
0x2e: {  	s3 =	simm.s32 @!p0 $0x1082;
	s9 =	sld [smem:$0x3FAF]  }
0x2f: {  	lr =	sadd.s32 s0, s3;
	s0 =	sld [smem:$0x3FA6]  }
0x30: {  	s3 =	sld [smem:$0x3FA9]  }
0x31: {  	[smem:$0x3FB2] =	sst s10  }
0x32: {  	s10 =	sld [smem:$0x3FB0];
	_ =	sdelay $0x3  }
0x33: {  	p0 =	seq.s32 s10, $0x1;
	s10 =	sld [smem:$0x3FB2];
	_ =	sdelay $0x3  }
0x34: {  	[smem:$0x3FB2] =	sst s10  }
0x35: {  	s10 =	sld [smem:$0x3FB1];
	_ =	sdelay $0x3  }
0x36: {  	p1 =	seq.s32 s10, $0x1;
	s10 =	sld [smem:$0x3FB2];
	_ =	sdelay $0x3  }
0x37: {  	[smem:$0x3FB2] =	sst s10  }
0x38: {  	s10 =	sld [smem:$0x3FB3]  }
0x39: {  	_ = 	snop;
	(pc) =	sbr.ind lr, $3  }
0x3a: {  	_ = 	snop  }
0x3b: {  	_ = 	snop  }
0x3c: {  	p2 =	seq.s32 s10, $0x1;
	s10 =	sld [smem:$0x3FB2]  }
0x3d: {  	_ =	shalt  }
0x3e: {  	_ =	shalt  }
0x3f: {  	_ =	shalt  }
0x40: {  	_ =	shalt  }
0x41: {  	_ =	shalt  }
0x42: {  	_ =	shalt  }
0x43: {  	_ =	shalt  }
0x44: {  	_ =	shalt  }
0x45: {  	_ =	shalt  }
0x46: {  	_ =	shalt  }
0x47: {  	_ =	shalt  }
0x48: {  	_ =	shalt  }
0x49: {  	_ =	shalt  }
0x4a: {  	_ =	shalt  }
0x4b: {  	_ =	shalt  }
0x4c: {  	_ =	shalt  }
0x4d: {  	_ =	shalt  }
0x4e: {  	_ =	shalt  }
0x4f: {  	_ =	shalt  }
0x50: {  	_ =	shalt  }
0x51: {  	_ =	shalt  }
0x52: {  	_ =	shalt  }
0x53: {  	_ =	shalt  }
0x54: {  	_ =	shalt  }
0x55: {  	_ =	shalt  }
0x56: {  	_ =	shalt  }
0x57: {  	_ =	shalt  }
0x58: {  	_ =	shalt  }
0x59: {  	_ =	shalt  }
0x5a: {  	_ =	shalt  }
0x5b: {  	_ =	shalt  }
0x5c: {  	_ =	shalt  }
0x5d: {  	_ =	shalt  }
0x5e: {  	_ =	shalt  }
0x5f: {  	_ =	shalt  }
0x60: {  	_ =	shalt  }
0x61: {  	_ =	shalt  }
0x62: {  	_ =	shalt  }
0x63: {  	_ =	shalt  }
0x64: {  	_ =	shalt  }
0x65: {  	_ =	shalt  }
0x66: {  	_ =	shalt  }
0x67: {  	_ =	shalt  }
0x68: {  	_ =	shalt  }
0x69: {  	_ =	shalt  }
0x6a: {  	_ =	shalt  }
0x6b: {  	_ =	shalt  }
0x6c: {  	_ =	shalt  }
0x6d: {  	_ =	shalt  }
0x6e: {  	_ =	shalt  }
0x6f: {  	_ =	shalt  }
0x70: {  	_ =	shalt  }
0x71: {  	_ =	shalt  }
0x72: {  	_ =	shalt  }
0x73: {  	_ =	shalt  }
0x74: {  	_ =	shalt  }
0x75: {  	_ =	shalt  }
0x76: {  	_ =	shalt  }
0x77: {  	_ =	shalt  }
0x78: {  	_ =	shalt  }
0x79: {  	_ =	shalt  }
0x7a: {  	_ =	shalt  }
0x7b: {  	_ =	shalt  }
0x7c: {  	_ =	shalt  }
0x7d: {  	_ =	shalt  }
0x7e: {  	_ =	shalt  }
0x7f: {  	_ =	shalt  }
0x80: {  	_ =	shalt  }
0x81: {  	_ =	shalt  }
0x82: {  	_ =	shalt  }
0x83: {  	_ =	shalt  }
0x84: {  	_ =	shalt  }
0x85: {  	_ =	shalt  }
0x86: {  	_ =	shalt  }
0x87: {  	_ =	shalt  }
.Lfunc_end0:
.L_simem_size_0:
called_computation.3_lowered:
.L_overlay_start_0:
0x88: {  	s2 =	sld [smem:$0x3FD9]  }
0x89: {  	s3 =	sld [smem:$0x3FFE];
	_ =	sdelay $0x1  }
0x8a: {  	s1 =	srdreg.scid  }
0x8b: {  	s0 =	sand.u32 $0x1, s1  }
0x8c: {  	s17 =	sshll.u32 s0, $0xA;
	s2 =	sadd.s32 s3, s2  }
0x8d: {  	s2 =	sadd.s32 s2, s17  }
0x8e: {  	[smem:$0x3FBE] =	sst s2  }
0x8f: {  	_ = 	snop  }
0x90: {  	s2 =	sld [smem:$0x3FD0];
	(tm) =	ssettm $0x1  }
0x91: {  	s18 =	sld [smem:$0x3FFB];
	_ =	sdelay $0x3  }
0x92: {  	_ =	strace s18  }
0x93: {  	s3 =	sld [smem:$0x3FFC];
	_ =	sdelay $0x3  }
0x94: {  	_ =	strace s3  }
0x95: {  	s3 =	sld [smem:$0x3FFD];
	_ =	sdelay $0x3  }
0x96: {  	_ =	strace s3  }
0x97: {  	_ =	strace $0x8FFFFFFF  }
0x98: {  	s19 =	sld [smem:$0x3FDB];
	_ =	sdelay $0x1  }
0x99: {  	s4 =	simm.s32 $_scs_section_size  }
0x9a: {  	s5 =	simm.s32 $_size__tile_overlayer_lowered;
	s6 =	simm.s32 $_tile_overlayer_lowered  }
0x9b: {  	s22 =	simm.s32 $0x1BFF;
	s21 =	sshll.u32 s6, $0x1;
	s3 =	sadd.s32 s4, s19  }
0x9c: {  	s7 =	simm.s32 $0x0;
	s20 =	sshll.u32 s5, $0x1;
	s5 =	sadd.s32 s21, s3  }
0x9d: {  	[timem:s7], [sflag:s22] =	dma.local [hbm:s5], s20  }
0x9e: {  	_ =	swait.ge [sflag:s22], s20  }
0x9f: {  	s4 =	ssub.s32 $0x0, s20;
	[sflag:s22] =	ssyncset.done $0x0  }
0xa0: {  	[sflag:s22] =	ssyncadd.s32 s4;
	_ =	sdelay $0x1  }
0xa1: {  	s23 =	simm.s32 $0x1B8B  }
0xa2: {  	_ =	swait.ge [sflag:s23], $0x1  }
0xa3: {  	[sflag:s23] =	ssyncset.done $0x0  }
0xa4: {  	s25 =	simm.s32 $0x1B8E;
	s24 =	sld [smem:$0x3FFE];
	[sflag:s23] =	ssyncadd.s32 $0xFFFFFFFF  }
0xa5: {  	s26 =	simm.s32 $execute0_lowered;
	[smem:$0x3FD2] =	sst s25  }
0xa6: {  	s5 =	sshll.u32 s26, $0x1;
	_ =	strace $0x8000004F;
	[dreg:$0x1] =	wrdreg $0xFFFFFFFF  }
0xa7: {  	s28 =	simm.s32 $_size_execute0_lowered;
	s3 =	sadd.s32 s3, s5;
	[dreg:$0x0] =	wrdreg $0x0  }
0xa8: {  	s5 =	sshll.u32 s28, $0x1;
	[dreg:$0x2] =	wrdreg s3  }
0xa9: {  	[dreg:$0x3] =	wrdreg s5  }
0xaa: {  	[dreg:$0x4] =	wrdreg $0xC0  }
0xab: {  	_ =	task [dreg:s7], $0x5FFFF  }
0xac: {  	[dreg:$0x1] =	wrdreg $0xFFFFFFFF  }
0xad: {  	[dreg:$0x0] =	wrdreg $0x60  }
0xae: {  	[dreg:$0x2] =	wrdreg s24  }
0xaf: {  	[dreg:$0x3] =	wrdreg s2  }
0xb0: {  	[dreg:$0x4] =	wrdreg $0x49000  }
0xb1: {  	[dreg:$0x5] =	wrdreg $0x181800  }
0xb2: {  	[dreg:$0x6] =	wrdreg $0x9  }
0xb3: {  	_ =	task.clear_ibuf [dreg:s7], $0x7FFFF;
	_ =	strace $0x9000004F  }
0xb4: {  	s29 =	simm.s32 $0x9;
	_ =	strace $0x80000051  }
0xb5: {  	_ =	swait.ge [sflag:s29], $0x1  }
0xb6: {  	[sflag:s29] =	ssyncadd.s32 $0xFFFFFFFF  }
0xb7: {  	_ =	strace $0x90000051  }
0xb8: {  	_ =	sfence  }
0xb9: {  	s30 =	sld [smem:$0x0];
	_ =	sdelay $0x2  }
0xba: {  	s31 =	sshll.u32 s1, $0xD;
	s1 =	sshrl.u32 s1, $0x2  }
0xbb: {  	s3 =	sand.u32 $0x4000, s31;
	s1 =	sadd.s32 s1, s30  }
0xbc: {  	s0 =	sor.u32 s3, s0;
	s1 =	sshll.u32 s1, $0x11  }
0xbd: {  	s0 =	sor.u32 s1, s0  }
0xbe: {  	s0 =	sadd.s32 $0x8F2B, s0  }
0xbf: {  	[sflag:s0] =	ssyncadd.remote.s32 $0x1  }
0xc0: {  	_ =	sfence.sel $0xFFFF  }
0xc1: {  	[dreg:$0x0] =	wrdreg $0xFFFFFFFF;
	(pc) =	sbr.abs _section_cstart, $3  }
0xc2: {  	[dreg:$0x1] =	wrdreg $0xFFFFFFFF  }
0xc3: {  	_ =	task.clear_ibuf [dreg:s7], $0x2FFFF;
	_ =	strace $0x9FFFFFFF  }
0xc4: {  	(tm) =	ssettm $0x7FFFFFFF  }
0xc5: {  	_ =	shalt  }
tec
execute0_lowered:
.L_overlay_start_1:
0x0: {  	(tag) =	ssettag $0x1  }
0x1: {  	s0 =	rddreg [dreg:$0x0]  }
0x2: {  	s1 =	rddreg [dreg:$0x1]  }
0x3: {  	s2 =	rddreg [dreg:$0x2]  }
0x4: {  	s3 =	rddreg [dreg:$0x3];
	s4 =	simm.s32 $0x0  }
0x5: {  	s9 =	srdreg.scid;
	s26 =	stileid.u32;
	s28 =	simm.s32 $0x100  }
0x6: {  	s29 =	simm.s32 $0x2;
	s30 =	simm.s32 $0x4100;
	s31 =	simm.s32 $0x80  }
0x7: {  	[smem:$0x7FF] =	sst s4;
	s5 =	sadd.s32 $0x3E00, s0;
	s6 =	sadd.s32 $0xE000, s0  }
0x8: {  	s8 =	sadd.s32 $0x18200, s0;
	s7 =	sadd.s32 $0xC4000, s0;
	s12 =	smul.u32 $0x270, s26  }
0x9: {  	s0 =	sadd.s32 $0xBA200, s0;
	s11 =	sand.u32 $0x1, s9;
	s14 =	smul.u32 $0x13800, s26  }
0xa: {  	s21 =	smul.u32 $0x2700, s26;
	p0 =	sne.s32 s26, $0xF;
	_ =	strace $0x80000050  }
0xb: {  	s9 =	ssub.s32 $0x2, s11;
	s10 =	sshll.u32 s11, $0x4;
	s20 =	smul.u32 $0x138800, s11  }
0xc: {  	s11 =	smul.u32 $0x27100, s11;
	s13 =	sshrl.u32 s9, $0x1;
	s10 =	sor.u32 s26, s10  }
0xd: {  	s15 =	sadd.s32 $0x80, s12;
	s18 =	sadd.s32 $0x100, s12;
	s19 =	sadd.s32 $0x180, s12  }
0xe: {  	s12 =	sadd.s32 $0x200, s12;
	s26 =	sadd.s32 $0x27000, s3;
	s13 =	ssub.s32 s9, s13  }
0xf: {  	s9 =	smul.u32 $0x2880, s10;
	s10 =	sadd.s32 s14, s2;
	s16 =	sshll.u32 s15, $0x7  }
0x10: {  	s23 =	sshll.u32 s18, $0x7;
	s17 =	sshll.u32 s19, $0x7;
	s25 =	sshll.u32 s12, $0x7  }
0x11: {  	s14 =	sadd.s32 s14, s20;
	s15 =	sshll.u32 s15, $0x4;
	s20 =	sshrl.u32 s20, $0x3  }
0x12: {  	s22 =	sshll.u32 s18, $0x4;
	s12 =	sshll.u32 s12, $0x4;
	s16 =	sadd.s32 s16, s2  }
0x13: {  	s24 =	sadd.s32 s17, s2;
	s14 =	sshrl.u32 s14, $0x3;
	s17 =	sadd.s32 s15, s3  }
0x14: {  	s18 =	sadd.s32 s22, s3;
	s22 =	sadd.s32 $0x138000, s2;
	[dreg:$0x5] =	wrdreg s16  }
0x15: {  	s16 =	sadd.s32 s23, s2;
	[dreg:$0x7] =	wrdreg s24;
	s14 =	sadd.s32 s7, s14  }
0x16: {  	s7 =	sadd.s32 s7, s20;
	s23 =	sshll.u32 s19, $0x4;
	s24 =	sadd.s32 s21, s11  }
0x17: {  	s20 =	sadd.s32 s12, s3;
	s11 =	sshrl.u32 s11, $0x3;
	[dreg:$0x6] =	wrdreg s16  }
0x18: {  	s16 =	sadd.s32 s25, s2;
	[dreg:$0x9] =	wrdreg s14;
	s19 =	sadd.s32 s23, s3  }
0x19: {  	s25 =	sshrl.u32 s24, $0x3;
	s23 =	sadd.s32 $0x27000, s7;
	[dreg:$0x8] =	wrdreg s16  }
0x1a: {  	s16 =	sadd.s32 s21, s3;
	s21 =	sadd.s32 s0, s25;
	s0 =	sadd.s32 s0, s11  }
0x1b: {  	v0 =	vimm.f32 $0.0e+00;
	s25 =	smax.u32 s13, $0x1;
	s24 =	sadd.s32 $0x4E00, s0;
	s0 =	simm.s32 $0x1  }
.LBB2_1:
0x1c: {  	s7 =	simm.s32 $0x140  }
0x1d: {  	[tilespmem:s7+$0xFFFFFFD0] =	vst v0  }
0x1e: {  	[tilespmem:s7+$0xFFFFFFE0] =	vst v0  }
0x1f: {  	[tilespmem:s7+$0xFFFFFFF0] =	vst v0  }
0x20: {  	[tilespmem:s7+$0x0] =	vst v0  }
0x21: {  	[tilespmem:s7+$0x10] =	vst v0  }
0x22: {  	[tilespmem:s7+$0x20] =	vst v0  }
0x23: {  	[tilespmem:s7+$0x30] =	vst v0  }
0x24: {  	s12 =	simm.s32 $0x0;
	s11 =	simm.s32 $0x40;
	[tilespmem:s7+$0xFFFFFFC0] =	vst v0  }
.LBB2_2:
0x25: {  	p1 =	sne.s32 s11, $0x1FC0;
	[tilespmem:s12+$0x4100] =	vst v0;
	s7 =	sadd.s32 $0x80, s7  }
0x26: {  	[tilespmem:s7+$0xFFFFFFD0] =	vst v0  }
0x27: {  	[tilespmem:s7+$0xFFFFFFE0] =	vst v0  }
0x28: {  	[tilespmem:s7+$0xFFFFFFF0] =	vst v0  }
.Ltmp0:
0x29: {  	[tilespmem:s7+$0x0] =	vst v0;
	(pc) =	sbr.rel @p1 .LBB2_2-.Ltmp0, $4  }
0x2a: {  	[tilespmem:s7+$0x10] =	vst v0  }
0x2b: {  	[tilespmem:s7+$0x20] =	vst v0  }
0x2c: {  	[tilespmem:s7+$0x30] =	vst v0  }
0x2d: {  	s12 =	sshra.s32 s11, $0x2;
	s11 =	sadd.s32 $0x40, s11;
	[tilespmem:s7+$0xFFFFFFC0] =	vst v0  }
0x2e: {  	[tilespmem:s12+$0x4100] =	vst v0  }
0x2f: {  	[spmem:s10] =	stream.linear.scatter [tilespmem:s28], [sflag:$0x2], $0x4000, $0x38;
	[tilespmem:$0x1A890] =	vst v63  }
0x30: {  	_ =	swait.ge [sflag:s29], $0x4000  }
0x31: {  	[sflag:s29] =	ssyncset.done $0x0  }
0x32: {  	s7 =	rddreg [dreg:$0x5];
	[sflag:s29] =	ssyncadd.s32 $0xFFFFC000  }
0x33: {  	[spmem:s7] =	stream.linear.scatter [tilespmem:s28], [sflag:$0x2], $0x4000, $0x38;
	[tilespmem:$0x1A890] =	vst v63  }
0x34: {  	_ =	swait.ge [sflag:s29], $0x4000  }
0x35: {  	[sflag:s29] =	ssyncset.done $0x0  }
0x36: {  	s13 =	rddreg [dreg:$0x6];
	[sflag:s29] =	ssyncadd.s32 $0xFFFFC000  }
0x37: {  	[spmem:s13] =	stream.linear.scatter [tilespmem:s28], [sflag:$0x2], $0x4000, $0x38;
	[tilespmem:$0x1A890] =	vst v63  }
0x38: {  	_ =	swait.ge [sflag:s29], $0x4000  }
0x39: {  	[sflag:s29] =	ssyncset.done $0x0  }
0x3a: {  	s14 =	rddreg [dreg:$0x7];
	[sflag:s29] =	ssyncadd.s32 $0xFFFFC000  }
0x3b: {  	[spmem:s14] =	stream.linear.scatter [tilespmem:s28], [sflag:$0x2], $0x4000, $0x38;
	[tilespmem:$0x1A890] =	vst v63  }
0x3c: {  	_ =	swait.ge [sflag:s29], $0x4000  }
0x3d: {  	[sflag:s29] =	ssyncset.done $0x0  }
0x3e: {  	s15 =	rddreg [dreg:$0x8];
	[sflag:s29] =	ssyncadd.s32 $0xFFFFC000  }
0x3f: {  	[spmem:s15] =	stream.linear.scatter [tilespmem:s28], [sflag:$0x2], $0x3800, $0x38;
	[tilespmem:$0x1A890] =	vst v63  }
0x40: {  	_ =	swait.ge [sflag:s29], $0x3800  }
0x41: {  	[sflag:s29] =	ssyncset.done $0x0  }
0x42: {  	[sflag:s29] =	ssyncadd.s32 $0xFFFFC800  }
0x43: {  	[spmem:s16] =	stream.linear.scatter [tilespmem:s30], [sflag:$0x2], $0x800, $0x38;
	[tilespmem:$0x1A890] =	vst v63  }
0x44: {  	_ =	swait.ge [sflag:s29], $0x800  }
0x45: {  	[sflag:s29] =	ssyncset.done $0x0  }
0x46: {  	[sflag:s29] =	ssyncadd.s32 $0xFFFFF800  }
0x47: {  	[spmem:s17] =	stream.linear.scatter [tilespmem:s30], [sflag:$0x2], $0x800, $0x38;
	[tilespmem:$0x1A890] =	vst v63  }
0x48: {  	_ =	swait.ge [sflag:s29], $0x800  }
0x49: {  	[sflag:s29] =	ssyncset.done $0x0  }
0x4a: {  	[sflag:s29] =	ssyncadd.s32 $0xFFFFF800  }
0x4b: {  	[spmem:s18] =	stream.linear.scatter [tilespmem:s30], [sflag:$0x2], $0x800, $0x38;
	[tilespmem:$0x1A890] =	vst v63  }
0x4c: {  	_ =	swait.ge [sflag:s29], $0x800  }
0x4d: {  	[sflag:s29] =	ssyncset.done $0x0  }
0x4e: {  	[sflag:s29] =	ssyncadd.s32 $0xFFFFF800  }
0x4f: {  	[spmem:s19] =	stream.linear.scatter [tilespmem:s30], [sflag:$0x2], $0x800, $0x38;
	[tilespmem:$0x1A890] =	vst v63  }
0x50: {  	_ =	swait.ge [sflag:s29], $0x800  }
0x51: {  	[sflag:s29] =	ssyncset.done $0x0  }
0x52: {  	[sflag:s29] =	ssyncadd.s32 $0xFFFFF800  }
0x53: {  	[spmem:s20] =	stream.linear.scatter [tilespmem:s30], [sflag:$0x2], $0x700, $0x38;
	[tilespmem:$0x1A890] =	vst v63  }
0x54: {  	_ =	swait.ge [sflag:s29], $0x700  }
0x55: {  	[sflag:s29] =	ssyncset.done $0x0  }
0x56: {  	s7 =	simm.s32 @!p0 $0x100;
	[sflag:s29] =	ssyncadd.s32 $0xFFFFF900  }
0x57: {  	[spmem:s22] =	stream.linear.scatter @!p0 [tilespmem:s7], [sflag:$0x2], $0x800, $0x38;
	[tilespmem:$0x1A890] =	vst v63  }
0x58: {  	s7 =	simm.s32 @!p0 $0x2  }
0x59: {  	_ =	swait.ge @!p0 [sflag:s7], $0x800  }
0x5a: {  	[sflag:s7] =	ssyncset.done @!p0 $0x0  }
0x5b: {  	s11 =	simm.s32 @!p0 $0x4100;
	[sflag:s7] =	ssyncadd.s32 @!p0 $0xFFFFF800  }
0x5c: {  	[spmem:s26] =	stream.linear.scatter @!p0 [tilespmem:s11], [sflag:$0x2], $0x100, $0x38;
	[tilespmem:$0x1A890] =	vst v63  }
0x5d: {  	_ =	swait.ge @!p0 [sflag:s7], $0x100  }
0x5e: {  	[sflag:s7] =	ssyncset.done @!p0 $0x0  }
0x5f: {  	[sflag:s7] =	ssyncadd.s32 @!p0 $0xFFFFFF00  }
0x60: {  	s11 =	simm.s32 $0x0;
	s7 =	simm.s32 $0x0;
	[bflag:$0x0] =	sbarrier.arrive $0xFFFF  }
.LBB2_4:
0x61: {  	s12 =	sshll.u32 s11, $0x7  }
0x62: {  	s12 =	sadd.s32 s9, s12  }
0x63: {  	s13 =	sshrl.u32 s12, $0x3  }
0x64: {  	s14 =	sadd.s32 s5, s13  }
0x65: {  	[tilespmem:s7], [sflag:$0x2] =	stream.linear.gather [hbm4b:s14+s7], $0x80, $0x38;
	[tilespmem:$0x1A890] =	vst v63  }
0x66: {  	_ =	swait.ge [sflag:s29], $0x80  }
0x67: {  	[sflag:s29] =	ssyncset.done $0x0  }
0x68: {  	s13 =	sadd.s32 s6, s13;
	[sflag:s29] =	ssyncadd.s32 $0xFFFFFF80  }
0x69: {  	[tilespmem:s31], [sflag:$0x2] =	stream.linear.gather [hbm4b:s13+s7], $0x80, $0x38;
	[tilespmem:$0x1A890] =	vst v63  }
0x6a: {  	_ =	swait.ge [sflag:s29], $0x80  }
0x6b: {  	[sflag:s29] =	ssyncset.done $0x0  }
0x6c: {  	s12 =	sshll.u32 s12, $0x1;
	[sflag:s29] =	ssyncadd.s32 $0xFFFFFF80  }
0x6d: {  	[tilespmem:s28], [sflag:$0x1] =	stream.indirect.gather [hbm4b:s1+s31], $0x80, s7, s31, $0xb8;
	[tilespmem:$0x1A890] =	vst v63  }
0x6e: {  	s12 =	sadd.s32 s8, s12  }
0x6f: {  	[tilespmem:s30], [sflag:$0x2] =	stream.linear.gather [hbm4b:s12+s7], $0x800, $0x38;
	[tilespmem:$0x1A890] =	vst v63  }
0x70: {  	_ =	swait.ge [sflag:s29], $0x800  }
0x71: {  	[sflag:s29] =	ssyncset.done $0x0  }
0x72: {  	[sflag:s29] =	ssyncadd.s32 $0xFFFFF800  }
0x73: {  	_ =	swait.ge [sflag:s0], $0x4000  }
0x74: {  	[sflag:s0] =	ssyncset.done $0x0  }
0x75: {  	s12 =	simm.s32 $0x140;
	[sflag:s0] =	ssyncadd.s32 $0xFFFFC000  }
0x76: {  	s15 =	simm.s32 $0x0;
	v8 =	vld [tilespmem:s12+$0xFFFFFFD0]  }
0x77: {  	v3 =	vld [tilespmem:s15+$0x4100]  }
0x78: {  	v6 =	vld [tilespmem:s12+$0x20]  }
0x79: {  	v9 =	vld [tilespmem:s12+$0xFFFFFFC0]  }
0x7a: {  	v12 =	vld [tilespmem:s12+$0xFFFFFFE0]  }
0x7b: {  	v1 =	vld [tilespmem:s12+$0xFFFFFFF0]  }
0x7c: {  	v2 =	vld [tilespmem:s12+$0x30];
	v10 =	vbroadcast v3, $0x0;
	v7 =	vbroadcast v3, $0x3  }
0x7d: {  	v4 =	vld [tilespmem:s12+$0x0];
	v5 =	vbroadcast v3, $0x1  }
0x7e: {  	v11 =	vmul.f32 v10, v9;
	v9 =	vmul.f32 v6, v7;
	v6 =	vld [tilespmem:s12+$0x10]  }
0x7f: {  	v3 =	vbroadcast v3, $0x2  }
0x80: {  	s14 =	simm.s32 $0x140;
	s13 =	simm.s32 $0x40;
	v10 =	vmul.f32 v8, v10;
	v8 =	vmul.f32 v12, v5  }
.LBB2_5:
0x81: {  	p1 =	sne.s32 s13, $0x1FC0  }
0x82: {  	[tilespmem:s12+$0xFFFFFFC0] =	vst v11;
	v4 =	vmul.f32 v4, v3;
	v2 =	vmul.f32 v2, v7;
	s14 =	sadd.s32 $0x80, s14;
	s15 =	smov.u32 s13;
	s13 =	sadd.s32 $0x40, s13  }
0x83: {  	v5 =	vmul.f32 v1, v5;
	v3 =	vmul.f32 v6, v3;
	[tilespmem:s12+$0x20] =	vst v9  }
0x84: {  	[tilespmem:s12+$0xFFFFFFD0] =	vst v10  }
0x85: {  	[tilespmem:s12+$0xFFFFFFE0] =	vst v8  }
0x86: {  	[tilespmem:s12+$0x30] =	vst v2  }
0x87: {  	v1 =	vld [tilespmem:s14+$0xFFFFFFF0];
	[tilespmem:s12+$0x10] =	vst v3  }
0x88: {  	v8 =	vld [tilespmem:s14+$0xFFFFFFD0];
	[tilespmem:s12+$0xFFFFFFF0] =	vst v5  }
0x89: {  	s15 =	sshra.s32 s15, $0x2;
	v9 =	vld [tilespmem:s14+$0x20];
	[tilespmem:s12+$0x0] =	vst v4;
	s12 =	smov.u32 s14  }
0x8a: {  	v3 =	vld [tilespmem:s15+$0x4100]  }
0x8b: {  	v2 =	vld [tilespmem:s14+$0x30]  }
0x8c: {  	v10 =	vld [tilespmem:s14+$0xFFFFFFC0]  }
0x8d: {  	v12 =	vld [tilespmem:s14+$0xFFFFFFE0]  }
.Ltmp1:
0x8e: {  	v4 =	vld [tilespmem:s14+$0x0];
	(pc) =	sbr.rel @p1 .LBB2_5-.Ltmp1, $4  }
0x8f: {  	v13 =	vbroadcast v3, $0x0;
	v6 =	vld [tilespmem:s14+$0x10];
	v7 =	vbroadcast v3, $0x3  }
0x90: {  	v5 =	vbroadcast v3, $0x1;
	v3 =	vbroadcast v3, $0x2  }
0x91: {  	v11 =	vmul.f32 v13, v10;
	v9 =	vmul.f32 v9, v7  }
0x92: {  	v10 =	vmul.f32 v8, v13;
	v8 =	vmul.f32 v12, v5  }
0x93: {  	[tilespmem:s12+$0xFFFFFFC0] =	vst v11  }
0x94: {  	[tilespmem:s12+$0x20] =	vst v9  }
0x95: {  	v2 =	vmul.f32 v2, v7;
	[tilespmem:s12+$0xFFFFFFD0] =	vst v10  }
0x96: {  	v1 =	vmul.f32 v1, v5;
	[tilespmem:s12+$0xFFFFFFE0] =	vst v8  }
0x97: {  	v6 =	vmul.f32 v6, v3;
	[tilespmem:s12+$0x30] =	vst v2  }
0x98: {  	v2 =	vmul.f32 v4, v3;
	[tilespmem:s12+$0xFFFFFFF0] =	vst v1  }
0x99: {  	[tilespmem:s12+$0x10] =	vst v6  }
0x9a: {  	[tilespmem:s12+$0x0] =	vst v2  }
0x9b: {  	[spmem:s2] =	stream.indirect.scatter.add.f32 [tilespmem:s28], [sflag:$0x2], $0x80, s31, s31, $0xb8;
	[tilespmem:$0x1A890] =	vst v63  }
0x9c: {  	s11 =	sadd.s32 $0x1, s11;
	_ =	swait.ge [sflag:s29], $0x4000  }
0x9d: {  	p1 =	sne.s32 s11, $0x51;
	[sflag:s29] =	ssyncset.done $0x0  }
.Ltmp2:
0x9e: {  	[sflag:s29] =	ssyncadd.s32 $0xFFFFC000;
	(pc) =	sbr.rel @p1 .LBB2_4-.Ltmp2, $4  }
0x9f: {  	[spmem:s3] =	stream.indirect.scatter.add.f32 [tilespmem:s30], [sflag:$0x2], $0x10, s31, s31, $0xb8;
	[tilespmem:$0x1A890] =	vst v63  }
0xa0: {  	_ =	swait.ge [sflag:s29], $0x800  }
0xa1: {  	[sflag:s29] =	ssyncset.done $0x0  }
0xa2: {  	[sflag:s29] =	ssyncadd.s32 $0xFFFFF800  }
0xa3: {  	s7 =	stileid.u32  }
0xa4: {  	[bflag:$0x0] =	sbarrier.arrive $0xFFFF;
	s7 =	sshll.u32 s7, $0x6  }
0xa5: {  	s11 =	sshrl.u32 s10, $0x3;
	s12 =	rddreg [dreg:$0x9];
	s7 =	sor.u32 $0x1C02, s7  }
0xa6: {  	[hbm:s12], [sflag:s7] =	dma.local [spmem:s11], $0x2700  }
0xa7: {  	_ =	swait.ge [sflag:s29], $0x2700  }
0xa8: {  	[sflag:s29] =	ssyncset.done $0x0  }
0xa9: {  	s15 =	sshrl.u32 s16, $0x3;
	[sflag:s29] =	ssyncadd.s32 $0xFFFFD900  }
0xaa: {  	[hbm:s21], [sflag:s7] =	dma.local [spmem:s15], $0x4E0  }
0xab: {  	_ =	swait.ge [sflag:s29], $0x4E0  }
0xac: {  	[sflag:s29] =	ssyncset.done $0x0  }
0xad: {  	s11 =	sshrl.u32 @!p0 s22, $0x3;
	[sflag:s29] =	ssyncadd.s32 $0xFFFFFB20  }
0xae: {  	[hbm:s23], [sflag:s7] =	dma.local @!p0 [spmem:s11], $0x100  }
0xaf: {  	s11 =	simm.s32 @!p0 $0x2  }
0xb0: {  	s4 =	sadd.s32 $0x1, s4;
	_ =	swait.ge @!p0 [sflag:s11], $0x100  }
0xb1: {  	p1 =	sne.s32 s4, s25;
	[sflag:s11] =	ssyncset.done @!p0 $0x0  }
.Ltmp3:
0xb2: {  	s12 =	sshrl.u32 @!p0 s26, $0x3;
	[sflag:s11] =	ssyncadd.s32 @!p0 $0xFFFFFF00;
	(pc) =	sbr.rel @p1 .LBB2_1-.Ltmp3, $4  }
0xb3: {  	[hbm:s24], [sflag:s7] =	dma.local @!p0 [spmem:s12], $0x20  }
0xb4: {  	_ =	swait.ge @!p0 [sflag:s11], $0x20  }
0xb5: {  	[sflag:s11] =	ssyncset.done @!p0 $0x0  }
0xb6: {  	[sflag:s11] =	ssyncadd.s32 @!p0 $0xFFFFFFE0  }
0xb7: {  	_ =	sfence.sel $0x180000  }
0xb8: {  	[bflag:$0x0] =	sbarrier.arrive $0xFFFF  }
0xb9: {  	_ =	strace $0x90000050  }
0xba: {  	s0 =	stileid.u32;
	[bflag:$0x2] =	sbarrier.arrive $0xFFFF  }
0xbb: {  	p0 =	sne.s32 s0, $0x0;
	s0 =	rddreg [dreg:$0x4]  }
0xbc: {  	s0 =	sadd.s32 @!p0 $0x100000, s0  }
0xbd: {  	[sflag:s0] =	ssyncadd.tile.s32 @!p0 $0x1;
	_ =	shalt  }
.Lfunc_end2:
_tile_overlayer_lowered:
.L_overlay_start_2:
0xbe: {  	(tag) =	ssettag $0x2  }
0xbf: {  	s0 =	rddreg [dreg:$0x0];
	s2 =	stileid.u32  }
0xc0: {  	s1 =	rddreg [dreg:$0x1];
	p0 =	sne.s32 s2, $0x0  }
0xc1: {  	s3 =	rddreg [dreg:$0x2];
	[bflag:$0x3] =	sbarrier.arrive $0xFFFF;
	s2 =	simm.s32 @!p0 $0x1C02  }
0xc2: {  	[timem:s3], [sflag:s2] =	dma.local @!p0 [hbm:s0], s1  }
0xc3: {  	s0 =	simm.s32 @!p0 $0x2  }
0xc4: {  	_ =	swait.ge @!p0 [sflag:s0], s1  }
0xc5: {  	s1 =	ssub.s32 @!p0 $0x0, s1;
	[sflag:s0] =	ssyncset.done @!p0 $0x0  }
0xc6: {  	[sflag:s0] =	ssyncadd.s32 @!p0 s1  }
0xc7: {  	[bflag:$0x3] =	sbarrier.arrive $0xFFFF  }
0xc8: {  	_ =	shalt  }

</sc_bundles>
